<compile_context>
chip_gen: v7x
topology: tpu7x:2x2x1
jax: 0.10.2.dev20260603
libtpu: 0.0.44.dev20260713+nightly
codegen_flags: <defaults>
</compile_context>

<pallas_src>
import functools

import jax
import jax.numpy as jnp
from jax import lax
from jax.experimental import pallas as pl
from jax.experimental.pallas import tpu as pltpu
from jax.experimental.pallas import tpu_sc as plsc

N = 10000
D = 128
H = 16
EP = 320000
ET = 640000

NC = 2
NS = 16
NW = NC * NS
L = 16

CHUNK = 128
ACC_ROWS = NS * 5 * CHUNK
NP = ACC_ROWS
JUNK_ROW = N

SLOW_CORE = 1
SC_C0, SC_C1 = 80, 80
SCAT_CHUNKS = NS * (SC_C0 + SC_C1)
DC_C0, DC_C1 = 160, 160
DC_HALF = DC_C1 // 2
DEC_CHUNKS = NS * (DC_C0 + DC_C1)
NBUF = 2

DEG_CHUNKS = 79

_mesh = plsc.VectorSubcoreMesh(core_axis_name="c", subcore_axis_name="s")
_sc_params = pltpu.CompilerParams(needs_layout_passes=False)


def _flat_idx(idx, chunks, fill):
    total = chunks * CHUNK
    pad = jnp.full((total - idx.shape[0],), fill, jnp.int32)
    return jnp.concatenate([idx, pad]).reshape(chunks, CHUNK)


def _blocked_idx(idx, chunks, fill):
    total = NW * chunks * CHUNK
    pad = jnp.full((total - idx.shape[0],), fill, jnp.int32)
    return jnp.concatenate([idx, pad]).reshape(NW, chunks, CHUNK)


def _fill_rows(ref, rows, width, value):
    v = jnp.full((L,), value, jnp.float32)

    def body(i, _):
        for k in range(width // L):
            ref[i, pl.ds(k * L, L)] = v
        return 0

    lax.fori_loop(0, rows, body, 0)


def _zero_acc(buf_v, acc_sh, sid):
    for k in range(5):
        pltpu.sync_copy(buf_v, acc_sh.at[pl.ds((sid * 5 + k) * CHUNK, CHUNK)])


def _read_out(acc_sh, out_hbm, cid, sid):
    rows = NP // NS
    pltpu.sync_copy(acc_sh.at[pl.ds(sid * rows, rows)],
                    out_hbm.at[cid, pl.ds(sid * rows, rows)])


def _load_split_idx(flat_hbm, dst_v, sid, slow, c0, c1):
    @pl.when(slow)
    def _():
        pltpu.sync_copy(flat_hbm.at[pl.ds(sid * c0, c0)],
                        dst_v.at[pl.ds(0, c0)])

    @pl.when(jnp.logical_not(slow))
    def _():
        pltpu.sync_copy(flat_hbm.at[pl.ds(NS * c0 + sid * c1, c1)],
                        dst_v.at[pl.ds(0, c1)])


@functools.partial(
    pl.kernel,
    out_type=jax.ShapeDtypeStruct((NC, NP, D), jnp.float32),
    mesh=_mesh,
    compiler_params=_sc_params,
    scratch_types=[
        pltpu.VMEM((DEG_CHUNKS, CHUNK), jnp.int32),
        pltpu.VMEM((CHUNK, D), jnp.float32),
        pltpu.VMEM_SHARED((ACC_ROWS, D), jnp.float32),
    ],
)
def _deg_kernel(dst_hbm, out_hbm, idx_v, buf_v, acc_sh):
    cid = lax.axis_index("c")
    sid = lax.axis_index("s")
    wid = sid * NC + cid

    _fill_rows(buf_v, CHUNK, D, 0.0)
    _zero_acc(buf_v, acc_sh, sid)
    plsc.subcore_barrier()

    _fill_rows(buf_v, CHUNK, D, 1.0)
    pltpu.sync_copy(dst_hbm.at[wid], idx_v)

    def chunk(j, _):
        pltpu.sync_copy(buf_v, acc_sh.at[idx_v.at[j]], add=True)
        return 0

    lax.fori_loop(0, DEG_CHUNKS, chunk, 0)
    plsc.subcore_barrier()
    _read_out(acc_sh, out_hbm, cid, sid)


@functools.partial(
    pl.kernel,
    out_type=jax.ShapeDtypeStruct((NC, NP, D), jnp.float32),
    mesh=_mesh,
    compiler_params=_sc_params,
    scratch_types=[
        pltpu.VMEM((SC_C1, CHUNK), jnp.int32),
        pltpu.VMEM((SC_C1, CHUNK), jnp.int32),
        pltpu.VMEM((CHUNK, D), jnp.float32),
        pltpu.VMEM_SHARED((ACC_ROWS, D), jnp.float32),
        pltpu.SemaphoreType.DMA,
    ],
)
def _scatter_kernel(u_hbm, src_hbm, dst_hbm, out_hbm, si_v, di_v, rows_v,
                    acc_sh, sem):
    cid = lax.axis_index("c")
    sid = lax.axis_index("s")
    slow = cid == SLOW_CORE

    _fill_rows(rows_v, CHUNK, D, 0.0)
    _zero_acc(rows_v, acc_sh, sid)
    plsc.subcore_barrier()

    _load_split_idx(src_hbm, si_v, sid, slow, SC_C0, SC_C1)
    _load_split_idx(dst_hbm, di_v, sid, slow, SC_C0, SC_C1)
    nchunks = jnp.where(slow, SC_C0, SC_C1)

    def chunk(j, _):
        pltpu.async_copy(u_hbm.at[si_v.at[j]], rows_v, sem).wait()
        pltpu.sync_copy(rows_v, acc_sh.at[di_v.at[j]], add=True)
        return 0

    lax.fori_loop(0, nchunks, chunk, 0)
    plsc.subcore_barrier()
    _read_out(acc_sh, out_hbm, cid, sid)


@functools.partial(
    pl.kernel,
    out_type=jax.ShapeDtypeStruct((DEC_CHUNKS * CHUNK,), jnp.float32),
    mesh=_mesh,
    compiler_params=_sc_params,
    scratch_types=[
        pltpu.VMEM((DC_HALF, CHUNK), jnp.int32),
        pltpu.VMEM((DC_HALF, CHUNK), jnp.int32),
        pltpu.VMEM((NBUF, CHUNK, D), jnp.float32),
        pltpu.VMEM((NBUF, CHUNK, D), jnp.float32),
        pltpu.VMEM((D,), jnp.float32),
        pltpu.VMEM((L,), jnp.float32),
        pltpu.VMEM((CHUNK,), jnp.float32),
        pltpu.VMEM((CHUNK, 17), jnp.float32),
        [pltpu.SemaphoreType.DMA] * NBUF,
    ],
)
def _dec_kernel(hs_hbm, ht_hbm, src_hbm, tar_hbm, wl2_hbm, bl2_hbm, out_hbm,
                si_v, ti_v, bufs_v, buft_v, w_v, b_v, dot_v, r_v, sems):
    cid = lax.axis_index("c")
    sid = lax.axis_index("s")
    slow = cid == SLOW_CORE

    pltpu.sync_copy(wl2_hbm, w_v)
    pltpu.sync_copy(bl2_hbm, b_v)

    wregs = [w_v[pl.ds(k * L, L)] for k in range(D // L)]
    bl2 = b_v[pl.ds(0, L)]
    zero = jnp.zeros((L,), jnp.float32)

    def fire(j, b):
        pltpu.async_copy(hs_hbm.at[si_v.at[j]], bufs_v.at[b], sems[b])
        pltpu.async_copy(ht_hbm.at[ti_v.at[j]], buft_v.at[b], sems[b])

    def drain(j, b):
        pltpu.make_async_copy(hs_hbm.at[si_v.at[j]], bufs_v.at[b],
                              sems[b]).wait()
        pltpu.make_async_copy(ht_hbm.at[ti_v.at[j]], buft_v.at[b],
                              sems[b]).wait()

    def run_pass(nchunks, base):
        for b in range(NBUF):
            fire(b, b)

        def outer(grp, _):
            for b in range(NBUF):
                j = grp * NBUF + b
                drain(j, b)

                def edge(e, _):
                    racc = zero
                    for k in range(D // L):
                        s = bufs_v[b, e, pl.ds(k * L, L)]
                        t = buft_v[b, e, pl.ds(k * L, L)]
                        racc = racc + jnp.maximum(s + t, 0.0) * wregs[k]
                    r_v[e, pl.ds(0, L)] = racc
                    return 0

                lax.fori_loop(0, CHUNK, edge, 0)

                def group(g, _):
                    rows = g * L + lax.iota(jnp.int32, L)
                    acc = zero
                    for d2 in range(L):
                        col = jnp.full((L,), d2, jnp.int32)
                        acc = acc + plsc.load_gather(r_v, [rows, col])
                    dot_v[pl.ds(g * L, L)] = \
                        1.0 / (1.0 + jnp.exp(-(acc + bl2)))
                    return 0

                lax.fori_loop(0, CHUNK // L, group, 0)

                @pl.when(j + NBUF < nchunks)
                def _():
                    fire(j + NBUF, b)

                pltpu.sync_copy(dot_v,
                                out_hbm.at[pl.ds((base + j) * CHUNK, CHUNK)])
            return 0

        lax.fori_loop(0, nchunks // NBUF, outer, 0)

    base0 = jnp.where(slow, sid * DC_C0, NS * DC_C0 + sid * DC_C1)
    for p in range(2):
        pbase = base0 + p * DC_HALF
        pltpu.sync_copy(src_hbm.at[pl.ds(pbase, DC_HALF)],
                        si_v.at[pl.ds(0, DC_HALF)])
        pltpu.sync_copy(tar_hbm.at[pl.ds(pbase, DC_HALF)],
                        ti_v.at[pl.ds(0, DC_HALF)])
        run_pass(DC_HALF, pbase)


def _tc1_body(deg_ref, x_ref, dinv_ref, xd_ref):
    dp = deg_ref[...]
    deg = dp[0, :, 0:1] + dp[1, :, 0:1] + 1.0
    dinv = lax.rsqrt(deg)
    dinv_ref[...] = jnp.broadcast_to(dinv, (NP, D))
    xd_ref[...] = x_ref[...] * dinv


def _tc2_body(acc1_ref, xd_ref, dinv_ref, w1_ref, b1_ref, w2_ref, u2_ref):
    a = acc1_ref[...]
    dinv = dinv_ref[...]
    t = a[0] + a[1] + xd_ref[...]
    tw = jnp.dot(t, w1_ref[...], preferred_element_type=jnp.float32)
    h1 = jnp.maximum(tw * dinv[:, 0:H] + b1_ref[...], 0.0)
    hw = jnp.dot(h1, w2_ref[...], preferred_element_type=jnp.float32)
    u2_ref[...] = hw * dinv


def _tc3_body(acc2_ref, u2_ref, dinv_ref, b2_ref, wl1_ref, bl1_ref,
              hs_ref, ht_ref):
    a = acc2_ref[...]
    h = (a[0] + a[1] + u2_ref[...]) * dinv_ref[...] + b2_ref[...]
    wl1 = wl1_ref[...]
    hs_ref[...] = jnp.dot(h, wl1[0:D], preferred_element_type=jnp.float32) \
        + bl1_ref[...]
    ht_ref[...] = jnp.dot(h, wl1[D:2 * D], preferred_element_type=jnp.float32)


_tc1 = pl.pallas_call(
    _tc1_body,
    out_shape=(jax.ShapeDtypeStruct((NP, D), jnp.float32),
               jax.ShapeDtypeStruct((NP, D), jnp.float32)))
_tc2 = pl.pallas_call(
    _tc2_body,
    out_shape=jax.ShapeDtypeStruct((NP, D), jnp.float32))
_tc3 = pl.pallas_call(
    _tc3_body,
    out_shape=(jax.ShapeDtypeStruct((NP, D), jnp.float32),
               jax.ShapeDtypeStruct((NP, D), jnp.float32)))


def kernel(x, pos_edge_index, neg_edge_index, W1, b1, W2, b2, Wl1, bl1, Wl2,
           bl2):
    ps, pd = pos_edge_index[0], pos_edge_index[1]
    xp = jnp.concatenate([x, jnp.zeros((NP - N, D), jnp.float32)])

    pd_blk = _blocked_idx(pd, DEG_CHUNKS, JUNK_ROW)
    ps_flat = _flat_idx(ps, SCAT_CHUNKS, 0)
    pd_flat = _flat_idx(pd, SCAT_CHUNKS, JUNK_ROW)

    deg_parts = _deg_kernel(pd_blk)
    dinv, xd = _tc1(deg_parts, xp)

    acc1 = _scatter_kernel(xd, ps_flat, pd_flat)
    u2 = _tc2(acc1, xd, dinv, W1, b1.reshape(1, H), W2)

    acc2 = _scatter_kernel(u2, ps_flat, pd_flat)
    hs, ht = _tc3(acc2, u2, dinv, b2.reshape(1, D), Wl1, bl1.reshape(1, D))

    src = _flat_idx(jnp.concatenate([ps, neg_edge_index[0]]), DEC_CHUNKS, 0)
    tar = _flat_idx(jnp.concatenate([pd, neg_edge_index[1]]), DEC_CHUNKS, 0)
    dec = _dec_kernel(hs, ht, src, tar, Wl2.reshape(D),
                      jnp.broadcast_to(bl2, (L,)))
    return dec[:ET].reshape(ET, 1)

# --- scband reference (transcript-rebuilt; emitter-appended) ---
"""Pipeline reference for scband-gnn-l-41360535060515 (READ-ONLY COPY).

The authoritative reference and input builder live on the scoring server;
editing this copy changes nothing except your own understanding.
"""

import jax, jax.numpy as jnp
import numpy as np

N_NODES = 10000
D_FEAT = 128
HIDDEN = 16
E_POS = 320000
E_NEG = 320000


def gcn_conv(x, edge_index, W, b, num_nodes):
    # Faithful GCNConv: x @ W, add self-loops, symmetric deg^{-1/2} normalization,
    # scatter-add messages from src to dst, add bias.
    x = x @ W
    loop = jnp.arange(num_nodes, dtype=edge_index.dtype)
    src = jnp.concatenate([edge_index[0], loop])
    dst = jnp.concatenate([edge_index[1], loop])
    deg = jnp.zeros((num_nodes,), dtype=x.dtype).at[dst].add(1.0)
    dinv = jnp.where(deg > 0, 1.0 / jnp.sqrt(deg), 0.0)
    norm = dinv[src] * dinv[dst]
    msg = x[src] * norm[:, None]
    out = jax.ops.segment_sum(msg, dst, num_segments=num_nodes)
    return out + b


def setup_inputs(seed: int = 0) -> dict:
    key = jax.random.key(seed)
    ks = jax.random.split(key, 12)
    x = jax.random.normal(ks[0], (N_NODES, D_FEAT), dtype=jnp.float32)
    pos_edge_index = jax.random.randint(ks[1], (2, E_POS), 0, N_NODES, dtype=jnp.int32)
    neg_edge_index = jax.random.randint(ks[2], (2, E_NEG), 0, N_NODES, dtype=jnp.int32)
    # GCN encoder params
    W1 = jax.random.normal(ks[3], (D_FEAT, HIDDEN), dtype=jnp.float32) * (1.0 / np.sqrt(D_FEAT))
    b1 = jnp.zeros((HIDDEN,), dtype=jnp.float32)
    W2 = jax.random.normal(ks[4], (HIDDEN, D_FEAT), dtype=jnp.float32) * (1.0 / np.sqrt(HIDDEN))
    b2 = jnp.zeros((D_FEAT,), dtype=jnp.float32)
    # Decoder params: Linear(2*D_FEAT, D_FEAT), Linear(D_FEAT, 1)
    Wl1 = jax.random.normal(ks[5], (2 * D_FEAT, D_FEAT), dtype=jnp.float32) * (1.0 / np.sqrt(2 * D_FEAT))
    bl1 = jnp.zeros((D_FEAT,), dtype=jnp.float32)
    Wl2 = jax.random.normal(ks[6], (D_FEAT, 1), dtype=jnp.float32) * (1.0 / np.sqrt(D_FEAT))
    bl2 = jnp.zeros((1,), dtype=jnp.float32)
    return {"x": x, "pos_edge_index": pos_edge_index, "neg_edge_index": neg_edge_index,
            "W1": W1, "b1": b1, "W2": W2, "b2": b2,
            "Wl1": Wl1, "bl1": bl1, "Wl2": Wl2, "bl2": bl2}


def reference(x, pos_edge_index, neg_edge_index, W1, b1, W2, b2, Wl1, bl1, Wl2, bl2):
    num_nodes = x.shape[0]
    # GCN_Encoder
    h = gcn_conv(x, pos_edge_index, W1, b1, num_nodes)
    h = jax.nn.relu(h)
    h = gcn_conv(h, pos_edge_index, W2, b2, num_nodes)
    # Decoder
    ei = jnp.concatenate([pos_edge_index, neg_edge_index], axis=-1)
    src = ei[0]
    tar = ei[1]
    z = jnp.concatenate([h[src], h[tar]], axis=-1)
    z = z @ Wl1 + bl1
    z = jax.nn.relu(z)
    z = z @ Wl2 + bl2
    return jax.nn.sigmoid(z)

if __name__ == "__main__":
    import jax
    _d = setup_inputs()
    print(jax.jit(kernel)(*tuple(_d.values())))

</pallas_src>

<mosaic_0001>
#map = affine_map<(d0, d1) -> (0, 0)>
#map1 = affine_map<(d0, d1) -> (0, 0, 0)>
module attributes {stable_mosaic.version = 14 : i64} {
  func.func @_scatter_kernel(%arg0: i32, %arg1: i32, %arg2: memref<10240x128xf32, #tpu.memory_space<hbm>>, %arg3: memref<2560x128xi32, #tpu.memory_space<hbm>>, %arg4: memref<2560x128xi32, #tpu.memory_space<hbm>>, %arg5: memref<2x10240x128xf32, #tpu.memory_space<hbm>>, %arg6: memref<80x128xi32, #tpu.memory_space<vmem>>, %arg7: memref<80x128xi32, #tpu.memory_space<vmem>>, %arg8: memref<128x128xf32, #tpu.memory_space<vmem>>, %arg9: memref<10240x128xf32, #tpu.memory_space<vmem_shared>>, %arg10: memref<!tpu.dma_semaphore, #tpu.memory_space<semaphore_mem>>) attributes {dimension_semantics = [#tpu.dimension_semantics<core_parallel>, #tpu.dimension_semantics<subcore_parallel>], iteration_bounds = array<i64: 2, 16>, scalar_prefetch = 0 : i64, scratch_operands = 5 : i64, tpu.core_type = #tpu.core_type<sc_vector_subcore>, window_params = [{transform_indices = #map}, {transform_indices = #map}, {transform_indices = #map}, {transform_indices = #map1}]} {
    %eq3A = arith.constant 1 : i32
    %eq3A_0 = arith.cmpi eq, %arg0, %eq3A : i32
    %broadcast_in_dim3A = arith.constant 0.000000e+00 : f32
    %broadcast_in_dim3A_1 = vector.broadcast %broadcast_in_dim3A : f32 to vector<16xf32>
    %scan3A = arith.constant 0 : i32
    %scan3A_2 = arith.constant 0 : i32
    %scan3A_3 = arith.constant 128 : i32
    %scan3A_4 = arith.addi %scan3A_2, %scan3A_3 : i32
    %scan3A_5 = arith.constant 1 : i32
    %scan3A_6 = scf.for %scan3A_66 = %scan3A_2 to %scan3A_4 step %scan3A_5 iter_args(%scan3A_67 = %scan3A) -> (i32)  : i32 {
      %swap3A = arith.index_cast %scan3A_66 : i32 to index
      %swap3A_68 = arith.constant 0 : index
      %swap3A_69 = tpu.vector_load %arg8[%swap3A, %swap3A_68] {strides = array<i32>} : memref<128x128xf32, #tpu.memory_space<vmem>>, vector<16xf32>,
      tpu.vector_store %arg8[%swap3A, %swap3A_68], %broadcast_in_dim3A_1 {strides = array<i32>} : memref<128x128xf32, #tpu.memory_space<vmem>>, vector<16xf32>,
      %swap3A_70 = arith.index_cast %scan3A_66 : i32 to index
      %swap3A_71 = arith.constant 16 : index
      %swap3A_72 = tpu.vector_load %arg8[%swap3A_70, %swap3A_71] {strides = array<i32>} : memref<128x128xf32, #tpu.memory_space<vmem>>, vector<16xf32>,
      tpu.vector_store %arg8[%swap3A_70, %swap3A_71], %broadcast_in_dim3A_1 {strides = array<i32>} : memref<128x128xf32, #tpu.memory_space<vmem>>, vector<16xf32>,
      %swap3A_73 = arith.index_cast %scan3A_66 : i32 to index
      %swap3A_74 = arith.constant 32 : index
      %swap3A_75 = tpu.vector_load %arg8[%swap3A_73, %swap3A_74] {strides = array<i32>} : memref<128x128xf32, #tpu.memory_space<vmem>>, vector<16xf32>,
      tpu.vector_store %arg8[%swap3A_73, %swap3A_74], %broadcast_in_dim3A_1 {strides = array<i32>} : memref<128x128xf32, #tpu.memory_space<vmem>>, vector<16xf32>,
      %swap3A_76 = arith.index_cast %scan3A_66 : i32 to index
      %swap3A_77 = arith.constant 48 : index
      %swap3A_78 = tpu.vector_load %arg8[%swap3A_76, %swap3A_77] {strides = array<i32>} : memref<128x128xf32, #tpu.memory_space<vmem>>, vector<16xf32>,
      tpu.vector_store %arg8[%swap3A_76, %swap3A_77], %broadcast_in_dim3A_1 {strides = array<i32>} : memref<128x128xf32, #tpu.memory_space<vmem>>, vector<16xf32>,
      %swap3A_79 = arith.index_cast %scan3A_66 : i32 to index
      %swap3A_80 = arith.constant 64 : index
      %swap3A_81 = tpu.vector_load %arg8[%swap3A_79, %swap3A_80] {strides = array<i32>} : memref<128x128xf32, #tpu.memory_space<vmem>>, vector<16xf32>,
      tpu.vector_store %arg8[%swap3A_79, %swap3A_80], %broadcast_in_dim3A_1 {strides = array<i32>} : memref<128x128xf32, #tpu.memory_space<vmem>>, vector<16xf32>,
      %swap3A_82 = arith.index_cast %scan3A_66 : i32 to index
      %swap3A_83 = arith.constant 80 : index
      %swap3A_84 = tpu.vector_load %arg8[%swap3A_82, %swap3A_83] {strides = array<i32>} : memref<128x128xf32, #tpu.memory_space<vmem>>, vector<16xf32>,
      tpu.vector_store %arg8[%swap3A_82, %swap3A_83], %broadcast_in_dim3A_1 {strides = array<i32>} : memref<128x128xf32, #tpu.memory_space<vmem>>, vector<16xf32>,
      %swap3A_85 = arith.index_cast %scan3A_66 : i32 to index
      %swap3A_86 = arith.constant 96 : index
      %swap3A_87 = tpu.vector_load %arg8[%swap3A_85, %swap3A_86] {strides = array<i32>} : memref<128x128xf32, #tpu.memory_space<vmem>>, vector<16xf32>,
      tpu.vector_store %arg8[%swap3A_85, %swap3A_86], %broadcast_in_dim3A_1 {strides = array<i32>} : memref<128x128xf32, #tpu.memory_space<vmem>>, vector<16xf32>,
      %swap3A_88 = arith.index_cast %scan3A_66 : i32 to index
      %swap3A_89 = arith.constant 112 : index
      %swap3A_90 = tpu.vector_load %arg8[%swap3A_88, %swap3A_89] {strides = array<i32>} : memref<128x128xf32, #tpu.memory_space<vmem>>, vector<16xf32>,
      tpu.vector_store %arg8[%swap3A_88, %swap3A_89], %broadcast_in_dim3A_1 {strides = array<i32>} : memref<128x128xf32, #tpu.memory_space<vmem>>, vector<16xf32>,
      %scan3A_91 = arith.constant 0 : i32
      scf.yield %scan3A_91 : i32
    }
    %scan3A_7 = arith.constant 128 : i32
    %mul3A = arith.constant 5 : i32
    %mul3A_8 = arith.muli %arg1, %mul3A : i32
    %add3A = arith.constant 0 : i32
    %add3A_9 = arith.addi %mul3A_8, %add3A : i32
    %mul3A_10 = arith.constant 128 : i32
    %mul3A_11 = arith.muli %add3A_9, %mul3A_10 : i32
    "tpu.region"() ({
      %run_scoped3A = tpu.sem_alloc : memref<!tpu.dma_semaphore, #tpu.memory_space<semaphore_mem>>
      %dma_start3A = arith.constant 0 : i32
      %dma_start3A_66 = tpu.memref_slice %arg9[%mul3A_11, %dma_start3A] : memref<10240x128xf32, #tpu.memory_space<vmem_shared>> -> memref<128x128xf32, #tpu.memory_space<vmem_shared>>
      %dma_start3A_67 = arith.constant 0 : i32
      %dma_start3A_68 = tpu.memref_slice %arg9[%mul3A_11, %dma_start3A_67] : memref<10240x128xf32, #tpu.memory_space<vmem_shared>> -> memref<128x128xf32, #tpu.memory_space<vmem_shared>>
      tpu.enqueue_dma source(%arg8 : memref<128x128xf32, #tpu.memory_space<vmem>>) target(%dma_start3A_68 : memref<128x128xf32, #tpu.memory_space<vmem_shared>>) target_semaphore(%run_scoped3A : memref<!tpu.dma_semaphore, #tpu.memory_space<semaphore_mem>>)
      %dma_wait3A = arith.constant 0 : i32
      %dma_wait3A_69 = tpu.memref_slice %arg9[%mul3A_11, %dma_wait3A] : memref<10240x128xf32, #tpu.memory_space<vmem_shared>> -> memref<128x128xf32, #tpu.memory_space<vmem_shared>>
      %dma_wait3A_70 = arith.constant 0 : i32
      %dma_wait3A_71 = tpu.memref_slice %arg9[%mul3A_11, %dma_wait3A_70] : memref<10240x128xf32, #tpu.memory_space<vmem_shared>> -> memref<128x128xf32, #tpu.memory_space<vmem_shared>>
      tpu.wait_dma2 semaphore(%run_scoped3A : memref<!tpu.dma_semaphore, #tpu.memory_space<semaphore_mem>>) src(%arg8 : memref<128x128xf32, #tpu.memory_space<vmem>>) dst(%dma_wait3A_71 : memref<128x128xf32, #tpu.memory_space<vmem_shared>>)
      tpu.yield
    }) : () -> ()
    %mul3A_12 = arith.constant 5 : i32
    %mul3A_13 = arith.muli %arg1, %mul3A_12 : i32
    %add3A_14 = arith.constant 1 : i32
    %add3A_15 = arith.addi %mul3A_13, %add3A_14 : i32
    %mul3A_16 = arith.constant 128 : i32
    %mul3A_17 = arith.muli %add3A_15, %mul3A_16 : i32
    "tpu.region"() ({
      %run_scoped3A = tpu.sem_alloc : memref<!tpu.dma_semaphore, #tpu.memory_space<semaphore_mem>>
      %dma_start3A = arith.constant 0 : i32
      %dma_start3A_66 = tpu.memref_slice %arg9[%mul3A_17, %dma_start3A] : memref<10240x128xf32, #tpu.memory_space<vmem_shared>> -> memref<128x128xf32, #tpu.memory_space<vmem_shared>>
      %dma_start3A_67 = arith.constant 0 : i32
      %dma_start3A_68 = tpu.memref_slice %arg9[%mul3A_17, %dma_start3A_67] : memref<10240x128xf32, #tpu.memory_space<vmem_shared>> -> memref<128x128xf32, #tpu.memory_space<vmem_shared>>
      tpu.enqueue_dma source(%arg8 : memref<128x128xf32, #tpu.memory_space<vmem>>) target(%dma_start3A_68 : memref<128x128xf32, #tpu.memory_space<vmem_shared>>) target_semaphore(%run_scoped3A : memref<!tpu.dma_semaphore, #tpu.memory_space<semaphore_mem>>)
      %dma_wait3A = arith.constant 0 : i32
      %dma_wait3A_69 = tpu.memref_slice %arg9[%mul3A_17, %dma_wait3A] : memref<10240x128xf32, #tpu.memory_space<vmem_shared>> -> memref<128x128xf32, #tpu.memory_space<vmem_shared>>
      %dma_wait3A_70 = arith.constant 0 : i32
      %dma_wait3A_71 = tpu.memref_slice %arg9[%mul3A_17, %dma_wait3A_70] : memref<10240x128xf32, #tpu.memory_space<vmem_shared>> -> memref<128x128xf32, #tpu.memory_space<vmem_shared>>
      tpu.wait_dma2 semaphore(%run_scoped3A : memref<!tpu.dma_semaphore, #tpu.memory_space<semaphore_mem>>) src(%arg8 : memref<128x128xf32, #tpu.memory_space<vmem>>) dst(%dma_wait3A_71 : memref<128x128xf32, #tpu.memory_space<vmem_shared>>)
      tpu.yield
    }) : () -> ()
    %mul3A_18 = arith.constant 5 : i32
    %mul3A_19 = arith.muli %arg1, %mul3A_18 : i32
    %add3A_20 = arith.constant 2 : i32
    %add3A_21 = arith.addi %mul3A_19, %add3A_20 : i32
    %mul3A_22 = arith.constant 128 : i32
    %mul3A_23 = arith.muli %add3A_21, %mul3A_22 : i32
    "tpu.region"() ({
      %run_scoped3A = tpu.sem_alloc : memref<!tpu.dma_semaphore, #tpu.memory_space<semaphore_mem>>
      %dma_start3A = arith.constant 0 : i32
      %dma_start3A_66 = tpu.memref_slice %arg9[%mul3A_23, %dma_start3A] : memref<10240x128xf32, #tpu.memory_space<vmem_shared>> -> memref<128x128xf32, #tpu.memory_space<vmem_shared>>
      %dma_start3A_67 = arith.constant 0 : i32
      %dma_start3A_68 = tpu.memref_slice %arg9[%mul3A_23, %dma_start3A_67] : memref<10240x128xf32, #tpu.memory_space<vmem_shared>> -> memref<128x128xf32, #tpu.memory_space<vmem_shared>>
      tpu.enqueue_dma source(%arg8 : memref<128x128xf32, #tpu.memory_space<vmem>>) target(%dma_start3A_68 : memref<128x128xf32, #tpu.memory_space<vmem_shared>>) target_semaphore(%run_scoped3A : memref<!tpu.dma_semaphore, #tpu.memory_space<semaphore_mem>>)
      %dma_wait3A = arith.constant 0 : i32
      %dma_wait3A_69 = tpu.memref_slice %arg9[%mul3A_23, %dma_wait3A] : memref<10240x128xf32, #tpu.memory_space<vmem_shared>> -> memref<128x128xf32, #tpu.memory_space<vmem_shared>>
      %dma_wait3A_70 = arith.constant 0 : i32
      %dma_wait3A_71 = tpu.memref_slice %arg9[%mul3A_23, %dma_wait3A_70] : memref<10240x128xf32, #tpu.memory_space<vmem_shared>> -> memref<128x128xf32, #tpu.memory_space<vmem_shared>>
      tpu.wait_dma2 semaphore(%run_scoped3A : memref<!tpu.dma_semaphore, #tpu.memory_space<semaphore_mem>>) src(%arg8 : memref<128x128xf32, #tpu.memory_space<vmem>>) dst(%dma_wait3A_71 : memref<128x128xf32, #tpu.memory_space<vmem_shared>>)
      tpu.yield
    }) : () -> ()
    %mul3A_24 = arith.constant 5 : i32
    %mul3A_25 = arith.muli %arg1, %mul3A_24 : i32
    %add3A_26 = arith.constant 3 : i32
    %add3A_27 = arith.addi %mul3A_25, %add3A_26 : i32
    %mul3A_28 = arith.constant 128 : i32
    %mul3A_29 = arith.muli %add3A_27, %mul3A_28 : i32
    "tpu.region"() ({
      %run_scoped3A = tpu.sem_alloc : memref<!tpu.dma_semaphore, #tpu.memory_space<semaphore_mem>>
      %dma_start3A = arith.constant 0 : i32
      %dma_start3A_66 = tpu.memref_slice %arg9[%mul3A_29, %dma_start3A] : memref<10240x128xf32, #tpu.memory_space<vmem_shared>> -> memref<128x128xf32, #tpu.memory_space<vmem_shared>>
      %dma_start3A_67 = arith.constant 0 : i32
      %dma_start3A_68 = tpu.memref_slice %arg9[%mul3A_29, %dma_start3A_67] : memref<10240x128xf32, #tpu.memory_space<vmem_shared>> -> memref<128x128xf32, #tpu.memory_space<vmem_shared>>
      tpu.enqueue_dma source(%arg8 : memref<128x128xf32, #tpu.memory_space<vmem>>) target(%dma_start3A_68 : memref<128x128xf32, #tpu.memory_space<vmem_shared>>) target_semaphore(%run_scoped3A : memref<!tpu.dma_semaphore, #tpu.memory_space<semaphore_mem>>)
      %dma_wait3A = arith.constant 0 : i32
      %dma_wait3A_69 = tpu.memref_slice %arg9[%mul3A_29, %dma_wait3A] : memref<10240x128xf32, #tpu.memory_space<vmem_shared>> -> memref<128x128xf32, #tpu.memory_space<vmem_shared>>
      %dma_wait3A_70 = arith.constant 0 : i32
      %dma_wait3A_71 = tpu.memref_slice %arg9[%mul3A_29, %dma_wait3A_70] : memref<10240x128xf32, #tpu.memory_space<vmem_shared>> -> memref<128x128xf32, #tpu.memory_space<vmem_shared>>
      tpu.wait_dma2 semaphore(%run_scoped3A : memref<!tpu.dma_semaphore, #tpu.memory_space<semaphore_mem>>) src(%arg8 : memref<128x128xf32, #tpu.memory_space<vmem>>) dst(%dma_wait3A_71 : memref<128x128xf32, #tpu.memory_space<vmem_shared>>)
      tpu.yield
    }) : () -> ()
    %mul3A_30 = arith.constant 5 : i32
    %mul3A_31 = arith.muli %arg1, %mul3A_30 : i32
    %add3A_32 = arith.constant 4 : i32
    %add3A_33 = arith.addi %mul3A_31, %add3A_32 : i32
    %mul3A_34 = arith.constant 128 : i32
    %mul3A_35 = arith.muli %add3A_33, %mul3A_34 : i32
    "tpu.region"() ({
      %run_scoped3A = tpu.sem_alloc : memref<!tpu.dma_semaphore, #tpu.memory_space<semaphore_mem>>
      %dma_start3A = arith.constant 0 : i32
      %dma_start3A_66 = tpu.memref_slice %arg9[%mul3A_35, %dma_start3A] : memref<10240x128xf32, #tpu.memory_space<vmem_shared>> -> memref<128x128xf32, #tpu.memory_space<vmem_shared>>
      %dma_start3A_67 = arith.constant 0 : i32
      %dma_start3A_68 = tpu.memref_slice %arg9[%mul3A_35, %dma_start3A_67] : memref<10240x128xf32, #tpu.memory_space<vmem_shared>> -> memref<128x128xf32, #tpu.memory_space<vmem_shared>>
      tpu.enqueue_dma source(%arg8 : memref<128x128xf32, #tpu.memory_space<vmem>>) target(%dma_start3A_68 : memref<128x128xf32, #tpu.memory_space<vmem_shared>>) target_semaphore(%run_scoped3A : memref<!tpu.dma_semaphore, #tpu.memory_space<semaphore_mem>>)
      %dma_wait3A = arith.constant 0 : i32
      %dma_wait3A_69 = tpu.memref_slice %arg9[%mul3A_35, %dma_wait3A] : memref<10240x128xf32, #tpu.memory_space<vmem_shared>> -> memref<128x128xf32, #tpu.memory_space<vmem_shared>>
      %dma_wait3A_70 = arith.constant 0 : i32
      %dma_wait3A_71 = tpu.memref_slice %arg9[%mul3A_35, %dma_wait3A_70] : memref<10240x128xf32, #tpu.memory_space<vmem_shared>> -> memref<128x128xf32, #tpu.memory_space<vmem_shared>>
      tpu.wait_dma2 semaphore(%run_scoped3A : memref<!tpu.dma_semaphore, #tpu.memory_space<semaphore_mem>>) src(%arg8 : memref<128x128xf32, #tpu.memory_space<vmem>>) dst(%dma_wait3A_71 : memref<128x128xf32, #tpu.memory_space<vmem_shared>>)
      tpu.yield
    }) : () -> ()
    %barrier3A = arith.constant 0 : index
    tpu.barrier barrier_id(%barrier3A)
    %convert_element_type3A = arith.extui %eq3A_0 : i1 to i32
    %cond3A = arith.constant 0 : i32
    %cond3A_36 = arith.cmpi ne, %convert_element_type3A, %cond3A : i32
    scf.if %cond3A_36 {
      %mul3A_66 = arith.constant 80 : i32
      %mul3A_67 = arith.muli %arg1, %mul3A_66 : i32
      "tpu.region"() ({
        %run_scoped3A = tpu.sem_alloc : memref<!tpu.dma_semaphore, #tpu.memory_space<semaphore_mem>>
        %dma_start3A = arith.constant 0 : i32
        %dma_start3A_68 = arith.constant 0 : i32
        %dma_start3A_69 = tpu.memref_slice %arg6[%dma_start3A, %dma_start3A_68] : memref<80x128xi32, #tpu.memory_space<vmem>> -> memref<80x128xi32, #tpu.memory_space<vmem>>
        %dma_start3A_70 = arith.constant 0 : i32
        %dma_start3A_71 = tpu.memref_slice %arg3[%mul3A_67, %dma_start3A_70] : memref<2560x128xi32, #tpu.memory_space<hbm>> -> memref<80x128xi32, #tpu.memory_space<hbm>>
        %dma_start3A_72 = arith.constant 0 : i32
        %dma_start3A_73 = arith.constant 0 : i32
        %dma_start3A_74 = tpu.memref_slice %arg6[%dma_start3A_72, %dma_start3A_73] : memref<80x128xi32, #tpu.memory_space<vmem>> -> memref<80x128xi32, #tpu.memory_space<vmem>>
        %dma_start3A_75 = arith.constant 0 : i32
        %dma_start3A_76 = tpu.memref_slice %arg3[%mul3A_67, %dma_start3A_75] : memref<2560x128xi32, #tpu.memory_space<hbm>> -> memref<80x128xi32, #tpu.memory_space<hbm>>
        tpu.enqueue_dma source(%dma_start3A_76 : memref<80x128xi32, #tpu.memory_space<hbm>>) target(%dma_start3A_74 : memref<80x128xi32, #tpu.memory_space<vmem>>) target_semaphore(%run_scoped3A : memref<!tpu.dma_semaphore, #tpu.memory_space<semaphore_mem>>)
        %dma_wait3A = arith.constant 0 : i32
        %dma_wait3A_77 = arith.constant 0 : i32
        %dma_wait3A_78 = tpu.memref_slice %arg6[%dma_wait3A, %dma_wait3A_77] : memref<80x128xi32, #tpu.memory_space<vmem>> -> memref<80x128xi32, #tpu.memory_space<vmem>>
        %dma_wait3A_79 = arith.constant 0 : i32
        %dma_wait3A_80 = tpu.memref_slice %arg3[%mul3A_67, %dma_wait3A_79] : memref<2560x128xi32, #tpu.memory_space<hbm>> -> memref<80x128xi32, #tpu.memory_space<hbm>>
        %dma_wait3A_81 = arith.constant 0 : i32
        %dma_wait3A_82 = arith.constant 0 : i32
        %dma_wait3A_83 = tpu.memref_slice %arg6[%dma_wait3A_81, %dma_wait3A_82] : memref<80x128xi32, #tpu.memory_space<vmem>> -> memref<80x128xi32, #tpu.memory_space<vmem>>
        %dma_wait3A_84 = arith.constant 0 : i32
        %dma_wait3A_85 = tpu.memref_slice %arg3[%mul3A_67, %dma_wait3A_84] : memref<2560x128xi32, #tpu.memory_space<hbm>> -> memref<80x128xi32, #tpu.memory_space<hbm>>
        tpu.wait_dma2 semaphore(%run_scoped3A : memref<!tpu.dma_semaphore, #tpu.memory_space<semaphore_mem>>) src(%dma_wait3A_85 : memref<80x128xi32, #tpu.memory_space<hbm>>) dst(%dma_wait3A_83 : memref<80x128xi32, #tpu.memory_space<vmem>>)
        tpu.yield
      }) : () -> ()
    } else {
    }
    %not3A = arith.constant true
    %not3A_37 = arith.xori %eq3A_0, %not3A : i1
    %convert_element_type3A_38 = arith.extui %not3A_37 : i1 to i32
    %cond3A_39 = arith.constant 0 : i32
    %cond3A_40 = arith.cmpi ne, %convert_element_type3A_38, %cond3A_39 : i32
    scf.if %cond3A_40 {
      %mul3A_66 = arith.constant 80 : i32
      %mul3A_67 = arith.muli %arg1, %mul3A_66 : i32
      %add3A_68 = arith.constant 1280 : i32
      %add3A_69 = arith.addi %add3A_68, %mul3A_67 : i32
      "tpu.region"() ({
        %run_scoped3A = tpu.sem_alloc : memref<!tpu.dma_semaphore, #tpu.memory_space<semaphore_mem>>
        %dma_start3A = arith.constant 0 : i32
        %dma_start3A_70 = arith.constant 0 : i32
        %dma_start3A_71 = tpu.memref_slice %arg6[%dma_start3A, %dma_start3A_70] : memref<80x128xi32, #tpu.memory_space<vmem>> -> memref<80x128xi32, #tpu.memory_space<vmem>>
        %dma_start3A_72 = arith.constant 0 : i32
        %dma_start3A_73 = tpu.memref_slice %arg3[%add3A_69, %dma_start3A_72] : memref<2560x128xi32, #tpu.memory_space<hbm>> -> memref<80x128xi32, #tpu.memory_space<hbm>>
        %dma_start3A_74 = arith.constant 0 : i32
        %dma_start3A_75 = arith.constant 0 : i32
        %dma_start3A_76 = tpu.memref_slice %arg6[%dma_start3A_74, %dma_start3A_75] : memref<80x128xi32, #tpu.memory_space<vmem>> -> memref<80x128xi32, #tpu.memory_space<vmem>>
        %dma_start3A_77 = arith.constant 0 : i32
        %dma_start3A_78 = tpu.memref_slice %arg3[%add3A_69, %dma_start3A_77] : memref<2560x128xi32, #tpu.memory_space<hbm>> -> memref<80x128xi32, #tpu.memory_space<hbm>>
        tpu.enqueue_dma source(%dma_start3A_78 : memref<80x128xi32, #tpu.memory_space<hbm>>) target(%dma_start3A_76 : memref<80x128xi32, #tpu.memory_space<vmem>>) target_semaphore(%run_scoped3A : memref<!tpu.dma_semaphore, #tpu.memory_space<semaphore_mem>>)
        %dma_wait3A = arith.constant 0 : i32
        %dma_wait3A_79 = arith.constant 0 : i32
        %dma_wait3A_80 = tpu.memref_slice %arg6[%dma_wait3A, %dma_wait3A_79] : memref<80x128xi32, #tpu.memory_space<vmem>> -> memref<80x128xi32, #tpu.memory_space<vmem>>
        %dma_wait3A_81 = arith.constant 0 : i32
        %dma_wait3A_82 = tpu.memref_slice %arg3[%add3A_69, %dma_wait3A_81] : memref<2560x128xi32, #tpu.memory_space<hbm>> -> memref<80x128xi32, #tpu.memory_space<hbm>>
        %dma_wait3A_83 = arith.constant 0 : i32
        %dma_wait3A_84 = arith.constant 0 : i32
        %dma_wait3A_85 = tpu.memref_slice %arg6[%dma_wait3A_83, %dma_wait3A_84] : memref<80x128xi32, #tpu.memory_space<vmem>> -> memref<80x128xi32, #tpu.memory_space<vmem>>
        %dma_wait3A_86 = arith.constant 0 : i32
        %dma_wait3A_87 = tpu.memref_slice %arg3[%add3A_69, %dma_wait3A_86] : memref<2560x128xi32, #tpu.memory_space<hbm>> -> memref<80x128xi32, #tpu.memory_space<hbm>>
        tpu.wait_dma2 semaphore(%run_scoped3A : memref<!tpu.dma_semaphore, #tpu.memory_space<semaphore_mem>>) src(%dma_wait3A_87 : memref<80x128xi32, #tpu.memory_space<hbm>>) dst(%dma_wait3A_85 : memref<80x128xi32, #tpu.memory_space<vmem>>)
        tpu.yield
      }) : () -> ()
    } else {
    }
    %convert_element_type3A_41 = arith.extui %eq3A_0 : i1 to i32
    %cond3A_42 = arith.constant 0 : i32
    %cond3A_43 = arith.cmpi ne, %convert_element_type3A_41, %cond3A_42 : i32
    scf.if %cond3A_43 {
      %mul3A_66 = arith.constant 80 : i32
      %mul3A_67 = arith.muli %arg1, %mul3A_66 : i32
      "tpu.region"() ({
        %run_scoped3A = tpu.sem_alloc : memref<!tpu.dma_semaphore, #tpu.memory_space<semaphore_mem>>
        %dma_start3A = arith.constant 0 : i32
        %dma_start3A_68 = arith.constant 0 : i32
        %dma_start3A_69 = tpu.memref_slice %arg7[%dma_start3A, %dma_start3A_68] : memref<80x128xi32, #tpu.memory_space<vmem>> -> memref<80x128xi32, #tpu.memory_space<vmem>>
        %dma_start3A_70 = arith.constant 0 : i32
        %dma_start3A_71 = tpu.memref_slice %arg4[%mul3A_67, %dma_start3A_70] : memref<2560x128xi32, #tpu.memory_space<hbm>> -> memref<80x128xi32, #tpu.memory_space<hbm>>
        %dma_start3A_72 = arith.constant 0 : i32
        %dma_start3A_73 = arith.constant 0 : i32
        %dma_start3A_74 = tpu.memref_slice %arg7[%dma_start3A_72, %dma_start3A_73] : memref<80x128xi32, #tpu.memory_space<vmem>> -> memref<80x128xi32, #tpu.memory_space<vmem>>
        %dma_start3A_75 = arith.constant 0 : i32
        %dma_start3A_76 = tpu.memref_slice %arg4[%mul3A_67, %dma_start3A_75] : memref<2560x128xi32, #tpu.memory_space<hbm>> -> memref<80x128xi32, #tpu.memory_space<hbm>>
        tpu.enqueue_dma source(%dma_start3A_76 : memref<80x128xi32, #tpu.memory_space<hbm>>) target(%dma_start3A_74 : memref<80x128xi32, #tpu.memory_space<vmem>>) target_semaphore(%run_scoped3A : memref<!tpu.dma_semaphore, #tpu.memory_space<semaphore_mem>>)
        %dma_wait3A = arith.constant 0 : i32
        %dma_wait3A_77 = arith.constant 0 : i32
        %dma_wait3A_78 = tpu.memref_slice %arg7[%dma_wait3A, %dma_wait3A_77] : memref<80x128xi32, #tpu.memory_space<vmem>> -> memref<80x128xi32, #tpu.memory_space<vmem>>
        %dma_wait3A_79 = arith.constant 0 : i32
        %dma_wait3A_80 = tpu.memref_slice %arg4[%mul3A_67, %dma_wait3A_79] : memref<2560x128xi32, #tpu.memory_space<hbm>> -> memref<80x128xi32, #tpu.memory_space<hbm>>
        %dma_wait3A_81 = arith.constant 0 : i32
        %dma_wait3A_82 = arith.constant 0 : i32
        %dma_wait3A_83 = tpu.memref_slice %arg7[%dma_wait3A_81, %dma_wait3A_82] : memref<80x128xi32, #tpu.memory_space<vmem>> -> memref<80x128xi32, #tpu.memory_space<vmem>>
        %dma_wait3A_84 = arith.constant 0 : i32
        %dma_wait3A_85 = tpu.memref_slice %arg4[%mul3A_67, %dma_wait3A_84] : memref<2560x128xi32, #tpu.memory_space<hbm>> -> memref<80x128xi32, #tpu.memory_space<hbm>>
        tpu.wait_dma2 semaphore(%run_scoped3A : memref<!tpu.dma_semaphore, #tpu.memory_space<semaphore_mem>>) src(%dma_wait3A_85 : memref<80x128xi32, #tpu.memory_space<hbm>>) dst(%dma_wait3A_83 : memref<80x128xi32, #tpu.memory_space<vmem>>)
        tpu.yield
      }) : () -> ()
    } else {
    }
    %not3A_44 = arith.constant true
    %not3A_45 = arith.xori %eq3A_0, %not3A_44 : i1
    %convert_element_type3A_46 = arith.extui %not3A_45 : i1 to i32
    %cond3A_47 = arith.constant 0 : i32
    %cond3A_48 = arith.cmpi ne, %convert_element_type3A_46, %cond3A_47 : i32
    scf.if %cond3A_48 {
      %mul3A_66 = arith.constant 80 : i32
      %mul3A_67 = arith.muli %arg1, %mul3A_66 : i32
      %add3A_68 = arith.constant 1280 : i32
      %add3A_69 = arith.addi %add3A_68, %mul3A_67 : i32
      "tpu.region"() ({
        %run_scoped3A = tpu.sem_alloc : memref<!tpu.dma_semaphore, #tpu.memory_space<semaphore_mem>>
        %dma_start3A = arith.constant 0 : i32
        %dma_start3A_70 = arith.constant 0 : i32
        %dma_start3A_71 = tpu.memref_slice %arg7[%dma_start3A, %dma_start3A_70] : memref<80x128xi32, #tpu.memory_space<vmem>> -> memref<80x128xi32, #tpu.memory_space<vmem>>
        %dma_start3A_72 = arith.constant 0 : i32
        %dma_start3A_73 = tpu.memref_slice %arg4[%add3A_69, %dma_start3A_72] : memref<2560x128xi32, #tpu.memory_space<hbm>> -> memref<80x128xi32, #tpu.memory_space<hbm>>
        %dma_start3A_74 = arith.constant 0 : i32
        %dma_start3A_75 = arith.constant 0 : i32
        %dma_start3A_76 = tpu.memref_slice %arg7[%dma_start3A_74, %dma_start3A_75] : memref<80x128xi32, #tpu.memory_space<vmem>> -> memref<80x128xi32, #tpu.memory_space<vmem>>
        %dma_start3A_77 = arith.constant 0 : i32
        %dma_start3A_78 = tpu.memref_slice %arg4[%add3A_69, %dma_start3A_77] : memref<2560x128xi32, #tpu.memory_space<hbm>> -> memref<80x128xi32, #tpu.memory_space<hbm>>
        tpu.enqueue_dma source(%dma_start3A_78 : memref<80x128xi32, #tpu.memory_space<hbm>>) target(%dma_start3A_76 : memref<80x128xi32, #tpu.memory_space<vmem>>) target_semaphore(%run_scoped3A : memref<!tpu.dma_semaphore, #tpu.memory_space<semaphore_mem>>)
        %dma_wait3A = arith.constant 0 : i32
        %dma_wait3A_79 = arith.constant 0 : i32
        %dma_wait3A_80 = tpu.memref_slice %arg7[%dma_wait3A, %dma_wait3A_79] : memref<80x128xi32, #tpu.memory_space<vmem>> -> memref<80x128xi32, #tpu.memory_space<vmem>>
        %dma_wait3A_81 = arith.constant 0 : i32
        %dma_wait3A_82 = tpu.memref_slice %arg4[%add3A_69, %dma_wait3A_81] : memref<2560x128xi32, #tpu.memory_space<hbm>> -> memref<80x128xi32, #tpu.memory_space<hbm>>
        %dma_wait3A_83 = arith.constant 0 : i32
        %dma_wait3A_84 = arith.constant 0 : i32
        %dma_wait3A_85 = tpu.memref_slice %arg7[%dma_wait3A_83, %dma_wait3A_84] : memref<80x128xi32, #tpu.memory_space<vmem>> -> memref<80x128xi32, #tpu.memory_space<vmem>>
        %dma_wait3A_86 = arith.constant 0 : i32
        %dma_wait3A_87 = tpu.memref_slice %arg4[%add3A_69, %dma_wait3A_86] : memref<2560x128xi32, #tpu.memory_space<hbm>> -> memref<80x128xi32, #tpu.memory_space<hbm>>
        tpu.wait_dma2 semaphore(%run_scoped3A : memref<!tpu.dma_semaphore, #tpu.memory_space<semaphore_mem>>) src(%dma_wait3A_87 : memref<80x128xi32, #tpu.memory_space<hbm>>) dst(%dma_wait3A_85 : memref<80x128xi32, #tpu.memory_space<vmem>>)
        tpu.yield
      }) : () -> ()
    } else {
    }
    %jit3A = arith.constant 80 : i32
    %jit3A_49 = arith.constant 80 : i32
    %select_n3A = arith.select %eq3A_0, %jit3A, %jit3A_49 : i32
    %while3A = arith.constant 0 : i32
    %while3A_50 = arith.constant 0 : i32
    %while3A_51 = arith.subi %select_n3A, %while3A : i32
    %while3A_52 = arith.addi %while3A, %while3A_51 : i32
    %while3A_53 = arith.constant 1 : i32
    %while3A_54 = arith.divsi %while3A_51, %while3A_53 : i32
    %while3A_55 = arith.muli %while3A_54, %while3A_53 : i32
    %while3A_56 = arith.addi %while3A, %while3A_55 : i32
    %while3A_57 = arith.constant 1 : i32
    %while3A_58 = scf.for %while3A_66 = %while3A to %while3A_56 step %while3A_57 iter_args(%while3A_67 = %while3A_50) -> (i32)  : i32 {
      %dma_start3A = arith.constant 0 : i32
      %dma_start3A_68 = tpu.memref_slice %arg6[%while3A_66, %dma_start3A] : memref<80x128xi32, #tpu.memory_space<vmem>> -> memref<1x128xi32, #tpu.memory_space<vmem>>
      %dma_start3A_69 = tpu.memref_squeeze %dma_start3A_68 : memref<1x128xi32, #tpu.memory_space<vmem>> -> memref<128xi32, #tpu.memory_space<vmem>>
      %dma_start3A_70 = arith.constant 0 : i32
      %dma_start3A_71 = arith.constant 0 : i32
      %dma_start3A_72 = tpu.memref_slice %arg2[%dma_start3A_70, %dma_start3A_71] : memref<10240x128xf32, #tpu.memory_space<hbm>> -> memref<10240x128xf32, #tpu.memory_space<hbm>>
      tpu.enqueue_indirect_dma source(%dma_start3A_72 : memref<10240x128xf32, #tpu.memory_space<hbm>>) target(%arg8 : memref<128x128xf32, #tpu.memory_space<vmem>>) offsets(%dma_start3A_69 : memref<128xi32, #tpu.memory_space<vmem>>) semaphore(%arg10 : memref<!tpu.dma_semaphore, #tpu.memory_space<semaphore_mem>>)
      %dma_wait3A = arith.constant 0 : i32
      %dma_wait3A_73 = tpu.memref_slice %arg6[%while3A_66, %dma_wait3A] : memref<80x128xi32, #tpu.memory_space<vmem>> -> memref<1x128xi32, #tpu.memory_space<vmem>>
      %dma_wait3A_74 = tpu.memref_squeeze %dma_wait3A_73 : memref<1x128xi32, #tpu.memory_space<vmem>> -> memref<128xi32, #tpu.memory_space<vmem>>
      %dma_wait3A_75 = arith.constant 0 : i32
      %dma_wait3A_76 = arith.constant 0 : i32
      %dma_wait3A_77 = tpu.memref_slice %arg2[%dma_wait3A_75, %dma_wait3A_76] : memref<10240x128xf32, #tpu.memory_space<hbm>> -> memref<10240x128xf32, #tpu.memory_space<hbm>>
      tpu.wait_indirect_dma semaphore(%arg10 : memref<!tpu.dma_semaphore, #tpu.memory_space<semaphore_mem>>) src(%dma_wait3A_77 : memref<10240x128xf32, #tpu.memory_space<hbm>>) dst(%arg8 : memref<128x128xf32, #tpu.memory_space<vmem>>)
      "tpu.region"() ({
        %run_scoped3A = tpu.sem_alloc : memref<!tpu.dma_semaphore, #tpu.memory_space<semaphore_mem>>
        %dma_start3A_79 = arith.constant 0 : i32
        %dma_start3A_80 = tpu.memref_slice %arg7[%while3A_66, %dma_start3A_79] : memref<80x128xi32, #tpu.memory_space<vmem>> -> memref<1x128xi32, #tpu.memory_space<vmem>>
        %dma_start3A_81 = tpu.memref_squeeze %dma_start3A_80 : memref<1x128xi32, #tpu.memory_space<vmem>> -> memref<128xi32, #tpu.memory_space<vmem>>
        %dma_start3A_82 = arith.constant 0 : i32
        %dma_start3A_83 = arith.constant 0 : i32
        %dma_start3A_84 = tpu.memref_slice %arg9[%dma_start3A_82, %dma_start3A_83] : memref<10240x128xf32, #tpu.memory_space<vmem_shared>> -> memref<10240x128xf32, #tpu.memory_space<vmem_shared>>
        tpu.enqueue_indirect_dma source(%arg8 : memref<128x128xf32, #tpu.memory_space<vmem>>) target(%dma_start3A_84 : memref<10240x128xf32, #tpu.memory_space<vmem_shared>>) offsets(%dma_start3A_81 : memref<128xi32, #tpu.memory_space<vmem>>) semaphore(%run_scoped3A : memref<!tpu.dma_semaphore, #tpu.memory_space<semaphore_mem>>) {add = true}
        %dma_wait3A_85 = arith.constant 0 : i32
        %dma_wait3A_86 = tpu.memref_slice %arg7[%while3A_66, %dma_wait3A_85] : memref<80x128xi32, #tpu.memory_space<vmem>> -> memref<1x128xi32, #tpu.memory_space<vmem>>
        %dma_wait3A_87 = tpu.memref_squeeze %dma_wait3A_86 : memref<1x128xi32, #tpu.memory_space<vmem>> -> memref<128xi32, #tpu.memory_space<vmem>>
        %dma_wait3A_88 = arith.constant 0 : i32
        %dma_wait3A_89 = arith.constant 0 : i32
        %dma_wait3A_90 = tpu.memref_slice %arg9[%dma_wait3A_88, %dma_wait3A_89] : memref<10240x128xf32, #tpu.memory_space<vmem_shared>> -> memref<10240x128xf32, #tpu.memory_space<vmem_shared>>
        tpu.wait_indirect_dma semaphore(%run_scoped3A : memref<!tpu.dma_semaphore, #tpu.memory_space<semaphore_mem>>) src(%arg8 : memref<128x128xf32, #tpu.memory_space<vmem>>) dst(%dma_wait3A_90 : memref<10240x128xf32, #tpu.memory_space<vmem_shared>>)
        tpu.yield
      }) : () -> ()
      %while3A_78 = arith.constant 0 : i32
      scf.yield %while3A_78 : i32
    }
    %while3A_59 = arith.constant 1 : i32
    %while3A_60 = scf.for %while3A_66 = %while3A_56 to %while3A_52 step %while3A_59 iter_args(%while3A_67 = %while3A_58) -> (i32)  : i32 {
      %dma_start3A = arith.constant 0 : i32
      %dma_start3A_68 = tpu.memref_slice %arg6[%while3A_66, %dma_start3A] : memref<80x128xi32, #tpu.memory_space<vmem>> -> memref<1x128xi32, #tpu.memory_space<vmem>>
      %dma_start3A_69 = tpu.memref_squeeze %dma_start3A_68 : memref<1x128xi32, #tpu.memory_space<vmem>> -> memref<128xi32, #tpu.memory_space<vmem>>
      %dma_start3A_70 = arith.constant 0 : i32
      %dma_start3A_71 = arith.constant 0 : i32
      %dma_start3A_72 = tpu.memref_slice %arg2[%dma_start3A_70, %dma_start3A_71] : memref<10240x128xf32, #tpu.memory_space<hbm>> -> memref<10240x128xf32, #tpu.memory_space<hbm>>
      tpu.enqueue_indirect_dma source(%dma_start3A_72 : memref<10240x128xf32, #tpu.memory_space<hbm>>) target(%arg8 : memref<128x128xf32, #tpu.memory_space<vmem>>) offsets(%dma_start3A_69 : memref<128xi32, #tpu.memory_space<vmem>>) semaphore(%arg10 : memref<!tpu.dma_semaphore, #tpu.memory_space<semaphore_mem>>)
      %dma_wait3A = arith.constant 0 : i32
      %dma_wait3A_73 = tpu.memref_slice %arg6[%while3A_66, %dma_wait3A] : memref<80x128xi32, #tpu.memory_space<vmem>> -> memref<1x128xi32, #tpu.memory_space<vmem>>
      %dma_wait3A_74 = tpu.memref_squeeze %dma_wait3A_73 : memref<1x128xi32, #tpu.memory_space<vmem>> -> memref<128xi32, #tpu.memory_space<vmem>>
      %dma_wait3A_75 = arith.constant 0 : i32
      %dma_wait3A_76 = arith.constant 0 : i32
      %dma_wait3A_77 = tpu.memref_slice %arg2[%dma_wait3A_75, %dma_wait3A_76] : memref<10240x128xf32, #tpu.memory_space<hbm>> -> memref<10240x128xf32, #tpu.memory_space<hbm>>
      tpu.wait_indirect_dma semaphore(%arg10 : memref<!tpu.dma_semaphore, #tpu.memory_space<semaphore_mem>>) src(%dma_wait3A_77 : memref<10240x128xf32, #tpu.memory_space<hbm>>) dst(%arg8 : memref<128x128xf32, #tpu.memory_space<vmem>>)
      "tpu.region"() ({
        %run_scoped3A = tpu.sem_alloc : memref<!tpu.dma_semaphore, #tpu.memory_space<semaphore_mem>>
        %dma_start3A_79 = arith.constant 0 : i32
        %dma_start3A_80 = tpu.memref_slice %arg7[%while3A_66, %dma_start3A_79] : memref<80x128xi32, #tpu.memory_space<vmem>> -> memref<1x128xi32, #tpu.memory_space<vmem>>
        %dma_start3A_81 = tpu.memref_squeeze %dma_start3A_80 : memref<1x128xi32, #tpu.memory_space<vmem>> -> memref<128xi32, #tpu.memory_space<vmem>>
        %dma_start3A_82 = arith.constant 0 : i32
        %dma_start3A_83 = arith.constant 0 : i32
        %dma_start3A_84 = tpu.memref_slice %arg9[%dma_start3A_82, %dma_start3A_83] : memref<10240x128xf32, #tpu.memory_space<vmem_shared>> -> memref<10240x128xf32, #tpu.memory_space<vmem_shared>>
        tpu.enqueue_indirect_dma source(%arg8 : memref<128x128xf32, #tpu.memory_space<vmem>>) target(%dma_start3A_84 : memref<10240x128xf32, #tpu.memory_space<vmem_shared>>) offsets(%dma_start3A_81 : memref<128xi32, #tpu.memory_space<vmem>>) semaphore(%run_scoped3A : memref<!tpu.dma_semaphore, #tpu.memory_space<semaphore_mem>>) {add = true}
        %dma_wait3A_85 = arith.constant 0 : i32
        %dma_wait3A_86 = tpu.memref_slice %arg7[%while3A_66, %dma_wait3A_85] : memref<80x128xi32, #tpu.memory_space<vmem>> -> memref<1x128xi32, #tpu.memory_space<vmem>>
        %dma_wait3A_87 = tpu.memref_squeeze %dma_wait3A_86 : memref<1x128xi32, #tpu.memory_space<vmem>> -> memref<128xi32, #tpu.memory_space<vmem>>
        %dma_wait3A_88 = arith.constant 0 : i32
        %dma_wait3A_89 = arith.constant 0 : i32
        %dma_wait3A_90 = tpu.memref_slice %arg9[%dma_wait3A_88, %dma_wait3A_89] : memref<10240x128xf32, #tpu.memory_space<vmem_shared>> -> memref<10240x128xf32, #tpu.memory_space<vmem_shared>>
        tpu.wait_indirect_dma semaphore(%run_scoped3A : memref<!tpu.dma_semaphore, #tpu.memory_space<semaphore_mem>>) src(%arg8 : memref<128x128xf32, #tpu.memory_space<vmem>>) dst(%dma_wait3A_90 : memref<10240x128xf32, #tpu.memory_space<vmem_shared>>)
        tpu.yield
      }) : () -> ()
      %while3A_78 = arith.constant 0 : i32
      scf.yield %while3A_78 : i32
    }
    %barrier3A_61 = arith.constant 0 : index
    tpu.barrier barrier_id(%barrier3A_61)
    %mul3A_62 = arith.constant 640 : i32
    %mul3A_63 = arith.muli %arg1, %mul3A_62 : i32
    %mul3A_64 = arith.constant 640 : i32
    %mul3A_65 = arith.muli %arg1, %mul3A_64 : i32
    "tpu.region"() ({
      %run_scoped3A = tpu.sem_alloc : memref<!tpu.dma_semaphore, #tpu.memory_space<semaphore_mem>>
      %dma_start3A = arith.constant 0 : i32
      %dma_start3A_66 = tpu.memref_slice %arg5[%arg0, %mul3A_65, %dma_start3A] : memref<2x10240x128xf32, #tpu.memory_space<hbm>> -> memref<1x640x128xf32, #tpu.memory_space<hbm>>
      %dma_start3A_67 = tpu.memref_squeeze %dma_start3A_66 : memref<1x640x128xf32, #tpu.memory_space<hbm>> -> memref<640x128xf32, #tpu.memory_space<hbm>>
      %dma_start3A_68 = arith.constant 0 : i32
      %dma_start3A_69 = tpu.memref_slice %arg9[%mul3A_63, %dma_start3A_68] : memref<10240x128xf32, #tpu.memory_space<vmem_shared>> -> memref<640x128xf32, #tpu.memory_space<vmem_shared>>
      tpu.enqueue_dma source(%dma_start3A_69 : memref<640x128xf32, #tpu.memory_space<vmem_shared>>) target(%dma_start3A_67 : memref<640x128xf32, #tpu.memory_space<hbm>>) target_semaphore(%run_scoped3A : memref<!tpu.dma_semaphore, #tpu.memory_space<semaphore_mem>>)
      %dma_wait3A = arith.constant 0 : i32
      %dma_wait3A_70 = tpu.memref_slice %arg5[%arg0, %mul3A_65, %dma_wait3A] : memref<2x10240x128xf32, #tpu.memory_space<hbm>> -> memref<1x640x128xf32, #tpu.memory_space<hbm>>
      %dma_wait3A_71 = tpu.memref_squeeze %dma_wait3A_70 : memref<1x640x128xf32, #tpu.memory_space<hbm>> -> memref<640x128xf32, #tpu.memory_space<hbm>>
      %dma_wait3A_72 = arith.constant 0 : i32
      %dma_wait3A_73 = tpu.memref_slice %arg9[%mul3A_63, %dma_wait3A_72] : memref<10240x128xf32, #tpu.memory_space<vmem_shared>> -> memref<640x128xf32, #tpu.memory_space<vmem_shared>>
      tpu.wait_dma2 semaphore(%run_scoped3A : memref<!tpu.dma_semaphore, #tpu.memory_space<semaphore_mem>>) src(%dma_wait3A_73 : memref<640x128xf32, #tpu.memory_space<vmem_shared>>) dst(%dma_wait3A_71 : memref<640x128xf32, #tpu.memory_space<hbm>>)
      tpu.yield
    }) : () -> ()
    return
  }
}

#map = affine_map<(d0, d1) -> (0, 0, 0)>
module attributes {stable_mosaic.version = 14 : i64} {
  func.func @_deg_kernel(%arg0: i32, %arg1: i32, %arg2: memref<32x79x128xi32, #tpu.memory_space<hbm>>, %arg3: memref<2x10240x128xf32, #tpu.memory_space<hbm>>, %arg4: memref<79x128xi32, #tpu.memory_space<vmem>>, %arg5: memref<128x128xf32, #tpu.memory_space<vmem>>, %arg6: memref<10240x128xf32, #tpu.memory_space<vmem_shared>>) attributes {dimension_semantics = [#tpu.dimension_semantics<core_parallel>, #tpu.dimension_semantics<subcore_parallel>], iteration_bounds = array<i64: 2, 16>, scalar_prefetch = 0 : i64, scratch_operands = 3 : i64, tpu.core_type = #tpu.core_type<sc_vector_subcore>, window_params = [{transform_indices = #map}, {transform_indices = #map}]} {
    %mul3A = arith.constant 2 : i32
    %mul3A_0 = arith.muli %arg1, %mul3A : i32
    %add3A = arith.addi %mul3A_0, %arg0 : i32
    %broadcast_in_dim3A = arith.constant 0.000000e+00 : f32
    %broadcast_in_dim3A_1 = vector.broadcast %broadcast_in_dim3A : f32 to vector<16xf32>
    %scan3A = arith.constant 0 : i32
    %scan3A_2 = arith.constant 0 : i32
    %scan3A_3 = arith.constant 128 : i32
    %scan3A_4 = arith.addi %scan3A_2, %scan3A_3 : i32
    %scan3A_5 = arith.constant 1 : i32
    %scan3A_6 = scf.for %scan3A_59 = %scan3A_2 to %scan3A_4 step %scan3A_5 iter_args(%scan3A_60 = %scan3A) -> (i32)  : i32 {
      %swap3A = arith.index_cast %scan3A_59 : i32 to index
      %swap3A_61 = arith.constant 0 : index
      %swap3A_62 = tpu.vector_load %arg5[%swap3A, %swap3A_61] {strides = array<i32>} : memref<128x128xf32, #tpu.memory_space<vmem>>, vector<16xf32>,
      tpu.vector_store %arg5[%swap3A, %swap3A_61], %broadcast_in_dim3A_1 {strides = array<i32>} : memref<128x128xf32, #tpu.memory_space<vmem>>, vector<16xf32>,
      %swap3A_63 = arith.index_cast %scan3A_59 : i32 to index
      %swap3A_64 = arith.constant 16 : index
      %swap3A_65 = tpu.vector_load %arg5[%swap3A_63, %swap3A_64] {strides = array<i32>} : memref<128x128xf32, #tpu.memory_space<vmem>>, vector<16xf32>,
      tpu.vector_store %arg5[%swap3A_63, %swap3A_64], %broadcast_in_dim3A_1 {strides = array<i32>} : memref<128x128xf32, #tpu.memory_space<vmem>>, vector<16xf32>,
      %swap3A_66 = arith.index_cast %scan3A_59 : i32 to index
      %swap3A_67 = arith.constant 32 : index
      %swap3A_68 = tpu.vector_load %arg5[%swap3A_66, %swap3A_67] {strides = array<i32>} : memref<128x128xf32, #tpu.memory_space<vmem>>, vector<16xf32>,
      tpu.vector_store %arg5[%swap3A_66, %swap3A_67], %broadcast_in_dim3A_1 {strides = array<i32>} : memref<128x128xf32, #tpu.memory_space<vmem>>, vector<16xf32>,
      %swap3A_69 = arith.index_cast %scan3A_59 : i32 to index
      %swap3A_70 = arith.constant 48 : index
      %swap3A_71 = tpu.vector_load %arg5[%swap3A_69, %swap3A_70] {strides = array<i32>} : memref<128x128xf32, #tpu.memory_space<vmem>>, vector<16xf32>,
      tpu.vector_store %arg5[%swap3A_69, %swap3A_70], %broadcast_in_dim3A_1 {strides = array<i32>} : memref<128x128xf32, #tpu.memory_space<vmem>>, vector<16xf32>,
      %swap3A_72 = arith.index_cast %scan3A_59 : i32 to index
      %swap3A_73 = arith.constant 64 : index
      %swap3A_74 = tpu.vector_load %arg5[%swap3A_72, %swap3A_73] {strides = array<i32>} : memref<128x128xf32, #tpu.memory_space<vmem>>, vector<16xf32>,
      tpu.vector_store %arg5[%swap3A_72, %swap3A_73], %broadcast_in_dim3A_1 {strides = array<i32>} : memref<128x128xf32, #tpu.memory_space<vmem>>, vector<16xf32>,
      %swap3A_75 = arith.index_cast %scan3A_59 : i32 to index
      %swap3A_76 = arith.constant 80 : index
      %swap3A_77 = tpu.vector_load %arg5[%swap3A_75, %swap3A_76] {strides = array<i32>} : memref<128x128xf32, #tpu.memory_space<vmem>>, vector<16xf32>,
      tpu.vector_store %arg5[%swap3A_75, %swap3A_76], %broadcast_in_dim3A_1 {strides = array<i32>} : memref<128x128xf32, #tpu.memory_space<vmem>>, vector<16xf32>,
      %swap3A_78 = arith.index_cast %scan3A_59 : i32 to index
      %swap3A_79 = arith.constant 96 : index
      %swap3A_80 = tpu.vector_load %arg5[%swap3A_78, %swap3A_79] {strides = array<i32>} : memref<128x128xf32, #tpu.memory_space<vmem>>, vector<16xf32>,
      tpu.vector_store %arg5[%swap3A_78, %swap3A_79], %broadcast_in_dim3A_1 {strides = array<i32>} : memref<128x128xf32, #tpu.memory_space<vmem>>, vector<16xf32>,
      %swap3A_81 = arith.index_cast %scan3A_59 : i32 to index
      %swap3A_82 = arith.constant 112 : index
      %swap3A_83 = tpu.vector_load %arg5[%swap3A_81, %swap3A_82] {strides = array<i32>} : memref<128x128xf32, #tpu.memory_space<vmem>>, vector<16xf32>,
      tpu.vector_store %arg5[%swap3A_81, %swap3A_82], %broadcast_in_dim3A_1 {strides = array<i32>} : memref<128x128xf32, #tpu.memory_space<vmem>>, vector<16xf32>,
      %scan3A_84 = arith.constant 0 : i32
      scf.yield %scan3A_84 : i32
    }
    %scan3A_7 = arith.constant 128 : i32
    %mul3A_8 = arith.constant 5 : i32
    %mul3A_9 = arith.muli %arg1, %mul3A_8 : i32
    %add3A_10 = arith.constant 0 : i32
    %add3A_11 = arith.addi %mul3A_9, %add3A_10 : i32
    %mul3A_12 = arith.constant 128 : i32
    %mul3A_13 = arith.muli %add3A_11, %mul3A_12 : i32
    "tpu.region"() ({
      %run_scoped3A = tpu.sem_alloc : memref<!tpu.dma_semaphore, #tpu.memory_space<semaphore_mem>>
      %dma_start3A = arith.constant 0 : i32
      %dma_start3A_59 = tpu.memref_slice %arg6[%mul3A_13, %dma_start3A] : memref<10240x128xf32, #tpu.memory_space<vmem_shared>> -> memref<128x128xf32, #tpu.memory_space<vmem_shared>>
      %dma_start3A_60 = arith.constant 0 : i32
      %dma_start3A_61 = tpu.memref_slice %arg6[%mul3A_13, %dma_start3A_60] : memref<10240x128xf32, #tpu.memory_space<vmem_shared>> -> memref<128x128xf32, #tpu.memory_space<vmem_shared>>
      tpu.enqueue_dma source(%arg5 : memref<128x128xf32, #tpu.memory_space<vmem>>) target(%dma_start3A_61 : memref<128x128xf32, #tpu.memory_space<vmem_shared>>) target_semaphore(%run_scoped3A : memref<!tpu.dma_semaphore, #tpu.memory_space<semaphore_mem>>)
      %dma_wait3A = arith.constant 0 : i32
      %dma_wait3A_62 = tpu.memref_slice %arg6[%mul3A_13, %dma_wait3A] : memref<10240x128xf32, #tpu.memory_space<vmem_shared>> -> memref<128x128xf32, #tpu.memory_space<vmem_shared>>
      %dma_wait3A_63 = arith.constant 0 : i32
      %dma_wait3A_64 = tpu.memref_slice %arg6[%mul3A_13, %dma_wait3A_63] : memref<10240x128xf32, #tpu.memory_space<vmem_shared>> -> memref<128x128xf32, #tpu.memory_space<vmem_shared>>
      tpu.wait_dma2 semaphore(%run_scoped3A : memref<!tpu.dma_semaphore, #tpu.memory_space<semaphore_mem>>) src(%arg5 : memref<128x128xf32, #tpu.memory_space<vmem>>) dst(%dma_wait3A_64 : memref<128x128xf32, #tpu.memory_space<vmem_shared>>)
      tpu.yield
    }) : () -> ()
    %mul3A_14 = arith.constant 5 : i32
    %mul3A_15 = arith.muli %arg1, %mul3A_14 : i32
    %add3A_16 = arith.constant 1 : i32
    %add3A_17 = arith.addi %mul3A_15, %add3A_16 : i32
    %mul3A_18 = arith.constant 128 : i32
    %mul3A_19 = arith.muli %add3A_17, %mul3A_18 : i32
    "tpu.region"() ({
      %run_scoped3A = tpu.sem_alloc : memref<!tpu.dma_semaphore, #tpu.memory_space<semaphore_mem>>
      %dma_start3A = arith.constant 0 : i32
      %dma_start3A_59 = tpu.memref_slice %arg6[%mul3A_19, %dma_start3A] : memref<10240x128xf32, #tpu.memory_space<vmem_shared>> -> memref<128x128xf32, #tpu.memory_space<vmem_shared>>
      %dma_start3A_60 = arith.constant 0 : i32
      %dma_start3A_61 = tpu.memref_slice %arg6[%mul3A_19, %dma_start3A_60] : memref<10240x128xf32, #tpu.memory_space<vmem_shared>> -> memref<128x128xf32, #tpu.memory_space<vmem_shared>>
      tpu.enqueue_dma source(%arg5 : memref<128x128xf32, #tpu.memory_space<vmem>>) target(%dma_start3A_61 : memref<128x128xf32, #tpu.memory_space<vmem_shared>>) target_semaphore(%run_scoped3A : memref<!tpu.dma_semaphore, #tpu.memory_space<semaphore_mem>>)
      %dma_wait3A = arith.constant 0 : i32
      %dma_wait3A_62 = tpu.memref_slice %arg6[%mul3A_19, %dma_wait3A] : memref<10240x128xf32, #tpu.memory_space<vmem_shared>> -> memref<128x128xf32, #tpu.memory_space<vmem_shared>>
      %dma_wait3A_63 = arith.constant 0 : i32
      %dma_wait3A_64 = tpu.memref_slice %arg6[%mul3A_19, %dma_wait3A_63] : memref<10240x128xf32, #tpu.memory_space<vmem_shared>> -> memref<128x128xf32, #tpu.memory_space<vmem_shared>>
      tpu.wait_dma2 semaphore(%run_scoped3A : memref<!tpu.dma_semaphore, #tpu.memory_space<semaphore_mem>>) src(%arg5 : memref<128x128xf32, #tpu.memory_space<vmem>>) dst(%dma_wait3A_64 : memref<128x128xf32, #tpu.memory_space<vmem_shared>>)
      tpu.yield
    }) : () -> ()
    %mul3A_20 = arith.constant 5 : i32
    %mul3A_21 = arith.muli %arg1, %mul3A_20 : i32
    %add3A_22 = arith.constant 2 : i32
    %add3A_23 = arith.addi %mul3A_21, %add3A_22 : i32
    %mul3A_24 = arith.constant 128 : i32
    %mul3A_25 = arith.muli %add3A_23, %mul3A_24 : i32
    "tpu.region"() ({
      %run_scoped3A = tpu.sem_alloc : memref<!tpu.dma_semaphore, #tpu.memory_space<semaphore_mem>>
      %dma_start3A = arith.constant 0 : i32
      %dma_start3A_59 = tpu.memref_slice %arg6[%mul3A_25, %dma_start3A] : memref<10240x128xf32, #tpu.memory_space<vmem_shared>> -> memref<128x128xf32, #tpu.memory_space<vmem_shared>>
      %dma_start3A_60 = arith.constant 0 : i32
      %dma_start3A_61 = tpu.memref_slice %arg6[%mul3A_25, %dma_start3A_60] : memref<10240x128xf32, #tpu.memory_space<vmem_shared>> -> memref<128x128xf32, #tpu.memory_space<vmem_shared>>
      tpu.enqueue_dma source(%arg5 : memref<128x128xf32, #tpu.memory_space<vmem>>) target(%dma_start3A_61 : memref<128x128xf32, #tpu.memory_space<vmem_shared>>) target_semaphore(%run_scoped3A : memref<!tpu.dma_semaphore, #tpu.memory_space<semaphore_mem>>)
      %dma_wait3A = arith.constant 0 : i32
      %dma_wait3A_62 = tpu.memref_slice %arg6[%mul3A_25, %dma_wait3A] : memref<10240x128xf32, #tpu.memory_space<vmem_shared>> -> memref<128x128xf32, #tpu.memory_space<vmem_shared>>
      %dma_wait3A_63 = arith.constant 0 : i32
      %dma_wait3A_64 = tpu.memref_slice %arg6[%mul3A_25, %dma_wait3A_63] : memref<10240x128xf32, #tpu.memory_space<vmem_shared>> -> memref<128x128xf32, #tpu.memory_space<vmem_shared>>
      tpu.wait_dma2 semaphore(%run_scoped3A : memref<!tpu.dma_semaphore, #tpu.memory_space<semaphore_mem>>) src(%arg5 : memref<128x128xf32, #tpu.memory_space<vmem>>) dst(%dma_wait3A_64 : memref<128x128xf32, #tpu.memory_space<vmem_shared>>)
      tpu.yield
    }) : () -> ()
    %mul3A_26 = arith.constant 5 : i32
    %mul3A_27 = arith.muli %arg1, %mul3A_26 : i32
    %add3A_28 = arith.constant 3 : i32
    %add3A_29 = arith.addi %mul3A_27, %add3A_28 : i32
    %mul3A_30 = arith.constant 128 : i32
    %mul3A_31 = arith.muli %add3A_29, %mul3A_30 : i32
    "tpu.region"() ({
      %run_scoped3A = tpu.sem_alloc : memref<!tpu.dma_semaphore, #tpu.memory_space<semaphore_mem>>
      %dma_start3A = arith.constant 0 : i32
      %dma_start3A_59 = tpu.memref_slice %arg6[%mul3A_31, %dma_start3A] : memref<10240x128xf32, #tpu.memory_space<vmem_shared>> -> memref<128x128xf32, #tpu.memory_space<vmem_shared>>
      %dma_start3A_60 = arith.constant 0 : i32
      %dma_start3A_61 = tpu.memref_slice %arg6[%mul3A_31, %dma_start3A_60] : memref<10240x128xf32, #tpu.memory_space<vmem_shared>> -> memref<128x128xf32, #tpu.memory_space<vmem_shared>>
      tpu.enqueue_dma source(%arg5 : memref<128x128xf32, #tpu.memory_space<vmem>>) target(%dma_start3A_61 : memref<128x128xf32, #tpu.memory_space<vmem_shared>>) target_semaphore(%run_scoped3A : memref<!tpu.dma_semaphore, #tpu.memory_space<semaphore_mem>>)
      %dma_wait3A = arith.constant 0 : i32
      %dma_wait3A_62 = tpu.memref_slice %arg6[%mul3A_31, %dma_wait3A] : memref<10240x128xf32, #tpu.memory_space<vmem_shared>> -> memref<128x128xf32, #tpu.memory_space<vmem_shared>>
      %dma_wait3A_63 = arith.constant 0 : i32
      %dma_wait3A_64 = tpu.memref_slice %arg6[%mul3A_31, %dma_wait3A_63] : memref<10240x128xf32, #tpu.memory_space<vmem_shared>> -> memref<128x128xf32, #tpu.memory_space<vmem_shared>>
      tpu.wait_dma2 semaphore(%run_scoped3A : memref<!tpu.dma_semaphore, #tpu.memory_space<semaphore_mem>>) src(%arg5 : memref<128x128xf32, #tpu.memory_space<vmem>>) dst(%dma_wait3A_64 : memref<128x128xf32, #tpu.memory_space<vmem_shared>>)
      tpu.yield
    }) : () -> ()
    %mul3A_32 = arith.constant 5 : i32
    %mul3A_33 = arith.muli %arg1, %mul3A_32 : i32
    %add3A_34 = arith.constant 4 : i32
    %add3A_35 = arith.addi %mul3A_33, %add3A_34 : i32
    %mul3A_36 = arith.constant 128 : i32
    %mul3A_37 = arith.muli %add3A_35, %mul3A_36 : i32
    "tpu.region"() ({
      %run_scoped3A = tpu.sem_alloc : memref<!tpu.dma_semaphore, #tpu.memory_space<semaphore_mem>>
      %dma_start3A = arith.constant 0 : i32
      %dma_start3A_59 = tpu.memref_slice %arg6[%mul3A_37, %dma_start3A] : memref<10240x128xf32, #tpu.memory_space<vmem_shared>> -> memref<128x128xf32, #tpu.memory_space<vmem_shared>>
      %dma_start3A_60 = arith.constant 0 : i32
      %dma_start3A_61 = tpu.memref_slice %arg6[%mul3A_37, %dma_start3A_60] : memref<10240x128xf32, #tpu.memory_space<vmem_shared>> -> memref<128x128xf32, #tpu.memory_space<vmem_shared>>
      tpu.enqueue_dma source(%arg5 : memref<128x128xf32, #tpu.memory_space<vmem>>) target(%dma_start3A_61 : memref<128x128xf32, #tpu.memory_space<vmem_shared>>) target_semaphore(%run_scoped3A : memref<!tpu.dma_semaphore, #tpu.memory_space<semaphore_mem>>)
      %dma_wait3A = arith.constant 0 : i32
      %dma_wait3A_62 = tpu.memref_slice %arg6[%mul3A_37, %dma_wait3A] : memref<10240x128xf32, #tpu.memory_space<vmem_shared>> -> memref<128x128xf32, #tpu.memory_space<vmem_shared>>
      %dma_wait3A_63 = arith.constant 0 : i32
      %dma_wait3A_64 = tpu.memref_slice %arg6[%mul3A_37, %dma_wait3A_63] : memref<10240x128xf32, #tpu.memory_space<vmem_shared>> -> memref<128x128xf32, #tpu.memory_space<vmem_shared>>
      tpu.wait_dma2 semaphore(%run_scoped3A : memref<!tpu.dma_semaphore, #tpu.memory_space<semaphore_mem>>) src(%arg5 : memref<128x128xf32, #tpu.memory_space<vmem>>) dst(%dma_wait3A_64 : memref<128x128xf32, #tpu.memory_space<vmem_shared>>)
      tpu.yield
    }) : () -> ()
    %barrier3A = arith.constant 0 : index
    tpu.barrier barrier_id(%barrier3A)
    %broadcast_in_dim3A_38 = arith.constant 1.000000e+00 : f32
    %broadcast_in_dim3A_39 = vector.broadcast %broadcast_in_dim3A_38 : f32 to vector<16xf32>
    %scan3A_40 = arith.constant 0 : i32
    %scan3A_41 = arith.constant 0 : i32
    %scan3A_42 = arith.constant 128 : i32
    %scan3A_43 = arith.addi %scan3A_41, %scan3A_42 : i32
    %scan3A_44 = arith.constant 1 : i32
    %scan3A_45 = scf.for %scan3A_59 = %scan3A_41 to %scan3A_43 step %scan3A_44 iter_args(%scan3A_60 = %scan3A_40) -> (i32)  : i32 {
      %swap3A = arith.index_cast %scan3A_59 : i32 to index
      %swap3A_61 = arith.constant 0 : index
      %swap3A_62 = tpu.vector_load %arg5[%swap3A, %swap3A_61] {strides = array<i32>} : memref<128x128xf32, #tpu.memory_space<vmem>>, vector<16xf32>,
      tpu.vector_store %arg5[%swap3A, %swap3A_61], %broadcast_in_dim3A_39 {strides = array<i32>} : memref<128x128xf32, #tpu.memory_space<vmem>>, vector<16xf32>,
      %swap3A_63 = arith.index_cast %scan3A_59 : i32 to index
      %swap3A_64 = arith.constant 16 : index
      %swap3A_65 = tpu.vector_load %arg5[%swap3A_63, %swap3A_64] {strides = array<i32>} : memref<128x128xf32, #tpu.memory_space<vmem>>, vector<16xf32>,
      tpu.vector_store %arg5[%swap3A_63, %swap3A_64], %broadcast_in_dim3A_39 {strides = array<i32>} : memref<128x128xf32, #tpu.memory_space<vmem>>, vector<16xf32>,
      %swap3A_66 = arith.index_cast %scan3A_59 : i32 to index
      %swap3A_67 = arith.constant 32 : index
      %swap3A_68 = tpu.vector_load %arg5[%swap3A_66, %swap3A_67] {strides = array<i32>} : memref<128x128xf32, #tpu.memory_space<vmem>>, vector<16xf32>,
      tpu.vector_store %arg5[%swap3A_66, %swap3A_67], %broadcast_in_dim3A_39 {strides = array<i32>} : memref<128x128xf32, #tpu.memory_space<vmem>>, vector<16xf32>,
      %swap3A_69 = arith.index_cast %scan3A_59 : i32 to index
      %swap3A_70 = arith.constant 48 : index
      %swap3A_71 = tpu.vector_load %arg5[%swap3A_69, %swap3A_70] {strides = array<i32>} : memref<128x128xf32, #tpu.memory_space<vmem>>, vector<16xf32>,
      tpu.vector_store %arg5[%swap3A_69, %swap3A_70], %broadcast_in_dim3A_39 {strides = array<i32>} : memref<128x128xf32, #tpu.memory_space<vmem>>, vector<16xf32>,
      %swap3A_72 = arith.index_cast %scan3A_59 : i32 to index
      %swap3A_73 = arith.constant 64 : index
      %swap3A_74 = tpu.vector_load %arg5[%swap3A_72, %swap3A_73] {strides = array<i32>} : memref<128x128xf32, #tpu.memory_space<vmem>>, vector<16xf32>,
      tpu.vector_store %arg5[%swap3A_72, %swap3A_73], %broadcast_in_dim3A_39 {strides = array<i32>} : memref<128x128xf32, #tpu.memory_space<vmem>>, vector<16xf32>,
      %swap3A_75 = arith.index_cast %scan3A_59 : i32 to index
      %swap3A_76 = arith.constant 80 : index
      %swap3A_77 = tpu.vector_load %arg5[%swap3A_75, %swap3A_76] {strides = array<i32>} : memref<128x128xf32, #tpu.memory_space<vmem>>, vector<16xf32>,
      tpu.vector_store %arg5[%swap3A_75, %swap3A_76], %broadcast_in_dim3A_39 {strides = array<i32>} : memref<128x128xf32, #tpu.memory_space<vmem>>, vector<16xf32>,
      %swap3A_78 = arith.index_cast %scan3A_59 : i32 to index
      %swap3A_79 = arith.constant 96 : index
      %swap3A_80 = tpu.vector_load %arg5[%swap3A_78, %swap3A_79] {strides = array<i32>} : memref<128x128xf32, #tpu.memory_space<vmem>>, vector<16xf32>,
      tpu.vector_store %arg5[%swap3A_78, %swap3A_79], %broadcast_in_dim3A_39 {strides = array<i32>} : memref<128x128xf32, #tpu.memory_space<vmem>>, vector<16xf32>,
      %swap3A_81 = arith.index_cast %scan3A_59 : i32 to index
      %swap3A_82 = arith.constant 112 : index
      %swap3A_83 = tpu.vector_load %arg5[%swap3A_81, %swap3A_82] {strides = array<i32>} : memref<128x128xf32, #tpu.memory_space<vmem>>, vector<16xf32>,
      tpu.vector_store %arg5[%swap3A_81, %swap3A_82], %broadcast_in_dim3A_39 {strides = array<i32>} : memref<128x128xf32, #tpu.memory_space<vmem>>, vector<16xf32>,
      %scan3A_84 = arith.constant 0 : i32
      scf.yield %scan3A_84 : i32
    }
    %scan3A_46 = arith.constant 128 : i32
    "tpu.region"() ({
      %run_scoped3A = tpu.sem_alloc : memref<!tpu.dma_semaphore, #tpu.memory_space<semaphore_mem>>
      %dma_start3A = arith.constant 0 : i32
      %dma_start3A_59 = arith.constant 0 : i32
      %dma_start3A_60 = tpu.memref_slice %arg2[%add3A, %dma_start3A, %dma_start3A_59] : memref<32x79x128xi32, #tpu.memory_space<hbm>> -> memref<1x79x128xi32, #tpu.memory_space<hbm>>
      %dma_start3A_61 = tpu.memref_squeeze %dma_start3A_60 : memref<1x79x128xi32, #tpu.memory_space<hbm>> -> memref<79x128xi32, #tpu.memory_space<hbm>>
      %dma_start3A_62 = arith.constant 0 : i32
      %dma_start3A_63 = arith.constant 0 : i32
      %dma_start3A_64 = tpu.memref_slice %arg2[%add3A, %dma_start3A_62, %dma_start3A_63] : memref<32x79x128xi32, #tpu.memory_space<hbm>> -> memref<1x79x128xi32, #tpu.memory_space<hbm>>
      %dma_start3A_65 = tpu.memref_squeeze %dma_start3A_64 : memref<1x79x128xi32, #tpu.memory_space<hbm>> -> memref<79x128xi32, #tpu.memory_space<hbm>>
      tpu.enqueue_dma source(%dma_start3A_65 : memref<79x128xi32, #tpu.memory_space<hbm>>) target(%arg4 : memref<79x128xi32, #tpu.memory_space<vmem>>) target_semaphore(%run_scoped3A : memref<!tpu.dma_semaphore, #tpu.memory_space<semaphore_mem>>)
      %dma_wait3A = arith.constant 0 : i32
      %dma_wait3A_66 = arith.constant 0 : i32
      %dma_wait3A_67 = tpu.memref_slice %arg2[%add3A, %dma_wait3A, %dma_wait3A_66] : memref<32x79x128xi32, #tpu.memory_space<hbm>> -> memref<1x79x128xi32, #tpu.memory_space<hbm>>
      %dma_wait3A_68 = tpu.memref_squeeze %dma_wait3A_67 : memref<1x79x128xi32, #tpu.memory_space<hbm>> -> memref<79x128xi32, #tpu.memory_space<hbm>>
      %dma_wait3A_69 = arith.constant 0 : i32
      %dma_wait3A_70 = arith.constant 0 : i32
      %dma_wait3A_71 = tpu.memref_slice %arg2[%add3A, %dma_wait3A_69, %dma_wait3A_70] : memref<32x79x128xi32, #tpu.memory_space<hbm>> -> memref<1x79x128xi32, #tpu.memory_space<hbm>>
      %dma_wait3A_72 = tpu.memref_squeeze %dma_wait3A_71 : memref<1x79x128xi32, #tpu.memory_space<hbm>> -> memref<79x128xi32, #tpu.memory_space<hbm>>
      tpu.wait_dma2 semaphore(%run_scoped3A : memref<!tpu.dma_semaphore, #tpu.memory_space<semaphore_mem>>) src(%dma_wait3A_72 : memref<79x128xi32, #tpu.memory_space<hbm>>) dst(%arg4 : memref<79x128xi32, #tpu.memory_space<vmem>>)
      tpu.yield
    }) : () -> ()
    %scan3A_47 = arith.constant 0 : i32
    %scan3A_48 = arith.constant 0 : i32
    %scan3A_49 = arith.constant 79 : i32
    %scan3A_50 = arith.addi %scan3A_48, %scan3A_49 : i32
    %scan3A_51 = arith.constant 1 : i32
    %scan3A_52 = scf.for %scan3A_59 = %scan3A_48 to %scan3A_50 step %scan3A_51 iter_args(%scan3A_60 = %scan3A_47) -> (i32)  : i32 {
      "tpu.region"() ({
        %run_scoped3A = tpu.sem_alloc : memref<!tpu.dma_semaphore, #tpu.memory_space<semaphore_mem>>
        %dma_start3A = arith.constant 0 : i32
        %dma_start3A_62 = tpu.memref_slice %arg4[%scan3A_59, %dma_start3A] : memref<79x128xi32, #tpu.memory_space<vmem>> -> memref<1x128xi32, #tpu.memory_space<vmem>>
        %dma_start3A_63 = tpu.memref_squeeze %dma_start3A_62 : memref<1x128xi32, #tpu.memory_space<vmem>> -> memref<128xi32, #tpu.memory_space<vmem>>
        %dma_start3A_64 = arith.constant 0 : i32
        %dma_start3A_65 = arith.constant 0 : i32
        %dma_start3A_66 = tpu.memref_slice %arg6[%dma_start3A_64, %dma_start3A_65] : memref<10240x128xf32, #tpu.memory_space<vmem_shared>> -> memref<10240x128xf32, #tpu.memory_space<vmem_shared>>
        tpu.enqueue_indirect_dma source(%arg5 : memref<128x128xf32, #tpu.memory_space<vmem>>) target(%dma_start3A_66 : memref<10240x128xf32, #tpu.memory_space<vmem_shared>>) offsets(%dma_start3A_63 : memref<128xi32, #tpu.memory_space<vmem>>) semaphore(%run_scoped3A : memref<!tpu.dma_semaphore, #tpu.memory_space<semaphore_mem>>) {add = true}
        %dma_wait3A = arith.constant 0 : i32
        %dma_wait3A_67 = tpu.memref_slice %arg4[%scan3A_59, %dma_wait3A] : memref<79x128xi32, #tpu.memory_space<vmem>> -> memref<1x128xi32, #tpu.memory_space<vmem>>
        %dma_wait3A_68 = tpu.memref_squeeze %dma_wait3A_67 : memref<1x128xi32, #tpu.memory_space<vmem>> -> memref<128xi32, #tpu.memory_space<vmem>>
        %dma_wait3A_69 = arith.constant 0 : i32
        %dma_wait3A_70 = arith.constant 0 : i32
        %dma_wait3A_71 = tpu.memref_slice %arg6[%dma_wait3A_69, %dma_wait3A_70] : memref<10240x128xf32, #tpu.memory_space<vmem_shared>> -> memref<10240x128xf32, #tpu.memory_space<vmem_shared>>
        tpu.wait_indirect_dma semaphore(%run_scoped3A : memref<!tpu.dma_semaphore, #tpu.memory_space<semaphore_mem>>) src(%arg5 : memref<128x128xf32, #tpu.memory_space<vmem>>) dst(%dma_wait3A_71 : memref<10240x128xf32, #tpu.memory_space<vmem_shared>>)
        tpu.yield
      }) : () -> ()
      %scan3A_61 = arith.constant 0 : i32
      scf.yield %scan3A_61 : i32
    }
    %scan3A_53 = arith.constant 79 : i32
    %barrier3A_54 = arith.constant 0 : index
    tpu.barrier barrier_id(%barrier3A_54)
    %mul3A_55 = arith.constant 640 : i32
    %mul3A_56 = arith.muli %arg1, %mul3A_55 : i32
    %mul3A_57 = arith.constant 640 : i32
    %mul3A_58 = arith.muli %arg1, %mul3A_57 : i32
    "tpu.region"() ({
      %run_scoped3A = tpu.sem_alloc : memref<!tpu.dma_semaphore, #tpu.memory_space<semaphore_mem>>
      %dma_start3A = arith.constant 0 : i32
      %dma_start3A_59 = tpu.memref_slice %arg3[%arg0, %mul3A_58, %dma_start3A] : memref<2x10240x128xf32, #tpu.memory_space<hbm>> -> memref<1x640x128xf32, #tpu.memory_space<hbm>>
      %dma_start3A_60 = tpu.memref_squeeze %dma_start3A_59 : memref<1x640x128xf32, #tpu.memory_space<hbm>> -> memref<640x128xf32, #tpu.memory_space<hbm>>
      %dma_start3A_61 = arith.constant 0 : i32
      %dma_start3A_62 = tpu.memref_slice %arg6[%mul3A_56, %dma_start3A_61] : memref<10240x128xf32, #tpu.memory_space<vmem_shared>> -> memref<640x128xf32, #tpu.memory_space<vmem_shared>>
      tpu.enqueue_dma source(%dma_start3A_62 : memref<640x128xf32, #tpu.memory_space<vmem_shared>>) target(%dma_start3A_60 : memref<640x128xf32, #tpu.memory_space<hbm>>) target_semaphore(%run_scoped3A : memref<!tpu.dma_semaphore, #tpu.memory_space<semaphore_mem>>)
      %dma_wait3A = arith.constant 0 : i32
      %dma_wait3A_63 = tpu.memref_slice %arg3[%arg0, %mul3A_58, %dma_wait3A] : memref<2x10240x128xf32, #tpu.memory_space<hbm>> -> memref<1x640x128xf32, #tpu.memory_space<hbm>>
      %dma_wait3A_64 = tpu.memref_squeeze %dma_wait3A_63 : memref<1x640x128xf32, #tpu.memory_space<hbm>> -> memref<640x128xf32, #tpu.memory_space<hbm>>
      %dma_wait3A_65 = arith.constant 0 : i32
      %dma_wait3A_66 = tpu.memref_slice %arg6[%mul3A_56, %dma_wait3A_65] : memref<10240x128xf32, #tpu.memory_space<vmem_shared>> -> memref<640x128xf32, #tpu.memory_space<vmem_shared>>
      tpu.wait_dma2 semaphore(%run_scoped3A : memref<!tpu.dma_semaphore, #tpu.memory_space<semaphore_mem>>) src(%dma_wait3A_66 : memref<640x128xf32, #tpu.memory_space<vmem_shared>>) dst(%dma_wait3A_64 : memref<640x128xf32, #tpu.memory_space<hbm>>)
      tpu.yield
    }) : () -> ()
    return
  }
}

#map = affine_map<(d0, d1) -> (0, 0)>
#map1 = affine_map<(d0, d1) -> (0)>
module attributes {stable_mosaic.version = 14 : i64} {
  func.func @_dec_kernel(%arg0: i32, %arg1: i32, %arg2: memref<10240x128xf32, #tpu.memory_space<hbm>>, %arg3: memref<10240x128xf32, #tpu.memory_space<hbm>>, %arg4: memref<5120x128xi32, #tpu.memory_space<hbm>>, %arg5: memref<5120x128xi32, #tpu.memory_space<hbm>>, %arg6: memref<128xf32, #tpu.memory_space<hbm>>, %arg7: memref<16xf32, #tpu.memory_space<hbm>>, %arg8: memref<655360xf32, #tpu.memory_space<hbm>>, %arg9: memref<80x128xi32, #tpu.memory_space<vmem>>, %arg10: memref<80x128xi32, #tpu.memory_space<vmem>>, %arg11: memref<2x128x128xf32, #tpu.memory_space<vmem>>, %arg12: memref<2x128x128xf32, #tpu.memory_space<vmem>>, %arg13: memref<128xf32, #tpu.memory_space<vmem>>, %arg14: memref<16xf32, #tpu.memory_space<vmem>>, %arg15: memref<128xf32, #tpu.memory_space<vmem>>, %arg16: memref<128x17xf32, #tpu.memory_space<vmem>>, %arg17: memref<!tpu.dma_semaphore, #tpu.memory_space<semaphore_mem>>, %arg18: memref<!tpu.dma_semaphore, #tpu.memory_space<semaphore_mem>>) attributes {dimension_semantics = [#tpu.dimension_semantics<core_parallel>, #tpu.dimension_semantics<subcore_parallel>], iteration_bounds = array<i64: 2, 16>, scalar_prefetch = 0 : i64, scratch_operands = 10 : i64, tpu.core_type = #tpu.core_type<sc_vector_subcore>, window_params = [{transform_indices = #map}, {transform_indices = #map}, {transform_indices = #map}, {transform_indices = #map}, {transform_indices = #map1}, {transform_indices = #map1}, {transform_indices = #map1}]} {
    %eq3A = arith.constant 1 : i32
    %eq3A_0 = arith.cmpi eq, %arg0, %eq3A : i32
    "tpu.region"() ({
      %run_scoped3A = tpu.sem_alloc : memref<!tpu.dma_semaphore, #tpu.memory_space<semaphore_mem>>
      tpu.enqueue_dma source(%arg6 : memref<128xf32, #tpu.memory_space<hbm>>) target(%arg13 : memref<128xf32, #tpu.memory_space<vmem>>) target_semaphore(%run_scoped3A : memref<!tpu.dma_semaphore, #tpu.memory_space<semaphore_mem>>)
      tpu.wait_dma2 semaphore(%run_scoped3A : memref<!tpu.dma_semaphore, #tpu.memory_space<semaphore_mem>>) src(%arg6 : memref<128xf32, #tpu.memory_space<hbm>>) dst(%arg13 : memref<128xf32, #tpu.memory_space<vmem>>)
      tpu.yield
    }) : () -> ()
    "tpu.region"() ({
      %run_scoped3A = tpu.sem_alloc : memref<!tpu.dma_semaphore, #tpu.memory_space<semaphore_mem>>
      tpu.enqueue_dma source(%arg7 : memref<16xf32, #tpu.memory_space<hbm>>) target(%arg14 : memref<16xf32, #tpu.memory_space<vmem>>) target_semaphore(%run_scoped3A : memref<!tpu.dma_semaphore, #tpu.memory_space<semaphore_mem>>)
      tpu.wait_dma2 semaphore(%run_scoped3A : memref<!tpu.dma_semaphore, #tpu.memory_space<semaphore_mem>>) src(%arg7 : memref<16xf32, #tpu.memory_space<hbm>>) dst(%arg14 : memref<16xf32, #tpu.memory_space<vmem>>)
      tpu.yield
    }) : () -> ()
    %get3A = arith.constant 0 : index
    %get3A_1 = tpu.vector_load %arg13[%get3A] {strides = array<i32>} : memref<128xf32, #tpu.memory_space<vmem>>, vector<16xf32>,
    %get3A_2 = arith.constant 16 : index
    %get3A_3 = tpu.vector_load %arg13[%get3A_2] {strides = array<i32>} : memref<128xf32, #tpu.memory_space<vmem>>, vector<16xf32>,
    %get3A_4 = arith.constant 32 : index
    %get3A_5 = tpu.vector_load %arg13[%get3A_4] {strides = array<i32>} : memref<128xf32, #tpu.memory_space<vmem>>, vector<16xf32>,
    %get3A_6 = arith.constant 48 : index
    %get3A_7 = tpu.vector_load %arg13[%get3A_6] {strides = array<i32>} : memref<128xf32, #tpu.memory_space<vmem>>, vector<16xf32>,
    %get3A_8 = arith.constant 64 : index
    %get3A_9 = tpu.vector_load %arg13[%get3A_8] {strides = array<i32>} : memref<128xf32, #tpu.memory_space<vmem>>, vector<16xf32>,
    %get3A_10 = arith.constant 80 : index
    %get3A_11 = tpu.vector_load %arg13[%get3A_10] {strides = array<i32>} : memref<128xf32, #tpu.memory_space<vmem>>, vector<16xf32>,
    %get3A_12 = arith.constant 96 : index
    %get3A_13 = tpu.vector_load %arg13[%get3A_12] {strides = array<i32>} : memref<128xf32, #tpu.memory_space<vmem>>, vector<16xf32>,
    %get3A_14 = arith.constant 112 : index
    %get3A_15 = tpu.vector_load %arg13[%get3A_14] {strides = array<i32>} : memref<128xf32, #tpu.memory_space<vmem>>, vector<16xf32>,
    %get3A_16 = arith.constant 0 : index
    %get3A_17 = tpu.vector_load %arg14[%get3A_16] {strides = array<i32>} : memref<16xf32, #tpu.memory_space<vmem>>, vector<16xf32>,
    %broadcast_in_dim3A = arith.constant 0.000000e+00 : f32
    %broadcast_in_dim3A_18 = vector.broadcast %broadcast_in_dim3A : f32 to vector<16xf32>
    %mul3A = arith.constant 160 : i32
    %mul3A_19 = arith.muli %arg1, %mul3A : i32
    %mul3A_20 = arith.constant 160 : i32
    %mul3A_21 = arith.muli %arg1, %mul3A_20 : i32
    %add3A = arith.constant 2560 : i32
    %add3A_22 = arith.addi %add3A, %mul3A_21 : i32
    %select_n3A = arith.select %eq3A_0, %mul3A_19, %add3A_22 : i32
    %add3A_23 = arith.constant 0 : i32
    %add3A_24 = arith.addi %select_n3A, %add3A_23 : i32
    "tpu.region"() ({
      %run_scoped3A = tpu.sem_alloc : memref<!tpu.dma_semaphore, #tpu.memory_space<semaphore_mem>>
      %dma_start3A_135 = arith.constant 0 : i32
      %dma_start3A_136 = arith.constant 0 : i32
      %dma_start3A_137 = tpu.memref_slice %arg9[%dma_start3A_135, %dma_start3A_136] : memref<80x128xi32, #tpu.memory_space<vmem>> -> memref<80x128xi32, #tpu.memory_space<vmem>>
      %dma_start3A_138 = arith.constant 0 : i32
      %dma_start3A_139 = tpu.memref_slice %arg4[%add3A_24, %dma_start3A_138] : memref<5120x128xi32, #tpu.memory_space<hbm>> -> memref<80x128xi32, #tpu.memory_space<hbm>>
      %dma_start3A_140 = arith.constant 0 : i32
      %dma_start3A_141 = arith.constant 0 : i32
      %dma_start3A_142 = tpu.memref_slice %arg9[%dma_start3A_140, %dma_start3A_141] : memref<80x128xi32, #tpu.memory_space<vmem>> -> memref<80x128xi32, #tpu.memory_space<vmem>>
      %dma_start3A_143 = arith.constant 0 : i32
      %dma_start3A_144 = tpu.memref_slice %arg4[%add3A_24, %dma_start3A_143] : memref<5120x128xi32, #tpu.memory_space<hbm>> -> memref<80x128xi32, #tpu.memory_space<hbm>>
      tpu.enqueue_dma source(%dma_start3A_144 : memref<80x128xi32, #tpu.memory_space<hbm>>) target(%dma_start3A_142 : memref<80x128xi32, #tpu.memory_space<vmem>>) target_semaphore(%run_scoped3A : memref<!tpu.dma_semaphore, #tpu.memory_space<semaphore_mem>>)
      %dma_wait3A = arith.constant 0 : i32
      %dma_wait3A_145 = arith.constant 0 : i32
      %dma_wait3A_146 = tpu.memref_slice %arg9[%dma_wait3A, %dma_wait3A_145] : memref<80x128xi32, #tpu.memory_space<vmem>> -> memref<80x128xi32, #tpu.memory_space<vmem>>
      %dma_wait3A_147 = arith.constant 0 : i32
      %dma_wait3A_148 = tpu.memref_slice %arg4[%add3A_24, %dma_wait3A_147] : memref<5120x128xi32, #tpu.memory_space<hbm>> -> memref<80x128xi32, #tpu.memory_space<hbm>>
      %dma_wait3A_149 = arith.constant 0 : i32
      %dma_wait3A_150 = arith.constant 0 : i32
      %dma_wait3A_151 = tpu.memref_slice %arg9[%dma_wait3A_149, %dma_wait3A_150] : memref<80x128xi32, #tpu.memory_space<vmem>> -> memref<80x128xi32, #tpu.memory_space<vmem>>
      %dma_wait3A_152 = arith.constant 0 : i32
      %dma_wait3A_153 = tpu.memref_slice %arg4[%add3A_24, %dma_wait3A_152] : memref<5120x128xi32, #tpu.memory_space<hbm>> -> memref<80x128xi32, #tpu.memory_space<hbm>>
      tpu.wait_dma2 semaphore(%run_scoped3A : memref<!tpu.dma_semaphore, #tpu.memory_space<semaphore_mem>>) src(%dma_wait3A_153 : memref<80x128xi32, #tpu.memory_space<hbm>>) dst(%dma_wait3A_151 : memref<80x128xi32, #tpu.memory_space<vmem>>)
      tpu.yield
    }) : () -> ()
    "tpu.region"() ({
      %run_scoped3A = tpu.sem_alloc : memref<!tpu.dma_semaphore, #tpu.memory_space<semaphore_mem>>
      %dma_start3A_135 = arith.constant 0 : i32
      %dma_start3A_136 = arith.constant 0 : i32
      %dma_start3A_137 = tpu.memref_slice %arg10[%dma_start3A_135, %dma_start3A_136] : memref<80x128xi32, #tpu.memory_space<vmem>> -> memref<80x128xi32, #tpu.memory_space<vmem>>
      %dma_start3A_138 = arith.constant 0 : i32
      %dma_start3A_139 = tpu.memref_slice %arg5[%add3A_24, %dma_start3A_138] : memref<5120x128xi32, #tpu.memory_space<hbm>> -> memref<80x128xi32, #tpu.memory_space<hbm>>
      %dma_start3A_140 = arith.constant 0 : i32
      %dma_start3A_141 = arith.constant 0 : i32
      %dma_start3A_142 = tpu.memref_slice %arg10[%dma_start3A_140, %dma_start3A_141] : memref<80x128xi32, #tpu.memory_space<vmem>> -> memref<80x128xi32, #tpu.memory_space<vmem>>
      %dma_start3A_143 = arith.constant 0 : i32
      %dma_start3A_144 = tpu.memref_slice %arg5[%add3A_24, %dma_start3A_143] : memref<5120x128xi32, #tpu.memory_space<hbm>> -> memref<80x128xi32, #tpu.memory_space<hbm>>
      tpu.enqueue_dma source(%dma_start3A_144 : memref<80x128xi32, #tpu.memory_space<hbm>>) target(%dma_start3A_142 : memref<80x128xi32, #tpu.memory_space<vmem>>) target_semaphore(%run_scoped3A : memref<!tpu.dma_semaphore, #tpu.memory_space<semaphore_mem>>)
      %dma_wait3A = arith.constant 0 : i32
      %dma_wait3A_145 = arith.constant 0 : i32
      %dma_wait3A_146 = tpu.memref_slice %arg10[%dma_wait3A, %dma_wait3A_145] : memref<80x128xi32, #tpu.memory_space<vmem>> -> memref<80x128xi32, #tpu.memory_space<vmem>>
      %dma_wait3A_147 = arith.constant 0 : i32
      %dma_wait3A_148 = tpu.memref_slice %arg5[%add3A_24, %dma_wait3A_147] : memref<5120x128xi32, #tpu.memory_space<hbm>> -> memref<80x128xi32, #tpu.memory_space<hbm>>
      %dma_wait3A_149 = arith.constant 0 : i32
      %dma_wait3A_150 = arith.constant 0 : i32
      %dma_wait3A_151 = tpu.memref_slice %arg10[%dma_wait3A_149, %dma_wait3A_150] : memref<80x128xi32, #tpu.memory_space<vmem>> -> memref<80x128xi32, #tpu.memory_space<vmem>>
      %dma_wait3A_152 = arith.constant 0 : i32
      %dma_wait3A_153 = tpu.memref_slice %arg5[%add3A_24, %dma_wait3A_152] : memref<5120x128xi32, #tpu.memory_space<hbm>> -> memref<80x128xi32, #tpu.memory_space<hbm>>
      tpu.wait_dma2 semaphore(%run_scoped3A : memref<!tpu.dma_semaphore, #tpu.memory_space<semaphore_mem>>) src(%dma_wait3A_153 : memref<80x128xi32, #tpu.memory_space<hbm>>) dst(%dma_wait3A_151 : memref<80x128xi32, #tpu.memory_space<vmem>>)
      tpu.yield
    }) : () -> ()
    %dma_start3A = arith.constant 0 : i32
    %dma_start3A_25 = arith.constant 0 : i32
    %dma_start3A_26 = arith.constant 0 : i32
    %dma_start3A_27 = arith.constant 0 : i32
    %dma_start3A_28 = tpu.memref_slice %arg11[%dma_start3A_25, %dma_start3A_26, %dma_start3A_27] : memref<2x128x128xf32, #tpu.memory_space<vmem>> -> memref<1x128x128xf32, #tpu.memory_space<vmem>>
    %dma_start3A_29 = tpu.memref_squeeze %dma_start3A_28 : memref<1x128x128xf32, #tpu.memory_space<vmem>> -> memref<128x128xf32, #tpu.memory_space<vmem>>
    %dma_start3A_30 = arith.constant 0 : i32
    %dma_start3A_31 = tpu.memref_slice %arg9[%dma_start3A, %dma_start3A_30] : memref<80x128xi32, #tpu.memory_space<vmem>> -> memref<1x128xi32, #tpu.memory_space<vmem>>
    %dma_start3A_32 = tpu.memref_squeeze %dma_start3A_31 : memref<1x128xi32, #tpu.memory_space<vmem>> -> memref<128xi32, #tpu.memory_space<vmem>>
    %dma_start3A_33 = arith.constant 0 : i32
    %dma_start3A_34 = arith.constant 0 : i32
    %dma_start3A_35 = tpu.memref_slice %arg2[%dma_start3A_33, %dma_start3A_34] : memref<10240x128xf32, #tpu.memory_space<hbm>> -> memref<10240x128xf32, #tpu.memory_space<hbm>>
    tpu.enqueue_indirect_dma source(%dma_start3A_35 : memref<10240x128xf32, #tpu.memory_space<hbm>>) target(%dma_start3A_29 : memref<128x128xf32, #tpu.memory_space<vmem>>) offsets(%dma_start3A_32 : memref<128xi32, #tpu.memory_space<vmem>>) semaphore(%arg17 : memref<!tpu.dma_semaphore, #tpu.memory_space<semaphore_mem>>)
    %dma_start3A_36 = arith.constant 0 : i32
    %dma_start3A_37 = arith.constant 0 : i32
    %dma_start3A_38 = arith.constant 0 : i32
    %dma_start3A_39 = arith.constant 0 : i32
    %dma_start3A_40 = tpu.memref_slice %arg12[%dma_start3A_37, %dma_start3A_38, %dma_start3A_39] : memref<2x128x128xf32, #tpu.memory_space<vmem>> -> memref<1x128x128xf32, #tpu.memory_space<vmem>>
    %dma_start3A_41 = tpu.memref_squeeze %dma_start3A_40 : memref<1x128x128xf32, #tpu.memory_space<vmem>> -> memref<128x128xf32, #tpu.memory_space<vmem>>
    %dma_start3A_42 = arith.constant 0 : i32
    %dma_start3A_43 = tpu.memref_slice %arg10[%dma_start3A_36, %dma_start3A_42] : memref<80x128xi32, #tpu.memory_space<vmem>> -> memref<1x128xi32, #tpu.memory_space<vmem>>
    %dma_start3A_44 = tpu.memref_squeeze %dma_start3A_43 : memref<1x128xi32, #tpu.memory_space<vmem>> -> memref<128xi32, #tpu.memory_space<vmem>>
    %dma_start3A_45 = arith.constant 0 : i32
    %dma_start3A_46 = arith.constant 0 : i32
    %dma_start3A_47 = tpu.memref_slice %arg3[%dma_start3A_45, %dma_start3A_46] : memref<10240x128xf32, #tpu.memory_space<hbm>> -> memref<10240x128xf32, #tpu.memory_space<hbm>>
    tpu.enqueue_indirect_dma source(%dma_start3A_47 : memref<10240x128xf32, #tpu.memory_space<hbm>>) target(%dma_start3A_41 : memref<128x128xf32, #tpu.memory_space<vmem>>) offsets(%dma_start3A_44 : memref<128xi32, #tpu.memory_space<vmem>>) semaphore(%arg17 : memref<!tpu.dma_semaphore, #tpu.memory_space<semaphore_mem>>)
    %dma_start3A_48 = arith.constant 1 : i32
    %dma_start3A_49 = arith.constant 1 : i32
    %dma_start3A_50 = arith.constant 0 : i32
    %dma_start3A_51 = arith.constant 0 : i32
    %dma_start3A_52 = tpu.memref_slice %arg11[%dma_start3A_49, %dma_start3A_50, %dma_start3A_51] : memref<2x128x128xf32, #tpu.memory_space<vmem>> -> memref<1x128x128xf32, #tpu.memory_space<vmem>>
    %dma_start3A_53 = tpu.memref_squeeze %dma_start3A_52 : memref<1x128x128xf32, #tpu.memory_space<vmem>> -> memref<128x128xf32, #tpu.memory_space<vmem>>
    %dma_start3A_54 = arith.constant 0 : i32
    %dma_start3A_55 = tpu.memref_slice %arg9[%dma_start3A_48, %dma_start3A_54] : memref<80x128xi32, #tpu.memory_space<vmem>> -> memref<1x128xi32, #tpu.memory_space<vmem>>
    %dma_start3A_56 = tpu.memref_squeeze %dma_start3A_55 : memref<1x128xi32, #tpu.memory_space<vmem>> -> memref<128xi32, #tpu.memory_space<vmem>>
    %dma_start3A_57 = arith.constant 0 : i32
    %dma_start3A_58 = arith.constant 0 : i32
    %dma_start3A_59 = tpu.memref_slice %arg2[%dma_start3A_57, %dma_start3A_58] : memref<10240x128xf32, #tpu.memory_space<hbm>> -> memref<10240x128xf32, #tpu.memory_space<hbm>>
    tpu.enqueue_indirect_dma source(%dma_start3A_59 : memref<10240x128xf32, #tpu.memory_space<hbm>>) target(%dma_start3A_53 : memref<128x128xf32, #tpu.memory_space<vmem>>) offsets(%dma_start3A_56 : memref<128xi32, #tpu.memory_space<vmem>>) semaphore(%arg18 : memref<!tpu.dma_semaphore, #tpu.memory_space<semaphore_mem>>)
    %dma_start3A_60 = arith.constant 1 : i32
    %dma_start3A_61 = arith.constant 1 : i32
    %dma_start3A_62 = arith.constant 0 : i32
    %dma_start3A_63 = arith.constant 0 : i32
    %dma_start3A_64 = tpu.memref_slice %arg12[%dma_start3A_61, %dma_start3A_62, %dma_start3A_63] : memref<2x128x128xf32, #tpu.memory_space<vmem>> -> memref<1x128x128xf32, #tpu.memory_space<vmem>>
    %dma_start3A_65 = tpu.memref_squeeze %dma_start3A_64 : memref<1x128x128xf32, #tpu.memory_space<vmem>> -> memref<128x128xf32, #tpu.memory_space<vmem>>
    %dma_start3A_66 = arith.constant 0 : i32
    %dma_start3A_67 = tpu.memref_slice %arg10[%dma_start3A_60, %dma_start3A_66] : memref<80x128xi32, #tpu.memory_space<vmem>> -> memref<1x128xi32, #tpu.memory_space<vmem>>
    %dma_start3A_68 = tpu.memref_squeeze %dma_start3A_67 : memref<1x128xi32, #tpu.memory_space<vmem>> -> memref<128xi32, #tpu.memory_space<vmem>>
    %dma_start3A_69 = arith.constant 0 : i32
    %dma_start3A_70 = arith.constant 0 : i32
    %dma_start3A_71 = tpu.memref_slice %arg3[%dma_start3A_69, %dma_start3A_70] : memref<10240x128xf32, #tpu.memory_space<hbm>> -> memref<10240x128xf32, #tpu.memory_space<hbm>>
    tpu.enqueue_indirect_dma source(%dma_start3A_71 : memref<10240x128xf32, #tpu.memory_space<hbm>>) target(%dma_start3A_65 : memref<128x128xf32, #tpu.memory_space<vmem>>) offsets(%dma_start3A_68 : memref<128xi32, #tpu.memory_space<vmem>>) semaphore(%arg18 : memref<!tpu.dma_semaphore, #tpu.memory_space<semaphore_mem>>)
    %scan3A = arith.constant 0 : i32
    %scan3A_72 = arith.constant 0 : i32
    %scan3A_73 = arith.constant 40 : i32
    %scan3A_74 = arith.addi %scan3A_72, %scan3A_73 : i32
    %scan3A_75 = arith.constant 1 : i32
    %scan3A_76 = scf.for %scan3A_135 = %scan3A_72 to %scan3A_74 step %scan3A_75 iter_args(%scan3A_136 = %scan3A) -> (i32)  : i32 {
      %mul3A_137 = arith.constant 2 : i32
      %mul3A_138 = arith.muli %scan3A_135, %mul3A_137 : i32
      %add3A_139 = arith.constant 0 : i32
      %add3A_140 = arith.addi %mul3A_138, %add3A_139 : i32
      %dma_wait3A = arith.constant 0 : i32
      %dma_wait3A_141 = arith.constant 0 : i32
      %dma_wait3A_142 = arith.constant 0 : i32
      %dma_wait3A_143 = tpu.memref_slice %arg11[%dma_wait3A, %dma_wait3A_141, %dma_wait3A_142] : memref<2x128x128xf32, #tpu.memory_space<vmem>> -> memref<1x128x128xf32, #tpu.memory_space<vmem>>
      %dma_wait3A_144 = tpu.memref_squeeze %dma_wait3A_143 : memref<1x128x128xf32, #tpu.memory_space<vmem>> -> memref<128x128xf32, #tpu.memory_space<vmem>>
      %dma_wait3A_145 = arith.constant 0 : i32
      %dma_wait3A_146 = tpu.memref_slice %arg9[%add3A_140, %dma_wait3A_145] : memref<80x128xi32, #tpu.memory_space<vmem>> -> memref<1x128xi32, #tpu.memory_space<vmem>>
      %dma_wait3A_147 = tpu.memref_squeeze %dma_wait3A_146 : memref<1x128xi32, #tpu.memory_space<vmem>> -> memref<128xi32, #tpu.memory_space<vmem>>
      %dma_wait3A_148 = arith.constant 0 : i32
      %dma_wait3A_149 = arith.constant 0 : i32
      %dma_wait3A_150 = tpu.memref_slice %arg2[%dma_wait3A_148, %dma_wait3A_149] : memref<10240x128xf32, #tpu.memory_space<hbm>> -> memref<10240x128xf32, #tpu.memory_space<hbm>>
      tpu.wait_indirect_dma semaphore(%arg17 : memref<!tpu.dma_semaphore, #tpu.memory_space<semaphore_mem>>) src(%dma_wait3A_150 : memref<10240x128xf32, #tpu.memory_space<hbm>>) dst(%dma_wait3A_144 : memref<128x128xf32, #tpu.memory_space<vmem>>)
      %dma_wait3A_151 = arith.constant 0 : i32
      %dma_wait3A_152 = arith.constant 0 : i32
      %dma_wait3A_153 = arith.constant 0 : i32
      %dma_wait3A_154 = tpu.memref_slice %arg12[%dma_wait3A_151, %dma_wait3A_152, %dma_wait3A_153] : memref<2x128x128xf32, #tpu.memory_space<vmem>> -> memref<1x128x128xf32, #tpu.memory_space<vmem>>
      %dma_wait3A_155 = tpu.memref_squeeze %dma_wait3A_154 : memref<1x128x128xf32, #tpu.memory_space<vmem>> -> memref<128x128xf32, #tpu.memory_space<vmem>>
      %dma_wait3A_156 = arith.constant 0 : i32
      %dma_wait3A_157 = tpu.memref_slice %arg10[%add3A_140, %dma_wait3A_156] : memref<80x128xi32, #tpu.memory_space<vmem>> -> memref<1x128xi32, #tpu.memory_space<vmem>>
      %dma_wait3A_158 = tpu.memref_squeeze %dma_wait3A_157 : memref<1x128xi32, #tpu.memory_space<vmem>> -> memref<128xi32, #tpu.memory_space<vmem>>
      %dma_wait3A_159 = arith.constant 0 : i32
      %dma_wait3A_160 = arith.constant 0 : i32
      %dma_wait3A_161 = tpu.memref_slice %arg3[%dma_wait3A_159, %dma_wait3A_160] : memref<10240x128xf32, #tpu.memory_space<hbm>> -> memref<10240x128xf32, #tpu.memory_space<hbm>>
      tpu.wait_indirect_dma semaphore(%arg17 : memref<!tpu.dma_semaphore, #tpu.memory_space<semaphore_mem>>) src(%dma_wait3A_161 : memref<10240x128xf32, #tpu.memory_space<hbm>>) dst(%dma_wait3A_155 : memref<128x128xf32, #tpu.memory_space<vmem>>)
      %scan3A_162 = arith.constant 0 : i32
      %scan3A_163 = arith.constant 0 : i32
      %scan3A_164 = arith.constant 128 : i32
      %scan3A_165 = arith.addi %scan3A_163, %scan3A_164 : i32
      %scan3A_166 = arith.constant 1 : i32
      %scan3A_167 = scf.for %scan3A_234 = %scan3A_163 to %scan3A_165 step %scan3A_166 iter_args(%scan3A_235 = %scan3A_162) -> (i32)  : i32 {
        %get3A_236 = arith.constant 0 : i32
        %get3A_237 = arith.index_cast %get3A_236 : i32 to index
        %get3A_238 = arith.index_cast %scan3A_234 : i32 to index
        %get3A_239 = arith.constant 0 : index
        %get3A_240 = tpu.vector_load %arg11[%get3A_237, %get3A_238, %get3A_239] {strides = array<i32>} : memref<2x128x128xf32, #tpu.memory_space<vmem>>, vector<16xf32>,
        %get3A_241 = arith.constant 0 : i32
        %get3A_242 = arith.index_cast %get3A_241 : i32 to index
        %get3A_243 = arith.index_cast %scan3A_234 : i32 to index
        %get3A_244 = arith.constant 0 : index
        %get3A_245 = tpu.vector_load %arg12[%get3A_242, %get3A_243, %get3A_244] {strides = array<i32>} : memref<2x128x128xf32, #tpu.memory_space<vmem>>, vector<16xf32>,
        %add3A_246 = arith.addf %get3A_240, %get3A_245 : vector<16xf32>
        %max3A = arith.constant 0.000000e+00 : f32
        %max3A_247 = vector.broadcast %max3A : f32 to vector<16xf32>
        %max3A_248 = arith.maximumf %add3A_246, %max3A_247 : vector<16xf32>
        %mul3A_249 = arith.mulf %max3A_248, %get3A_1 : vector<16xf32>
        %add3A_250 = arith.addf %broadcast_in_dim3A_18, %mul3A_249 : vector<16xf32>
        %get3A_251 = arith.constant 0 : i32
        %get3A_252 = arith.index_cast %get3A_251 : i32 to index
        %get3A_253 = arith.index_cast %scan3A_234 : i32 to index
        %get3A_254 = arith.constant 16 : index
        %get3A_255 = tpu.vector_load %arg11[%get3A_252, %get3A_253, %get3A_254] {strides = array<i32>} : memref<2x128x128xf32, #tpu.memory_space<vmem>>, vector<16xf32>,
        %get3A_256 = arith.constant 0 : i32
        %get3A_257 = arith.index_cast %get3A_256 : i32 to index
        %get3A_258 = arith.index_cast %scan3A_234 : i32 to index
        %get3A_259 = arith.constant 16 : index
        %get3A_260 = tpu.vector_load %arg12[%get3A_257, %get3A_258, %get3A_259] {strides = array<i32>} : memref<2x128x128xf32, #tpu.memory_space<vmem>>, vector<16xf32>,
        %add3A_261 = arith.addf %get3A_255, %get3A_260 : vector<16xf32>
        %max3A_262 = arith.constant 0.000000e+00 : f32
        %max3A_263 = vector.broadcast %max3A_262 : f32 to vector<16xf32>
        %max3A_264 = arith.maximumf %add3A_261, %max3A_263 : vector<16xf32>
        %mul3A_265 = arith.mulf %max3A_264, %get3A_3 : vector<16xf32>
        %add3A_266 = arith.addf %add3A_250, %mul3A_265 : vector<16xf32>
        %get3A_267 = arith.constant 0 : i32
        %get3A_268 = arith.index_cast %get3A_267 : i32 to index
        %get3A_269 = arith.index_cast %scan3A_234 : i32 to index
        %get3A_270 = arith.constant 32 : index
        %get3A_271 = tpu.vector_load %arg11[%get3A_268, %get3A_269, %get3A_270] {strides = array<i32>} : memref<2x128x128xf32, #tpu.memory_space<vmem>>, vector<16xf32>,
        %get3A_272 = arith.constant 0 : i32
        %get3A_273 = arith.index_cast %get3A_272 : i32 to index
        %get3A_274 = arith.index_cast %scan3A_234 : i32 to index
        %get3A_275 = arith.constant 32 : index
        %get3A_276 = tpu.vector_load %arg12[%get3A_273, %get3A_274, %get3A_275] {strides = array<i32>} : memref<2x128x128xf32, #tpu.memory_space<vmem>>, vector<16xf32>,
        %add3A_277 = arith.addf %get3A_271, %get3A_276 : vector<16xf32>
        %max3A_278 = arith.constant 0.000000e+00 : f32
        %max3A_279 = vector.broadcast %max3A_278 : f32 to vector<16xf32>
        %max3A_280 = arith.maximumf %add3A_277, %max3A_279 : vector<16xf32>
        %mul3A_281 = arith.mulf %max3A_280, %get3A_5 : vector<16xf32>
        %add3A_282 = arith.addf %add3A_266, %mul3A_281 : vector<16xf32>
        %get3A_283 = arith.constant 0 : i32
        %get3A_284 = arith.index_cast %get3A_283 : i32 to index
        %get3A_285 = arith.index_cast %scan3A_234 : i32 to index
        %get3A_286 = arith.constant 48 : index
        %get3A_287 = tpu.vector_load %arg11[%get3A_284, %get3A_285, %get3A_286] {strides = array<i32>} : memref<2x128x128xf32, #tpu.memory_space<vmem>>, vector<16xf32>,
        %get3A_288 = arith.constant 0 : i32
        %get3A_289 = arith.index_cast %get3A_288 : i32 to index
        %get3A_290 = arith.index_cast %scan3A_234 : i32 to index
        %get3A_291 = arith.constant 48 : index
        %get3A_292 = tpu.vector_load %arg12[%get3A_289, %get3A_290, %get3A_291] {strides = array<i32>} : memref<2x128x128xf32, #tpu.memory_space<vmem>>, vector<16xf32>,
        %add3A_293 = arith.addf %get3A_287, %get3A_292 : vector<16xf32>
        %max3A_294 = arith.constant 0.000000e+00 : f32
        %max3A_295 = vector.broadcast %max3A_294 : f32 to vector<16xf32>
        %max3A_296 = arith.maximumf %add3A_293, %max3A_295 : vector<16xf32>
        %mul3A_297 = arith.mulf %max3A_296, %get3A_7 : vector<16xf32>
        %add3A_298 = arith.addf %add3A_282, %mul3A_297 : vector<16xf32>
        %get3A_299 = arith.constant 0 : i32
        %get3A_300 = arith.index_cast %get3A_299 : i32 to index
        %get3A_301 = arith.index_cast %scan3A_234 : i32 to index
        %get3A_302 = arith.constant 64 : index
        %get3A_303 = tpu.vector_load %arg11[%get3A_300, %get3A_301, %get3A_302] {strides = array<i32>} : memref<2x128x128xf32, #tpu.memory_space<vmem>>, vector<16xf32>,
        %get3A_304 = arith.constant 0 : i32
        %get3A_305 = arith.index_cast %get3A_304 : i32 to index
        %get3A_306 = arith.index_cast %scan3A_234 : i32 to index
        %get3A_307 = arith.constant 64 : index
        %get3A_308 = tpu.vector_load %arg12[%get3A_305, %get3A_306, %get3A_307] {strides = array<i32>} : memref<2x128x128xf32, #tpu.memory_space<vmem>>, vector<16xf32>,
        %add3A_309 = arith.addf %get3A_303, %get3A_308 : vector<16xf32>
        %max3A_310 = arith.constant 0.000000e+00 : f32
        %max3A_311 = vector.broadcast %max3A_310 : f32 to vector<16xf32>
        %max3A_312 = arith.maximumf %add3A_309, %max3A_311 : vector<16xf32>
        %mul3A_313 = arith.mulf %max3A_312, %get3A_9 : vector<16xf32>
        %add3A_314 = arith.addf %add3A_298, %mul3A_313 : vector<16xf32>
        %get3A_315 = arith.constant 0 : i32
        %get3A_316 = arith.index_cast %get3A_315 : i32 to index
        %get3A_317 = arith.index_cast %scan3A_234 : i32 to index
        %get3A_318 = arith.constant 80 : index
        %get3A_319 = tpu.vector_load %arg11[%get3A_316, %get3A_317, %get3A_318] {strides = array<i32>} : memref<2x128x128xf32, #tpu.memory_space<vmem>>, vector<16xf32>,
        %get3A_320 = arith.constant 0 : i32
        %get3A_321 = arith.index_cast %get3A_320 : i32 to index
        %get3A_322 = arith.index_cast %scan3A_234 : i32 to index
        %get3A_323 = arith.constant 80 : index
        %get3A_324 = tpu.vector_load %arg12[%get3A_321, %get3A_322, %get3A_323] {strides = array<i32>} : memref<2x128x128xf32, #tpu.memory_space<vmem>>, vector<16xf32>,
        %add3A_325 = arith.addf %get3A_319, %get3A_324 : vector<16xf32>
        %max3A_326 = arith.constant 0.000000e+00 : f32
        %max3A_327 = vector.broadcast %max3A_326 : f32 to vector<16xf32>
        %max3A_328 = arith.maximumf %add3A_325, %max3A_327 : vector<16xf32>
        %mul3A_329 = arith.mulf %max3A_328, %get3A_11 : vector<16xf32>
        %add3A_330 = arith.addf %add3A_314, %mul3A_329 : vector<16xf32>
        %get3A_331 = arith.constant 0 : i32
        %get3A_332 = arith.index_cast %get3A_331 : i32 to index
        %get3A_333 = arith.index_cast %scan3A_234 : i32 to index
        %get3A_334 = arith.constant 96 : index
        %get3A_335 = tpu.vector_load %arg11[%get3A_332, %get3A_333, %get3A_334] {strides = array<i32>} : memref<2x128x128xf32, #tpu.memory_space<vmem>>, vector<16xf32>,
        %get3A_336 = arith.constant 0 : i32
        %get3A_337 = arith.index_cast %get3A_336 : i32 to index
        %get3A_338 = arith.index_cast %scan3A_234 : i32 to index
        %get3A_339 = arith.constant 96 : index
        %get3A_340 = tpu.vector_load %arg12[%get3A_337, %get3A_338, %get3A_339] {strides = array<i32>} : memref<2x128x128xf32, #tpu.memory_space<vmem>>, vector<16xf32>,
        %add3A_341 = arith.addf %get3A_335, %get3A_340 : vector<16xf32>
        %max3A_342 = arith.constant 0.000000e+00 : f32
        %max3A_343 = vector.broadcast %max3A_342 : f32 to vector<16xf32>
        %max3A_344 = arith.maximumf %add3A_341, %max3A_343 : vector<16xf32>
        %mul3A_345 = arith.mulf %max3A_344, %get3A_13 : vector<16xf32>
        %add3A_346 = arith.addf %add3A_330, %mul3A_345 : vector<16xf32>
        %get3A_347 = arith.constant 0 : i32
        %get3A_348 = arith.index_cast %get3A_347 : i32 to index
        %get3A_349 = arith.index_cast %scan3A_234 : i32 to index
        %get3A_350 = arith.constant 112 : index
        %get3A_351 = tpu.vector_load %arg11[%get3A_348, %get3A_349, %get3A_350] {strides = array<i32>} : memref<2x128x128xf32, #tpu.memory_space<vmem>>, vector<16xf32>,
        %get3A_352 = arith.constant 0 : i32
        %get3A_353 = arith.index_cast %get3A_352 : i32 to index
        %get3A_354 = arith.index_cast %scan3A_234 : i32 to index
        %get3A_355 = arith.constant 112 : index
        %get3A_356 = tpu.vector_load %arg12[%get3A_353, %get3A_354, %get3A_355] {strides = array<i32>} : memref<2x128x128xf32, #tpu.memory_space<vmem>>, vector<16xf32>,
        %add3A_357 = arith.addf %get3A_351, %get3A_356 : vector<16xf32>
        %max3A_358 = arith.constant 0.000000e+00 : f32
        %max3A_359 = vector.broadcast %max3A_358 : f32 to vector<16xf32>
        %max3A_360 = arith.maximumf %add3A_357, %max3A_359 : vector<16xf32>
        %mul3A_361 = arith.mulf %max3A_360, %get3A_15 : vector<16xf32>
        %add3A_362 = arith.addf %add3A_346, %mul3A_361 : vector<16xf32>
        %swap3A = arith.index_cast %scan3A_234 : i32 to index
        %swap3A_363 = arith.constant 0 : index
        %swap3A_364 = tpu.vector_load %arg16[%swap3A, %swap3A_363] {strides = array<i32>} : memref<128x17xf32, #tpu.memory_space<vmem>>, vector<16xf32>,
        tpu.vector_store %arg16[%swap3A, %swap3A_363], %add3A_362 {strides = array<i32>} : memref<128x17xf32, #tpu.memory_space<vmem>>, vector<16xf32>,
        %scan3A_365 = arith.constant 0 : i32
        scf.yield %scan3A_365 : i32
      }
      %scan3A_168 = arith.constant 128 : i32
      %scan3A_169 = arith.constant 0 : i32
      %scan3A_170 = arith.constant 0 : i32
      %scan3A_171 = arith.constant 8 : i32
      %scan3A_172 = arith.addi %scan3A_170, %scan3A_171 : i32
      %scan3A_173 = arith.constant 1 : i32
      %scan3A_174 = scf.for %scan3A_234 = %scan3A_170 to %scan3A_172 step %scan3A_173 iter_args(%scan3A_235 = %scan3A_169) -> (i32)  : i32 {
        %mul3A_236 = arith.constant 16 : i32
        %mul3A_237 = arith.muli %scan3A_234, %mul3A_236 : i32
        %iota3A = tpu.iota {dimensions = array<i32: 0>} : vector<16xi32>
        %add3A_238 = vector.broadcast %mul3A_237 : i32 to vector<16xi32>
        %add3A_239 = arith.addi %add3A_238, %iota3A : vector<16xi32>
        %broadcast_in_dim3A_240 = arith.constant 0 : i32
        %broadcast_in_dim3A_241 = vector.broadcast %broadcast_in_dim3A_240 : i32 to vector<16xi32>
        %gather3A = tpu.vector_load_idx %arg16[%add3A_239, %broadcast_in_dim3A_241] : memref<128x17xf32, #tpu.memory_space<vmem>>[vector<16xi32>, vector<16xi32>], vector<16xf32>,
        %add3A_242 = arith.addf %broadcast_in_dim3A_18, %gather3A : vector<16xf32>
        %broadcast_in_dim3A_243 = arith.constant 1 : i32
        %broadcast_in_dim3A_244 = vector.broadcast %broadcast_in_dim3A_243 : i32 to vector<16xi32>
        %gather3A_245 = tpu.vector_load_idx %arg16[%add3A_239, %broadcast_in_dim3A_244] : memref<128x17xf32, #tpu.memory_space<vmem>>[vector<16xi32>, vector<16xi32>], vector<16xf32>,
        %add3A_246 = arith.addf %add3A_242, %gather3A_245 : vector<16xf32>
        %broadcast_in_dim3A_247 = arith.constant 2 : i32
        %broadcast_in_dim3A_248 = vector.broadcast %broadcast_in_dim3A_247 : i32 to vector<16xi32>
        %gather3A_249 = tpu.vector_load_idx %arg16[%add3A_239, %broadcast_in_dim3A_248] : memref<128x17xf32, #tpu.memory_space<vmem>>[vector<16xi32>, vector<16xi32>], vector<16xf32>,
        %add3A_250 = arith.addf %add3A_246, %gather3A_249 : vector<16xf32>
        %broadcast_in_dim3A_251 = arith.constant 3 : i32
        %broadcast_in_dim3A_252 = vector.broadcast %broadcast_in_dim3A_251 : i32 to vector<16xi32>
        %gather3A_253 = tpu.vector_load_idx %arg16[%add3A_239, %broadcast_in_dim3A_252] : memref<128x17xf32, #tpu.memory_space<vmem>>[vector<16xi32>, vector<16xi32>], vector<16xf32>,
        %add3A_254 = arith.addf %add3A_250, %gather3A_253 : vector<16xf32>
        %broadcast_in_dim3A_255 = arith.constant 4 : i32
        %broadcast_in_dim3A_256 = vector.broadcast %broadcast_in_dim3A_255 : i32 to vector<16xi32>
        %gather3A_257 = tpu.vector_load_idx %arg16[%add3A_239, %broadcast_in_dim3A_256] : memref<128x17xf32, #tpu.memory_space<vmem>>[vector<16xi32>, vector<16xi32>], vector<16xf32>,
        %add3A_258 = arith.addf %add3A_254, %gather3A_257 : vector<16xf32>
        %broadcast_in_dim3A_259 = arith.constant 5 : i32
        %broadcast_in_dim3A_260 = vector.broadcast %broadcast_in_dim3A_259 : i32 to vector<16xi32>
        %gather3A_261 = tpu.vector_load_idx %arg16[%add3A_239, %broadcast_in_dim3A_260] : memref<128x17xf32, #tpu.memory_space<vmem>>[vector<16xi32>, vector<16xi32>], vector<16xf32>,
        %add3A_262 = arith.addf %add3A_258, %gather3A_261 : vector<16xf32>
        %broadcast_in_dim3A_263 = arith.constant 6 : i32
        %broadcast_in_dim3A_264 = vector.broadcast %broadcast_in_dim3A_263 : i32 to vector<16xi32>
        %gather3A_265 = tpu.vector_load_idx %arg16[%add3A_239, %broadcast_in_dim3A_264] : memref<128x17xf32, #tpu.memory_space<vmem>>[vector<16xi32>, vector<16xi32>], vector<16xf32>,
        %add3A_266 = arith.addf %add3A_262, %gather3A_265 : vector<16xf32>
        %broadcast_in_dim3A_267 = arith.constant 7 : i32
        %broadcast_in_dim3A_268 = vector.broadcast %broadcast_in_dim3A_267 : i32 to vector<16xi32>
        %gather3A_269 = tpu.vector_load_idx %arg16[%add3A_239, %broadcast_in_dim3A_268] : memref<128x17xf32, #tpu.memory_space<vmem>>[vector<16xi32>, vector<16xi32>], vector<16xf32>,
        %add3A_270 = arith.addf %add3A_266, %gather3A_269 : vector<16xf32>
        %broadcast_in_dim3A_271 = arith.constant 8 : i32
        %broadcast_in_dim3A_272 = vector.broadcast %broadcast_in_dim3A_271 : i32 to vector<16xi32>
        %gather3A_273 = tpu.vector_load_idx %arg16[%add3A_239, %broadcast_in_dim3A_272] : memref<128x17xf32, #tpu.memory_space<vmem>>[vector<16xi32>, vector<16xi32>], vector<16xf32>,
        %add3A_274 = arith.addf %add3A_270, %gather3A_273 : vector<16xf32>
        %broadcast_in_dim3A_275 = arith.constant 9 : i32
        %broadcast_in_dim3A_276 = vector.broadcast %broadcast_in_dim3A_275 : i32 to vector<16xi32>
        %gather3A_277 = tpu.vector_load_idx %arg16[%add3A_239, %broadcast_in_dim3A_276] : memref<128x17xf32, #tpu.memory_space<vmem>>[vector<16xi32>, vector<16xi32>], vector<16xf32>,
        %add3A_278 = arith.addf %add3A_274, %gather3A_277 : vector<16xf32>
        %broadcast_in_dim3A_279 = arith.constant 10 : i32
        %broadcast_in_dim3A_280 = vector.broadcast %broadcast_in_dim3A_279 : i32 to vector<16xi32>
        %gather3A_281 = tpu.vector_load_idx %arg16[%add3A_239, %broadcast_in_dim3A_280] : memref<128x17xf32, #tpu.memory_space<vmem>>[vector<16xi32>, vector<16xi32>], vector<16xf32>,
        %add3A_282 = arith.addf %add3A_278, %gather3A_281 : vector<16xf32>
        %broadcast_in_dim3A_283 = arith.constant 11 : i32
        %broadcast_in_dim3A_284 = vector.broadcast %broadcast_in_dim3A_283 : i32 to vector<16xi32>
        %gather3A_285 = tpu.vector_load_idx %arg16[%add3A_239, %broadcast_in_dim3A_284] : memref<128x17xf32, #tpu.memory_space<vmem>>[vector<16xi32>, vector<16xi32>], vector<16xf32>,
        %add3A_286 = arith.addf %add3A_282, %gather3A_285 : vector<16xf32>
        %broadcast_in_dim3A_287 = arith.constant 12 : i32
        %broadcast_in_dim3A_288 = vector.broadcast %broadcast_in_dim3A_287 : i32 to vector<16xi32>
        %gather3A_289 = tpu.vector_load_idx %arg16[%add3A_239, %broadcast_in_dim3A_288] : memref<128x17xf32, #tpu.memory_space<vmem>>[vector<16xi32>, vector<16xi32>], vector<16xf32>,
        %add3A_290 = arith.addf %add3A_286, %gather3A_289 : vector<16xf32>
        %broadcast_in_dim3A_291 = arith.constant 13 : i32
        %broadcast_in_dim3A_292 = vector.broadcast %broadcast_in_dim3A_291 : i32 to vector<16xi32>
        %gather3A_293 = tpu.vector_load_idx %arg16[%add3A_239, %broadcast_in_dim3A_292] : memref<128x17xf32, #tpu.memory_space<vmem>>[vector<16xi32>, vector<16xi32>], vector<16xf32>,
        %add3A_294 = arith.addf %add3A_290, %gather3A_293 : vector<16xf32>
        %broadcast_in_dim3A_295 = arith.constant 14 : i32
        %broadcast_in_dim3A_296 = vector.broadcast %broadcast_in_dim3A_295 : i32 to vector<16xi32>
        %gather3A_297 = tpu.vector_load_idx %arg16[%add3A_239, %broadcast_in_dim3A_296] : memref<128x17xf32, #tpu.memory_space<vmem>>[vector<16xi32>, vector<16xi32>], vector<16xf32>,
        %add3A_298 = arith.addf %add3A_294, %gather3A_297 : vector<16xf32>
        %broadcast_in_dim3A_299 = arith.constant 15 : i32
        %broadcast_in_dim3A_300 = vector.broadcast %broadcast_in_dim3A_299 : i32 to vector<16xi32>
        %gather3A_301 = tpu.vector_load_idx %arg16[%add3A_239, %broadcast_in_dim3A_300] : memref<128x17xf32, #tpu.memory_space<vmem>>[vector<16xi32>, vector<16xi32>], vector<16xf32>,
        %add3A_302 = arith.addf %add3A_298, %gather3A_301 : vector<16xf32>
        %add3A_303 = arith.addf %add3A_302, %get3A_17 : vector<16xf32>
        %neg3A = arith.constant 0.000000e+00 : f32
        %neg3A_304 = vector.broadcast %neg3A : f32 to vector<16xf32>
        %neg3A_305 = arith.subf %neg3A_304, %add3A_303 : vector<16xf32>
        %exp3A = math.exp %neg3A_305 : vector<16xf32>
        %add3A_306 = arith.constant 1.000000e+00 : f32
        %add3A_307 = vector.broadcast %add3A_306 : f32 to vector<16xf32>
        %add3A_308 = arith.addf %add3A_307, %exp3A : vector<16xf32>
        %div3A = arith.constant 1.000000e+00 : f32
        %div3A_309 = vector.broadcast %div3A : f32 to vector<16xf32>
        %div3A_310 = arith.divf %div3A_309, %add3A_308 : vector<16xf32>
        %mul3A_311 = arith.constant 16 : i32
        %mul3A_312 = arith.muli %scan3A_234, %mul3A_311 : i32
        %swap3A = arith.index_cast %mul3A_312 : i32 to index
        %swap3A_313 = tpu.vector_load %arg15[%swap3A] {strides = array<i32>} : memref<128xf32, #tpu.memory_space<vmem>>, vector<16xf32>,
        tpu.vector_store %arg15[%swap3A], %div3A_310 {strides = array<i32>} : memref<128xf32, #tpu.memory_space<vmem>>, vector<16xf32>,
        %scan3A_314 = arith.constant 0 : i32
        scf.yield %scan3A_314 : i32
      }
      %scan3A_175 = arith.constant 8 : i32
      %add3A_176 = arith.constant 2 : i32
      %add3A_177 = arith.addi %add3A_140, %add3A_176 : i32
      %lt3A = arith.constant 80 : i32
      %lt3A_178 = arith.cmpi slt, %add3A_177, %lt3A : i32
      %convert_element_type3A = arith.extui %lt3A_178 : i1 to i32
      %cond3A = arith.constant 0 : i32
      %cond3A_179 = arith.cmpi ne, %convert_element_type3A, %cond3A : i32
      scf.if %cond3A_179 {
        %add3A_234 = arith.constant 2 : i32
        %add3A_235 = arith.addi %add3A_140, %add3A_234 : i32
        %dma_start3A_236 = arith.constant 0 : i32
        %dma_start3A_237 = arith.constant 0 : i32
        %dma_start3A_238 = arith.constant 0 : i32
        %dma_start3A_239 = tpu.memref_slice %arg11[%dma_start3A_236, %dma_start3A_237, %dma_start3A_238] : memref<2x128x128xf32, #tpu.memory_space<vmem>> -> memref<1x128x128xf32, #tpu.memory_space<vmem>>
        %dma_start3A_240 = tpu.memref_squeeze %dma_start3A_239 : memref<1x128x128xf32, #tpu.memory_space<vmem>> -> memref<128x128xf32, #tpu.memory_space<vmem>>
        %dma_start3A_241 = arith.constant 0 : i32
        %dma_start3A_242 = tpu.memref_slice %arg9[%add3A_235, %dma_start3A_241] : memref<80x128xi32, #tpu.memory_space<vmem>> -> memref<1x128xi32, #tpu.memory_space<vmem>>
        %dma_start3A_243 = tpu.memref_squeeze %dma_start3A_242 : memref<1x128xi32, #tpu.memory_space<vmem>> -> memref<128xi32, #tpu.memory_space<vmem>>
        %dma_start3A_244 = arith.constant 0 : i32
        %dma_start3A_245 = arith.constant 0 : i32
        %dma_start3A_246 = tpu.memref_slice %arg2[%dma_start3A_244, %dma_start3A_245] : memref<10240x128xf32, #tpu.memory_space<hbm>> -> memref<10240x128xf32, #tpu.memory_space<hbm>>
        tpu.enqueue_indirect_dma source(%dma_start3A_246 : memref<10240x128xf32, #tpu.memory_space<hbm>>) target(%dma_start3A_240 : memref<128x128xf32, #tpu.memory_space<vmem>>) offsets(%dma_start3A_243 : memref<128xi32, #tpu.memory_space<vmem>>) semaphore(%arg17 : memref<!tpu.dma_semaphore, #tpu.memory_space<semaphore_mem>>)
        %dma_start3A_247 = arith.constant 0 : i32
        %dma_start3A_248 = arith.constant 0 : i32
        %dma_start3A_249 = arith.constant 0 : i32
        %dma_start3A_250 = tpu.memref_slice %arg12[%dma_start3A_247, %dma_start3A_248, %dma_start3A_249] : memref<2x128x128xf32, #tpu.memory_space<vmem>> -> memref<1x128x128xf32, #tpu.memory_space<vmem>>
        %dma_start3A_251 = tpu.memref_squeeze %dma_start3A_250 : memref<1x128x128xf32, #tpu.memory_space<vmem>> -> memref<128x128xf32, #tpu.memory_space<vmem>>
        %dma_start3A_252 = arith.constant 0 : i32
        %dma_start3A_253 = tpu.memref_slice %arg10[%add3A_235, %dma_start3A_252] : memref<80x128xi32, #tpu.memory_space<vmem>> -> memref<1x128xi32, #tpu.memory_space<vmem>>
        %dma_start3A_254 = tpu.memref_squeeze %dma_start3A_253 : memref<1x128xi32, #tpu.memory_space<vmem>> -> memref<128xi32, #tpu.memory_space<vmem>>
        %dma_start3A_255 = arith.constant 0 : i32
        %dma_start3A_256 = arith.constant 0 : i32
        %dma_start3A_257 = tpu.memref_slice %arg3[%dma_start3A_255, %dma_start3A_256] : memref<10240x128xf32, #tpu.memory_space<hbm>> -> memref<10240x128xf32, #tpu.memory_space<hbm>>
        tpu.enqueue_indirect_dma source(%dma_start3A_257 : memref<10240x128xf32, #tpu.memory_space<hbm>>) target(%dma_start3A_251 : memref<128x128xf32, #tpu.memory_space<vmem>>) offsets(%dma_start3A_254 : memref<128xi32, #tpu.memory_space<vmem>>) semaphore(%arg17 : memref<!tpu.dma_semaphore, #tpu.memory_space<semaphore_mem>>)
      } else {
      }
      %add3A_180 = arith.addi %add3A_24, %add3A_140 : i32
      %mul3A_181 = arith.constant 128 : i32
      %mul3A_182 = arith.muli %add3A_180, %mul3A_181 : i32
      "tpu.region"() ({
        %run_scoped3A = tpu.sem_alloc : memref<!tpu.dma_semaphore, #tpu.memory_space<semaphore_mem>>
        %dma_start3A_234 = tpu.memref_slice %arg8[%mul3A_182] : memref<655360xf32, #tpu.memory_space<hbm>> -> memref<128xf32, #tpu.memory_space<hbm>>
        %dma_start3A_235 = tpu.memref_slice %arg8[%mul3A_182] : memref<655360xf32, #tpu.memory_space<hbm>> -> memref<128xf32, #tpu.memory_space<hbm>>
        tpu.enqueue_dma source(%arg15 : memref<128xf32, #tpu.memory_space<vmem>>) target(%dma_start3A_235 : memref<128xf32, #tpu.memory_space<hbm>>) target_semaphore(%run_scoped3A : memref<!tpu.dma_semaphore, #tpu.memory_space<semaphore_mem>>)
        %dma_wait3A_236 = tpu.memref_slice %arg8[%mul3A_182] : memref<655360xf32, #tpu.memory_space<hbm>> -> memref<128xf32, #tpu.memory_space<hbm>>
        %dma_wait3A_237 = tpu.memref_slice %arg8[%mul3A_182] : memref<655360xf32, #tpu.memory_space<hbm>> -> memref<128xf32, #tpu.memory_space<hbm>>
        tpu.wait_dma2 semaphore(%run_scoped3A : memref<!tpu.dma_semaphore, #tpu.memory_space<semaphore_mem>>) src(%arg15 : memref<128xf32, #tpu.memory_space<vmem>>) dst(%dma_wait3A_237 : memref<128xf32, #tpu.memory_space<hbm>>)
        tpu.yield
      }) : () -> ()
      %mul3A_183 = arith.constant 2 : i32
      %mul3A_184 = arith.muli %scan3A_135, %mul3A_183 : i32
      %add3A_185 = arith.constant 1 : i32
      %add3A_186 = arith.addi %mul3A_184, %add3A_185 : i32
      %dma_wait3A_187 = arith.constant 1 : i32
      %dma_wait3A_188 = arith.constant 0 : i32
      %dma_wait3A_189 = arith.constant 0 : i32
      %dma_wait3A_190 = tpu.memref_slice %arg11[%dma_wait3A_187, %dma_wait3A_188, %dma_wait3A_189] : memref<2x128x128xf32, #tpu.memory_space<vmem>> -> memref<1x128x128xf32, #tpu.memory_space<vmem>>
      %dma_wait3A_191 = tpu.memref_squeeze %dma_wait3A_190 : memref<1x128x128xf32, #tpu.memory_space<vmem>> -> memref<128x128xf32, #tpu.memory_space<vmem>>
      %dma_wait3A_192 = arith.constant 0 : i32
      %dma_wait3A_193 = tpu.memref_slice %arg9[%add3A_186, %dma_wait3A_192] : memref<80x128xi32, #tpu.memory_space<vmem>> -> memref<1x128xi32, #tpu.memory_space<vmem>>
      %dma_wait3A_194 = tpu.memref_squeeze %dma_wait3A_193 : memref<1x128xi32, #tpu.memory_space<vmem>> -> memref<128xi32, #tpu.memory_space<vmem>>
      %dma_wait3A_195 = arith.constant 0 : i32
      %dma_wait3A_196 = arith.constant 0 : i32
      %dma_wait3A_197 = tpu.memref_slice %arg2[%dma_wait3A_195, %dma_wait3A_196] : memref<10240x128xf32, #tpu.memory_space<hbm>> -> memref<10240x128xf32, #tpu.memory_space<hbm>>
      tpu.wait_indirect_dma semaphore(%arg18 : memref<!tpu.dma_semaphore, #tpu.memory_space<semaphore_mem>>) src(%dma_wait3A_197 : memref<10240x128xf32, #tpu.memory_space<hbm>>) dst(%dma_wait3A_191 : memref<128x128xf32, #tpu.memory_space<vmem>>)
      %dma_wait3A_198 = arith.constant 1 : i32
      %dma_wait3A_199 = arith.constant 0 : i32
      %dma_wait3A_200 = arith.constant 0 : i32
      %dma_wait3A_201 = tpu.memref_slice %arg12[%dma_wait3A_198, %dma_wait3A_199, %dma_wait3A_200] : memref<2x128x128xf32, #tpu.memory_space<vmem>> -> memref<1x128x128xf32, #tpu.memory_space<vmem>>
      %dma_wait3A_202 = tpu.memref_squeeze %dma_wait3A_201 : memref<1x128x128xf32, #tpu.memory_space<vmem>> -> memref<128x128xf32, #tpu.memory_space<vmem>>
      %dma_wait3A_203 = arith.constant 0 : i32
      %dma_wait3A_204 = tpu.memref_slice %arg10[%add3A_186, %dma_wait3A_203] : memref<80x128xi32, #tpu.memory_space<vmem>> -> memref<1x128xi32, #tpu.memory_space<vmem>>
      %dma_wait3A_205 = tpu.memref_squeeze %dma_wait3A_204 : memref<1x128xi32, #tpu.memory_space<vmem>> -> memref<128xi32, #tpu.memory_space<vmem>>
      %dma_wait3A_206 = arith.constant 0 : i32
      %dma_wait3A_207 = arith.constant 0 : i32
      %dma_wait3A_208 = tpu.memref_slice %arg3[%dma_wait3A_206, %dma_wait3A_207] : memref<10240x128xf32, #tpu.memory_space<hbm>> -> memref<10240x128xf32, #tpu.memory_space<hbm>>
      tpu.wait_indirect_dma semaphore(%arg18 : memref<!tpu.dma_semaphore, #tpu.memory_space<semaphore_mem>>) src(%dma_wait3A_208 : memref<10240x128xf32, #tpu.memory_space<hbm>>) dst(%dma_wait3A_202 : memref<128x128xf32, #tpu.memory_space<vmem>>)
      %scan3A_209 = arith.constant 0 : i32
      %scan3A_210 = arith.constant 0 : i32
      %scan3A_211 = arith.constant 128 : i32
      %scan3A_212 = arith.addi %scan3A_210, %scan3A_211 : i32
      %scan3A_213 = arith.constant 1 : i32
      %scan3A_214 = scf.for %scan3A_234 = %scan3A_210 to %scan3A_212 step %scan3A_213 iter_args(%scan3A_235 = %scan3A_209) -> (i32)  : i32 {
        %get3A_236 = arith.constant 1 : i32
        %get3A_237 = arith.index_cast %get3A_236 : i32 to index
        %get3A_238 = arith.index_cast %scan3A_234 : i32 to index
        %get3A_239 = arith.constant 0 : index
        %get3A_240 = tpu.vector_load %arg11[%get3A_237, %get3A_238, %get3A_239] {strides = array<i32>} : memref<2x128x128xf32, #tpu.memory_space<vmem>>, vector<16xf32>,
        %get3A_241 = arith.constant 1 : i32
        %get3A_242 = arith.index_cast %get3A_241 : i32 to index
        %get3A_243 = arith.index_cast %scan3A_234 : i32 to index
        %get3A_244 = arith.constant 0 : index
        %get3A_245 = tpu.vector_load %arg12[%get3A_242, %get3A_243, %get3A_244] {strides = array<i32>} : memref<2x128x128xf32, #tpu.memory_space<vmem>>, vector<16xf32>,
        %add3A_246 = arith.addf %get3A_240, %get3A_245 : vector<16xf32>
        %max3A = arith.constant 0.000000e+00 : f32
        %max3A_247 = vector.broadcast %max3A : f32 to vector<16xf32>
        %max3A_248 = arith.maximumf %add3A_246, %max3A_247 : vector<16xf32>
        %mul3A_249 = arith.mulf %max3A_248, %get3A_1 : vector<16xf32>
        %add3A_250 = arith.addf %broadcast_in_dim3A_18, %mul3A_249 : vector<16xf32>
        %get3A_251 = arith.constant 1 : i32
        %get3A_252 = arith.index_cast %get3A_251 : i32 to index
        %get3A_253 = arith.index_cast %scan3A_234 : i32 to index
        %get3A_254 = arith.constant 16 : index
        %get3A_255 = tpu.vector_load %arg11[%get3A_252, %get3A_253, %get3A_254] {strides = array<i32>} : memref<2x128x128xf32, #tpu.memory_space<vmem>>, vector<16xf32>,
        %get3A_256 = arith.constant 1 : i32
        %get3A_257 = arith.index_cast %get3A_256 : i32 to index
        %get3A_258 = arith.index_cast %scan3A_234 : i32 to index
        %get3A_259 = arith.constant 16 : index
        %get3A_260 = tpu.vector_load %arg12[%get3A_257, %get3A_258, %get3A_259] {strides = array<i32>} : memref<2x128x128xf32, #tpu.memory_space<vmem>>, vector<16xf32>,
        %add3A_261 = arith.addf %get3A_255, %get3A_260 : vector<16xf32>
        %max3A_262 = arith.constant 0.000000e+00 : f32
        %max3A_263 = vector.broadcast %max3A_262 : f32 to vector<16xf32>
        %max3A_264 = arith.maximumf %add3A_261, %max3A_263 : vector<16xf32>
        %mul3A_265 = arith.mulf %max3A_264, %get3A_3 : vector<16xf32>
        %add3A_266 = arith.addf %add3A_250, %mul3A_265 : vector<16xf32>
        %get3A_267 = arith.constant 1 : i32
        %get3A_268 = arith.index_cast %get3A_267 : i32 to index
        %get3A_269 = arith.index_cast %scan3A_234 : i32 to index
        %get3A_270 = arith.constant 32 : index
        %get3A_271 = tpu.vector_load %arg11[%get3A_268, %get3A_269, %get3A_270] {strides = array<i32>} : memref<2x128x128xf32, #tpu.memory_space<vmem>>, vector<16xf32>,
        %get3A_272 = arith.constant 1 : i32
        %get3A_273 = arith.index_cast %get3A_272 : i32 to index
        %get3A_274 = arith.index_cast %scan3A_234 : i32 to index
        %get3A_275 = arith.constant 32 : index
        %get3A_276 = tpu.vector_load %arg12[%get3A_273, %get3A_274, %get3A_275] {strides = array<i32>} : memref<2x128x128xf32, #tpu.memory_space<vmem>>, vector<16xf32>,
        %add3A_277 = arith.addf %get3A_271, %get3A_276 : vector<16xf32>
        %max3A_278 = arith.constant 0.000000e+00 : f32
        %max3A_279 = vector.broadcast %max3A_278 : f32 to vector<16xf32>
        %max3A_280 = arith.maximumf %add3A_277, %max3A_279 : vector<16xf32>
        %mul3A_281 = arith.mulf %max3A_280, %get3A_5 : vector<16xf32>
        %add3A_282 = arith.addf %add3A_266, %mul3A_281 : vector<16xf32>
        %get3A_283 = arith.constant 1 : i32
        %get3A_284 = arith.index_cast %get3A_283 : i32 to index
        %get3A_285 = arith.index_cast %scan3A_234 : i32 to index
        %get3A_286 = arith.constant 48 : index
        %get3A_287 = tpu.vector_load %arg11[%get3A_284, %get3A_285, %get3A_286] {strides = array<i32>} : memref<2x128x128xf32, #tpu.memory_space<vmem>>, vector<16xf32>,
        %get3A_288 = arith.constant 1 : i32
        %get3A_289 = arith.index_cast %get3A_288 : i32 to index
        %get3A_290 = arith.index_cast %scan3A_234 : i32 to index
        %get3A_291 = arith.constant 48 : index
        %get3A_292 = tpu.vector_load %arg12[%get3A_289, %get3A_290, %get3A_291] {strides = array<i32>} : memref<2x128x128xf32, #tpu.memory_space<vmem>>, vector<16xf32>,
        %add3A_293 = arith.addf %get3A_287, %get3A_292 : vector<16xf32>
        %max3A_294 = arith.constant 0.000000e+00 : f32
        %max3A_295 = vector.broadcast %max3A_294 : f32 to vector<16xf32>
        %max3A_296 = arith.maximumf %add3A_293, %max3A_295 : vector<16xf32>
        %mul3A_297 = arith.mulf %max3A_296, %get3A_7 : vector<16xf32>
        %add3A_298 = arith.addf %add3A_282, %mul3A_297 : vector<16xf32>
        %get3A_299 = arith.constant 1 : i32
        %get3A_300 = arith.index_cast %get3A_299 : i32 to index
        %get3A_301 = arith.index_cast %scan3A_234 : i32 to index
        %get3A_302 = arith.constant 64 : index
        %get3A_303 = tpu.vector_load %arg11[%get3A_300, %get3A_301, %get3A_302] {strides = array<i32>} : memref<2x128x128xf32, #tpu.memory_space<vmem>>, vector<16xf32>,
        %get3A_304 = arith.constant 1 : i32
        %get3A_305 = arith.index_cast %get3A_304 : i32 to index
        %get3A_306 = arith.index_cast %scan3A_234 : i32 to index
        %get3A_307 = arith.constant 64 : index
        %get3A_308 = tpu.vector_load %arg12[%get3A_305, %get3A_306, %get3A_307] {strides = array<i32>} : memref<2x128x128xf32, #tpu.memory_space<vmem>>, vector<16xf32>,
        %add3A_309 = arith.addf %get3A_303, %get3A_308 : vector<16xf32>
        %max3A_310 = arith.constant 0.000000e+00 : f32
        %max3A_311 = vector.broadcast %max3A_310 : f32 to vector<16xf32>
        %max3A_312 = arith.maximumf %add3A_309, %max3A_311 : vector<16xf32>
        %mul3A_313 = arith.mulf %max3A_312, %get3A_9 : vector<16xf32>
        %add3A_314 = arith.addf %add3A_298, %mul3A_313 : vector<16xf32>
        %get3A_315 = arith.constant 1 : i32
        %get3A_316 = arith.index_cast %get3A_315 : i32 to index
        %get3A_317 = arith.index_cast %scan3A_234 : i32 to index
        %get3A_318 = arith.constant 80 : index
        %get3A_319 = tpu.vector_load %arg11[%get3A_316, %get3A_317, %get3A_318] {strides = array<i32>} : memref<2x128x128xf32, #tpu.memory_space<vmem>>, vector<16xf32>,
        %get3A_320 = arith.constant 1 : i32
        %get3A_321 = arith.index_cast %get3A_320 : i32 to index
        %get3A_322 = arith.index_cast %scan3A_234 : i32 to index
        %get3A_323 = arith.constant 80 : index
        %get3A_324 = tpu.vector_load %arg12[%get3A_321, %get3A_322, %get3A_323] {strides = array<i32>} : memref<2x128x128xf32, #tpu.memory_space<vmem>>, vector<16xf32>,
        %add3A_325 = arith.addf %get3A_319, %get3A_324 : vector<16xf32>
        %max3A_326 = arith.constant 0.000000e+00 : f32
        %max3A_327 = vector.broadcast %max3A_326 : f32 to vector<16xf32>
        %max3A_328 = arith.maximumf %add3A_325, %max3A_327 : vector<16xf32>
        %mul3A_329 = arith.mulf %max3A_328, %get3A_11 : vector<16xf32>
        %add3A_330 = arith.addf %add3A_314, %mul3A_329 : vector<16xf32>
        %get3A_331 = arith.constant 1 : i32
        %get3A_332 = arith.index_cast %get3A_331 : i32 to index
        %get3A_333 = arith.index_cast %scan3A_234 : i32 to index
        %get3A_334 = arith.constant 96 : index
        %get3A_335 = tpu.vector_load %arg11[%get3A_332, %get3A_333, %get3A_334] {strides = array<i32>} : memref<2x128x128xf32, #tpu.memory_space<vmem>>, vector<16xf32>,
        %get3A_336 = arith.constant 1 : i32
        %get3A_337 = arith.index_cast %get3A_336 : i32 to index
        %get3A_338 = arith.index_cast %scan3A_234 : i32 to index
        %get3A_339 = arith.constant 96 : index
        %get3A_340 = tpu.vector_load %arg12[%get3A_337, %get3A_338, %get3A_339] {strides = array<i32>} : memref<2x128x128xf32, #tpu.memory_space<vmem>>, vector<16xf32>,
        %add3A_341 = arith.addf %get3A_335, %get3A_340 : vector<16xf32>
        %max3A_342 = arith.constant 0.000000e+00 : f32
        %max3A_343 = vector.broadcast %max3A_342 : f32 to vector<16xf32>
        %max3A_344 = arith.maximumf %add3A_341, %max3A_343 : vector<16xf32>
        %mul3A_345 = arith.mulf %max3A_344, %get3A_13 : vector<16xf32>
        %add3A_346 = arith.addf %add3A_330, %mul3A_345 : vector<16xf32>
        %get3A_347 = arith.constant 1 : i32
        %get3A_348 = arith.index_cast %get3A_347 : i32 to index
        %get3A_349 = arith.index_cast %scan3A_234 : i32 to index
        %get3A_350 = arith.constant 112 : index
        %get3A_351 = tpu.vector_load %arg11[%get3A_348, %get3A_349, %get3A_350] {strides = array<i32>} : memref<2x128x128xf32, #tpu.memory_space<vmem>>, vector<16xf32>,
        %get3A_352 = arith.constant 1 : i32
        %get3A_353 = arith.index_cast %get3A_352 : i32 to index
        %get3A_354 = arith.index_cast %scan3A_234 : i32 to index
        %get3A_355 = arith.constant 112 : index
        %get3A_356 = tpu.vector_load %arg12[%get3A_353, %get3A_354, %get3A_355] {strides = array<i32>} : memref<2x128x128xf32, #tpu.memory_space<vmem>>, vector<16xf32>,
        %add3A_357 = arith.addf %get3A_351, %get3A_356 : vector<16xf32>
        %max3A_358 = arith.constant 0.000000e+00 : f32
        %max3A_359 = vector.broadcast %max3A_358 : f32 to vector<16xf32>
        %max3A_360 = arith.maximumf %add3A_357, %max3A_359 : vector<16xf32>
        %mul3A_361 = arith.mulf %max3A_360, %get3A_15 : vector<16xf32>
        %add3A_362 = arith.addf %add3A_346, %mul3A_361 : vector<16xf32>
        %swap3A = arith.index_cast %scan3A_234 : i32 to index
        %swap3A_363 = arith.constant 0 : index
        %swap3A_364 = tpu.vector_load %arg16[%swap3A, %swap3A_363] {strides = array<i32>} : memref<128x17xf32, #tpu.memory_space<vmem>>, vector<16xf32>,
        tpu.vector_store %arg16[%swap3A, %swap3A_363], %add3A_362 {strides = array<i32>} : memref<128x17xf32, #tpu.memory_space<vmem>>, vector<16xf32>,
        %scan3A_365 = arith.constant 0 : i32
        scf.yield %scan3A_365 : i32
      }
      %scan3A_215 = arith.constant 128 : i32
      %scan3A_216 = arith.constant 0 : i32
      %scan3A_217 = arith.constant 0 : i32
      %scan3A_218 = arith.constant 8 : i32
      %scan3A_219 = arith.addi %scan3A_217, %scan3A_218 : i32
      %scan3A_220 = arith.constant 1 : i32
      %scan3A_221 = scf.for %scan3A_234 = %scan3A_217 to %scan3A_219 step %scan3A_220 iter_args(%scan3A_235 = %scan3A_216) -> (i32)  : i32 {
        %mul3A_236 = arith.constant 16 : i32
        %mul3A_237 = arith.muli %scan3A_234, %mul3A_236 : i32
        %iota3A = tpu.iota {dimensions = array<i32: 0>} : vector<16xi32>
        %add3A_238 = vector.broadcast %mul3A_237 : i32 to vector<16xi32>
        %add3A_239 = arith.addi %add3A_238, %iota3A : vector<16xi32>
        %broadcast_in_dim3A_240 = arith.constant 0 : i32
        %broadcast_in_dim3A_241 = vector.broadcast %broadcast_in_dim3A_240 : i32 to vector<16xi32>
        %gather3A = tpu.vector_load_idx %arg16[%add3A_239, %broadcast_in_dim3A_241] : memref<128x17xf32, #tpu.memory_space<vmem>>[vector<16xi32>, vector<16xi32>], vector<16xf32>,
        %add3A_242 = arith.addf %broadcast_in_dim3A_18, %gather3A : vector<16xf32>
        %broadcast_in_dim3A_243 = arith.constant 1 : i32
        %broadcast_in_dim3A_244 = vector.broadcast %broadcast_in_dim3A_243 : i32 to vector<16xi32>
        %gather3A_245 = tpu.vector_load_idx %arg16[%add3A_239, %broadcast_in_dim3A_244] : memref<128x17xf32, #tpu.memory_space<vmem>>[vector<16xi32>, vector<16xi32>], vector<16xf32>,
        %add3A_246 = arith.addf %add3A_242, %gather3A_245 : vector<16xf32>
        %broadcast_in_dim3A_247 = arith.constant 2 : i32
        %broadcast_in_dim3A_248 = vector.broadcast %broadcast_in_dim3A_247 : i32 to vector<16xi32>
        %gather3A_249 = tpu.vector_load_idx %arg16[%add3A_239, %broadcast_in_dim3A_248] : memref<128x17xf32, #tpu.memory_space<vmem>>[vector<16xi32>, vector<16xi32>], vector<16xf32>,
        %add3A_250 = arith.addf %add3A_246, %gather3A_249 : vector<16xf32>
        %broadcast_in_dim3A_251 = arith.constant 3 : i32
        %broadcast_in_dim3A_252 = vector.broadcast %broadcast_in_dim3A_251 : i32 to vector<16xi32>
        %gather3A_253 = tpu.vector_load_idx %arg16[%add3A_239, %broadcast_in_dim3A_252] : memref<128x17xf32, #tpu.memory_space<vmem>>[vector<16xi32>, vector<16xi32>], vector<16xf32>,
        %add3A_254 = arith.addf %add3A_250, %gather3A_253 : vector<16xf32>
        %broadcast_in_dim3A_255 = arith.constant 4 : i32
        %broadcast_in_dim3A_256 = vector.broadcast %broadcast_in_dim3A_255 : i32 to vector<16xi32>
        %gather3A_257 = tpu.vector_load_idx %arg16[%add3A_239, %broadcast_in_dim3A_256] : memref<128x17xf32, #tpu.memory_space<vmem>>[vector<16xi32>, vector<16xi32>], vector<16xf32>,
        %add3A_258 = arith.addf %add3A_254, %gather3A_257 : vector<16xf32>
        %broadcast_in_dim3A_259 = arith.constant 5 : i32
        %broadcast_in_dim3A_260 = vector.broadcast %broadcast_in_dim3A_259 : i32 to vector<16xi32>
        %gather3A_261 = tpu.vector_load_idx %arg16[%add3A_239, %broadcast_in_dim3A_260] : memref<128x17xf32, #tpu.memory_space<vmem>>[vector<16xi32>, vector<16xi32>], vector<16xf32>,
        %add3A_262 = arith.addf %add3A_258, %gather3A_261 : vector<16xf32>
        %broadcast_in_dim3A_263 = arith.constant 6 : i32
        %broadcast_in_dim3A_264 = vector.broadcast %broadcast_in_dim3A_263 : i32 to vector<16xi32>
        %gather3A_265 = tpu.vector_load_idx %arg16[%add3A_239, %broadcast_in_dim3A_264] : memref<128x17xf32, #tpu.memory_space<vmem>>[vector<16xi32>, vector<16xi32>], vector<16xf32>,
        %add3A_266 = arith.addf %add3A_262, %gather3A_265 : vector<16xf32>
        %broadcast_in_dim3A_267 = arith.constant 7 : i32
        %broadcast_in_dim3A_268 = vector.broadcast %broadcast_in_dim3A_267 : i32 to vector<16xi32>
        %gather3A_269 = tpu.vector_load_idx %arg16[%add3A_239, %broadcast_in_dim3A_268] : memref<128x17xf32, #tpu.memory_space<vmem>>[vector<16xi32>, vector<16xi32>], vector<16xf32>,
        %add3A_270 = arith.addf %add3A_266, %gather3A_269 : vector<16xf32>
        %broadcast_in_dim3A_271 = arith.constant 8 : i32
        %broadcast_in_dim3A_272 = vector.broadcast %broadcast_in_dim3A_271 : i32 to vector<16xi32>
        %gather3A_273 = tpu.vector_load_idx %arg16[%add3A_239, %broadcast_in_dim3A_272] : memref<128x17xf32, #tpu.memory_space<vmem>>[vector<16xi32>, vector<16xi32>], vector<16xf32>,
        %add3A_274 = arith.addf %add3A_270, %gather3A_273 : vector<16xf32>
        %broadcast_in_dim3A_275 = arith.constant 9 : i32
        %broadcast_in_dim3A_276 = vector.broadcast %broadcast_in_dim3A_275 : i32 to vector<16xi32>
        %gather3A_277 = tpu.vector_load_idx %arg16[%add3A_239, %broadcast_in_dim3A_276] : memref<128x17xf32, #tpu.memory_space<vmem>>[vector<16xi32>, vector<16xi32>], vector<16xf32>,
        %add3A_278 = arith.addf %add3A_274, %gather3A_277 : vector<16xf32>
        %broadcast_in_dim3A_279 = arith.constant 10 : i32
        %broadcast_in_dim3A_280 = vector.broadcast %broadcast_in_dim3A_279 : i32 to vector<16xi32>
        %gather3A_281 = tpu.vector_load_idx %arg16[%add3A_239, %broadcast_in_dim3A_280] : memref<128x17xf32, #tpu.memory_space<vmem>>[vector<16xi32>, vector<16xi32>], vector<16xf32>,
        %add3A_282 = arith.addf %add3A_278, %gather3A_281 : vector<16xf32>
        %broadcast_in_dim3A_283 = arith.constant 11 : i32
        %broadcast_in_dim3A_284 = vector.broadcast %broadcast_in_dim3A_283 : i32 to vector<16xi32>
        %gather3A_285 = tpu.vector_load_idx %arg16[%add3A_239, %broadcast_in_dim3A_284] : memref<128x17xf32, #tpu.memory_space<vmem>>[vector<16xi32>, vector<16xi32>], vector<16xf32>,
        %add3A_286 = arith.addf %add3A_282, %gather3A_285 : vector<16xf32>
        %broadcast_in_dim3A_287 = arith.constant 12 : i32
        %broadcast_in_dim3A_288 = vector.broadcast %broadcast_in_dim3A_287 : i32 to vector<16xi32>
        %gather3A_289 = tpu.vector_load_idx %arg16[%add3A_239, %broadcast_in_dim3A_288] : memref<128x17xf32, #tpu.memory_space<vmem>>[vector<16xi32>, vector<16xi32>], vector<16xf32>,
        %add3A_290 = arith.addf %add3A_286, %gather3A_289 : vector<16xf32>
        %broadcast_in_dim3A_291 = arith.constant 13 : i32
        %broadcast_in_dim3A_292 = vector.broadcast %broadcast_in_dim3A_291 : i32 to vector<16xi32>
        %gather3A_293 = tpu.vector_load_idx %arg16[%add3A_239, %broadcast_in_dim3A_292] : memref<128x17xf32, #tpu.memory_space<vmem>>[vector<16xi32>, vector<16xi32>], vector<16xf32>,
        %add3A_294 = arith.addf %add3A_290, %gather3A_293 : vector<16xf32>
        %broadcast_in_dim3A_295 = arith.constant 14 : i32
        %broadcast_in_dim3A_296 = vector.broadcast %broadcast_in_dim3A_295 : i32 to vector<16xi32>
        %gather3A_297 = tpu.vector_load_idx %arg16[%add3A_239, %broadcast_in_dim3A_296] : memref<128x17xf32, #tpu.memory_space<vmem>>[vector<16xi32>, vector<16xi32>], vector<16xf32>,
        %add3A_298 = arith.addf %add3A_294, %gather3A_297 : vector<16xf32>
        %broadcast_in_dim3A_299 = arith.constant 15 : i32
        %broadcast_in_dim3A_300 = vector.broadcast %broadcast_in_dim3A_299 : i32 to vector<16xi32>
        %gather3A_301 = tpu.vector_load_idx %arg16[%add3A_239, %broadcast_in_dim3A_300] : memref<128x17xf32, #tpu.memory_space<vmem>>[vector<16xi32>, vector<16xi32>], vector<16xf32>,
        %add3A_302 = arith.addf %add3A_298, %gather3A_301 : vector<16xf32>
        %add3A_303 = arith.addf %add3A_302, %get3A_17 : vector<16xf32>
        %neg3A = arith.constant 0.000000e+00 : f32
        %neg3A_304 = vector.broadcast %neg3A : f32 to vector<16xf32>
        %neg3A_305 = arith.subf %neg3A_304, %add3A_303 : vector<16xf32>
        %exp3A = math.exp %neg3A_305 : vector<16xf32>
        %add3A_306 = arith.constant 1.000000e+00 : f32
        %add3A_307 = vector.broadcast %add3A_306 : f32 to vector<16xf32>
        %add3A_308 = arith.addf %add3A_307, %exp3A : vector<16xf32>
        %div3A = arith.constant 1.000000e+00 : f32
        %div3A_309 = vector.broadcast %div3A : f32 to vector<16xf32>
        %div3A_310 = arith.divf %div3A_309, %add3A_308 : vector<16xf32>
        %mul3A_311 = arith.constant 16 : i32
        %mul3A_312 = arith.muli %scan3A_234, %mul3A_311 : i32
        %swap3A = arith.index_cast %mul3A_312 : i32 to index
        %swap3A_313 = tpu.vector_load %arg15[%swap3A] {strides = array<i32>} : memref<128xf32, #tpu.memory_space<vmem>>, vector<16xf32>,
        tpu.vector_store %arg15[%swap3A], %div3A_310 {strides = array<i32>} : memref<128xf32, #tpu.memory_space<vmem>>, vector<16xf32>,
        %scan3A_314 = arith.constant 0 : i32
        scf.yield %scan3A_314 : i32
      }
      %scan3A_222 = arith.constant 8 : i32
      %add3A_223 = arith.constant 2 : i32
      %add3A_224 = arith.addi %add3A_186, %add3A_223 : i32
      %lt3A_225 = arith.constant 80 : i32
      %lt3A_226 = arith.cmpi slt, %add3A_224, %lt3A_225 : i32
      %convert_element_type3A_227 = arith.extui %lt3A_226 : i1 to i32
      %cond3A_228 = arith.constant 0 : i32
      %cond3A_229 = arith.cmpi ne, %convert_element_type3A_227, %cond3A_228 : i32
      scf.if %cond3A_229 {
        %add3A_234 = arith.constant 2 : i32
        %add3A_235 = arith.addi %add3A_186, %add3A_234 : i32
        %dma_start3A_236 = arith.constant 1 : i32
        %dma_start3A_237 = arith.constant 0 : i32
        %dma_start3A_238 = arith.constant 0 : i32
        %dma_start3A_239 = tpu.memref_slice %arg11[%dma_start3A_236, %dma_start3A_237, %dma_start3A_238] : memref<2x128x128xf32, #tpu.memory_space<vmem>> -> memref<1x128x128xf32, #tpu.memory_space<vmem>>
        %dma_start3A_240 = tpu.memref_squeeze %dma_start3A_239 : memref<1x128x128xf32, #tpu.memory_space<vmem>> -> memref<128x128xf32, #tpu.memory_space<vmem>>
        %dma_start3A_241 = arith.constant 0 : i32
        %dma_start3A_242 = tpu.memref_slice %arg9[%add3A_235, %dma_start3A_241] : memref<80x128xi32, #tpu.memory_space<vmem>> -> memref<1x128xi32, #tpu.memory_space<vmem>>
        %dma_start3A_243 = tpu.memref_squeeze %dma_start3A_242 : memref<1x128xi32, #tpu.memory_space<vmem>> -> memref<128xi32, #tpu.memory_space<vmem>>
        %dma_start3A_244 = arith.constant 0 : i32
        %dma_start3A_245 = arith.constant 0 : i32
        %dma_start3A_246 = tpu.memref_slice %arg2[%dma_start3A_244, %dma_start3A_245] : memref<10240x128xf32, #tpu.memory_space<hbm>> -> memref<10240x128xf32, #tpu.memory_space<hbm>>
        tpu.enqueue_indirect_dma source(%dma_start3A_246 : memref<10240x128xf32, #tpu.memory_space<hbm>>) target(%dma_start3A_240 : memref<128x128xf32, #tpu.memory_space<vmem>>) offsets(%dma_start3A_243 : memref<128xi32, #tpu.memory_space<vmem>>) semaphore(%arg18 : memref<!tpu.dma_semaphore, #tpu.memory_space<semaphore_mem>>)
        %dma_start3A_247 = arith.constant 1 : i32
        %dma_start3A_248 = arith.constant 0 : i32
        %dma_start3A_249 = arith.constant 0 : i32
        %dma_start3A_250 = tpu.memref_slice %arg12[%dma_start3A_247, %dma_start3A_248, %dma_start3A_249] : memref<2x128x128xf32, #tpu.memory_space<vmem>> -> memref<1x128x128xf32, #tpu.memory_space<vmem>>
        %dma_start3A_251 = tpu.memref_squeeze %dma_start3A_250 : memref<1x128x128xf32, #tpu.memory_space<vmem>> -> memref<128x128xf32, #tpu.memory_space<vmem>>
        %dma_start3A_252 = arith.constant 0 : i32
        %dma_start3A_253 = tpu.memref_slice %arg10[%add3A_235, %dma_start3A_252] : memref<80x128xi32, #tpu.memory_space<vmem>> -> memref<1x128xi32, #tpu.memory_space<vmem>>
        %dma_start3A_254 = tpu.memref_squeeze %dma_start3A_253 : memref<1x128xi32, #tpu.memory_space<vmem>> -> memref<128xi32, #tpu.memory_space<vmem>>
        %dma_start3A_255 = arith.constant 0 : i32
        %dma_start3A_256 = arith.constant 0 : i32
        %dma_start3A_257 = tpu.memref_slice %arg3[%dma_start3A_255, %dma_start3A_256] : memref<10240x128xf32, #tpu.memory_space<hbm>> -> memref<10240x128xf32, #tpu.memory_space<hbm>>
        tpu.enqueue_indirect_dma source(%dma_start3A_257 : memref<10240x128xf32, #tpu.memory_space<hbm>>) target(%dma_start3A_251 : memref<128x128xf32, #tpu.memory_space<vmem>>) offsets(%dma_start3A_254 : memref<128xi32, #tpu.memory_space<vmem>>) semaphore(%arg18 : memref<!tpu.dma_semaphore, #tpu.memory_space<semaphore_mem>>)
      } else {
      }
      %add3A_230 = arith.addi %add3A_24, %add3A_186 : i32
      %mul3A_231 = arith.constant 128 : i32
      %mul3A_232 = arith.muli %add3A_230, %mul3A_231 : i32
      "tpu.region"() ({
        %run_scoped3A = tpu.sem_alloc : memref<!tpu.dma_semaphore, #tpu.memory_space<semaphore_mem>>
        %dma_start3A_234 = tpu.memref_slice %arg8[%mul3A_232] : memref<655360xf32, #tpu.memory_space<hbm>> -> memref<128xf32, #tpu.memory_space<hbm>>
        %dma_start3A_235 = tpu.memref_slice %arg8[%mul3A_232] : memref<655360xf32, #tpu.memory_space<hbm>> -> memref<128xf32, #tpu.memory_space<hbm>>
        tpu.enqueue_dma source(%arg15 : memref<128xf32, #tpu.memory_space<vmem>>) target(%dma_start3A_235 : memref<128xf32, #tpu.memory_space<hbm>>) target_semaphore(%run_scoped3A : memref<!tpu.dma_semaphore, #tpu.memory_space<semaphore_mem>>)
        %dma_wait3A_236 = tpu.memref_slice %arg8[%mul3A_232] : memref<655360xf32, #tpu.memory_space<hbm>> -> memref<128xf32, #tpu.memory_space<hbm>>
        %dma_wait3A_237 = tpu.memref_slice %arg8[%mul3A_232] : memref<655360xf32, #tpu.memory_space<hbm>> -> memref<128xf32, #tpu.memory_space<hbm>>
        tpu.wait_dma2 semaphore(%run_scoped3A : memref<!tpu.dma_semaphore, #tpu.memory_space<semaphore_mem>>) src(%arg15 : memref<128xf32, #tpu.memory_space<vmem>>) dst(%dma_wait3A_237 : memref<128xf32, #tpu.memory_space<hbm>>)
        tpu.yield
      }) : () -> ()
      %scan3A_233 = arith.constant 0 : i32
      scf.yield %scan3A_233 : i32
    }
    %scan3A_77 = arith.constant 40 : i32
    %add3A_78 = arith.constant 80 : i32
    %add3A_79 = arith.addi %select_n3A, %add3A_78 : i32
    "tpu.region"() ({
      %run_scoped3A = tpu.sem_alloc : memref<!tpu.dma_semaphore, #tpu.memory_space<semaphore_mem>>
      %dma_start3A_135 = arith.constant 0 : i32
      %dma_start3A_136 = arith.constant 0 : i32
      %dma_start3A_137 = tpu.memref_slice %arg9[%dma_start3A_135, %dma_start3A_136] : memref<80x128xi32, #tpu.memory_space<vmem>> -> memref<80x128xi32, #tpu.memory_space<vmem>>
      %dma_start3A_138 = arith.constant 0 : i32
      %dma_start3A_139 = tpu.memref_slice %arg4[%add3A_79, %dma_start3A_138] : memref<5120x128xi32, #tpu.memory_space<hbm>> -> memref<80x128xi32, #tpu.memory_space<hbm>>
      %dma_start3A_140 = arith.constant 0 : i32
      %dma_start3A_141 = arith.constant 0 : i32
      %dma_start3A_142 = tpu.memref_slice %arg9[%dma_start3A_140, %dma_start3A_141] : memref<80x128xi32, #tpu.memory_space<vmem>> -> memref<80x128xi32, #tpu.memory_space<vmem>>
      %dma_start3A_143 = arith.constant 0 : i32
      %dma_start3A_144 = tpu.memref_slice %arg4[%add3A_79, %dma_start3A_143] : memref<5120x128xi32, #tpu.memory_space<hbm>> -> memref<80x128xi32, #tpu.memory_space<hbm>>
      tpu.enqueue_dma source(%dma_start3A_144 : memref<80x128xi32, #tpu.memory_space<hbm>>) target(%dma_start3A_142 : memref<80x128xi32, #tpu.memory_space<vmem>>) target_semaphore(%run_scoped3A : memref<!tpu.dma_semaphore, #tpu.memory_space<semaphore_mem>>)
      %dma_wait3A = arith.constant 0 : i32
      %dma_wait3A_145 = arith.constant 0 : i32
      %dma_wait3A_146 = tpu.memref_slice %arg9[%dma_wait3A, %dma_wait3A_145] : memref<80x128xi32, #tpu.memory_space<vmem>> -> memref<80x128xi32, #tpu.memory_space<vmem>>
      %dma_wait3A_147 = arith.constant 0 : i32
      %dma_wait3A_148 = tpu.memref_slice %arg4[%add3A_79, %dma_wait3A_147] : memref<5120x128xi32, #tpu.memory_space<hbm>> -> memref<80x128xi32, #tpu.memory_space<hbm>>
      %dma_wait3A_149 = arith.constant 0 : i32
      %dma_wait3A_150 = arith.constant 0 : i32
      %dma_wait3A_151 = tpu.memref_slice %arg9[%dma_wait3A_149, %dma_wait3A_150] : memref<80x128xi32, #tpu.memory_space<vmem>> -> memref<80x128xi32, #tpu.memory_space<vmem>>
      %dma_wait3A_152 = arith.constant 0 : i32
      %dma_wait3A_153 = tpu.memref_slice %arg4[%add3A_79, %dma_wait3A_152] : memref<5120x128xi32, #tpu.memory_space<hbm>> -> memref<80x128xi32, #tpu.memory_space<hbm>>
      tpu.wait_dma2 semaphore(%run_scoped3A : memref<!tpu.dma_semaphore, #tpu.memory_space<semaphore_mem>>) src(%dma_wait3A_153 : memref<80x128xi32, #tpu.memory_space<hbm>>) dst(%dma_wait3A_151 : memref<80x128xi32, #tpu.memory_space<vmem>>)
      tpu.yield
    }) : () -> ()
    "tpu.region"() ({
      %run_scoped3A = tpu.sem_alloc : memref<!tpu.dma_semaphore, #tpu.memory_space<semaphore_mem>>
      %dma_start3A_135 = arith.constant 0 : i32
      %dma_start3A_136 = arith.constant 0 : i32
      %dma_start3A_137 = tpu.memref_slice %arg10[%dma_start3A_135, %dma_start3A_136] : memref<80x128xi32, #tpu.memory_space<vmem>> -> memref<80x128xi32, #tpu.memory_space<vmem>>
      %dma_start3A_138 = arith.constant 0 : i32
      %dma_start3A_139 = tpu.memref_slice %arg5[%add3A_79, %dma_start3A_138] : memref<5120x128xi32, #tpu.memory_space<hbm>> -> memref<80x128xi32, #tpu.memory_space<hbm>>
      %dma_start3A_140 = arith.constant 0 : i32
      %dma_start3A_141 = arith.constant 0 : i32
      %dma_start3A_142 = tpu.memref_slice %arg10[%dma_start3A_140, %dma_start3A_141] : memref<80x128xi32, #tpu.memory_space<vmem>> -> memref<80x128xi32, #tpu.memory_space<vmem>>
      %dma_start3A_143 = arith.constant 0 : i32
      %dma_start3A_144 = tpu.memref_slice %arg5[%add3A_79, %dma_start3A_143] : memref<5120x128xi32, #tpu.memory_space<hbm>> -> memref<80x128xi32, #tpu.memory_space<hbm>>
      tpu.enqueue_dma source(%dma_start3A_144 : memref<80x128xi32, #tpu.memory_space<hbm>>) target(%dma_start3A_142 : memref<80x128xi32, #tpu.memory_space<vmem>>) target_semaphore(%run_scoped3A : memref<!tpu.dma_semaphore, #tpu.memory_space<semaphore_mem>>)
      %dma_wait3A = arith.constant 0 : i32
      %dma_wait3A_145 = arith.constant 0 : i32
      %dma_wait3A_146 = tpu.memref_slice %arg10[%dma_wait3A, %dma_wait3A_145] : memref<80x128xi32, #tpu.memory_space<vmem>> -> memref<80x128xi32, #tpu.memory_space<vmem>>
      %dma_wait3A_147 = arith.constant 0 : i32
      %dma_wait3A_148 = tpu.memref_slice %arg5[%add3A_79, %dma_wait3A_147] : memref<5120x128xi32, #tpu.memory_space<hbm>> -> memref<80x128xi32, #tpu.memory_space<hbm>>
      %dma_wait3A_149 = arith.constant 0 : i32
      %dma_wait3A_150 = arith.constant 0 : i32
      %dma_wait3A_151 = tpu.memref_slice %arg10[%dma_wait3A_149, %dma_wait3A_150] : memref<80x128xi32, #tpu.memory_space<vmem>> -> memref<80x128xi32, #tpu.memory_space<vmem>>
      %dma_wait3A_152 = arith.constant 0 : i32
      %dma_wait3A_153 = tpu.memref_slice %arg5[%add3A_79, %dma_wait3A_152] : memref<5120x128xi32, #tpu.memory_space<hbm>> -> memref<80x128xi32, #tpu.memory_space<hbm>>
      tpu.wait_dma2 semaphore(%run_scoped3A : memref<!tpu.dma_semaphore, #tpu.memory_space<semaphore_mem>>) src(%dma_wait3A_153 : memref<80x128xi32, #tpu.memory_space<hbm>>) dst(%dma_wait3A_151 : memref<80x128xi32, #tpu.memory_space<vmem>>)
      tpu.yield
    }) : () -> ()
    %dma_start3A_80 = arith.constant 0 : i32
    %dma_start3A_81 = arith.constant 0 : i32
    %dma_start3A_82 = arith.constant 0 : i32
    %dma_start3A_83 = arith.constant 0 : i32
    %dma_start3A_84 = tpu.memref_slice %arg11[%dma_start3A_81, %dma_start3A_82, %dma_start3A_83] : memref<2x128x128xf32, #tpu.memory_space<vmem>> -> memref<1x128x128xf32, #tpu.memory_space<vmem>>
    %dma_start3A_85 = tpu.memref_squeeze %dma_start3A_84 : memref<1x128x128xf32, #tpu.memory_space<vmem>> -> memref<128x128xf32, #tpu.memory_space<vmem>>
    %dma_start3A_86 = arith.constant 0 : i32
    %dma_start3A_87 = tpu.memref_slice %arg9[%dma_start3A_80, %dma_start3A_86] : memref<80x128xi32, #tpu.memory_space<vmem>> -> memref<1x128xi32, #tpu.memory_space<vmem>>
    %dma_start3A_88 = tpu.memref_squeeze %dma_start3A_87 : memref<1x128xi32, #tpu.memory_space<vmem>> -> memref<128xi32, #tpu.memory_space<vmem>>
    %dma_start3A_89 = arith.constant 0 : i32
    %dma_start3A_90 = arith.constant 0 : i32
    %dma_start3A_91 = tpu.memref_slice %arg2[%dma_start3A_89, %dma_start3A_90] : memref<10240x128xf32, #tpu.memory_space<hbm>> -> memref<10240x128xf32, #tpu.memory_space<hbm>>
    tpu.enqueue_indirect_dma source(%dma_start3A_91 : memref<10240x128xf32, #tpu.memory_space<hbm>>) target(%dma_start3A_85 : memref<128x128xf32, #tpu.memory_space<vmem>>) offsets(%dma_start3A_88 : memref<128xi32, #tpu.memory_space<vmem>>) semaphore(%arg17 : memref<!tpu.dma_semaphore, #tpu.memory_space<semaphore_mem>>)
    %dma_start3A_92 = arith.constant 0 : i32
    %dma_start3A_93 = arith.constant 0 : i32
    %dma_start3A_94 = arith.constant 0 : i32
    %dma_start3A_95 = arith.constant 0 : i32
    %dma_start3A_96 = tpu.memref_slice %arg12[%dma_start3A_93, %dma_start3A_94, %dma_start3A_95] : memref<2x128x128xf32, #tpu.memory_space<vmem>> -> memref<1x128x128xf32, #tpu.memory_space<vmem>>
    %dma_start3A_97 = tpu.memref_squeeze %dma_start3A_96 : memref<1x128x128xf32, #tpu.memory_space<vmem>> -> memref<128x128xf32, #tpu.memory_space<vmem>>
    %dma_start3A_98 = arith.constant 0 : i32
    %dma_start3A_99 = tpu.memref_slice %arg10[%dma_start3A_92, %dma_start3A_98] : memref<80x128xi32, #tpu.memory_space<vmem>> -> memref<1x128xi32, #tpu.memory_space<vmem>>
    %dma_start3A_100 = tpu.memref_squeeze %dma_start3A_99 : memref<1x128xi32, #tpu.memory_space<vmem>> -> memref<128xi32, #tpu.memory_space<vmem>>
    %dma_start3A_101 = arith.constant 0 : i32
    %dma_start3A_102 = arith.constant 0 : i32
    %dma_start3A_103 = tpu.memref_slice %arg3[%dma_start3A_101, %dma_start3A_102] : memref<10240x128xf32, #tpu.memory_space<hbm>> -> memref<10240x128xf32, #tpu.memory_space<hbm>>
    tpu.enqueue_indirect_dma source(%dma_start3A_103 : memref<10240x128xf32, #tpu.memory_space<hbm>>) target(%dma_start3A_97 : memref<128x128xf32, #tpu.memory_space<vmem>>) offsets(%dma_start3A_100 : memref<128xi32, #tpu.memory_space<vmem>>) semaphore(%arg17 : memref<!tpu.dma_semaphore, #tpu.memory_space<semaphore_mem>>)
    %dma_start3A_104 = arith.constant 1 : i32
    %dma_start3A_105 = arith.constant 1 : i32
    %dma_start3A_106 = arith.constant 0 : i32
    %dma_start3A_107 = arith.constant 0 : i32
    %dma_start3A_108 = tpu.memref_slice %arg11[%dma_start3A_105, %dma_start3A_106, %dma_start3A_107] : memref<2x128x128xf32, #tpu.memory_space<vmem>> -> memref<1x128x128xf32, #tpu.memory_space<vmem>>
    %dma_start3A_109 = tpu.memref_squeeze %dma_start3A_108 : memref<1x128x128xf32, #tpu.memory_space<vmem>> -> memref<128x128xf32, #tpu.memory_space<vmem>>
    %dma_start3A_110 = arith.constant 0 : i32
    %dma_start3A_111 = tpu.memref_slice %arg9[%dma_start3A_104, %dma_start3A_110] : memref<80x128xi32, #tpu.memory_space<vmem>> -> memref<1x128xi32, #tpu.memory_space<vmem>>
    %dma_start3A_112 = tpu.memref_squeeze %dma_start3A_111 : memref<1x128xi32, #tpu.memory_space<vmem>> -> memref<128xi32, #tpu.memory_space<vmem>>
    %dma_start3A_113 = arith.constant 0 : i32
    %dma_start3A_114 = arith.constant 0 : i32
    %dma_start3A_115 = tpu.memref_slice %arg2[%dma_start3A_113, %dma_start3A_114] : memref<10240x128xf32, #tpu.memory_space<hbm>> -> memref<10240x128xf32, #tpu.memory_space<hbm>>
    tpu.enqueue_indirect_dma source(%dma_start3A_115 : memref<10240x128xf32, #tpu.memory_space<hbm>>) target(%dma_start3A_109 : memref<128x128xf32, #tpu.memory_space<vmem>>) offsets(%dma_start3A_112 : memref<128xi32, #tpu.memory_space<vmem>>) semaphore(%arg18 : memref<!tpu.dma_semaphore, #tpu.memory_space<semaphore_mem>>)
    %dma_start3A_116 = arith.constant 1 : i32
    %dma_start3A_117 = arith.constant 1 : i32
    %dma_start3A_118 = arith.constant 0 : i32
    %dma_start3A_119 = arith.constant 0 : i32
    %dma_start3A_120 = tpu.memref_slice %arg12[%dma_start3A_117, %dma_start3A_118, %dma_start3A_119] : memref<2x128x128xf32, #tpu.memory_space<vmem>> -> memref<1x128x128xf32, #tpu.memory_space<vmem>>
    %dma_start3A_121 = tpu.memref_squeeze %dma_start3A_120 : memref<1x128x128xf32, #tpu.memory_space<vmem>> -> memref<128x128xf32, #tpu.memory_space<vmem>>
    %dma_start3A_122 = arith.constant 0 : i32
    %dma_start3A_123 = tpu.memref_slice %arg10[%dma_start3A_116, %dma_start3A_122] : memref<80x128xi32, #tpu.memory_space<vmem>> -> memref<1x128xi32, #tpu.memory_space<vmem>>
    %dma_start3A_124 = tpu.memref_squeeze %dma_start3A_123 : memref<1x128xi32, #tpu.memory_space<vmem>> -> memref<128xi32, #tpu.memory_space<vmem>>
    %dma_start3A_125 = arith.constant 0 : i32
    %dma_start3A_126 = arith.constant 0 : i32
    %dma_start3A_127 = tpu.memref_slice %arg3[%dma_start3A_125, %dma_start3A_126] : memref<10240x128xf32, #tpu.memory_space<hbm>> -> memref<10240x128xf32, #tpu.memory_space<hbm>>
    tpu.enqueue_indirect_dma source(%dma_start3A_127 : memref<10240x128xf32, #tpu.memory_space<hbm>>) target(%dma_start3A_121 : memref<128x128xf32, #tpu.memory_space<vmem>>) offsets(%dma_start3A_124 : memref<128xi32, #tpu.memory_space<vmem>>) semaphore(%arg18 : memref<!tpu.dma_semaphore, #tpu.memory_space<semaphore_mem>>)
    %scan3A_128 = arith.constant 0 : i32
    %scan3A_129 = arith.constant 0 : i32
    %scan3A_130 = arith.constant 40 : i32
    %scan3A_131 = arith.addi %scan3A_129, %scan3A_130 : i32
    %scan3A_132 = arith.constant 1 : i32
    %scan3A_133 = scf.for %scan3A_135 = %scan3A_129 to %scan3A_131 step %scan3A_132 iter_args(%scan3A_136 = %scan3A_128) -> (i32)  : i32 {
      %mul3A_137 = arith.constant 2 : i32
      %mul3A_138 = arith.muli %scan3A_135, %mul3A_137 : i32
      %add3A_139 = arith.constant 0 : i32
      %add3A_140 = arith.addi %mul3A_138, %add3A_139 : i32
      %dma_wait3A = arith.constant 0 : i32
      %dma_wait3A_141 = arith.constant 0 : i32
      %dma_wait3A_142 = arith.constant 0 : i32
      %dma_wait3A_143 = tpu.memref_slice %arg11[%dma_wait3A, %dma_wait3A_141, %dma_wait3A_142] : memref<2x128x128xf32, #tpu.memory_space<vmem>> -> memref<1x128x128xf32, #tpu.memory_space<vmem>>
      %dma_wait3A_144 = tpu.memref_squeeze %dma_wait3A_143 : memref<1x128x128xf32, #tpu.memory_space<vmem>> -> memref<128x128xf32, #tpu.memory_space<vmem>>
      %dma_wait3A_145 = arith.constant 0 : i32
      %dma_wait3A_146 = tpu.memref_slice %arg9[%add3A_140, %dma_wait3A_145] : memref<80x128xi32, #tpu.memory_space<vmem>> -> memref<1x128xi32, #tpu.memory_space<vmem>>
      %dma_wait3A_147 = tpu.memref_squeeze %dma_wait3A_146 : memref<1x128xi32, #tpu.memory_space<vmem>> -> memref<128xi32, #tpu.memory_space<vmem>>
      %dma_wait3A_148 = arith.constant 0 : i32
      %dma_wait3A_149 = arith.constant 0 : i32
      %dma_wait3A_150 = tpu.memref_slice %arg2[%dma_wait3A_148, %dma_wait3A_149] : memref<10240x128xf32, #tpu.memory_space<hbm>> -> memref<10240x128xf32, #tpu.memory_space<hbm>>
      tpu.wait_indirect_dma semaphore(%arg17 : memref<!tpu.dma_semaphore, #tpu.memory_space<semaphore_mem>>) src(%dma_wait3A_150 : memref<10240x128xf32, #tpu.memory_space<hbm>>) dst(%dma_wait3A_144 : memref<128x128xf32, #tpu.memory_space<vmem>>)
      %dma_wait3A_151 = arith.constant 0 : i32
      %dma_wait3A_152 = arith.constant 0 : i32
      %dma_wait3A_153 = arith.constant 0 : i32
      %dma_wait3A_154 = tpu.memref_slice %arg12[%dma_wait3A_151, %dma_wait3A_152, %dma_wait3A_153] : memref<2x128x128xf32, #tpu.memory_space<vmem>> -> memref<1x128x128xf32, #tpu.memory_space<vmem>>
      %dma_wait3A_155 = tpu.memref_squeeze %dma_wait3A_154 : memref<1x128x128xf32, #tpu.memory_space<vmem>> -> memref<128x128xf32, #tpu.memory_space<vmem>>
      %dma_wait3A_156 = arith.constant 0 : i32
      %dma_wait3A_157 = tpu.memref_slice %arg10[%add3A_140, %dma_wait3A_156] : memref<80x128xi32, #tpu.memory_space<vmem>> -> memref<1x128xi32, #tpu.memory_space<vmem>>
      %dma_wait3A_158 = tpu.memref_squeeze %dma_wait3A_157 : memref<1x128xi32, #tpu.memory_space<vmem>> -> memref<128xi32, #tpu.memory_space<vmem>>
      %dma_wait3A_159 = arith.constant 0 : i32
      %dma_wait3A_160 = arith.constant 0 : i32
      %dma_wait3A_161 = tpu.memref_slice %arg3[%dma_wait3A_159, %dma_wait3A_160] : memref<10240x128xf32, #tpu.memory_space<hbm>> -> memref<10240x128xf32, #tpu.memory_space<hbm>>
      tpu.wait_indirect_dma semaphore(%arg17 : memref<!tpu.dma_semaphore, #tpu.memory_space<semaphore_mem>>) src(%dma_wait3A_161 : memref<10240x128xf32, #tpu.memory_space<hbm>>) dst(%dma_wait3A_155 : memref<128x128xf32, #tpu.memory_space<vmem>>)
      %scan3A_162 = arith.constant 0 : i32
      %scan3A_163 = arith.constant 0 : i32
      %scan3A_164 = arith.constant 128 : i32
      %scan3A_165 = arith.addi %scan3A_163, %scan3A_164 : i32
      %scan3A_166 = arith.constant 1 : i32
      %scan3A_167 = scf.for %scan3A_234 = %scan3A_163 to %scan3A_165 step %scan3A_166 iter_args(%scan3A_235 = %scan3A_162) -> (i32)  : i32 {
        %get3A_236 = arith.constant 0 : i32
        %get3A_237 = arith.index_cast %get3A_236 : i32 to index
        %get3A_238 = arith.index_cast %scan3A_234 : i32 to index
        %get3A_239 = arith.constant 0 : index
        %get3A_240 = tpu.vector_load %arg11[%get3A_237, %get3A_238, %get3A_239] {strides = array<i32>} : memref<2x128x128xf32, #tpu.memory_space<vmem>>, vector<16xf32>,
        %get3A_241 = arith.constant 0 : i32
        %get3A_242 = arith.index_cast %get3A_241 : i32 to index
        %get3A_243 = arith.index_cast %scan3A_234 : i32 to index
        %get3A_244 = arith.constant 0 : index
        %get3A_245 = tpu.vector_load %arg12[%get3A_242, %get3A_243, %get3A_244] {strides = array<i32>} : memref<2x128x128xf32, #tpu.memory_space<vmem>>, vector<16xf32>,
        %add3A_246 = arith.addf %get3A_240, %get3A_245 : vector<16xf32>
        %max3A = arith.constant 0.000000e+00 : f32
        %max3A_247 = vector.broadcast %max3A : f32 to vector<16xf32>
        %max3A_248 = arith.maximumf %add3A_246, %max3A_247 : vector<16xf32>
        %mul3A_249 = arith.mulf %max3A_248, %get3A_1 : vector<16xf32>
        %add3A_250 = arith.addf %broadcast_in_dim3A_18, %mul3A_249 : vector<16xf32>
        %get3A_251 = arith.constant 0 : i32
        %get3A_252 = arith.index_cast %get3A_251 : i32 to index
        %get3A_253 = arith.index_cast %scan3A_234 : i32 to index
        %get3A_254 = arith.constant 16 : index
        %get3A_255 = tpu.vector_load %arg11[%get3A_252, %get3A_253, %get3A_254] {strides = array<i32>} : memref<2x128x128xf32, #tpu.memory_space<vmem>>, vector<16xf32>,
        %get3A_256 = arith.constant 0 : i32
        %get3A_257 = arith.index_cast %get3A_256 : i32 to index
        %get3A_258 = arith.index_cast %scan3A_234 : i32 to index
        %get3A_259 = arith.constant 16 : index
        %get3A_260 = tpu.vector_load %arg12[%get3A_257, %get3A_258, %get3A_259] {strides = array<i32>} : memref<2x128x128xf32, #tpu.memory_space<vmem>>, vector<16xf32>,
        %add3A_261 = arith.addf %get3A_255, %get3A_260 : vector<16xf32>
        %max3A_262 = arith.constant 0.000000e+00 : f32
        %max3A_263 = vector.broadcast %max3A_262 : f32 to vector<16xf32>
        %max3A_264 = arith.maximumf %add3A_261, %max3A_263 : vector<16xf32>
        %mul3A_265 = arith.mulf %max3A_264, %get3A_3 : vector<16xf32>
        %add3A_266 = arith.addf %add3A_250, %mul3A_265 : vector<16xf32>
        %get3A_267 = arith.constant 0 : i32
        %get3A_268 = arith.index_cast %get3A_267 : i32 to index
        %get3A_269 = arith.index_cast %scan3A_234 : i32 to index
        %get3A_270 = arith.constant 32 : index
        %get3A_271 = tpu.vector_load %arg11[%get3A_268, %get3A_269, %get3A_270] {strides = array<i32>} : memref<2x128x128xf32, #tpu.memory_space<vmem>>, vector<16xf32>,
        %get3A_272 = arith.constant 0 : i32
        %get3A_273 = arith.index_cast %get3A_272 : i32 to index
        %get3A_274 = arith.index_cast %scan3A_234 : i32 to index
        %get3A_275 = arith.constant 32 : index
        %get3A_276 = tpu.vector_load %arg12[%get3A_273, %get3A_274, %get3A_275] {strides = array<i32>} : memref<2x128x128xf32, #tpu.memory_space<vmem>>, vector<16xf32>,
        %add3A_277 = arith.addf %get3A_271, %get3A_276 : vector<16xf32>
        %max3A_278 = arith.constant 0.000000e+00 : f32
        %max3A_279 = vector.broadcast %max3A_278 : f32 to vector<16xf32>
        %max3A_280 = arith.maximumf %add3A_277, %max3A_279 : vector<16xf32>
        %mul3A_281 = arith.mulf %max3A_280, %get3A_5 : vector<16xf32>
        %add3A_282 = arith.addf %add3A_266, %mul3A_281 : vector<16xf32>
        %get3A_283 = arith.constant 0 : i32
        %get3A_284 = arith.index_cast %get3A_283 : i32 to index
        %get3A_285 = arith.index_cast %scan3A_234 : i32 to index
        %get3A_286 = arith.constant 48 : index
        %get3A_287 = tpu.vector_load %arg11[%get3A_284, %get3A_285, %get3A_286] {strides = array<i32>} : memref<2x128x128xf32, #tpu.memory_space<vmem>>, vector<16xf32>,
        %get3A_288 = arith.constant 0 : i32
        %get3A_289 = arith.index_cast %get3A_288 : i32 to index
        %get3A_290 = arith.index_cast %scan3A_234 : i32 to index
        %get3A_291 = arith.constant 48 : index
        %get3A_292 = tpu.vector_load %arg12[%get3A_289, %get3A_290, %get3A_291] {strides = array<i32>} : memref<2x128x128xf32, #tpu.memory_space<vmem>>, vector<16xf32>,
        %add3A_293 = arith.addf %get3A_287, %get3A_292 : vector<16xf32>
        %max3A_294 = arith.constant 0.000000e+00 : f32
        %max3A_295 = vector.broadcast %max3A_294 : f32 to vector<16xf32>
        %max3A_296 = arith.maximumf %add3A_293, %max3A_295 : vector<16xf32>
        %mul3A_297 = arith.mulf %max3A_296, %get3A_7 : vector<16xf32>
        %add3A_298 = arith.addf %add3A_282, %mul3A_297 : vector<16xf32>
        %get3A_299 = arith.constant 0 : i32
        %get3A_300 = arith.index_cast %get3A_299 : i32 to index
        %get3A_301 = arith.index_cast %scan3A_234 : i32 to index
        %get3A_302 = arith.constant 64 : index
        %get3A_303 = tpu.vector_load %arg11[%get3A_300, %get3A_301, %get3A_302] {strides = array<i32>} : memref<2x128x128xf32, #tpu.memory_space<vmem>>, vector<16xf32>,
        %get3A_304 = arith.constant 0 : i32
        %get3A_305 = arith.index_cast %get3A_304 : i32 to index
        %get3A_306 = arith.index_cast %scan3A_234 : i32 to index
        %get3A_307 = arith.constant 64 : index
        %get3A_308 = tpu.vector_load %arg12[%get3A_305, %get3A_306, %get3A_307] {strides = array<i32>} : memref<2x128x128xf32, #tpu.memory_space<vmem>>, vector<16xf32>,
        %add3A_309 = arith.addf %get3A_303, %get3A_308 : vector<16xf32>
        %max3A_310 = arith.constant 0.000000e+00 : f32
        %max3A_311 = vector.broadcast %max3A_310 : f32 to vector<16xf32>
        %max3A_312 = arith.maximumf %add3A_309, %max3A_311 : vector<16xf32>
        %mul3A_313 = arith.mulf %max3A_312, %get3A_9 : vector<16xf32>
        %add3A_314 = arith.addf %add3A_298, %mul3A_313 : vector<16xf32>
        %get3A_315 = arith.constant 0 : i32
        %get3A_316 = arith.index_cast %get3A_315 : i32 to index
        %get3A_317 = arith.index_cast %scan3A_234 : i32 to index
        %get3A_318 = arith.constant 80 : index
        %get3A_319 = tpu.vector_load %arg11[%get3A_316, %get3A_317, %get3A_318] {strides = array<i32>} : memref<2x128x128xf32, #tpu.memory_space<vmem>>, vector<16xf32>,
        %get3A_320 = arith.constant 0 : i32
        %get3A_321 = arith.index_cast %get3A_320 : i32 to index
        %get3A_322 = arith.index_cast %scan3A_234 : i32 to index
        %get3A_323 = arith.constant 80 : index
        %get3A_324 = tpu.vector_load %arg12[%get3A_321, %get3A_322, %get3A_323] {strides = array<i32>} : memref<2x128x128xf32, #tpu.memory_space<vmem>>, vector<16xf32>,
        %add3A_325 = arith.addf %get3A_319, %get3A_324 : vector<16xf32>
        %max3A_326 = arith.constant 0.000000e+00 : f32
        %max3A_327 = vector.broadcast %max3A_326 : f32 to vector<16xf32>
        %max3A_328 = arith.maximumf %add3A_325, %max3A_327 : vector<16xf32>
        %mul3A_329 = arith.mulf %max3A_328, %get3A_11 : vector<16xf32>
        %add3A_330 = arith.addf %add3A_314, %mul3A_329 : vector<16xf32>
        %get3A_331 = arith.constant 0 : i32
        %get3A_332 = arith.index_cast %get3A_331 : i32 to index
        %get3A_333 = arith.index_cast %scan3A_234 : i32 to index
        %get3A_334 = arith.constant 96 : index
        %get3A_335 = tpu.vector_load %arg11[%get3A_332, %get3A_333, %get3A_334] {strides = array<i32>} : memref<2x128x128xf32, #tpu.memory_space<vmem>>, vector<16xf32>,
        %get3A_336 = arith.constant 0 : i32
        %get3A_337 = arith.index_cast %get3A_336 : i32 to index
        %get3A_338 = arith.index_cast %scan3A_234 : i32 to index
        %get3A_339 = arith.constant 96 : index
        %get3A_340 = tpu.vector_load %arg12[%get3A_337, %get3A_338, %get3A_339] {strides = array<i32>} : memref<2x128x128xf32, #tpu.memory_space<vmem>>, vector<16xf32>,
        %add3A_341 = arith.addf %get3A_335, %get3A_340 : vector<16xf32>
        %max3A_342 = arith.constant 0.000000e+00 : f32
        %max3A_343 = vector.broadcast %max3A_342 : f32 to vector<16xf32>
        %max3A_344 = arith.maximumf %add3A_341, %max3A_343 : vector<16xf32>
        %mul3A_345 = arith.mulf %max3A_344, %get3A_13 : vector<16xf32>
        %add3A_346 = arith.addf %add3A_330, %mul3A_345 : vector<16xf32>
        %get3A_347 = arith.constant 0 : i32
        %get3A_348 = arith.index_cast %get3A_347 : i32 to index
        %get3A_349 = arith.index_cast %scan3A_234 : i32 to index
        %get3A_350 = arith.constant 112 : index
        %get3A_351 = tpu.vector_load %arg11[%get3A_348, %get3A_349, %get3A_350] {strides = array<i32>} : memref<2x128x128xf32, #tpu.memory_space<vmem>>, vector<16xf32>,
        %get3A_352 = arith.constant 0 : i32
        %get3A_353 = arith.index_cast %get3A_352 : i32 to index
        %get3A_354 = arith.index_cast %scan3A_234 : i32 to index
        %get3A_355 = arith.constant 112 : index
        %get3A_356 = tpu.vector_load %arg12[%get3A_353, %get3A_354, %get3A_355] {strides = array<i32>} : memref<2x128x128xf32, #tpu.memory_space<vmem>>, vector<16xf32>,
        %add3A_357 = arith.addf %get3A_351, %get3A_356 : vector<16xf32>
        %max3A_358 = arith.constant 0.000000e+00 : f32
        %max3A_359 = vector.broadcast %max3A_358 : f32 to vector<16xf32>
        %max3A_360 = arith.maximumf %add3A_357, %max3A_359 : vector<16xf32>
        %mul3A_361 = arith.mulf %max3A_360, %get3A_15 : vector<16xf32>
        %add3A_362 = arith.addf %add3A_346, %mul3A_361 : vector<16xf32>
        %swap3A = arith.index_cast %scan3A_234 : i32 to index
        %swap3A_363 = arith.constant 0 : index
        %swap3A_364 = tpu.vector_load %arg16[%swap3A, %swap3A_363] {strides = array<i32>} : memref<128x17xf32, #tpu.memory_space<vmem>>, vector<16xf32>,
        tpu.vector_store %arg16[%swap3A, %swap3A_363], %add3A_362 {strides = array<i32>} : memref<128x17xf32, #tpu.memory_space<vmem>>, vector<16xf32>,
        %scan3A_365 = arith.constant 0 : i32
        scf.yield %scan3A_365 : i32
      }
      %scan3A_168 = arith.constant 128 : i32
      %scan3A_169 = arith.constant 0 : i32
      %scan3A_170 = arith.constant 0 : i32
      %scan3A_171 = arith.constant 8 : i32
      %scan3A_172 = arith.addi %scan3A_170, %scan3A_171 : i32
      %scan3A_173 = arith.constant 1 : i32
      %scan3A_174 = scf.for %scan3A_234 = %scan3A_170 to %scan3A_172 step %scan3A_173 iter_args(%scan3A_235 = %scan3A_169) -> (i32)  : i32 {
        %mul3A_236 = arith.constant 16 : i32
        %mul3A_237 = arith.muli %scan3A_234, %mul3A_236 : i32
        %iota3A = tpu.iota {dimensions = array<i32: 0>} : vector<16xi32>
        %add3A_238 = vector.broadcast %mul3A_237 : i32 to vector<16xi32>
        %add3A_239 = arith.addi %add3A_238, %iota3A : vector<16xi32>
        %broadcast_in_dim3A_240 = arith.constant 0 : i32
        %broadcast_in_dim3A_241 = vector.broadcast %broadcast_in_dim3A_240 : i32 to vector<16xi32>
        %gather3A = tpu.vector_load_idx %arg16[%add3A_239, %broadcast_in_dim3A_241] : memref<128x17xf32, #tpu.memory_space<vmem>>[vector<16xi32>, vector<16xi32>], vector<16xf32>,
        %add3A_242 = arith.addf %broadcast_in_dim3A_18, %gather3A : vector<16xf32>
        %broadcast_in_dim3A_243 = arith.constant 1 : i32
        %broadcast_in_dim3A_244 = vector.broadcast %broadcast_in_dim3A_243 : i32 to vector<16xi32>
        %gather3A_245 = tpu.vector_load_idx %arg16[%add3A_239, %broadcast_in_dim3A_244] : memref<128x17xf32, #tpu.memory_space<vmem>>[vector<16xi32>, vector<16xi32>], vector<16xf32>,
        %add3A_246 = arith.addf %add3A_242, %gather3A_245 : vector<16xf32>
        %broadcast_in_dim3A_247 = arith.constant 2 : i32
        %broadcast_in_dim3A_248 = vector.broadcast %broadcast_in_dim3A_247 : i32 to vector<16xi32>
        %gather3A_249 = tpu.vector_load_idx %arg16[%add3A_239, %broadcast_in_dim3A_248] : memref<128x17xf32, #tpu.memory_space<vmem>>[vector<16xi32>, vector<16xi32>], vector<16xf32>,
        %add3A_250 = arith.addf %add3A_246, %gather3A_249 : vector<16xf32>
        %broadcast_in_dim3A_251 = arith.constant 3 : i32
        %broadcast_in_dim3A_252 = vector.broadcast %broadcast_in_dim3A_251 : i32 to vector<16xi32>
        %gather3A_253 = tpu.vector_load_idx %arg16[%add3A_239, %broadcast_in_dim3A_252] : memref<128x17xf32, #tpu.memory_space<vmem>>[vector<16xi32>, vector<16xi32>], vector<16xf32>,
        %add3A_254 = arith.addf %add3A_250, %gather3A_253 : vector<16xf32>
        %broadcast_in_dim3A_255 = arith.constant 4 : i32
        %broadcast_in_dim3A_256 = vector.broadcast %broadcast_in_dim3A_255 : i32 to vector<16xi32>
        %gather3A_257 = tpu.vector_load_idx %arg16[%add3A_239, %broadcast_in_dim3A_256] : memref<128x17xf32, #tpu.memory_space<vmem>>[vector<16xi32>, vector<16xi32>], vector<16xf32>,
        %add3A_258 = arith.addf %add3A_254, %gather3A_257 : vector<16xf32>
        %broadcast_in_dim3A_259 = arith.constant 5 : i32
        %broadcast_in_dim3A_260 = vector.broadcast %broadcast_in_dim3A_259 : i32 to vector<16xi32>
        %gather3A_261 = tpu.vector_load_idx %arg16[%add3A_239, %broadcast_in_dim3A_260] : memref<128x17xf32, #tpu.memory_space<vmem>>[vector<16xi32>, vector<16xi32>], vector<16xf32>,
        %add3A_262 = arith.addf %add3A_258, %gather3A_261 : vector<16xf32>
        %broadcast_in_dim3A_263 = arith.constant 6 : i32
        %broadcast_in_dim3A_264 = vector.broadcast %broadcast_in_dim3A_263 : i32 to vector<16xi32>
        %gather3A_265 = tpu.vector_load_idx %arg16[%add3A_239, %broadcast_in_dim3A_264] : memref<128x17xf32, #tpu.memory_space<vmem>>[vector<16xi32>, vector<16xi32>], vector<16xf32>,
        %add3A_266 = arith.addf %add3A_262, %gather3A_265 : vector<16xf32>
        %broadcast_in_dim3A_267 = arith.constant 7 : i32
        %broadcast_in_dim3A_268 = vector.broadcast %broadcast_in_dim3A_267 : i32 to vector<16xi32>
        %gather3A_269 = tpu.vector_load_idx %arg16[%add3A_239, %broadcast_in_dim3A_268] : memref<128x17xf32, #tpu.memory_space<vmem>>[vector<16xi32>, vector<16xi32>], vector<16xf32>,
        %add3A_270 = arith.addf %add3A_266, %gather3A_269 : vector<16xf32>
        %broadcast_in_dim3A_271 = arith.constant 8 : i32
        %broadcast_in_dim3A_272 = vector.broadcast %broadcast_in_dim3A_271 : i32 to vector<16xi32>
        %gather3A_273 = tpu.vector_load_idx %arg16[%add3A_239, %broadcast_in_dim3A_272] : memref<128x17xf32, #tpu.memory_space<vmem>>[vector<16xi32>, vector<16xi32>], vector<16xf32>,
        %add3A_274 = arith.addf %add3A_270, %gather3A_273 : vector<16xf32>
        %broadcast_in_dim3A_275 = arith.constant 9 : i32
        %broadcast_in_dim3A_276 = vector.broadcast %broadcast_in_dim3A_275 : i32 to vector<16xi32>
        %gather3A_277 = tpu.vector_load_idx %arg16[%add3A_239, %broadcast_in_dim3A_276] : memref<128x17xf32, #tpu.memory_space<vmem>>[vector<16xi32>, vector<16xi32>], vector<16xf32>,
        %add3A_278 = arith.addf %add3A_274, %gather3A_277 : vector<16xf32>
        %broadcast_in_dim3A_279 = arith.constant 10 : i32
        %broadcast_in_dim3A_280 = vector.broadcast %broadcast_in_dim3A_279 : i32 to vector<16xi32>
        %gather3A_281 = tpu.vector_load_idx %arg16[%add3A_239, %broadcast_in_dim3A_280] : memref<128x17xf32, #tpu.memory_space<vmem>>[vector<16xi32>, vector<16xi32>], vector<16xf32>,
        %add3A_282 = arith.addf %add3A_278, %gather3A_281 : vector<16xf32>
        %broadcast_in_dim3A_283 = arith.constant 11 : i32
        %broadcast_in_dim3A_284 = vector.broadcast %broadcast_in_dim3A_283 : i32 to vector<16xi32>
        %gather3A_285 = tpu.vector_load_idx %arg16[%add3A_239, %broadcast_in_dim3A_284] : memref<128x17xf32, #tpu.memory_space<vmem>>[vector<16xi32>, vector<16xi32>], vector<16xf32>,
        %add3A_286 = arith.addf %add3A_282, %gather3A_285 : vector<16xf32>
        %broadcast_in_dim3A_287 = arith.constant 12 : i32
        %broadcast_in_dim3A_288 = vector.broadcast %broadcast_in_dim3A_287 : i32 to vector<16xi32>
        %gather3A_289 = tpu.vector_load_idx %arg16[%add3A_239, %broadcast_in_dim3A_288] : memref<128x17xf32, #tpu.memory_space<vmem>>[vector<16xi32>, vector<16xi32>], vector<16xf32>,
        %add3A_290 = arith.addf %add3A_286, %gather3A_289 : vector<16xf32>
        %broadcast_in_dim3A_291 = arith.constant 13 : i32
        %broadcast_in_dim3A_292 = vector.broadcast %broadcast_in_dim3A_291 : i32 to vector<16xi32>
        %gather3A_293 = tpu.vector_load_idx %arg16[%add3A_239, %broadcast_in_dim3A_292] : memref<128x17xf32, #tpu.memory_space<vmem>>[vector<16xi32>, vector<16xi32>], vector<16xf32>,
        %add3A_294 = arith.addf %add3A_290, %gather3A_293 : vector<16xf32>
        %broadcast_in_dim3A_295 = arith.constant 14 : i32
        %broadcast_in_dim3A_296 = vector.broadcast %broadcast_in_dim3A_295 : i32 to vector<16xi32>
        %gather3A_297 = tpu.vector_load_idx %arg16[%add3A_239, %broadcast_in_dim3A_296] : memref<128x17xf32, #tpu.memory_space<vmem>>[vector<16xi32>, vector<16xi32>], vector<16xf32>,
        %add3A_298 = arith.addf %add3A_294, %gather3A_297 : vector<16xf32>
        %broadcast_in_dim3A_299 = arith.constant 15 : i32
        %broadcast_in_dim3A_300 = vector.broadcast %broadcast_in_dim3A_299 : i32 to vector<16xi32>
        %gather3A_301 = tpu.vector_load_idx %arg16[%add3A_239, %broadcast_in_dim3A_300] : memref<128x17xf32, #tpu.memory_space<vmem>>[vector<16xi32>, vector<16xi32>], vector<16xf32>,
        %add3A_302 = arith.addf %add3A_298, %gather3A_301 : vector<16xf32>
        %add3A_303 = arith.addf %add3A_302, %get3A_17 : vector<16xf32>
        %neg3A = arith.constant 0.000000e+00 : f32
        %neg3A_304 = vector.broadcast %neg3A : f32 to vector<16xf32>
        %neg3A_305 = arith.subf %neg3A_304, %add3A_303 : vector<16xf32>
        %exp3A = math.exp %neg3A_305 : vector<16xf32>
        %add3A_306 = arith.constant 1.000000e+00 : f32
        %add3A_307 = vector.broadcast %add3A_306 : f32 to vector<16xf32>
        %add3A_308 = arith.addf %add3A_307, %exp3A : vector<16xf32>
        %div3A = arith.constant 1.000000e+00 : f32
        %div3A_309 = vector.broadcast %div3A : f32 to vector<16xf32>
        %div3A_310 = arith.divf %div3A_309, %add3A_308 : vector<16xf32>
        %mul3A_311 = arith.constant 16 : i32
        %mul3A_312 = arith.muli %scan3A_234, %mul3A_311 : i32
        %swap3A = arith.index_cast %mul3A_312 : i32 to index
        %swap3A_313 = tpu.vector_load %arg15[%swap3A] {strides = array<i32>} : memref<128xf32, #tpu.memory_space<vmem>>, vector<16xf32>,
        tpu.vector_store %arg15[%swap3A], %div3A_310 {strides = array<i32>} : memref<128xf32, #tpu.memory_space<vmem>>, vector<16xf32>,
        %scan3A_314 = arith.constant 0 : i32
        scf.yield %scan3A_314 : i32
      }
      %scan3A_175 = arith.constant 8 : i32
      %add3A_176 = arith.constant 2 : i32
      %add3A_177 = arith.addi %add3A_140, %add3A_176 : i32
      %lt3A = arith.constant 80 : i32
      %lt3A_178 = arith.cmpi slt, %add3A_177, %lt3A : i32
      %convert_element_type3A = arith.extui %lt3A_178 : i1 to i32
      %cond3A = arith.constant 0 : i32
      %cond3A_179 = arith.cmpi ne, %convert_element_type3A, %cond3A : i32
      scf.if %cond3A_179 {
        %add3A_234 = arith.constant 2 : i32
        %add3A_235 = arith.addi %add3A_140, %add3A_234 : i32
        %dma_start3A_236 = arith.constant 0 : i32
        %dma_start3A_237 = arith.constant 0 : i32
        %dma_start3A_238 = arith.constant 0 : i32
        %dma_start3A_239 = tpu.memref_slice %arg11[%dma_start3A_236, %dma_start3A_237, %dma_start3A_238] : memref<2x128x128xf32, #tpu.memory_space<vmem>> -> memref<1x128x128xf32, #tpu.memory_space<vmem>>
        %dma_start3A_240 = tpu.memref_squeeze %dma_start3A_239 : memref<1x128x128xf32, #tpu.memory_space<vmem>> -> memref<128x128xf32, #tpu.memory_space<vmem>>
        %dma_start3A_241 = arith.constant 0 : i32
        %dma_start3A_242 = tpu.memref_slice %arg9[%add3A_235, %dma_start3A_241] : memref<80x128xi32, #tpu.memory_space<vmem>> -> memref<1x128xi32, #tpu.memory_space<vmem>>
        %dma_start3A_243 = tpu.memref_squeeze %dma_start3A_242 : memref<1x128xi32, #tpu.memory_space<vmem>> -> memref<128xi32, #tpu.memory_space<vmem>>
        %dma_start3A_244 = arith.constant 0 : i32
        %dma_start3A_245 = arith.constant 0 : i32
        %dma_start3A_246 = tpu.memref_slice %arg2[%dma_start3A_244, %dma_start3A_245] : memref<10240x128xf32, #tpu.memory_space<hbm>> -> memref<10240x128xf32, #tpu.memory_space<hbm>>
        tpu.enqueue_indirect_dma source(%dma_start3A_246 : memref<10240x128xf32, #tpu.memory_space<hbm>>) target(%dma_start3A_240 : memref<128x128xf32, #tpu.memory_space<vmem>>) offsets(%dma_start3A_243 : memref<128xi32, #tpu.memory_space<vmem>>) semaphore(%arg17 : memref<!tpu.dma_semaphore, #tpu.memory_space<semaphore_mem>>)
        %dma_start3A_247 = arith.constant 0 : i32
        %dma_start3A_248 = arith.constant 0 : i32
        %dma_start3A_249 = arith.constant 0 : i32
        %dma_start3A_250 = tpu.memref_slice %arg12[%dma_start3A_247, %dma_start3A_248, %dma_start3A_249] : memref<2x128x128xf32, #tpu.memory_space<vmem>> -> memref<1x128x128xf32, #tpu.memory_space<vmem>>
        %dma_start3A_251 = tpu.memref_squeeze %dma_start3A_250 : memref<1x128x128xf32, #tpu.memory_space<vmem>> -> memref<128x128xf32, #tpu.memory_space<vmem>>
        %dma_start3A_252 = arith.constant 0 : i32
        %dma_start3A_253 = tpu.memref_slice %arg10[%add3A_235, %dma_start3A_252] : memref<80x128xi32, #tpu.memory_space<vmem>> -> memref<1x128xi32, #tpu.memory_space<vmem>>
        %dma_start3A_254 = tpu.memref_squeeze %dma_start3A_253 : memref<1x128xi32, #tpu.memory_space<vmem>> -> memref<128xi32, #tpu.memory_space<vmem>>
        %dma_start3A_255 = arith.constant 0 : i32
        %dma_start3A_256 = arith.constant 0 : i32
        %dma_start3A_257 = tpu.memref_slice %arg3[%dma_start3A_255, %dma_start3A_256] : memref<10240x128xf32, #tpu.memory_space<hbm>> -> memref<10240x128xf32, #tpu.memory_space<hbm>>
        tpu.enqueue_indirect_dma source(%dma_start3A_257 : memref<10240x128xf32, #tpu.memory_space<hbm>>) target(%dma_start3A_251 : memref<128x128xf32, #tpu.memory_space<vmem>>) offsets(%dma_start3A_254 : memref<128xi32, #tpu.memory_space<vmem>>) semaphore(%arg17 : memref<!tpu.dma_semaphore, #tpu.memory_space<semaphore_mem>>)
      } else {
      }
      %add3A_180 = arith.addi %add3A_79, %add3A_140 : i32
      %mul3A_181 = arith.constant 128 : i32
      %mul3A_182 = arith.muli %add3A_180, %mul3A_181 : i32
      "tpu.region"() ({
        %run_scoped3A = tpu.sem_alloc : memref<!tpu.dma_semaphore, #tpu.memory_space<semaphore_mem>>
        %dma_start3A_234 = tpu.memref_slice %arg8[%mul3A_182] : memref<655360xf32, #tpu.memory_space<hbm>> -> memref<128xf32, #tpu.memory_space<hbm>>
        %dma_start3A_235 = tpu.memref_slice %arg8[%mul3A_182] : memref<655360xf32, #tpu.memory_space<hbm>> -> memref<128xf32, #tpu.memory_space<hbm>>
        tpu.enqueue_dma source(%arg15 : memref<128xf32, #tpu.memory_space<vmem>>) target(%dma_start3A_235 : memref<128xf32, #tpu.memory_space<hbm>>) target_semaphore(%run_scoped3A : memref<!tpu.dma_semaphore, #tpu.memory_space<semaphore_mem>>)
        %dma_wait3A_236 = tpu.memref_slice %arg8[%mul3A_182] : memref<655360xf32, #tpu.memory_space<hbm>> -> memref<128xf32, #tpu.memory_space<hbm>>
        %dma_wait3A_237 = tpu.memref_slice %arg8[%mul3A_182] : memref<655360xf32, #tpu.memory_space<hbm>> -> memref<128xf32, #tpu.memory_space<hbm>>
        tpu.wait_dma2 semaphore(%run_scoped3A : memref<!tpu.dma_semaphore, #tpu.memory_space<semaphore_mem>>) src(%arg15 : memref<128xf32, #tpu.memory_space<vmem>>) dst(%dma_wait3A_237 : memref<128xf32, #tpu.memory_space<hbm>>)
        tpu.yield
      }) : () -> ()
      %mul3A_183 = arith.constant 2 : i32
      %mul3A_184 = arith.muli %scan3A_135, %mul3A_183 : i32
      %add3A_185 = arith.constant 1 : i32
      %add3A_186 = arith.addi %mul3A_184, %add3A_185 : i32
      %dma_wait3A_187 = arith.constant 1 : i32
      %dma_wait3A_188 = arith.constant 0 : i32
      %dma_wait3A_189 = arith.constant 0 : i32
      %dma_wait3A_190 = tpu.memref_slice %arg11[%dma_wait3A_187, %dma_wait3A_188, %dma_wait3A_189] : memref<2x128x128xf32, #tpu.memory_space<vmem>> -> memref<1x128x128xf32, #tpu.memory_space<vmem>>
      %dma_wait3A_191 = tpu.memref_squeeze %dma_wait3A_190 : memref<1x128x128xf32, #tpu.memory_space<vmem>> -> memref<128x128xf32, #tpu.memory_space<vmem>>
      %dma_wait3A_192 = arith.constant 0 : i32
      %dma_wait3A_193 = tpu.memref_slice %arg9[%add3A_186, %dma_wait3A_192] : memref<80x128xi32, #tpu.memory_space<vmem>> -> memref<1x128xi32, #tpu.memory_space<vmem>>
      %dma_wait3A_194 = tpu.memref_squeeze %dma_wait3A_193 : memref<1x128xi32, #tpu.memory_space<vmem>> -> memref<128xi32, #tpu.memory_space<vmem>>
      %dma_wait3A_195 = arith.constant 0 : i32
      %dma_wait3A_196 = arith.constant 0 : i32
      %dma_wait3A_197 = tpu.memref_slice %arg2[%dma_wait3A_195, %dma_wait3A_196] : memref<10240x128xf32, #tpu.memory_space<hbm>> -> memref<10240x128xf32, #tpu.memory_space<hbm>>
      tpu.wait_indirect_dma semaphore(%arg18 : memref<!tpu.dma_semaphore, #tpu.memory_space<semaphore_mem>>) src(%dma_wait3A_197 : memref<10240x128xf32, #tpu.memory_space<hbm>>) dst(%dma_wait3A_191 : memref<128x128xf32, #tpu.memory_space<vmem>>)
      %dma_wait3A_198 = arith.constant 1 : i32
      %dma_wait3A_199 = arith.constant 0 : i32
      %dma_wait3A_200 = arith.constant 0 : i32
      %dma_wait3A_201 = tpu.memref_slice %arg12[%dma_wait3A_198, %dma_wait3A_199, %dma_wait3A_200] : memref<2x128x128xf32, #tpu.memory_space<vmem>> -> memref<1x128x128xf32, #tpu.memory_space<vmem>>
      %dma_wait3A_202 = tpu.memref_squeeze %dma_wait3A_201 : memref<1x128x128xf32, #tpu.memory_space<vmem>> -> memref<128x128xf32, #tpu.memory_space<vmem>>
      %dma_wait3A_203 = arith.constant 0 : i32
      %dma_wait3A_204 = tpu.memref_slice %arg10[%add3A_186, %dma_wait3A_203] : memref<80x128xi32, #tpu.memory_space<vmem>> -> memref<1x128xi32, #tpu.memory_space<vmem>>
      %dma_wait3A_205 = tpu.memref_squeeze %dma_wait3A_204 : memref<1x128xi32, #tpu.memory_space<vmem>> -> memref<128xi32, #tpu.memory_space<vmem>>
      %dma_wait3A_206 = arith.constant 0 : i32
      %dma_wait3A_207 = arith.constant 0 : i32
      %dma_wait3A_208 = tpu.memref_slice %arg3[%dma_wait3A_206, %dma_wait3A_207] : memref<10240x128xf32, #tpu.memory_space<hbm>> -> memref<10240x128xf32, #tpu.memory_space<hbm>>
      tpu.wait_indirect_dma semaphore(%arg18 : memref<!tpu.dma_semaphore, #tpu.memory_space<semaphore_mem>>) src(%dma_wait3A_208 : memref<10240x128xf32, #tpu.memory_space<hbm>>) dst(%dma_wait3A_202 : memref<128x128xf32, #tpu.memory_space<vmem>>)
      %scan3A_209 = arith.constant 0 : i32
      %scan3A_210 = arith.constant 0 : i32
      %scan3A_211 = arith.constant 128 : i32
      %scan3A_212 = arith.addi %scan3A_210, %scan3A_211 : i32
      %scan3A_213 = arith.constant 1 : i32
      %scan3A_214 = scf.for %scan3A_234 = %scan3A_210 to %scan3A_212 step %scan3A_213 iter_args(%scan3A_235 = %scan3A_209) -> (i32)  : i32 {
        %get3A_236 = arith.constant 1 : i32
        %get3A_237 = arith.index_cast %get3A_236 : i32 to index
        %get3A_238 = arith.index_cast %scan3A_234 : i32 to index
        %get3A_239 = arith.constant 0 : index
        %get3A_240 = tpu.vector_load %arg11[%get3A_237, %get3A_238, %get3A_239] {strides = array<i32>} : memref<2x128x128xf32, #tpu.memory_space<vmem>>, vector<16xf32>,
        %get3A_241 = arith.constant 1 : i32
        %get3A_242 = arith.index_cast %get3A_241 : i32 to index
        %get3A_243 = arith.index_cast %scan3A_234 : i32 to index
        %get3A_244 = arith.constant 0 : index
        %get3A_245 = tpu.vector_load %arg12[%get3A_242, %get3A_243, %get3A_244] {strides = array<i32>} : memref<2x128x128xf32, #tpu.memory_space<vmem>>, vector<16xf32>,
        %add3A_246 = arith.addf %get3A_240, %get3A_245 : vector<16xf32>
        %max3A = arith.constant 0.000000e+00 : f32
        %max3A_247 = vector.broadcast %max3A : f32 to vector<16xf32>
        %max3A_248 = arith.maximumf %add3A_246, %max3A_247 : vector<16xf32>
        %mul3A_249 = arith.mulf %max3A_248, %get3A_1 : vector<16xf32>
        %add3A_250 = arith.addf %broadcast_in_dim3A_18, %mul3A_249 : vector<16xf32>
        %get3A_251 = arith.constant 1 : i32
        %get3A_252 = arith.index_cast %get3A_251 : i32 to index
        %get3A_253 = arith.index_cast %scan3A_234 : i32 to index
        %get3A_254 = arith.constant 16 : index
        %get3A_255 = tpu.vector_load %arg11[%get3A_252, %get3A_253, %get3A_254] {strides = array<i32>} : memref<2x128x128xf32, #tpu.memory_space<vmem>>, vector<16xf32>,
        %get3A_256 = arith.constant 1 : i32
        %get3A_257 = arith.index_cast %get3A_256 : i32 to index
        %get3A_258 = arith.index_cast %scan3A_234 : i32 to index
        %get3A_259 = arith.constant 16 : index
        %get3A_260 = tpu.vector_load %arg12[%get3A_257, %get3A_258, %get3A_259] {strides = array<i32>} : memref<2x128x128xf32, #tpu.memory_space<vmem>>, vector<16xf32>,
        %add3A_261 = arith.addf %get3A_255, %get3A_260 : vector<16xf32>
        %max3A_262 = arith.constant 0.000000e+00 : f32
        %max3A_263 = vector.broadcast %max3A_262 : f32 to vector<16xf32>
        %max3A_264 = arith.maximumf %add3A_261, %max3A_263 : vector<16xf32>
        %mul3A_265 = arith.mulf %max3A_264, %get3A_3 : vector<16xf32>
        %add3A_266 = arith.addf %add3A_250, %mul3A_265 : vector<16xf32>
        %get3A_267 = arith.constant 1 : i32
        %get3A_268 = arith.index_cast %get3A_267 : i32 to index
        %get3A_269 = arith.index_cast %scan3A_234 : i32 to index
        %get3A_270 = arith.constant 32 : index
        %get3A_271 = tpu.vector_load %arg11[%get3A_268, %get3A_269, %get3A_270] {strides = array<i32>} : memref<2x128x128xf32, #tpu.memory_space<vmem>>, vector<16xf32>,
        %get3A_272 = arith.constant 1 : i32
        %get3A_273 = arith.index_cast %get3A_272 : i32 to index
        %get3A_274 = arith.index_cast %scan3A_234 : i32 to index
        %get3A_275 = arith.constant 32 : index
        %get3A_276 = tpu.vector_load %arg12[%get3A_273, %get3A_274, %get3A_275] {strides = array<i32>} : memref<2x128x128xf32, #tpu.memory_space<vmem>>, vector<16xf32>,
        %add3A_277 = arith.addf %get3A_271, %get3A_276 : vector<16xf32>
        %max3A_278 = arith.constant 0.000000e+00 : f32
        %max3A_279 = vector.broadcast %max3A_278 : f32 to vector<16xf32>
        %max3A_280 = arith.maximumf %add3A_277, %max3A_279 : vector<16xf32>
        %mul3A_281 = arith.mulf %max3A_280, %get3A_5 : vector<16xf32>
        %add3A_282 = arith.addf %add3A_266, %mul3A_281 : vector<16xf32>
        %get3A_283 = arith.constant 1 : i32
        %get3A_284 = arith.index_cast %get3A_283 : i32 to index
        %get3A_285 = arith.index_cast %scan3A_234 : i32 to index
        %get3A_286 = arith.constant 48 : index
        %get3A_287 = tpu.vector_load %arg11[%get3A_284, %get3A_285, %get3A_286] {strides = array<i32>} : memref<2x128x128xf32, #tpu.memory_space<vmem>>, vector<16xf32>,
        %get3A_288 = arith.constant 1 : i32
        %get3A_289 = arith.index_cast %get3A_288 : i32 to index
        %get3A_290 = arith.index_cast %scan3A_234 : i32 to index
        %get3A_291 = arith.constant 48 : index
        %get3A_292 = tpu.vector_load %arg12[%get3A_289, %get3A_290, %get3A_291] {strides = array<i32>} : memref<2x128x128xf32, #tpu.memory_space<vmem>>, vector<16xf32>,
        %add3A_293 = arith.addf %get3A_287, %get3A_292 : vector<16xf32>
        %max3A_294 = arith.constant 0.000000e+00 : f32
        %max3A_295 = vector.broadcast %max3A_294 : f32 to vector<16xf32>
        %max3A_296 = arith.maximumf %add3A_293, %max3A_295 : vector<16xf32>
        %mul3A_297 = arith.mulf %max3A_296, %get3A_7 : vector<16xf32>
        %add3A_298 = arith.addf %add3A_282, %mul3A_297 : vector<16xf32>
        %get3A_299 = arith.constant 1 : i32
        %get3A_300 = arith.index_cast %get3A_299 : i32 to index
        %get3A_301 = arith.index_cast %scan3A_234 : i32 to index
        %get3A_302 = arith.constant 64 : index
        %get3A_303 = tpu.vector_load %arg11[%get3A_300, %get3A_301, %get3A_302] {strides = array<i32>} : memref<2x128x128xf32, #tpu.memory_space<vmem>>, vector<16xf32>,
        %get3A_304 = arith.constant 1 : i32
        %get3A_305 = arith.index_cast %get3A_304 : i32 to index
        %get3A_306 = arith.index_cast %scan3A_234 : i32 to index
        %get3A_307 = arith.constant 64 : index
        %get3A_308 = tpu.vector_load %arg12[%get3A_305, %get3A_306, %get3A_307] {strides = array<i32>} : memref<2x128x128xf32, #tpu.memory_space<vmem>>, vector<16xf32>,
        %add3A_309 = arith.addf %get3A_303, %get3A_308 : vector<16xf32>
        %max3A_310 = arith.constant 0.000000e+00 : f32
        %max3A_311 = vector.broadcast %max3A_310 : f32 to vector<16xf32>
        %max3A_312 = arith.maximumf %add3A_309, %max3A_311 : vector<16xf32>
        %mul3A_313 = arith.mulf %max3A_312, %get3A_9 : vector<16xf32>
        %add3A_314 = arith.addf %add3A_298, %mul3A_313 : vector<16xf32>
        %get3A_315 = arith.constant 1 : i32
        %get3A_316 = arith.index_cast %get3A_315 : i32 to index
        %get3A_317 = arith.index_cast %scan3A_234 : i32 to index
        %get3A_318 = arith.constant 80 : index
        %get3A_319 = tpu.vector_load %arg11[%get3A_316, %get3A_317, %get3A_318] {strides = array<i32>} : memref<2x128x128xf32, #tpu.memory_space<vmem>>, vector<16xf32>,
        %get3A_320 = arith.constant 1 : i32
        %get3A_321 = arith.index_cast %get3A_320 : i32 to index
        %get3A_322 = arith.index_cast %scan3A_234 : i32 to index
        %get3A_323 = arith.constant 80 : index
        %get3A_324 = tpu.vector_load %arg12[%get3A_321, %get3A_322, %get3A_323] {strides = array<i32>} : memref<2x128x128xf32, #tpu.memory_space<vmem>>, vector<16xf32>,
        %add3A_325 = arith.addf %get3A_319, %get3A_324 : vector<16xf32>
        %max3A_326 = arith.constant 0.000000e+00 : f32
        %max3A_327 = vector.broadcast %max3A_326 : f32 to vector<16xf32>
        %max3A_328 = arith.maximumf %add3A_325, %max3A_327 : vector<16xf32>
        %mul3A_329 = arith.mulf %max3A_328, %get3A_11 : vector<16xf32>
        %add3A_330 = arith.addf %add3A_314, %mul3A_329 : vector<16xf32>
        %get3A_331 = arith.constant 1 : i32
        %get3A_332 = arith.index_cast %get3A_331 : i32 to index
        %get3A_333 = arith.index_cast %scan3A_234 : i32 to index
        %get3A_334 = arith.constant 96 : index
        %get3A_335 = tpu.vector_load %arg11[%get3A_332, %get3A_333, %get3A_334] {strides = array<i32>} : memref<2x128x128xf32, #tpu.memory_space<vmem>>, vector<16xf32>,
        %get3A_336 = arith.constant 1 : i32
        %get3A_337 = arith.index_cast %get3A_336 : i32 to index
        %get3A_338 = arith.index_cast %scan3A_234 : i32 to index
        %get3A_339 = arith.constant 96 : index
        %get3A_340 = tpu.vector_load %arg12[%get3A_337, %get3A_338, %get3A_339] {strides = array<i32>} : memref<2x128x128xf32, #tpu.memory_space<vmem>>, vector<16xf32>,
        %add3A_341 = arith.addf %get3A_335, %get3A_340 : vector<16xf32>
        %max3A_342 = arith.constant 0.000000e+00 : f32
        %max3A_343 = vector.broadcast %max3A_342 : f32 to vector<16xf32>
        %max3A_344 = arith.maximumf %add3A_341, %max3A_343 : vector<16xf32>
        %mul3A_345 = arith.mulf %max3A_344, %get3A_13 : vector<16xf32>
        %add3A_346 = arith.addf %add3A_330, %mul3A_345 : vector<16xf32>
        %get3A_347 = arith.constant 1 : i32
        %get3A_348 = arith.index_cast %get3A_347 : i32 to index
        %get3A_349 = arith.index_cast %scan3A_234 : i32 to index
        %get3A_350 = arith.constant 112 : index
        %get3A_351 = tpu.vector_load %arg11[%get3A_348, %get3A_349, %get3A_350] {strides = array<i32>} : memref<2x128x128xf32, #tpu.memory_space<vmem>>, vector<16xf32>,
        %get3A_352 = arith.constant 1 : i32
        %get3A_353 = arith.index_cast %get3A_352 : i32 to index
        %get3A_354 = arith.index_cast %scan3A_234 : i32 to index
        %get3A_355 = arith.constant 112 : index
        %get3A_356 = tpu.vector_load %arg12[%get3A_353, %get3A_354, %get3A_355] {strides = array<i32>} : memref<2x128x128xf32, #tpu.memory_space<vmem>>, vector<16xf32>,
        %add3A_357 = arith.addf %get3A_351, %get3A_356 : vector<16xf32>
        %max3A_358 = arith.constant 0.000000e+00 : f32
        %max3A_359 = vector.broadcast %max3A_358 : f32 to vector<16xf32>
        %max3A_360 = arith.maximumf %add3A_357, %max3A_359 : vector<16xf32>
        %mul3A_361 = arith.mulf %max3A_360, %get3A_15 : vector<16xf32>
        %add3A_362 = arith.addf %add3A_346, %mul3A_361 : vector<16xf32>
        %swap3A = arith.index_cast %scan3A_234 : i32 to index
        %swap3A_363 = arith.constant 0 : index
        %swap3A_364 = tpu.vector_load %arg16[%swap3A, %swap3A_363] {strides = array<i32>} : memref<128x17xf32, #tpu.memory_space<vmem>>, vector<16xf32>,
        tpu.vector_store %arg16[%swap3A, %swap3A_363], %add3A_362 {strides = array<i32>} : memref<128x17xf32, #tpu.memory_space<vmem>>, vector<16xf32>,
        %scan3A_365 = arith.constant 0 : i32
        scf.yield %scan3A_365 : i32
      }
      %scan3A_215 = arith.constant 128 : i32
      %scan3A_216 = arith.constant 0 : i32
      %scan3A_217 = arith.constant 0 : i32
      %scan3A_218 = arith.constant 8 : i32
      %scan3A_219 = arith.addi %scan3A_217, %scan3A_218 : i32
      %scan3A_220 = arith.constant 1 : i32
      %scan3A_221 = scf.for %scan3A_234 = %scan3A_217 to %scan3A_219 step %scan3A_220 iter_args(%scan3A_235 = %scan3A_216) -> (i32)  : i32 {
        %mul3A_236 = arith.constant 16 : i32
        %mul3A_237 = arith.muli %scan3A_234, %mul3A_236 : i32
        %iota3A = tpu.iota {dimensions = array<i32: 0>} : vector<16xi32>
        %add3A_238 = vector.broadcast %mul3A_237 : i32 to vector<16xi32>
        %add3A_239 = arith.addi %add3A_238, %iota3A : vector<16xi32>
        %broadcast_in_dim3A_240 = arith.constant 0 : i32
        %broadcast_in_dim3A_241 = vector.broadcast %broadcast_in_dim3A_240 : i32 to vector<16xi32>
        %gather3A = tpu.vector_load_idx %arg16[%add3A_239, %broadcast_in_dim3A_241] : memref<128x17xf32, #tpu.memory_space<vmem>>[vector<16xi32>, vector<16xi32>], vector<16xf32>,
        %add3A_242 = arith.addf %broadcast_in_dim3A_18, %gather3A : vector<16xf32>
        %broadcast_in_dim3A_243 = arith.constant 1 : i32
        %broadcast_in_dim3A_244 = vector.broadcast %broadcast_in_dim3A_243 : i32 to vector<16xi32>
        %gather3A_245 = tpu.vector_load_idx %arg16[%add3A_239, %broadcast_in_dim3A_244] : memref<128x17xf32, #tpu.memory_space<vmem>>[vector<16xi32>, vector<16xi32>], vector<16xf32>,
        %add3A_246 = arith.addf %add3A_242, %gather3A_245 : vector<16xf32>
        %broadcast_in_dim3A_247 = arith.constant 2 : i32
        %broadcast_in_dim3A_248 = vector.broadcast %broadcast_in_dim3A_247 : i32 to vector<16xi32>
        %gather3A_249 = tpu.vector_load_idx %arg16[%add3A_239, %broadcast_in_dim3A_248] : memref<128x17xf32, #tpu.memory_space<vmem>>[vector<16xi32>, vector<16xi32>], vector<16xf32>,
        %add3A_250 = arith.addf %add3A_246, %gather3A_249 : vector<16xf32>
        %broadcast_in_dim3A_251 = arith.constant 3 : i32
        %broadcast_in_dim3A_252 = vector.broadcast %broadcast_in_dim3A_251 : i32 to vector<16xi32>
        %gather3A_253 = tpu.vector_load_idx %arg16[%add3A_239, %broadcast_in_dim3A_252] : memref<128x17xf32, #tpu.memory_space<vmem>>[vector<16xi32>, vector<16xi32>], vector<16xf32>,
        %add3A_254 = arith.addf %add3A_250, %gather3A_253 : vector<16xf32>
        %broadcast_in_dim3A_255 = arith.constant 4 : i32
        %broadcast_in_dim3A_256 = vector.broadcast %broadcast_in_dim3A_255 : i32 to vector<16xi32>
        %gather3A_257 = tpu.vector_load_idx %arg16[%add3A_239, %broadcast_in_dim3A_256] : memref<128x17xf32, #tpu.memory_space<vmem>>[vector<16xi32>, vector<16xi32>], vector<16xf32>,
        %add3A_258 = arith.addf %add3A_254, %gather3A_257 : vector<16xf32>
        %broadcast_in_dim3A_259 = arith.constant 5 : i32
        %broadcast_in_dim3A_260 = vector.broadcast %broadcast_in_dim3A_259 : i32 to vector<16xi32>
        %gather3A_261 = tpu.vector_load_idx %arg16[%add3A_239, %broadcast_in_dim3A_260] : memref<128x17xf32, #tpu.memory_space<vmem>>[vector<16xi32>, vector<16xi32>], vector<16xf32>,
        %add3A_262 = arith.addf %add3A_258, %gather3A_261 : vector<16xf32>
        %broadcast_in_dim3A_263 = arith.constant 6 : i32
        %broadcast_in_dim3A_264 = vector.broadcast %broadcast_in_dim3A_263 : i32 to vector<16xi32>
        %gather3A_265 = tpu.vector_load_idx %arg16[%add3A_239, %broadcast_in_dim3A_264] : memref<128x17xf32, #tpu.memory_space<vmem>>[vector<16xi32>, vector<16xi32>], vector<16xf32>,
        %add3A_266 = arith.addf %add3A_262, %gather3A_265 : vector<16xf32>
        %broadcast_in_dim3A_267 = arith.constant 7 : i32
        %broadcast_in_dim3A_268 = vector.broadcast %broadcast_in_dim3A_267 : i32 to vector<16xi32>
        %gather3A_269 = tpu.vector_load_idx %arg16[%add3A_239, %broadcast_in_dim3A_268] : memref<128x17xf32, #tpu.memory_space<vmem>>[vector<16xi32>, vector<16xi32>], vector<16xf32>,
        %add3A_270 = arith.addf %add3A_266, %gather3A_269 : vector<16xf32>
        %broadcast_in_dim3A_271 = arith.constant 8 : i32
        %broadcast_in_dim3A_272 = vector.broadcast %broadcast_in_dim3A_271 : i32 to vector<16xi32>
        %gather3A_273 = tpu.vector_load_idx %arg16[%add3A_239, %broadcast_in_dim3A_272] : memref<128x17xf32, #tpu.memory_space<vmem>>[vector<16xi32>, vector<16xi32>], vector<16xf32>,
        %add3A_274 = arith.addf %add3A_270, %gather3A_273 : vector<16xf32>
        %broadcast_in_dim3A_275 = arith.constant 9 : i32
        %broadcast_in_dim3A_276 = vector.broadcast %broadcast_in_dim3A_275 : i32 to vector<16xi32>
        %gather3A_277 = tpu.vector_load_idx %arg16[%add3A_239, %broadcast_in_dim3A_276] : memref<128x17xf32, #tpu.memory_space<vmem>>[vector<16xi32>, vector<16xi32>], vector<16xf32>,
        %add3A_278 = arith.addf %add3A_274, %gather3A_277 : vector<16xf32>
        %broadcast_in_dim3A_279 = arith.constant 10 : i32
        %broadcast_in_dim3A_280 = vector.broadcast %broadcast_in_dim3A_279 : i32 to vector<16xi32>
        %gather3A_281 = tpu.vector_load_idx %arg16[%add3A_239, %broadcast_in_dim3A_280] : memref<128x17xf32, #tpu.memory_space<vmem>>[vector<16xi32>, vector<16xi32>], vector<16xf32>,
        %add3A_282 = arith.addf %add3A_278, %gather3A_281 : vector<16xf32>
        %broadcast_in_dim3A_283 = arith.constant 11 : i32
        %broadcast_in_dim3A_284 = vector.broadcast %broadcast_in_dim3A_283 : i32 to vector<16xi32>
        %gather3A_285 = tpu.vector_load_idx %arg16[%add3A_239, %broadcast_in_dim3A_284] : memref<128x17xf32, #tpu.memory_space<vmem>>[vector<16xi32>, vector<16xi32>], vector<16xf32>,
        %add3A_286 = arith.addf %add3A_282, %gather3A_285 : vector<16xf32>
        %broadcast_in_dim3A_287 = arith.constant 12 : i32
        %broadcast_in_dim3A_288 = vector.broadcast %broadcast_in_dim3A_287 : i32 to vector<16xi32>
        %gather3A_289 = tpu.vector_load_idx %arg16[%add3A_239, %broadcast_in_dim3A_288] : memref<128x17xf32, #tpu.memory_space<vmem>>[vector<16xi32>, vector<16xi32>], vector<16xf32>,
        %add3A_290 = arith.addf %add3A_286, %gather3A_289 : vector<16xf32>
        %broadcast_in_dim3A_291 = arith.constant 13 : i32
        %broadcast_in_dim3A_292 = vector.broadcast %broadcast_in_dim3A_291 : i32 to vector<16xi32>
        %gather3A_293 = tpu.vector_load_idx %arg16[%add3A_239, %broadcast_in_dim3A_292] : memref<128x17xf32, #tpu.memory_space<vmem>>[vector<16xi32>, vector<16xi32>], vector<16xf32>,
        %add3A_294 = arith.addf %add3A_290, %gather3A_293 : vector<16xf32>
        %broadcast_in_dim3A_295 = arith.constant 14 : i32
        %broadcast_in_dim3A_296 = vector.broadcast %broadcast_in_dim3A_295 : i32 to vector<16xi32>
        %gather3A_297 = tpu.vector_load_idx %arg16[%add3A_239, %broadcast_in_dim3A_296] : memref<128x17xf32, #tpu.memory_space<vmem>>[vector<16xi32>, vector<16xi32>], vector<16xf32>,
        %add3A_298 = arith.addf %add3A_294, %gather3A_297 : vector<16xf32>
        %broadcast_in_dim3A_299 = arith.constant 15 : i32
        %broadcast_in_dim3A_300 = vector.broadcast %broadcast_in_dim3A_299 : i32 to vector<16xi32>
        %gather3A_301 = tpu.vector_load_idx %arg16[%add3A_239, %broadcast_in_dim3A_300] : memref<128x17xf32, #tpu.memory_space<vmem>>[vector<16xi32>, vector<16xi32>], vector<16xf32>,
        %add3A_302 = arith.addf %add3A_298, %gather3A_301 : vector<16xf32>
        %add3A_303 = arith.addf %add3A_302, %get3A_17 : vector<16xf32>
        %neg3A = arith.constant 0.000000e+00 : f32
        %neg3A_304 = vector.broadcast %neg3A : f32 to vector<16xf32>
        %neg3A_305 = arith.subf %neg3A_304, %add3A_303 : vector<16xf32>
        %exp3A = math.exp %neg3A_305 : vector<16xf32>
        %add3A_306 = arith.constant 1.000000e+00 : f32
        %add3A_307 = vector.broadcast %add3A_306 : f32 to vector<16xf32>
        %add3A_308 = arith.addf %add3A_307, %exp3A : vector<16xf32>
        %div3A = arith.constant 1.000000e+00 : f32
        %div3A_309 = vector.broadcast %div3A : f32 to vector<16xf32>
        %div3A_310 = arith.divf %div3A_309, %add3A_308 : vector<16xf32>
        %mul3A_311 = arith.constant 16 : i32
        %mul3A_312 = arith.muli %scan3A_234, %mul3A_311 : i32
        %swap3A = arith.index_cast %mul3A_312 : i32 to index
        %swap3A_313 = tpu.vector_load %arg15[%swap3A] {strides = array<i32>} : memref<128xf32, #tpu.memory_space<vmem>>, vector<16xf32>,
        tpu.vector_store %arg15[%swap3A], %div3A_310 {strides = array<i32>} : memref<128xf32, #tpu.memory_space<vmem>>, vector<16xf32>,
        %scan3A_314 = arith.constant 0 : i32
        scf.yield %scan3A_314 : i32
      }
      %scan3A_222 = arith.constant 8 : i32
      %add3A_223 = arith.constant 2 : i32
      %add3A_224 = arith.addi %add3A_186, %add3A_223 : i32
      %lt3A_225 = arith.constant 80 : i32
      %lt3A_226 = arith.cmpi slt, %add3A_224, %lt3A_225 : i32
      %convert_element_type3A_227 = arith.extui %lt3A_226 : i1 to i32
      %cond3A_228 = arith.constant 0 : i32
      %cond3A_229 = arith.cmpi ne, %convert_element_type3A_227, %cond3A_228 : i32
      scf.if %cond3A_229 {
        %add3A_234 = arith.constant 2 : i32
        %add3A_235 = arith.addi %add3A_186, %add3A_234 : i32
        %dma_start3A_236 = arith.constant 1 : i32
        %dma_start3A_237 = arith.constant 0 : i32
        %dma_start3A_238 = arith.constant 0 : i32
        %dma_start3A_239 = tpu.memref_slice %arg11[%dma_start3A_236, %dma_start3A_237, %dma_start3A_238] : memref<2x128x128xf32, #tpu.memory_space<vmem>> -> memref<1x128x128xf32, #tpu.memory_space<vmem>>
        %dma_start3A_240 = tpu.memref_squeeze %dma_start3A_239 : memref<1x128x128xf32, #tpu.memory_space<vmem>> -> memref<128x128xf32, #tpu.memory_space<vmem>>
        %dma_start3A_241 = arith.constant 0 : i32
        %dma_start3A_242 = tpu.memref_slice %arg9[%add3A_235, %dma_start3A_241] : memref<80x128xi32, #tpu.memory_space<vmem>> -> memref<1x128xi32, #tpu.memory_space<vmem>>
        %dma_start3A_243 = tpu.memref_squeeze %dma_start3A_242 : memref<1x128xi32, #tpu.memory_space<vmem>> -> memref<128xi32, #tpu.memory_space<vmem>>
        %dma_start3A_244 = arith.constant 0 : i32
        %dma_start3A_245 = arith.constant 0 : i32
        %dma_start3A_246 = tpu.memref_slice %arg2[%dma_start3A_244, %dma_start3A_245] : memref<10240x128xf32, #tpu.memory_space<hbm>> -> memref<10240x128xf32, #tpu.memory_space<hbm>>
        tpu.enqueue_indirect_dma source(%dma_start3A_246 : memref<10240x128xf32, #tpu.memory_space<hbm>>) target(%dma_start3A_240 : memref<128x128xf32, #tpu.memory_space<vmem>>) offsets(%dma_start3A_243 : memref<128xi32, #tpu.memory_space<vmem>>) semaphore(%arg18 : memref<!tpu.dma_semaphore, #tpu.memory_space<semaphore_mem>>)
        %dma_start3A_247 = arith.constant 1 : i32
        %dma_start3A_248 = arith.constant 0 : i32
        %dma_start3A_249 = arith.constant 0 : i32
        %dma_start3A_250 = tpu.memref_slice %arg12[%dma_start3A_247, %dma_start3A_248, %dma_start3A_249] : memref<2x128x128xf32, #tpu.memory_space<vmem>> -> memref<1x128x128xf32, #tpu.memory_space<vmem>>
        %dma_start3A_251 = tpu.memref_squeeze %dma_start3A_250 : memref<1x128x128xf32, #tpu.memory_space<vmem>> -> memref<128x128xf32, #tpu.memory_space<vmem>>
        %dma_start3A_252 = arith.constant 0 : i32
        %dma_start3A_253 = tpu.memref_slice %arg10[%add3A_235, %dma_start3A_252] : memref<80x128xi32, #tpu.memory_space<vmem>> -> memref<1x128xi32, #tpu.memory_space<vmem>>
        %dma_start3A_254 = tpu.memref_squeeze %dma_start3A_253 : memref<1x128xi32, #tpu.memory_space<vmem>> -> memref<128xi32, #tpu.memory_space<vmem>>
        %dma_start3A_255 = arith.constant 0 : i32
        %dma_start3A_256 = arith.constant 0 : i32
        %dma_start3A_257 = tpu.memref_slice %arg3[%dma_start3A_255, %dma_start3A_256] : memref<10240x128xf32, #tpu.memory_space<hbm>> -> memref<10240x128xf32, #tpu.memory_space<hbm>>
        tpu.enqueue_indirect_dma source(%dma_start3A_257 : memref<10240x128xf32, #tpu.memory_space<hbm>>) target(%dma_start3A_251 : memref<128x128xf32, #tpu.memory_space<vmem>>) offsets(%dma_start3A_254 : memref<128xi32, #tpu.memory_space<vmem>>) semaphore(%arg18 : memref<!tpu.dma_semaphore, #tpu.memory_space<semaphore_mem>>)
      } else {
      }
      %add3A_230 = arith.addi %add3A_79, %add3A_186 : i32
      %mul3A_231 = arith.constant 128 : i32
      %mul3A_232 = arith.muli %add3A_230, %mul3A_231 : i32
      "tpu.region"() ({
        %run_scoped3A = tpu.sem_alloc : memref<!tpu.dma_semaphore, #tpu.memory_space<semaphore_mem>>
        %dma_start3A_234 = tpu.memref_slice %arg8[%mul3A_232] : memref<655360xf32, #tpu.memory_space<hbm>> -> memref<128xf32, #tpu.memory_space<hbm>>
        %dma_start3A_235 = tpu.memref_slice %arg8[%mul3A_232] : memref<655360xf32, #tpu.memory_space<hbm>> -> memref<128xf32, #tpu.memory_space<hbm>>
        tpu.enqueue_dma source(%arg15 : memref<128xf32, #tpu.memory_space<vmem>>) target(%dma_start3A_235 : memref<128xf32, #tpu.memory_space<hbm>>) target_semaphore(%run_scoped3A : memref<!tpu.dma_semaphore, #tpu.memory_space<semaphore_mem>>)
        %dma_wait3A_236 = tpu.memref_slice %arg8[%mul3A_232] : memref<655360xf32, #tpu.memory_space<hbm>> -> memref<128xf32, #tpu.memory_space<hbm>>
        %dma_wait3A_237 = tpu.memref_slice %arg8[%mul3A_232] : memref<655360xf32, #tpu.memory_space<hbm>> -> memref<128xf32, #tpu.memory_space<hbm>>
        tpu.wait_dma2 semaphore(%run_scoped3A : memref<!tpu.dma_semaphore, #tpu.memory_space<semaphore_mem>>) src(%arg15 : memref<128xf32, #tpu.memory_space<vmem>>) dst(%dma_wait3A_237 : memref<128xf32, #tpu.memory_space<hbm>>)
        tpu.yield
      }) : () -> ()
      %scan3A_233 = arith.constant 0 : i32
      scf.yield %scan3A_233 : i32
    }
    %scan3A_134 = arith.constant 40 : i32
    return
  }
}

#map = affine_map<(d0, d1) -> (0, 0)>
#map1 = affine_map<(d0, d1) -> (0, 0, 0)>
module attributes {stable_mosaic.version = 14 : i64} {
  func.func @_scatter_kernel(%arg0: i32, %arg1: i32, %arg2: memref<10240x128xf32, #tpu.memory_space<hbm>>, %arg3: memref<2560x128xi32, #tpu.memory_space<hbm>>, %arg4: memref<2560x128xi32, #tpu.memory_space<hbm>>, %arg5: memref<2x10240x128xf32, #tpu.memory_space<hbm>>, %arg6: memref<80x128xi32, #tpu.memory_space<vmem>>, %arg7: memref<80x128xi32, #tpu.memory_space<vmem>>, %arg8: memref<128x128xf32, #tpu.memory_space<vmem>>, %arg9: memref<10240x128xf32, #tpu.memory_space<vmem_shared>>, %arg10: memref<!tpu.dma_semaphore, #tpu.memory_space<semaphore_mem>>) attributes {dimension_semantics = [#tpu.dimension_semantics<core_parallel>, #tpu.dimension_semantics<subcore_parallel>], iteration_bounds = array<i64: 2, 16>, scalar_prefetch = 0 : i64, scratch_operands = 5 : i64, tpu.core_type = #tpu.core_type<sc_vector_subcore>, window_params = [{transform_indices = #map}, {transform_indices = #map}, {transform_indices = #map}, {transform_indices = #map1}]} {
    %eq3A = arith.constant 1 : i32
    %eq3A_0 = arith.cmpi eq, %arg0, %eq3A : i32
    %broadcast_in_dim3A = arith.constant 0.000000e+00 : f32
    %broadcast_in_dim3A_1 = vector.broadcast %broadcast_in_dim3A : f32 to vector<16xf32>
    %scan3A = arith.constant 0 : i32
    %scan3A_2 = arith.constant 0 : i32
    %scan3A_3 = arith.constant 128 : i32
    %scan3A_4 = arith.addi %scan3A_2, %scan3A_3 : i32
    %scan3A_5 = arith.constant 1 : i32
    %scan3A_6 = scf.for %scan3A_66 = %scan3A_2 to %scan3A_4 step %scan3A_5 iter_args(%scan3A_67 = %scan3A) -> (i32)  : i32 {
      %swap3A = arith.index_cast %scan3A_66 : i32 to index
      %swap3A_68 = arith.constant 0 : index
      %swap3A_69 = tpu.vector_load %arg8[%swap3A, %swap3A_68] {strides = array<i32>} : memref<128x128xf32, #tpu.memory_space<vmem>>, vector<16xf32>,
      tpu.vector_store %arg8[%swap3A, %swap3A_68], %broadcast_in_dim3A_1 {strides = array<i32>} : memref<128x128xf32, #tpu.memory_space<vmem>>, vector<16xf32>,
      %swap3A_70 = arith.index_cast %scan3A_66 : i32 to index
      %swap3A_71 = arith.constant 16 : index
      %swap3A_72 = tpu.vector_load %arg8[%swap3A_70, %swap3A_71] {strides = array<i32>} : memref<128x128xf32, #tpu.memory_space<vmem>>, vector<16xf32>,
      tpu.vector_store %arg8[%swap3A_70, %swap3A_71], %broadcast_in_dim3A_1 {strides = array<i32>} : memref<128x128xf32, #tpu.memory_space<vmem>>, vector<16xf32>,
      %swap3A_73 = arith.index_cast %scan3A_66 : i32 to index
      %swap3A_74 = arith.constant 32 : index
      %swap3A_75 = tpu.vector_load %arg8[%swap3A_73, %swap3A_74] {strides = array<i32>} : memref<128x128xf32, #tpu.memory_space<vmem>>, vector<16xf32>,
      tpu.vector_store %arg8[%swap3A_73, %swap3A_74], %broadcast_in_dim3A_1 {strides = array<i32>} : memref<128x128xf32, #tpu.memory_space<vmem>>, vector<16xf32>,
      %swap3A_76 = arith.index_cast %scan3A_66 : i32 to index
      %swap3A_77 = arith.constant 48 : index
      %swap3A_78 = tpu.vector_load %arg8[%swap3A_76, %swap3A_77] {strides = array<i32>} : memref<128x128xf32, #tpu.memory_space<vmem>>, vector<16xf32>,
      tpu.vector_store %arg8[%swap3A_76, %swap3A_77], %broadcast_in_dim3A_1 {strides = array<i32>} : memref<128x128xf32, #tpu.memory_space<vmem>>, vector<16xf32>,
      %swap3A_79 = arith.index_cast %scan3A_66 : i32 to index
      %swap3A_80 = arith.constant 64 : index
      %swap3A_81 = tpu.vector_load %arg8[%swap3A_79, %swap3A_80] {strides = array<i32>} : memref<128x128xf32, #tpu.memory_space<vmem>>, vector<16xf32>,
      tpu.vector_store %arg8[%swap3A_79, %swap3A_80], %broadcast_in_dim3A_1 {strides = array<i32>} : memref<128x128xf32, #tpu.memory_space<vmem>>, vector<16xf32>,
      %swap3A_82 = arith.index_cast %scan3A_66 : i32 to index
      %swap3A_83 = arith.constant 80 : index
      %swap3A_84 = tpu.vector_load %arg8[%swap3A_82, %swap3A_83] {strides = array<i32>} : memref<128x128xf32, #tpu.memory_space<vmem>>, vector<16xf32>,
      tpu.vector_store %arg8[%swap3A_82, %swap3A_83], %broadcast_in_dim3A_1 {strides = array<i32>} : memref<128x128xf32, #tpu.memory_space<vmem>>, vector<16xf32>,
      %swap3A_85 = arith.index_cast %scan3A_66 : i32 to index
      %swap3A_86 = arith.constant 96 : index
      %swap3A_87 = tpu.vector_load %arg8[%swap3A_85, %swap3A_86] {strides = array<i32>} : memref<128x128xf32, #tpu.memory_space<vmem>>, vector<16xf32>,
      tpu.vector_store %arg8[%swap3A_85, %swap3A_86], %broadcast_in_dim3A_1 {strides = array<i32>} : memref<128x128xf32, #tpu.memory_space<vmem>>, vector<16xf32>,
      %swap3A_88 = arith.index_cast %scan3A_66 : i32 to index
      %swap3A_89 = arith.constant 112 : index
      %swap3A_90 = tpu.vector_load %arg8[%swap3A_88, %swap3A_89] {strides = array<i32>} : memref<128x128xf32, #tpu.memory_space<vmem>>, vector<16xf32>,
      tpu.vector_store %arg8[%swap3A_88, %swap3A_89], %broadcast_in_dim3A_1 {strides = array<i32>} : memref<128x128xf32, #tpu.memory_space<vmem>>, vector<16xf32>,
      %scan3A_91 = arith.constant 0 : i32
      scf.yield %scan3A_91 : i32
    }
    %scan3A_7 = arith.constant 128 : i32
    %mul3A = arith.constant 5 : i32
    %mul3A_8 = arith.muli %arg1, %mul3A : i32
    %add3A = arith.constant 0 : i32
    %add3A_9 = arith.addi %mul3A_8, %add3A : i32
    %mul3A_10 = arith.constant 128 : i32
    %mul3A_11 = arith.muli %add3A_9, %mul3A_10 : i32
    "tpu.region"() ({
      %run_scoped3A = tpu.sem_alloc : memref<!tpu.dma_semaphore, #tpu.memory_space<semaphore_mem>>
      %dma_start3A = arith.constant 0 : i32
      %dma_start3A_66 = tpu.memref_slice %arg9[%mul3A_11, %dma_start3A] : memref<10240x128xf32, #tpu.memory_space<vmem_shared>> -> memref<128x128xf32, #tpu.memory_space<vmem_shared>>
      %dma_start3A_67 = arith.constant 0 : i32
      %dma_start3A_68 = tpu.memref_slice %arg9[%mul3A_11, %dma_start3A_67] : memref<10240x128xf32, #tpu.memory_space<vmem_shared>> -> memref<128x128xf32, #tpu.memory_space<vmem_shared>>
      tpu.enqueue_dma source(%arg8 : memref<128x128xf32, #tpu.memory_space<vmem>>) target(%dma_start3A_68 : memref<128x128xf32, #tpu.memory_space<vmem_shared>>) target_semaphore(%run_scoped3A : memref<!tpu.dma_semaphore, #tpu.memory_space<semaphore_mem>>)
      %dma_wait3A = arith.constant 0 : i32
      %dma_wait3A_69 = tpu.memref_slice %arg9[%mul3A_11, %dma_wait3A] : memref<10240x128xf32, #tpu.memory_space<vmem_shared>> -> memref<128x128xf32, #tpu.memory_space<vmem_shared>>
      %dma_wait3A_70 = arith.constant 0 : i32
      %dma_wait3A_71 = tpu.memref_slice %arg9[%mul3A_11, %dma_wait3A_70] : memref<10240x128xf32, #tpu.memory_space<vmem_shared>> -> memref<128x128xf32, #tpu.memory_space<vmem_shared>>
      tpu.wait_dma2 semaphore(%run_scoped3A : memref<!tpu.dma_semaphore, #tpu.memory_space<semaphore_mem>>) src(%arg8 : memref<128x128xf32, #tpu.memory_space<vmem>>) dst(%dma_wait3A_71 : memref<128x128xf32, #tpu.memory_space<vmem_shared>>)
      tpu.yield
    }) : () -> ()
    %mul3A_12 = arith.constant 5 : i32
    %mul3A_13 = arith.muli %arg1, %mul3A_12 : i32
    %add3A_14 = arith.constant 1 : i32
    %add3A_15 = arith.addi %mul3A_13, %add3A_14 : i32
    %mul3A_16 = arith.constant 128 : i32
    %mul3A_17 = arith.muli %add3A_15, %mul3A_16 : i32
    "tpu.region"() ({
      %run_scoped3A = tpu.sem_alloc : memref<!tpu.dma_semaphore, #tpu.memory_space<semaphore_mem>>
      %dma_start3A = arith.constant 0 : i32
      %dma_start3A_66 = tpu.memref_slice %arg9[%mul3A_17, %dma_start3A] : memref<10240x128xf32, #tpu.memory_space<vmem_shared>> -> memref<128x128xf32, #tpu.memory_space<vmem_shared>>
      %dma_start3A_67 = arith.constant 0 : i32
      %dma_start3A_68 = tpu.memref_slice %arg9[%mul3A_17, %dma_start3A_67] : memref<10240x128xf32, #tpu.memory_space<vmem_shared>> -> memref<128x128xf32, #tpu.memory_space<vmem_shared>>
      tpu.enqueue_dma source(%arg8 : memref<128x128xf32, #tpu.memory_space<vmem>>) target(%dma_start3A_68 : memref<128x128xf32, #tpu.memory_space<vmem_shared>>) target_semaphore(%run_scoped3A : memref<!tpu.dma_semaphore, #tpu.memory_space<semaphore_mem>>)
      %dma_wait3A = arith.constant 0 : i32
      %dma_wait3A_69 = tpu.memref_slice %arg9[%mul3A_17, %dma_wait3A] : memref<10240x128xf32, #tpu.memory_space<vmem_shared>> -> memref<128x128xf32, #tpu.memory_space<vmem_shared>>
      %dma_wait3A_70 = arith.constant 0 : i32
      %dma_wait3A_71 = tpu.memref_slice %arg9[%mul3A_17, %dma_wait3A_70] : memref<10240x128xf32, #tpu.memory_space<vmem_shared>> -> memref<128x128xf32, #tpu.memory_space<vmem_shared>>
      tpu.wait_dma2 semaphore(%run_scoped3A : memref<!tpu.dma_semaphore, #tpu.memory_space<semaphore_mem>>) src(%arg8 : memref<128x128xf32, #tpu.memory_space<vmem>>) dst(%dma_wait3A_71 : memref<128x128xf32, #tpu.memory_space<vmem_shared>>)
      tpu.yield
    }) : () -> ()
    %mul3A_18 = arith.constant 5 : i32
    %mul3A_19 = arith.muli %arg1, %mul3A_18 : i32
    %add3A_20 = arith.constant 2 : i32
    %add3A_21 = arith.addi %mul3A_19, %add3A_20 : i32
    %mul3A_22 = arith.constant 128 : i32
    %mul3A_23 = arith.muli %add3A_21, %mul3A_22 : i32
    "tpu.region"() ({
      %run_scoped3A = tpu.sem_alloc : memref<!tpu.dma_semaphore, #tpu.memory_space<semaphore_mem>>
      %dma_start3A = arith.constant 0 : i32
      %dma_start3A_66 = tpu.memref_slice %arg9[%mul3A_23, %dma_start3A] : memref<10240x128xf32, #tpu.memory_space<vmem_shared>> -> memref<128x128xf32, #tpu.memory_space<vmem_shared>>
      %dma_start3A_67 = arith.constant 0 : i32
      %dma_start3A_68 = tpu.memref_slice %arg9[%mul3A_23, %dma_start3A_67] : memref<10240x128xf32, #tpu.memory_space<vmem_shared>> -> memref<128x128xf32, #tpu.memory_space<vmem_shared>>
      tpu.enqueue_dma source(%arg8 : memref<128x128xf32, #tpu.memory_space<vmem>>) target(%dma_start3A_68 : memref<128x128xf32, #tpu.memory_space<vmem_shared>>) target_semaphore(%run_scoped3A : memref<!tpu.dma_semaphore, #tpu.memory_space<semaphore_mem>>)
      %dma_wait3A = arith.constant 0 : i32
      %dma_wait3A_69 = tpu.memref_slice %arg9[%mul3A_23, %dma_wait3A] : memref<10240x128xf32, #tpu.memory_space<vmem_shared>> -> memref<128x128xf32, #tpu.memory_space<vmem_shared>>
      %dma_wait3A_70 = arith.constant 0 : i32
      %dma_wait3A_71 = tpu.memref_slice %arg9[%mul3A_23, %dma_wait3A_70] : memref<10240x128xf32, #tpu.memory_space<vmem_shared>> -> memref<128x128xf32, #tpu.memory_space<vmem_shared>>
      tpu.wait_dma2 semaphore(%run_scoped3A : memref<!tpu.dma_semaphore, #tpu.memory_space<semaphore_mem>>) src(%arg8 : memref<128x128xf32, #tpu.memory_space<vmem>>) dst(%dma_wait3A_71 : memref<128x128xf32, #tpu.memory_space<vmem_shared>>)
      tpu.yield
    }) : () -> ()
    %mul3A_24 = arith.constant 5 : i32
    %mul3A_25 = arith.muli %arg1, %mul3A_24 : i32
    %add3A_26 = arith.constant 3 : i32
    %add3A_27 = arith.addi %mul3A_25, %add3A_26 : i32
    %mul3A_28 = arith.constant 128 : i32
    %mul3A_29 = arith.muli %add3A_27, %mul3A_28 : i32
    "tpu.region"() ({
      %run_scoped3A = tpu.sem_alloc : memref<!tpu.dma_semaphore, #tpu.memory_space<semaphore_mem>>
      %dma_start3A = arith.constant 0 : i32
      %dma_start3A_66 = tpu.memref_slice %arg9[%mul3A_29, %dma_start3A] : memref<10240x128xf32, #tpu.memory_space<vmem_shared>> -> memref<128x128xf32, #tpu.memory_space<vmem_shared>>
      %dma_start3A_67 = arith.constant 0 : i32
      %dma_start3A_68 = tpu.memref_slice %arg9[%mul3A_29, %dma_start3A_67] : memref<10240x128xf32, #tpu.memory_space<vmem_shared>> -> memref<128x128xf32, #tpu.memory_space<vmem_shared>>
      tpu.enqueue_dma source(%arg8 : memref<128x128xf32, #tpu.memory_space<vmem>>) target(%dma_start3A_68 : memref<128x128xf32, #tpu.memory_space<vmem_shared>>) target_semaphore(%run_scoped3A : memref<!tpu.dma_semaphore, #tpu.memory_space<semaphore_mem>>)
      %dma_wait3A = arith.constant 0 : i32
      %dma_wait3A_69 = tpu.memref_slice %arg9[%mul3A_29, %dma_wait3A] : memref<10240x128xf32, #tpu.memory_space<vmem_shared>> -> memref<128x128xf32, #tpu.memory_space<vmem_shared>>
      %dma_wait3A_70 = arith.constant 0 : i32
      %dma_wait3A_71 = tpu.memref_slice %arg9[%mul3A_29, %dma_wait3A_70] : memref<10240x128xf32, #tpu.memory_space<vmem_shared>> -> memref<128x128xf32, #tpu.memory_space<vmem_shared>>
      tpu.wait_dma2 semaphore(%run_scoped3A : memref<!tpu.dma_semaphore, #tpu.memory_space<semaphore_mem>>) src(%arg8 : memref<128x128xf32, #tpu.memory_space<vmem>>) dst(%dma_wait3A_71 : memref<128x128xf32, #tpu.memory_space<vmem_shared>>)
      tpu.yield
    }) : () -> ()
    %mul3A_30 = arith.constant 5 : i32
    %mul3A_31 = arith.muli %arg1, %mul3A_30 : i32
    %add3A_32 = arith.constant 4 : i32
    %add3A_33 = arith.addi %mul3A_31, %add3A_32 : i32
    %mul3A_34 = arith.constant 128 : i32
    %mul3A_35 = arith.muli %add3A_33, %mul3A_34 : i32
    "tpu.region"() ({
      %run_scoped3A = tpu.sem_alloc : memref<!tpu.dma_semaphore, #tpu.memory_space<semaphore_mem>>
      %dma_start3A = arith.constant 0 : i32
      %dma_start3A_66 = tpu.memref_slice %arg9[%mul3A_35, %dma_start3A] : memref<10240x128xf32, #tpu.memory_space<vmem_shared>> -> memref<128x128xf32, #tpu.memory_space<vmem_shared>>
      %dma_start3A_67 = arith.constant 0 : i32
      %dma_start3A_68 = tpu.memref_slice %arg9[%mul3A_35, %dma_start3A_67] : memref<10240x128xf32, #tpu.memory_space<vmem_shared>> -> memref<128x128xf32, #tpu.memory_space<vmem_shared>>
      tpu.enqueue_dma source(%arg8 : memref<128x128xf32, #tpu.memory_space<vmem>>) target(%dma_start3A_68 : memref<128x128xf32, #tpu.memory_space<vmem_shared>>) target_semaphore(%run_scoped3A : memref<!tpu.dma_semaphore, #tpu.memory_space<semaphore_mem>>)
      %dma_wait3A = arith.constant 0 : i32
      %dma_wait3A_69 = tpu.memref_slice %arg9[%mul3A_35, %dma_wait3A] : memref<10240x128xf32, #tpu.memory_space<vmem_shared>> -> memref<128x128xf32, #tpu.memory_space<vmem_shared>>
      %dma_wait3A_70 = arith.constant 0 : i32
      %dma_wait3A_71 = tpu.memref_slice %arg9[%mul3A_35, %dma_wait3A_70] : memref<10240x128xf32, #tpu.memory_space<vmem_shared>> -> memref<128x128xf32, #tpu.memory_space<vmem_shared>>
      tpu.wait_dma2 semaphore(%run_scoped3A : memref<!tpu.dma_semaphore, #tpu.memory_space<semaphore_mem>>) src(%arg8 : memref<128x128xf32, #tpu.memory_space<vmem>>) dst(%dma_wait3A_71 : memref<128x128xf32, #tpu.memory_space<vmem_shared>>)
      tpu.yield
    }) : () -> ()
    %barrier3A = arith.constant 0 : index
    tpu.barrier barrier_id(%barrier3A)
    %convert_element_type3A = arith.extui %eq3A_0 : i1 to i32
    %cond3A = arith.constant 0 : i32
    %cond3A_36 = arith.cmpi ne, %convert_element_type3A, %cond3A : i32
    scf.if %cond3A_36 {
      %mul3A_66 = arith.constant 80 : i32
      %mul3A_67 = arith.muli %arg1, %mul3A_66 : i32
      "tpu.region"() ({
        %run_scoped3A = tpu.sem_alloc : memref<!tpu.dma_semaphore, #tpu.memory_space<semaphore_mem>>
        %dma_start3A = arith.constant 0 : i32
        %dma_start3A_68 = arith.constant 0 : i32
        %dma_start3A_69 = tpu.memref_slice %arg6[%dma_start3A, %dma_start3A_68] : memref<80x128xi32, #tpu.memory_space<vmem>> -> memref<80x128xi32, #tpu.memory_space<vmem>>
        %dma_start3A_70 = arith.constant 0 : i32
        %dma_start3A_71 = tpu.memref_slice %arg3[%mul3A_67, %dma_start3A_70] : memref<2560x128xi32, #tpu.memory_space<hbm>> -> memref<80x128xi32, #tpu.memory_space<hbm>>
        %dma_start3A_72 = arith.constant 0 : i32
        %dma_start3A_73 = arith.constant 0 : i32
        %dma_start3A_74 = tpu.memref_slice %arg6[%dma_start3A_72, %dma_start3A_73] : memref<80x128xi32, #tpu.memory_space<vmem>> -> memref<80x128xi32, #tpu.memory_space<vmem>>
        %dma_start3A_75 = arith.constant 0 : i32
        %dma_start3A_76 = tpu.memref_slice %arg3[%mul3A_67, %dma_start3A_75] : memref<2560x128xi32, #tpu.memory_space<hbm>> -> memref<80x128xi32, #tpu.memory_space<hbm>>
        tpu.enqueue_dma source(%dma_start3A_76 : memref<80x128xi32, #tpu.memory_space<hbm>>) target(%dma_start3A_74 : memref<80x128xi32, #tpu.memory_space<vmem>>) target_semaphore(%run_scoped3A : memref<!tpu.dma_semaphore, #tpu.memory_space<semaphore_mem>>)
        %dma_wait3A = arith.constant 0 : i32
        %dma_wait3A_77 = arith.constant 0 : i32
        %dma_wait3A_78 = tpu.memref_slice %arg6[%dma_wait3A, %dma_wait3A_77] : memref<80x128xi32, #tpu.memory_space<vmem>> -> memref<80x128xi32, #tpu.memory_space<vmem>>
        %dma_wait3A_79 = arith.constant 0 : i32
        %dma_wait3A_80 = tpu.memref_slice %arg3[%mul3A_67, %dma_wait3A_79] : memref<2560x128xi32, #tpu.memory_space<hbm>> -> memref<80x128xi32, #tpu.memory_space<hbm>>
        %dma_wait3A_81 = arith.constant 0 : i32
        %dma_wait3A_82 = arith.constant 0 : i32
        %dma_wait3A_83 = tpu.memref_slice %arg6[%dma_wait3A_81, %dma_wait3A_82] : memref<80x128xi32, #tpu.memory_space<vmem>> -> memref<80x128xi32, #tpu.memory_space<vmem>>
        %dma_wait3A_84 = arith.constant 0 : i32
        %dma_wait3A_85 = tpu.memref_slice %arg3[%mul3A_67, %dma_wait3A_84] : memref<2560x128xi32, #tpu.memory_space<hbm>> -> memref<80x128xi32, #tpu.memory_space<hbm>>
        tpu.wait_dma2 semaphore(%run_scoped3A : memref<!tpu.dma_semaphore, #tpu.memory_space<semaphore_mem>>) src(%dma_wait3A_85 : memref<80x128xi32, #tpu.memory_space<hbm>>) dst(%dma_wait3A_83 : memref<80x128xi32, #tpu.memory_space<vmem>>)
        tpu.yield
      }) : () -> ()
    } else {
    }
    %not3A = arith.constant true
    %not3A_37 = arith.xori %eq3A_0, %not3A : i1
    %convert_element_type3A_38 = arith.extui %not3A_37 : i1 to i32
    %cond3A_39 = arith.constant 0 : i32
    %cond3A_40 = arith.cmpi ne, %convert_element_type3A_38, %cond3A_39 : i32
    scf.if %cond3A_40 {
      %mul3A_66 = arith.constant 80 : i32
      %mul3A_67 = arith.muli %arg1, %mul3A_66 : i32
      %add3A_68 = arith.constant 1280 : i32
      %add3A_69 = arith.addi %add3A_68, %mul3A_67 : i32
      "tpu.region"() ({
        %run_scoped3A = tpu.sem_alloc : memref<!tpu.dma_semaphore, #tpu.memory_space<semaphore_mem>>
        %dma_start3A = arith.constant 0 : i32
        %dma_start3A_70 = arith.constant 0 : i32
        %dma_start3A_71 = tpu.memref_slice %arg6[%dma_start3A, %dma_start3A_70] : memref<80x128xi32, #tpu.memory_space<vmem>> -> memref<80x128xi32, #tpu.memory_space<vmem>>
        %dma_start3A_72 = arith.constant 0 : i32
        %dma_start3A_73 = tpu.memref_slice %arg3[%add3A_69, %dma_start3A_72] : memref<2560x128xi32, #tpu.memory_space<hbm>> -> memref<80x128xi32, #tpu.memory_space<hbm>>
        %dma_start3A_74 = arith.constant 0 : i32
        %dma_start3A_75 = arith.constant 0 : i32
        %dma_start3A_76 = tpu.memref_slice %arg6[%dma_start3A_74, %dma_start3A_75] : memref<80x128xi32, #tpu.memory_space<vmem>> -> memref<80x128xi32, #tpu.memory_space<vmem>>
        %dma_start3A_77 = arith.constant 0 : i32
        %dma_start3A_78 = tpu.memref_slice %arg3[%add3A_69, %dma_start3A_77] : memref<2560x128xi32, #tpu.memory_space<hbm>> -> memref<80x128xi32, #tpu.memory_space<hbm>>
        tpu.enqueue_dma source(%dma_start3A_78 : memref<80x128xi32, #tpu.memory_space<hbm>>) target(%dma_start3A_76 : memref<80x128xi32, #tpu.memory_space<vmem>>) target_semaphore(%run_scoped3A : memref<!tpu.dma_semaphore, #tpu.memory_space<semaphore_mem>>)
        %dma_wait3A = arith.constant 0 : i32
        %dma_wait3A_79 = arith.constant 0 : i32
        %dma_wait3A_80 = tpu.memref_slice %arg6[%dma_wait3A, %dma_wait3A_79] : memref<80x128xi32, #tpu.memory_space<vmem>> -> memref<80x128xi32, #tpu.memory_space<vmem>>
        %dma_wait3A_81 = arith.constant 0 : i32
        %dma_wait3A_82 = tpu.memref_slice %arg3[%add3A_69, %dma_wait3A_81] : memref<2560x128xi32, #tpu.memory_space<hbm>> -> memref<80x128xi32, #tpu.memory_space<hbm>>
        %dma_wait3A_83 = arith.constant 0 : i32
        %dma_wait3A_84 = arith.constant 0 : i32
        %dma_wait3A_85 = tpu.memref_slice %arg6[%dma_wait3A_83, %dma_wait3A_84] : memref<80x128xi32, #tpu.memory_space<vmem>> -> memref<80x128xi32, #tpu.memory_space<vmem>>
        %dma_wait3A_86 = arith.constant 0 : i32
        %dma_wait3A_87 = tpu.memref_slice %arg3[%add3A_69, %dma_wait3A_86] : memref<2560x128xi32, #tpu.memory_space<hbm>> -> memref<80x128xi32, #tpu.memory_space<hbm>>
        tpu.wait_dma2 semaphore(%run_scoped3A : memref<!tpu.dma_semaphore, #tpu.memory_space<semaphore_mem>>) src(%dma_wait3A_87 : memref<80x128xi32, #tpu.memory_space<hbm>>) dst(%dma_wait3A_85 : memref<80x128xi32, #tpu.memory_space<vmem>>)
        tpu.yield
      }) : () -> ()
    } else {
    }
    %convert_element_type3A_41 = arith.extui %eq3A_0 : i1 to i32
    %cond3A_42 = arith.constant 0 : i32
    %cond3A_43 = arith.cmpi ne, %convert_element_type3A_41, %cond3A_42 : i32
    scf.if %cond3A_43 {
      %mul3A_66 = arith.constant 80 : i32
      %mul3A_67 = arith.muli %arg1, %mul3A_66 : i32
      "tpu.region"() ({
        %run_scoped3A = tpu.sem_alloc : memref<!tpu.dma_semaphore, #tpu.memory_space<semaphore_mem>>
        %dma_start3A = arith.constant 0 : i32
        %dma_start3A_68 = arith.constant 0 : i32
        %dma_start3A_69 = tpu.memref_slice %arg7[%dma_start3A, %dma_start3A_68] : memref<80x128xi32, #tpu.memory_space<vmem>> -> memref<80x128xi32, #tpu.memory_space<vmem>>
        %dma_start3A_70 = arith.constant 0 : i32
        %dma_start3A_71 = tpu.memref_slice %arg4[%mul3A_67, %dma_start3A_70] : memref<2560x128xi32, #tpu.memory_space<hbm>> -> memref<80x128xi32, #tpu.memory_space<hbm>>
        %dma_start3A_72 = arith.constant 0 : i32
        %dma_start3A_73 = arith.constant 0 : i32
        %dma_start3A_74 = tpu.memref_slice %arg7[%dma_start3A_72, %dma_start3A_73] : memref<80x128xi32, #tpu.memory_space<vmem>> -> memref<80x128xi32, #tpu.memory_space<vmem>>
        %dma_start3A_75 = arith.constant 0 : i32
        %dma_start3A_76 = tpu.memref_slice %arg4[%mul3A_67, %dma_start3A_75] : memref<2560x128xi32, #tpu.memory_space<hbm>> -> memref<80x128xi32, #tpu.memory_space<hbm>>
        tpu.enqueue_dma source(%dma_start3A_76 : memref<80x128xi32, #tpu.memory_space<hbm>>) target(%dma_start3A_74 : memref<80x128xi32, #tpu.memory_space<vmem>>) target_semaphore(%run_scoped3A : memref<!tpu.dma_semaphore, #tpu.memory_space<semaphore_mem>>)
        %dma_wait3A = arith.constant 0 : i32
        %dma_wait3A_77 = arith.constant 0 : i32
        %dma_wait3A_78 = tpu.memref_slice %arg7[%dma_wait3A, %dma_wait3A_77] : memref<80x128xi32, #tpu.memory_space<vmem>> -> memref<80x128xi32, #tpu.memory_space<vmem>>
        %dma_wait3A_79 = arith.constant 0 : i32
        %dma_wait3A_80 = tpu.memref_slice %arg4[%mul3A_67, %dma_wait3A_79] : memref<2560x128xi32, #tpu.memory_space<hbm>> -> memref<80x128xi32, #tpu.memory_space<hbm>>
        %dma_wait3A_81 = arith.constant 0 : i32
        %dma_wait3A_82 = arith.constant 0 : i32
        %dma_wait3A_83 = tpu.memref_slice %arg7[%dma_wait3A_81, %dma_wait3A_82] : memref<80x128xi32, #tpu.memory_space<vmem>> -> memref<80x128xi32, #tpu.memory_space<vmem>>
        %dma_wait3A_84 = arith.constant 0 : i32
        %dma_wait3A_85 = tpu.memref_slice %arg4[%mul3A_67, %dma_wait3A_84] : memref<2560x128xi32, #tpu.memory_space<hbm>> -> memref<80x128xi32, #tpu.memory_space<hbm>>
        tpu.wait_dma2 semaphore(%run_scoped3A : memref<!tpu.dma_semaphore, #tpu.memory_space<semaphore_mem>>) src(%dma_wait3A_85 : memref<80x128xi32, #tpu.memory_space<hbm>>) dst(%dma_wait3A_83 : memref<80x128xi32, #tpu.memory_space<vmem>>)
        tpu.yield
      }) : () -> ()
    } else {
    }
    %not3A_44 = arith.constant true
    %not3A_45 = arith.xori %eq3A_0, %not3A_44 : i1
    %convert_element_type3A_46 = arith.extui %not3A_45 : i1 to i32
    %cond3A_47 = arith.constant 0 : i32
    %cond3A_48 = arith.cmpi ne, %convert_element_type3A_46, %cond3A_47 : i32
    scf.if %cond3A_48 {
      %mul3A_66 = arith.constant 80 : i32
      %mul3A_67 = arith.muli %arg1, %mul3A_66 : i32
      %add3A_68 = arith.constant 1280 : i32
      %add3A_69 = arith.addi %add3A_68, %mul3A_67 : i32
      "tpu.region"() ({
        %run_scoped3A = tpu.sem_alloc : memref<!tpu.dma_semaphore, #tpu.memory_space<semaphore_mem>>
        %dma_start3A = arith.constant 0 : i32
        %dma_start3A_70 = arith.constant 0 : i32
        %dma_start3A_71 = tpu.memref_slice %arg7[%dma_start3A, %dma_start3A_70] : memref<80x128xi32, #tpu.memory_space<vmem>> -> memref<80x128xi32, #tpu.memory_space<vmem>>
        %dma_start3A_72 = arith.constant 0 : i32
        %dma_start3A_73 = tpu.memref_slice %arg4[%add3A_69, %dma_start3A_72] : memref<2560x128xi32, #tpu.memory_space<hbm>> -> memref<80x128xi32, #tpu.memory_space<hbm>>
        %dma_start3A_74 = arith.constant 0 : i32
        %dma_start3A_75 = arith.constant 0 : i32
        %dma_start3A_76 = tpu.memref_slice %arg7[%dma_start3A_74, %dma_start3A_75] : memref<80x128xi32, #tpu.memory_space<vmem>> -> memref<80x128xi32, #tpu.memory_space<vmem>>
        %dma_start3A_77 = arith.constant 0 : i32
        %dma_start3A_78 = tpu.memref_slice %arg4[%add3A_69, %dma_start3A_77] : memref<2560x128xi32, #tpu.memory_space<hbm>> -> memref<80x128xi32, #tpu.memory_space<hbm>>
        tpu.enqueue_dma source(%dma_start3A_78 : memref<80x128xi32, #tpu.memory_space<hbm>>) target(%dma_start3A_76 : memref<80x128xi32, #tpu.memory_space<vmem>>) target_semaphore(%run_scoped3A : memref<!tpu.dma_semaphore, #tpu.memory_space<semaphore_mem>>)
        %dma_wait3A = arith.constant 0 : i32
        %dma_wait3A_79 = arith.constant 0 : i32
        %dma_wait3A_80 = tpu.memref_slice %arg7[%dma_wait3A, %dma_wait3A_79] : memref<80x128xi32, #tpu.memory_space<vmem>> -> memref<80x128xi32, #tpu.memory_space<vmem>>
        %dma_wait3A_81 = arith.constant 0 : i32
        %dma_wait3A_82 = tpu.memref_slice %arg4[%add3A_69, %dma_wait3A_81] : memref<2560x128xi32, #tpu.memory_space<hbm>> -> memref<80x128xi32, #tpu.memory_space<hbm>>
        %dma_wait3A_83 = arith.constant 0 : i32
        %dma_wait3A_84 = arith.constant 0 : i32
        %dma_wait3A_85 = tpu.memref_slice %arg7[%dma_wait3A_83, %dma_wait3A_84] : memref<80x128xi32, #tpu.memory_space<vmem>> -> memref<80x128xi32, #tpu.memory_space<vmem>>
        %dma_wait3A_86 = arith.constant 0 : i32
        %dma_wait3A_87 = tpu.memref_slice %arg4[%add3A_69, %dma_wait3A_86] : memref<2560x128xi32, #tpu.memory_space<hbm>> -> memref<80x128xi32, #tpu.memory_space<hbm>>
        tpu.wait_dma2 semaphore(%run_scoped3A : memref<!tpu.dma_semaphore, #tpu.memory_space<semaphore_mem>>) src(%dma_wait3A_87 : memref<80x128xi32, #tpu.memory_space<hbm>>) dst(%dma_wait3A_85 : memref<80x128xi32, #tpu.memory_space<vmem>>)
        tpu.yield
      }) : () -> ()
    } else {
    }
    %jit3A = arith.constant 80 : i32
    %jit3A_49 = arith.constant 80 : i32
    %select_n3A = arith.select %eq3A_0, %jit3A, %jit3A_49 : i32
    %while3A = arith.constant 0 : i32
    %while3A_50 = arith.constant 0 : i32
    %while3A_51 = arith.subi %select_n3A, %while3A : i32
    %while3A_52 = arith.addi %while3A, %while3A_51 : i32
    %while3A_53 = arith.constant 1 : i32
    %while3A_54 = arith.divsi %while3A_51, %while3A_53 : i32
    %while3A_55 = arith.muli %while3A_54, %while3A_53 : i32
    %while3A_56 = arith.addi %while3A, %while3A_55 : i32
    %while3A_57 = arith.constant 1 : i32
    %while3A_58 = scf.for %while3A_66 = %while3A to %while3A_56 step %while3A_57 iter_args(%while3A_67 = %while3A_50) -> (i32)  : i32 {
      %dma_start3A = arith.constant 0 : i32
      %dma_start3A_68 = tpu.memref_slice %arg6[%while3A_66, %dma_start3A] : memref<80x128xi32, #tpu.memory_space<vmem>> -> memref<1x128xi32, #tpu.memory_space<vmem>>
      %dma_start3A_69 = tpu.memref_squeeze %dma_start3A_68 : memref<1x128xi32, #tpu.memory_space<vmem>> -> memref<128xi32, #tpu.memory_space<vmem>>
      %dma_start3A_70 = arith.constant 0 : i32
      %dma_start3A_71 = arith.constant 0 : i32
      %dma_start3A_72 = tpu.memref_slice %arg2[%dma_start3A_70, %dma_start3A_71] : memref<10240x128xf32, #tpu.memory_space<hbm>> -> memref<10240x128xf32, #tpu.memory_space<hbm>>
      tpu.enqueue_indirect_dma source(%dma_start3A_72 : memref<10240x128xf32, #tpu.memory_space<hbm>>) target(%arg8 : memref<128x128xf32, #tpu.memory_space<vmem>>) offsets(%dma_start3A_69 : memref<128xi32, #tpu.memory_space<vmem>>) semaphore(%arg10 : memref<!tpu.dma_semaphore, #tpu.memory_space<semaphore_mem>>)
      %dma_wait3A = arith.constant 0 : i32
      %dma_wait3A_73 = tpu.memref_slice %arg6[%while3A_66, %dma_wait3A] : memref<80x128xi32, #tpu.memory_space<vmem>> -> memref<1x128xi32, #tpu.memory_space<vmem>>
      %dma_wait3A_74 = tpu.memref_squeeze %dma_wait3A_73 : memref<1x128xi32, #tpu.memory_space<vmem>> -> memref<128xi32, #tpu.memory_space<vmem>>
      %dma_wait3A_75 = arith.constant 0 : i32
      %dma_wait3A_76 = arith.constant 0 : i32
      %dma_wait3A_77 = tpu.memref_slice %arg2[%dma_wait3A_75, %dma_wait3A_76] : memref<10240x128xf32, #tpu.memory_space<hbm>> -> memref<10240x128xf32, #tpu.memory_space<hbm>>
      tpu.wait_indirect_dma semaphore(%arg10 : memref<!tpu.dma_semaphore, #tpu.memory_space<semaphore_mem>>) src(%dma_wait3A_77 : memref<10240x128xf32, #tpu.memory_space<hbm>>) dst(%arg8 : memref<128x128xf32, #tpu.memory_space<vmem>>)
      "tpu.region"() ({
        %run_scoped3A = tpu.sem_alloc : memref<!tpu.dma_semaphore, #tpu.memory_space<semaphore_mem>>
        %dma_start3A_79 = arith.constant 0 : i32
        %dma_start3A_80 = tpu.memref_slice %arg7[%while3A_66, %dma_start3A_79] : memref<80x128xi32, #tpu.memory_space<vmem>> -> memref<1x128xi32, #tpu.memory_space<vmem>>
        %dma_start3A_81 = tpu.memref_squeeze %dma_start3A_80 : memref<1x128xi32, #tpu.memory_space<vmem>> -> memref<128xi32, #tpu.memory_space<vmem>>
        %dma_start3A_82 = arith.constant 0 : i32
        %dma_start3A_83 = arith.constant 0 : i32
        %dma_start3A_84 = tpu.memref_slice %arg9[%dma_start3A_82, %dma_start3A_83] : memref<10240x128xf32, #tpu.memory_space<vmem_shared>> -> memref<10240x128xf32, #tpu.memory_space<vmem_shared>>
        tpu.enqueue_indirect_dma source(%arg8 : memref<128x128xf32, #tpu.memory_space<vmem>>) target(%dma_start3A_84 : memref<10240x128xf32, #tpu.memory_space<vmem_shared>>) offsets(%dma_start3A_81 : memref<128xi32, #tpu.memory_space<vmem>>) semaphore(%run_scoped3A : memref<!tpu.dma_semaphore, #tpu.memory_space<semaphore_mem>>) {add = true}
        %dma_wait3A_85 = arith.constant 0 : i32
        %dma_wait3A_86 = tpu.memref_slice %arg7[%while3A_66, %dma_wait3A_85] : memref<80x128xi32, #tpu.memory_space<vmem>> -> memref<1x128xi32, #tpu.memory_space<vmem>>
        %dma_wait3A_87 = tpu.memref_squeeze %dma_wait3A_86 : memref<1x128xi32, #tpu.memory_space<vmem>> -> memref<128xi32, #tpu.memory_space<vmem>>
        %dma_wait3A_88 = arith.constant 0 : i32
        %dma_wait3A_89 = arith.constant 0 : i32
        %dma_wait3A_90 = tpu.memref_slice %arg9[%dma_wait3A_88, %dma_wait3A_89] : memref<10240x128xf32, #tpu.memory_space<vmem_shared>> -> memref<10240x128xf32, #tpu.memory_space<vmem_shared>>
        tpu.wait_indirect_dma semaphore(%run_scoped3A : memref<!tpu.dma_semaphore, #tpu.memory_space<semaphore_mem>>) src(%arg8 : memref<128x128xf32, #tpu.memory_space<vmem>>) dst(%dma_wait3A_90 : memref<10240x128xf32, #tpu.memory_space<vmem_shared>>)
        tpu.yield
      }) : () -> ()
      %while3A_78 = arith.constant 0 : i32
      scf.yield %while3A_78 : i32
    }
    %while3A_59 = arith.constant 1 : i32
    %while3A_60 = scf.for %while3A_66 = %while3A_56 to %while3A_52 step %while3A_59 iter_args(%while3A_67 = %while3A_58) -> (i32)  : i32 {
      %dma_start3A = arith.constant 0 : i32
      %dma_start3A_68 = tpu.memref_slice %arg6[%while3A_66, %dma_start3A] : memref<80x128xi32, #tpu.memory_space<vmem>> -> memref<1x128xi32, #tpu.memory_space<vmem>>
      %dma_start3A_69 = tpu.memref_squeeze %dma_start3A_68 : memref<1x128xi32, #tpu.memory_space<vmem>> -> memref<128xi32, #tpu.memory_space<vmem>>
      %dma_start3A_70 = arith.constant 0 : i32
      %dma_start3A_71 = arith.constant 0 : i32
      %dma_start3A_72 = tpu.memref_slice %arg2[%dma_start3A_70, %dma_start3A_71] : memref<10240x128xf32, #tpu.memory_space<hbm>> -> memref<10240x128xf32, #tpu.memory_space<hbm>>
      tpu.enqueue_indirect_dma source(%dma_start3A_72 : memref<10240x128xf32, #tpu.memory_space<hbm>>) target(%arg8 : memref<128x128xf32, #tpu.memory_space<vmem>>) offsets(%dma_start3A_69 : memref<128xi32, #tpu.memory_space<vmem>>) semaphore(%arg10 : memref<!tpu.dma_semaphore, #tpu.memory_space<semaphore_mem>>)
      %dma_wait3A = arith.constant 0 : i32
      %dma_wait3A_73 = tpu.memref_slice %arg6[%while3A_66, %dma_wait3A] : memref<80x128xi32, #tpu.memory_space<vmem>> -> memref<1x128xi32, #tpu.memory_space<vmem>>
      %dma_wait3A_74 = tpu.memref_squeeze %dma_wait3A_73 : memref<1x128xi32, #tpu.memory_space<vmem>> -> memref<128xi32, #tpu.memory_space<vmem>>
      %dma_wait3A_75 = arith.constant 0 : i32
      %dma_wait3A_76 = arith.constant 0 : i32
      %dma_wait3A_77 = tpu.memref_slice %arg2[%dma_wait3A_75, %dma_wait3A_76] : memref<10240x128xf32, #tpu.memory_space<hbm>> -> memref<10240x128xf32, #tpu.memory_space<hbm>>
      tpu.wait_indirect_dma semaphore(%arg10 : memref<!tpu.dma_semaphore, #tpu.memory_space<semaphore_mem>>) src(%dma_wait3A_77 : memref<10240x128xf32, #tpu.memory_space<hbm>>) dst(%arg8 : memref<128x128xf32, #tpu.memory_space<vmem>>)
      "tpu.region"() ({
        %run_scoped3A = tpu.sem_alloc : memref<!tpu.dma_semaphore, #tpu.memory_space<semaphore_mem>>
        %dma_start3A_79 = arith.constant 0 : i32
        %dma_start3A_80 = tpu.memref_slice %arg7[%while3A_66, %dma_start3A_79] : memref<80x128xi32, #tpu.memory_space<vmem>> -> memref<1x128xi32, #tpu.memory_space<vmem>>
        %dma_start3A_81 = tpu.memref_squeeze %dma_start3A_80 : memref<1x128xi32, #tpu.memory_space<vmem>> -> memref<128xi32, #tpu.memory_space<vmem>>
        %dma_start3A_82 = arith.constant 0 : i32
        %dma_start3A_83 = arith.constant 0 : i32
        %dma_start3A_84 = tpu.memref_slice %arg9[%dma_start3A_82, %dma_start3A_83] : memref<10240x128xf32, #tpu.memory_space<vmem_shared>> -> memref<10240x128xf32, #tpu.memory_space<vmem_shared>>
        tpu.enqueue_indirect_dma source(%arg8 : memref<128x128xf32, #tpu.memory_space<vmem>>) target(%dma_start3A_84 : memref<10240x128xf32, #tpu.memory_space<vmem_shared>>) offsets(%dma_start3A_81 : memref<128xi32, #tpu.memory_space<vmem>>) semaphore(%run_scoped3A : memref<!tpu.dma_semaphore, #tpu.memory_space<semaphore_mem>>) {add = true}
        %dma_wait3A_85 = arith.constant 0 : i32
        %dma_wait3A_86 = tpu.memref_slice %arg7[%while3A_66, %dma_wait3A_85] : memref<80x128xi32, #tpu.memory_space<vmem>> -> memref<1x128xi32, #tpu.memory_space<vmem>>
        %dma_wait3A_87 = tpu.memref_squeeze %dma_wait3A_86 : memref<1x128xi32, #tpu.memory_space<vmem>> -> memref<128xi32, #tpu.memory_space<vmem>>
        %dma_wait3A_88 = arith.constant 0 : i32
        %dma_wait3A_89 = arith.constant 0 : i32
        %dma_wait3A_90 = tpu.memref_slice %arg9[%dma_wait3A_88, %dma_wait3A_89] : memref<10240x128xf32, #tpu.memory_space<vmem_shared>> -> memref<10240x128xf32, #tpu.memory_space<vmem_shared>>
        tpu.wait_indirect_dma semaphore(%run_scoped3A : memref<!tpu.dma_semaphore, #tpu.memory_space<semaphore_mem>>) src(%arg8 : memref<128x128xf32, #tpu.memory_space<vmem>>) dst(%dma_wait3A_90 : memref<10240x128xf32, #tpu.memory_space<vmem_shared>>)
        tpu.yield
      }) : () -> ()
      %while3A_78 = arith.constant 0 : i32
      scf.yield %while3A_78 : i32
    }
    %barrier3A_61 = arith.constant 0 : index
    tpu.barrier barrier_id(%barrier3A_61)
    %mul3A_62 = arith.constant 640 : i32
    %mul3A_63 = arith.muli %arg1, %mul3A_62 : i32
    %mul3A_64 = arith.constant 640 : i32
    %mul3A_65 = arith.muli %arg1, %mul3A_64 : i32
    "tpu.region"() ({
      %run_scoped3A = tpu.sem_alloc : memref<!tpu.dma_semaphore, #tpu.memory_space<semaphore_mem>>
      %dma_start3A = arith.constant 0 : i32
      %dma_start3A_66 = tpu.memref_slice %arg5[%arg0, %mul3A_65, %dma_start3A] : memref<2x10240x128xf32, #tpu.memory_space<hbm>> -> memref<1x640x128xf32, #tpu.memory_space<hbm>>
      %dma_start3A_67 = tpu.memref_squeeze %dma_start3A_66 : memref<1x640x128xf32, #tpu.memory_space<hbm>> -> memref<640x128xf32, #tpu.memory_space<hbm>>
      %dma_start3A_68 = arith.constant 0 : i32
      %dma_start3A_69 = tpu.memref_slice %arg9[%mul3A_63, %dma_start3A_68] : memref<10240x128xf32, #tpu.memory_space<vmem_shared>> -> memref<640x128xf32, #tpu.memory_space<vmem_shared>>
      tpu.enqueue_dma source(%dma_start3A_69 : memref<640x128xf32, #tpu.memory_space<vmem_shared>>) target(%dma_start3A_67 : memref<640x128xf32, #tpu.memory_space<hbm>>) target_semaphore(%run_scoped3A : memref<!tpu.dma_semaphore, #tpu.memory_space<semaphore_mem>>)
      %dma_wait3A = arith.constant 0 : i32
      %dma_wait3A_70 = tpu.memref_slice %arg5[%arg0, %mul3A_65, %dma_wait3A] : memref<2x10240x128xf32, #tpu.memory_space<hbm>> -> memref<1x640x128xf32, #tpu.memory_space<hbm>>
      %dma_wait3A_71 = tpu.memref_squeeze %dma_wait3A_70 : memref<1x640x128xf32, #tpu.memory_space<hbm>> -> memref<640x128xf32, #tpu.memory_space<hbm>>
      %dma_wait3A_72 = arith.constant 0 : i32
      %dma_wait3A_73 = tpu.memref_slice %arg9[%mul3A_63, %dma_wait3A_72] : memref<10240x128xf32, #tpu.memory_space<vmem_shared>> -> memref<640x128xf32, #tpu.memory_space<vmem_shared>>
      tpu.wait_dma2 semaphore(%run_scoped3A : memref<!tpu.dma_semaphore, #tpu.memory_space<semaphore_mem>>) src(%dma_wait3A_73 : memref<640x128xf32, #tpu.memory_space<vmem_shared>>) dst(%dma_wait3A_71 : memref<640x128xf32, #tpu.memory_space<hbm>>)
      tpu.yield
    }) : () -> ()
    return
  }
}

module attributes {stable_mosaic.version = 14 : i64} {
  func.func @_tc1_body(%arg0: memref<2x10240x128xf32, #tpu.memory_space<vmem>>, %arg1: memref<10240x128xf32, #tpu.memory_space<vmem>>, %arg2: memref<10240x128xf32, #tpu.memory_space<vmem>>, %arg3: memref<10240x128xf32, #tpu.memory_space<vmem>>) attributes {dimension_semantics = [], scalar_prefetch = 0 : i64, scratch_operands = 0 : i64, tpu.core_type = #tpu.core_type<tc>} {
    %get3A = arith.constant 0 : index
    %get3A_0 = arith.constant 0 : index
    %get3A_1 = arith.constant 0 : index
    %get3A_2 = vector.load %arg0[%get3A, %get3A_0, %get3A_1] : memref<2x10240x128xf32, #tpu.memory_space<vmem>>, vector<2x10240x128xf32>
    %slice3A = vector.extract_strided_slice %get3A_2 {offsets = [0, 0, 0], sizes = [1, 10240, 1], strides = [1, 1, 1]} : vector<2x10240x128xf32> to vector<1x10240x1xf32>
    %squeeze3A = vector.shape_cast %slice3A : vector<1x10240x1xf32> to vector<10240x1xf32>
    %slice3A_3 = vector.extract_strided_slice %get3A_2 {offsets = [1, 0, 0], sizes = [1, 10240, 1], strides = [1, 1, 1]} : vector<2x10240x128xf32> to vector<1x10240x1xf32>
    %squeeze3A_4 = vector.shape_cast %slice3A_3 : vector<1x10240x1xf32> to vector<10240x1xf32>
    %add3A = arith.addf %squeeze3A, %squeeze3A_4 : vector<10240x1xf32>
    %add3A_5 = arith.constant 1.000000e+00 : f32
    %add3A_6 = vector.broadcast %add3A_5 : f32 to vector<10240x1xf32>
    %add3A_7 = arith.addf %add3A, %add3A_6 : vector<10240x1xf32>
    %rsqrt3A = math.rsqrt %add3A_7 : vector<10240x1xf32>
    %broadcast_in_dim3A = vector.shape_cast %rsqrt3A : vector<10240x1xf32> to vector<10240x1xf32>
    %broadcast_in_dim3A_8 = vector.broadcast %broadcast_in_dim3A : vector<10240x1xf32> to vector<10240x128xf32>
    %swap3A = arith.constant 0 : index
    %swap3A_9 = arith.constant 0 : index
    %swap3A_10 = vector.load %arg2[%swap3A, %swap3A_9] : memref<10240x128xf32, #tpu.memory_space<vmem>>, vector<10240x128xf32>
    tpu.vector_store %arg2[%swap3A, %swap3A_9], %broadcast_in_dim3A_8 {strides = array<i32>} : memref<10240x128xf32, #tpu.memory_space<vmem>>, vector<10240x128xf32>,
    %get3A_11 = arith.constant 0 : index
    %get3A_12 = arith.constant 0 : index
    %get3A_13 = vector.load %arg1[%get3A_11, %get3A_12] : memref<10240x128xf32, #tpu.memory_space<vmem>>, vector<10240x128xf32>
    %mul3A = vector.broadcast %rsqrt3A : vector<10240x1xf32> to vector<10240x128xf32>
    %mul3A_14 = arith.mulf %get3A_13, %mul3A : vector<10240x128xf32>
    %swap3A_15 = arith.constant 0 : index
    %swap3A_16 = arith.constant 0 : index
    %swap3A_17 = vector.load %arg3[%swap3A_15, %swap3A_16] : memref<10240x128xf32, #tpu.memory_space<vmem>>, vector<10240x128xf32>
    tpu.vector_store %arg3[%swap3A_15, %swap3A_16], %mul3A_14 {strides = array<i32>} : memref<10240x128xf32, #tpu.memory_space<vmem>>, vector<10240x128xf32>,
    return
  }
}

module attributes {stable_mosaic.version = 14 : i64} {
  func.func @_tc2_body(%arg0: memref<2x10240x128xf32, #tpu.memory_space<vmem>>, %arg1: memref<10240x128xf32, #tpu.memory_space<vmem>>, %arg2: memref<10240x128xf32, #tpu.memory_space<vmem>>, %arg3: memref<128x16xf32, #tpu.memory_space<vmem>>, %arg4: memref<1x16xf32, #tpu.memory_space<vmem>>, %arg5: memref<16x128xf32, #tpu.memory_space<vmem>>, %arg6: memref<10240x128xf32, #tpu.memory_space<vmem>>) attributes {dimension_semantics = [], scalar_prefetch = 0 : i64, scratch_operands = 0 : i64, tpu.core_type = #tpu.core_type<tc>} {
    %get3A = arith.constant 0 : index
    %get3A_0 = arith.constant 0 : index
    %get3A_1 = arith.constant 0 : index
    %get3A_2 = vector.load %arg0[%get3A, %get3A_0, %get3A_1] : memref<2x10240x128xf32, #tpu.memory_space<vmem>>, vector<2x10240x128xf32>
    %get3A_3 = arith.constant 0 : index
    %get3A_4 = arith.constant 0 : index
    %get3A_5 = vector.load %arg2[%get3A_3, %get3A_4] : memref<10240x128xf32, #tpu.memory_space<vmem>>, vector<10240x128xf32>
    %slice3A = vector.extract_strided_slice %get3A_2 {offsets = [0, 0, 0], sizes = [1, 10240, 128], strides = [1, 1, 1]} : vector<2x10240x128xf32> to vector<1x10240x128xf32>
    %squeeze3A = vector.shape_cast %slice3A : vector<1x10240x128xf32> to vector<10240x128xf32>
    %slice3A_6 = vector.extract_strided_slice %get3A_2 {offsets = [1, 0, 0], sizes = [1, 10240, 128], strides = [1, 1, 1]} : vector<2x10240x128xf32> to vector<1x10240x128xf32>
    %squeeze3A_7 = vector.shape_cast %slice3A_6 : vector<1x10240x128xf32> to vector<10240x128xf32>
    %add3A = arith.addf %squeeze3A, %squeeze3A_7 : vector<10240x128xf32>
    %get3A_8 = arith.constant 0 : index
    %get3A_9 = arith.constant 0 : index
    %get3A_10 = vector.load %arg1[%get3A_8, %get3A_9] : memref<10240x128xf32, #tpu.memory_space<vmem>>, vector<10240x128xf32>
    %add3A_11 = arith.addf %add3A, %get3A_10 : vector<10240x128xf32>
    %get3A_12 = arith.constant 0 : index
    %get3A_13 = arith.constant 0 : index
    %get3A_14 = vector.load %arg3[%get3A_12, %get3A_13] : memref<128x16xf32, #tpu.memory_space<vmem>>, vector<128x16xf32>
    %dot_general3A = arith.constant dense<0.000000e+00> : vector<10240x16xf32>
    %dot_general3A_15 = tpu.matmul %add3A_11, %get3A_14, %dot_general3A {dimension_numbers = #tpu.dot_dimension_numbers<[1], [0], [0], [1], [0, 0, 1, 1], [], []>, transpose_lhs_hint = false} : vector<10240x128xf32>, vector<128x16xf32>, vector<10240x16xf32> -> vector<10240x16xf32>
    %slice3A_16 = vector.extract_strided_slice %get3A_5 {offsets = [0, 0], sizes = [10240, 16], strides = [1, 1]} : vector<10240x128xf32> to vector<10240x16xf32>
    %mul3A = arith.mulf %dot_general3A_15, %slice3A_16 : vector<10240x16xf32>
    %get3A_17 = arith.constant 0 : index
    %get3A_18 = arith.constant 0 : index
    %get3A_19 = vector.load %arg4[%get3A_17, %get3A_18] : memref<1x16xf32, #tpu.memory_space<vmem>>, vector<1x16xf32>
    %add3A_20 = vector.broadcast %get3A_19 : vector<1x16xf32> to vector<10240x16xf32>
    %add3A_21 = arith.addf %mul3A, %add3A_20 : vector<10240x16xf32>
    %max3A = arith.constant 0.000000e+00 : f32
    %max3A_22 = vector.broadcast %max3A : f32 to vector<10240x16xf32>
    %max3A_23 = arith.maximumf %add3A_21, %max3A_22 : vector<10240x16xf32>
    %get3A_24 = arith.constant 0 : index
    %get3A_25 = arith.constant 0 : index
    %get3A_26 = vector.load %arg5[%get3A_24, %get3A_25] : memref<16x128xf32, #tpu.memory_space<vmem>>, vector<16x128xf32>
    %dot_general3A_27 = arith.constant dense<0.000000e+00> : vector<10240x128xf32>
    %dot_general3A_28 = tpu.matmul %max3A_23, %get3A_26, %dot_general3A_27 {dimension_numbers = #tpu.dot_dimension_numbers<[1], [0], [0], [1], [0, 0, 1, 1], [], []>, transpose_lhs_hint = false} : vector<10240x16xf32>, vector<16x128xf32>, vector<10240x128xf32> -> vector<10240x128xf32>
    %mul3A_29 = arith.mulf %dot_general3A_28, %get3A_5 : vector<10240x128xf32>
    %swap3A = arith.constant 0 : index
    %swap3A_30 = arith.constant 0 : index
    %swap3A_31 = vector.load %arg6[%swap3A, %swap3A_30] : memref<10240x128xf32, #tpu.memory_space<vmem>>, vector<10240x128xf32>
    tpu.vector_store %arg6[%swap3A, %swap3A_30], %mul3A_29 {strides = array<i32>} : memref<10240x128xf32, #tpu.memory_space<vmem>>, vector<10240x128xf32>,
    return
  }
}

module attributes {stable_mosaic.version = 14 : i64} {
  func.func @_tc3_body(%arg0: memref<2x10240x128xf32, #tpu.memory_space<vmem>>, %arg1: memref<10240x128xf32, #tpu.memory_space<vmem>>, %arg2: memref<10240x128xf32, #tpu.memory_space<vmem>>, %arg3: memref<1x128xf32, #tpu.memory_space<vmem>>, %arg4: memref<256x128xf32, #tpu.memory_space<vmem>>, %arg5: memref<1x128xf32, #tpu.memory_space<vmem>>, %arg6: memref<10240x128xf32, #tpu.memory_space<vmem>>, %arg7: memref<10240x128xf32, #tpu.memory_space<vmem>>) attributes {dimension_semantics = [], scalar_prefetch = 0 : i64, scratch_operands = 0 : i64, tpu.core_type = #tpu.core_type<tc>} {
    %get3A = arith.constant 0 : index
    %get3A_0 = arith.constant 0 : index
    %get3A_1 = arith.constant 0 : index
    %get3A_2 = vector.load %arg0[%get3A, %get3A_0, %get3A_1] : memref<2x10240x128xf32, #tpu.memory_space<vmem>>, vector<2x10240x128xf32>
    %slice3A = vector.extract_strided_slice %get3A_2 {offsets = [0, 0, 0], sizes = [1, 10240, 128], strides = [1, 1, 1]} : vector<2x10240x128xf32> to vector<1x10240x128xf32>
    %squeeze3A = vector.shape_cast %slice3A : vector<1x10240x128xf32> to vector<10240x128xf32>
    %slice3A_3 = vector.extract_strided_slice %get3A_2 {offsets = [1, 0, 0], sizes = [1, 10240, 128], strides = [1, 1, 1]} : vector<2x10240x128xf32> to vector<1x10240x128xf32>
    %squeeze3A_4 = vector.shape_cast %slice3A_3 : vector<1x10240x128xf32> to vector<10240x128xf32>
    %add3A = arith.addf %squeeze3A, %squeeze3A_4 : vector<10240x128xf32>
    %get3A_5 = arith.constant 0 : index
    %get3A_6 = arith.constant 0 : index
    %get3A_7 = vector.load %arg1[%get3A_5, %get3A_6] : memref<10240x128xf32, #tpu.memory_space<vmem>>, vector<10240x128xf32>
    %add3A_8 = arith.addf %add3A, %get3A_7 : vector<10240x128xf32>
    %get3A_9 = arith.constant 0 : index
    %get3A_10 = arith.constant 0 : index
    %get3A_11 = vector.load %arg2[%get3A_9, %get3A_10] : memref<10240x128xf32, #tpu.memory_space<vmem>>, vector<10240x128xf32>
    %mul3A = arith.mulf %add3A_8, %get3A_11 : vector<10240x128xf32>
    %get3A_12 = arith.constant 0 : index
    %get3A_13 = arith.constant 0 : index
    %get3A_14 = vector.load %arg3[%get3A_12, %get3A_13] : memref<1x128xf32, #tpu.memory_space<vmem>>, vector<1x128xf32>
    %add3A_15 = vector.broadcast %get3A_14 : vector<1x128xf32> to vector<10240x128xf32>
    %add3A_16 = arith.addf %mul3A, %add3A_15 : vector<10240x128xf32>
    %get3A_17 = arith.constant 0 : index
    %get3A_18 = arith.constant 0 : index
    %get3A_19 = vector.load %arg4[%get3A_17, %get3A_18] : memref<256x128xf32, #tpu.memory_space<vmem>>, vector<256x128xf32>
    %slice3A_20 = vector.extract_strided_slice %get3A_19 {offsets = [0, 0], sizes = [128, 128], strides = [1, 1]} : vector<256x128xf32> to vector<128x128xf32>
    %dot_general3A = arith.constant dense<0.000000e+00> : vector<10240x128xf32>
    %dot_general3A_21 = tpu.matmul %add3A_16, %slice3A_20, %dot_general3A {dimension_numbers = #tpu.dot_dimension_numbers<[1], [0], [0], [1], [0, 0, 1, 1], [], []>, transpose_lhs_hint = false} : vector<10240x128xf32>, vector<128x128xf32>, vector<10240x128xf32> -> vector<10240x128xf32>
    %get3A_22 = arith.constant 0 : index
    %get3A_23 = arith.constant 0 : index
    %get3A_24 = vector.load %arg5[%get3A_22, %get3A_23] : memref<1x128xf32, #tpu.memory_space<vmem>>, vector<1x128xf32>
    %add3A_25 = vector.broadcast %get3A_24 : vector<1x128xf32> to vector<10240x128xf32>
    %add3A_26 = arith.addf %dot_general3A_21, %add3A_25 : vector<10240x128xf32>
    %swap3A = arith.constant 0 : index
    %swap3A_27 = arith.constant 0 : index
    %swap3A_28 = vector.load %arg6[%swap3A, %swap3A_27] : memref<10240x128xf32, #tpu.memory_space<vmem>>, vector<10240x128xf32>
    tpu.vector_store %arg6[%swap3A, %swap3A_27], %add3A_26 {strides = array<i32>} : memref<10240x128xf32, #tpu.memory_space<vmem>>, vector<10240x128xf32>,
    %slice3A_29 = vector.extract_strided_slice %get3A_19 {offsets = [128, 0], sizes = [128, 128], strides = [1, 1]} : vector<256x128xf32> to vector<128x128xf32>
    %dot_general3A_30 = arith.constant dense<0.000000e+00> : vector<10240x128xf32>
    %dot_general3A_31 = tpu.matmul %add3A_16, %slice3A_29, %dot_general3A_30 {dimension_numbers = #tpu.dot_dimension_numbers<[1], [0], [0], [1], [0, 0, 1, 1], [], []>, transpose_lhs_hint = false} : vector<10240x128xf32>, vector<128x128xf32>, vector<10240x128xf32> -> vector<10240x128xf32>
    %swap3A_32 = arith.constant 0 : index
    %swap3A_33 = arith.constant 0 : index
    %swap3A_34 = vector.load %arg7[%swap3A_32, %swap3A_33] : memref<10240x128xf32, #tpu.memory_space<vmem>>, vector<10240x128xf32>
    tpu.vector_store %arg7[%swap3A_32, %swap3A_33], %dot_general3A_31 {strides = array<i32>} : memref<10240x128xf32, #tpu.memory_space<vmem>>, vector<10240x128xf32>,
    return
  }
}

</mosaic_0001>

<sc_bundles>
// kernel: kernel.12.cloned.1.call-start
scs
__scs_entry_jumppad:
0x0: {  	(pc) =	sbr.rel $0x88, $3  }
0x1: {  	(tag) =	ssettag $0x0;
	lr =	simm.s32 $0x1  }
0x2: {  	[smem:$0x3F96] =	sst lr;
	_ =	strace $0xD0000000  }
0x3: {  	_ = 	snop  }
0x4: {  	_ = 	snop  }
0x5: {  	_ = 	snop  }
0x6: {  	_ = 	snop  }
0x7: {  	_ = 	snop  }
__scs_overlays_trampoline_lowered:
0x8: {  	[smem:$0x3FA5] =	sst s0  }
0x9: {  	[smem:$0x3FA6] =	sst s1  }
0xa: {  	[smem:$0x3FA7] =	sst s2  }
0xb: {  	[smem:$0x3FA8] =	sst s3  }
0xc: {  	[smem:$0x3FA9] =	sst s4  }
0xd: {  	[smem:$0x3FAA] =	sst s5  }
0xe: {  	[smem:$0x3FAB] =	sst s6  }
0xf: {  	[smem:$0x3FAC] =	sst s7  }
0x10: {  	[smem:$0x3FAD] =	sst s8  }
0x11: {  	[smem:$0x3FAE] =	sst s9;
	s0 =	simm.s32 @!p0 $0x0  }
0x12: {  	s1 =	sld [smem:$0x3F94];
	s0 =	simm.s32 @p0 $0x1  }
0x13: {  	[smem:$0x3FAF] =	sst s0;
	s0 =	simm.s32 @!p1 $0x0  }
0x14: {  	s2 =	sld [smem:$0x3F93];
	s0 =	simm.s32 @p1 $0x1  }
0x15: {  	[smem:$0x3FB0] =	sst s0;
	s0 =	simm.s32 @!p2 $0x0  }
0x16: {  	s3 =	sld [smem:$0x3FDB];
	s0 =	simm.s32 @p2 $0x1  }
0x17: {  	s4 =	simm.s32 $0x1BF5;
	[smem:$0x3FB2] =	sst s0  }
0x18: {  	s0 =	sld [smem:$0x3F95];
	_ =	swait.ge [sflag:s4], $0x0  }
0x19: {  	s7 =	sld [smem:$0x3F96]  }
0x1a: {  	s8 =	sadd.s32 $0xFFFFE003, lr  }
0x1b: {  	s9 =	sadd.s32 $0xFFFFFEF7, lr;
	s5 =	simm.s32 $0xFFFFFFFF;
	p2 =	slt.u32 s8, $0xFFFFF086  }
0x1c: {  	p1 =	slt.u32 s9, $0xF7A;
	s5 =	simm.s32 @!p2 $0x0  }
0x1d: {  	s5 =	simm.s32 @p1 $0x1;
	p0 =	seq.s32 s7, s2  }
0x1e: {  	s7 =	smul.u32 @!p0 $0xF7A, s2;
	p2 =	seq.s32 @!p0 s5, $0x0  }
0x1f: {  	s9 =	smul.u32 $0xF7A, s1;
	s8 =	simm.s32 @!p0 $0x1BF5;
	p2 =	por !p2, p0  }
0x20: {  	[sflag:s8] =	ssyncset.s32 @!p0 $0xFFFFF086;
	s6 =	sadd.s32 @!p0 s3, s7;
	s7 =	simm.s32 @!p0 $0x108  }
0x21: {  	s3 =	sadd.s32 s3, s9;
	s6 =	sadd.s32 @!p0 $0x88, s6;
	s7 =	simm.s32 @p2 $0x1082  }
0x22: {  	[simem:s7], [sflag:s8] =	dma.local @!p0 [hbm:s6], $0xF7A  }
0x23: {  	s9 =	sor.u32 $0xD0000000, s2;
	s6 =	simm.s32 $0x108;
	_ =	swait.ge @!p0 [sflag:s8], $0x0  }
0x24: {  	s3 =	sadd.s32 $0x88, s3;
	s6 =	simm.s32 @!p1 $0x1082;
	[sflag:s4] =	ssyncset.s32 $0xFFFFF086  }
0x25: {  	[simem:s6], [sflag:s4] =	dma.local [hbm:s3], $0xF7A  }
0x26: {  	[smem:$0x3F96] =	sst s1;
	(tag) =	ssettag s2;
	_ =	strace s9  }
0x27: {  	s1 =	sld [smem:$0x3FA6]  }
0x28: {  	s2 =	sld [smem:$0x3FA7]  }
0x29: {  	s4 =	sld [smem:$0x3FA9]  }
0x2a: {  	p0 =	seq.s32 s5, $0x0;
	s5 =	sld [smem:$0x3FAA]  }
0x2b: {  	s6 =	sld [smem:$0x3FAB]  }
0x2c: {  	s7 =	sld [smem:$0x3FAC]  }
0x2d: {  	s3 =	simm.s32 $0x108;
	s8 =	sld [smem:$0x3FAD]  }
0x2e: {  	s3 =	simm.s32 @!p0 $0x1082;
	s9 =	sld [smem:$0x3FAE]  }
0x2f: {  	lr =	sadd.s32 s0, s3;
	s0 =	sld [smem:$0x3FA5]  }
0x30: {  	s3 =	sld [smem:$0x3FA8]  }
0x31: {  	[smem:$0x3FB1] =	sst s10  }
0x32: {  	s10 =	sld [smem:$0x3FAF];
	_ =	sdelay $0x3  }
0x33: {  	p0 =	seq.s32 s10, $0x1;
	s10 =	sld [smem:$0x3FB1];
	_ =	sdelay $0x3  }
0x34: {  	[smem:$0x3FB1] =	sst s10  }
0x35: {  	s10 =	sld [smem:$0x3FB0];
	_ =	sdelay $0x3  }
0x36: {  	p1 =	seq.s32 s10, $0x1;
	s10 =	sld [smem:$0x3FB1];
	_ =	sdelay $0x3  }
0x37: {  	[smem:$0x3FB1] =	sst s10  }
0x38: {  	s10 =	sld [smem:$0x3FB2]  }
0x39: {  	_ = 	snop;
	(pc) =	sbr.ind lr, $3  }
0x3a: {  	_ = 	snop  }
0x3b: {  	_ = 	snop  }
0x3c: {  	p2 =	seq.s32 s10, $0x1;
	s10 =	sld [smem:$0x3FB1]  }
0x3d: {  	_ =	shalt  }
0x3e: {  	_ =	shalt  }
0x3f: {  	_ =	shalt  }
0x40: {  	_ =	shalt  }
0x41: {  	_ =	shalt  }
0x42: {  	_ =	shalt  }
0x43: {  	_ =	shalt  }
0x44: {  	_ =	shalt  }
0x45: {  	_ =	shalt  }
0x46: {  	_ =	shalt  }
0x47: {  	_ =	shalt  }
0x48: {  	_ =	shalt  }
0x49: {  	_ =	shalt  }
0x4a: {  	_ =	shalt  }
0x4b: {  	_ =	shalt  }
0x4c: {  	_ =	shalt  }
0x4d: {  	_ =	shalt  }
0x4e: {  	_ =	shalt  }
0x4f: {  	_ =	shalt  }
0x50: {  	_ =	shalt  }
0x51: {  	_ =	shalt  }
0x52: {  	_ =	shalt  }
0x53: {  	_ =	shalt  }
0x54: {  	_ =	shalt  }
0x55: {  	_ =	shalt  }
0x56: {  	_ =	shalt  }
0x57: {  	_ =	shalt  }
0x58: {  	_ =	shalt  }
0x59: {  	_ =	shalt  }
0x5a: {  	_ =	shalt  }
0x5b: {  	_ =	shalt  }
0x5c: {  	_ =	shalt  }
0x5d: {  	_ =	shalt  }
0x5e: {  	_ =	shalt  }
0x5f: {  	_ =	shalt  }
0x60: {  	_ =	shalt  }
0x61: {  	_ =	shalt  }
0x62: {  	_ =	shalt  }
0x63: {  	_ =	shalt  }
0x64: {  	_ =	shalt  }
0x65: {  	_ =	shalt  }
0x66: {  	_ =	shalt  }
0x67: {  	_ =	shalt  }
0x68: {  	_ =	shalt  }
0x69: {  	_ =	shalt  }
0x6a: {  	_ =	shalt  }
0x6b: {  	_ =	shalt  }
0x6c: {  	_ =	shalt  }
0x6d: {  	_ =	shalt  }
0x6e: {  	_ =	shalt  }
0x6f: {  	_ =	shalt  }
0x70: {  	_ =	shalt  }
0x71: {  	_ =	shalt  }
0x72: {  	_ =	shalt  }
0x73: {  	_ =	shalt  }
0x74: {  	_ =	shalt  }
0x75: {  	_ =	shalt  }
0x76: {  	_ =	shalt  }
0x77: {  	_ =	shalt  }
0x78: {  	_ =	shalt  }
0x79: {  	_ =	shalt  }
0x7a: {  	_ =	shalt  }
0x7b: {  	_ =	shalt  }
0x7c: {  	_ =	shalt  }
0x7d: {  	_ =	shalt  }
0x7e: {  	_ =	shalt  }
0x7f: {  	_ =	shalt  }
0x80: {  	_ =	shalt  }
0x81: {  	_ =	shalt  }
0x82: {  	_ =	shalt  }
0x83: {  	_ =	shalt  }
0x84: {  	_ =	shalt  }
0x85: {  	_ =	shalt  }
0x86: {  	_ =	shalt  }
0x87: {  	_ =	shalt  }
.Lfunc_end0:
.L_simem_size_0:
called_computation.1_lowered:
.L_overlay_start_0:
0x88: {  	s2 =	sld [smem:$0x3FD9]  }
0x89: {  	s3 =	sld [smem:$0x3FFE];
	_ =	sdelay $0x1  }
0x8a: {  	s1 =	srdreg.scid  }
0x8b: {  	s0 =	sand.u32 $0x1, s1  }
0x8c: {  	s16 =	sshll.u32 s0, $0xA;
	s2 =	sadd.s32 s3, s2  }
0x8d: {  	s2 =	sadd.s32 s2, s16  }
0x8e: {  	[smem:$0x3FBD] =	sst s2  }
0x8f: {  	_ = 	snop  }
0x90: {  	(tm) =	ssettm $0x1  }
0x91: {  	s17 =	sld [smem:$0x3FFB];
	_ =	sdelay $0x3  }
0x92: {  	_ =	strace s17  }
0x93: {  	s2 =	sld [smem:$0x3FFC];
	_ =	sdelay $0x3  }
0x94: {  	_ =	strace s2  }
0x95: {  	s2 =	sld [smem:$0x3FFD];
	_ =	sdelay $0x3  }
0x96: {  	_ =	strace s2  }
0x97: {  	_ =	strace $0x8FFFFFFF  }
0x98: {  	s18 =	sld [smem:$0x3FDB];
	_ =	sdelay $0x1  }
0x99: {  	s19 =	simm.s32 $_scs_section_size  }
0x9a: {  	s4 =	simm.s32 $_size__tile_overlayer_lowered;
	s5 =	simm.s32 $_tile_overlayer_lowered  }
0x9b: {  	s22 =	simm.s32 $0x1BFF;
	s21 =	sshll.u32 s5, $0x1;
	s2 =	sadd.s32 s19, s18  }
0x9c: {  	s6 =	simm.s32 $0x0;
	s20 =	sshll.u32 s4, $0x1;
	s4 =	sadd.s32 s21, s2  }
0x9d: {  	[timem:s6], [sflag:s22] =	dma.local [hbm:s4], s20  }
0x9e: {  	_ =	swait.ge [sflag:s22], s20  }
0x9f: {  	s3 =	ssub.s32 $0x0, s20;
	[sflag:s22] =	ssyncset.done $0x0  }
0xa0: {  	[sflag:s22] =	ssyncadd.s32 s3;
	_ =	sdelay $0x1  }
0xa1: {  	s23 =	simm.s32 $0x1B8B  }
0xa2: {  	_ =	swait.ge [sflag:s23], $0x1  }
0xa3: {  	[sflag:s23] =	ssyncset.done $0x0  }
0xa4: {  	s25 =	simm.s32 $0x1B8E;
	s24 =	sld [smem:$0x3FFE];
	[sflag:s23] =	ssyncadd.s32 $0xFFFFFFFF  }
0xa5: {  	s26 =	simm.s32 $execute0_lowered;
	[smem:$0x3FD2] =	sst s25  }
0xa6: {  	s4 =	sshll.u32 s26, $0x1;
	_ =	strace $0x80000049;
	[dreg:$0x1] =	wrdreg $0xFFFFFFFF  }
0xa7: {  	s28 =	simm.s32 $_size_execute0_lowered;
	s2 =	sadd.s32 s2, s4;
	[dreg:$0x0] =	wrdreg $0x0  }
0xa8: {  	s4 =	sshll.u32 s28, $0x1;
	[dreg:$0x2] =	wrdreg s2  }
0xa9: {  	[dreg:$0x3] =	wrdreg s4  }
0xaa: {  	[dreg:$0x4] =	wrdreg $0xC0  }
0xab: {  	_ =	task [dreg:s6], $0x5FFFF  }
0xac: {  	[dreg:$0x1] =	wrdreg $0xFFFFFFFF  }
0xad: {  	[dreg:$0x0] =	wrdreg $0x60  }
0xae: {  	[dreg:$0x2] =	wrdreg s24  }
0xaf: {  	[dreg:$0x3] =	wrdreg $0x90000  }
0xb0: {  	[dreg:$0x4] =	wrdreg $0x9  }
0xb1: {  	_ =	task.clear_ibuf [dreg:s6], $0x5FFFF;
	_ =	strace $0x90000049  }
0xb2: {  	s29 =	simm.s32 $0x9;
	_ =	strace $0x8000004B  }
0xb3: {  	_ =	swait.ge [sflag:s29], $0x1  }
0xb4: {  	[sflag:s29] =	ssyncadd.s32 $0xFFFFFFFF  }
0xb5: {  	_ =	strace $0x9000004B  }
0xb6: {  	_ =	sfence  }
0xb7: {  	s30 =	sld [smem:$0x0];
	_ =	sdelay $0x2  }
0xb8: {  	s31 =	sshll.u32 s1, $0xD;
	s1 =	sshrl.u32 s1, $0x2  }
0xb9: {  	s3 =	sand.u32 $0x4000, s31;
	s1 =	sadd.s32 s1, s30  }
0xba: {  	s0 =	sor.u32 s3, s0;
	s1 =	sshll.u32 s1, $0x11  }
0xbb: {  	s0 =	sor.u32 s1, s0  }
0xbc: {  	s0 =	sadd.s32 $0x8F2B, s0  }
0xbd: {  	[sflag:s0] =	ssyncadd.remote.s32 $0x1  }
0xbe: {  	_ =	sfence.sel $0xFFFF  }
0xbf: {  	[dreg:$0x0] =	wrdreg $0xFFFFFFFF;
	(pc) =	sbr.abs _section_cstart, $3  }
0xc0: {  	[dreg:$0x1] =	wrdreg $0xFFFFFFFF  }
0xc1: {  	_ =	task.clear_ibuf [dreg:s6], $0x2FFFF;
	_ =	strace $0x9FFFFFFF  }
0xc2: {  	(tm) =	ssettm $0x7FFFFFFF  }
0xc3: {  	_ =	shalt  }
tec
execute0_lowered:
.L_overlay_start_1:
0x0: {  	(tag) =	ssettag $0x1  }
0x1: {  	s6 =	rddreg [dreg:$0x0]  }
0x2: {  	s2 =	rddreg [dreg:$0x1]  }
0x3: {  	s0 =	rddreg [dreg:$0x2]  }
0x4: {  	s1 =	stileid.u32;
	s4 =	srdreg.scid  }
0x5: {  	s3 =	simm.s32 $0x0;
	s14 =	simm.s32 $0x5000;
	s5 =	smul.u32 $0x2800, s1  }
0x6: {  	s15 =	simm.s32 $0x2;
	s16 =	simm.s32 $0x2800;
	s8 =	smul.u32 $0x500, s1  }
0x7: {  	s17 =	simm.s32 $0x80;
	s18 =	simm.s32 $0x1;
	s9 =	smul.u32 $0x14000, s1  }
0x8: {  	s7 =	sand.u32 $0x1, s4;
	[smem:$0x7FF] =	sst s3;
	s10 =	smul.u32 $0x50000, s1  }
0x9: {  	s19 =	sshll.u32 s1, $0x6;
	s29 =	smul.u32 $0x140000, s7;
	p0 =	seq.s32 s7, $0x0  }
0xa: {  	_ =	strace $0x8000004A;
	s7 =	ssub.s32 $0x2, s7;
	s19 =	sor.u32 $0x1C02, s19  }
0xb: {  	s28 =	sshrl.u32 s5, $0x3;
	s30 =	sshrl.u32 s10, $0x2;
	s31 =	sshrl.u32 s7, $0x1  }
0xc: {  	s4 =	sadd.s32 $0x5000, s28;
	s5 =	sadd.s32 s9, s29;
	s12 =	ssub.s32 s7, s31  }
0xd: {  	s8 =	smov.u32 @p0 s4;
	s4 =	sadd.s32 $0x3400, s6;
	s9 =	sshrl.u32 s5, $0x3  }
0xe: {  	s5 =	sadd.s32 s30, s2;
	s13 =	sadd.s32 s8, s6;
	s11 =	sadd.s32 s9, s6  }
0xf: {  	s6 =	sadd.s32 $0x4000, s5;
	s7 =	sadd.s32 $0x8000, s5;
	s8 =	sadd.s32 $0xC000, s5  }
0x10: {  	s9 =	sadd.s32 $0x10000, s5;
	s20 =	sshrl.u32 s5, $0x3;
	s10 =	sadd.s32 $0x67400, s11  }
0x11: {  	v0 =	vimm.f32 $0.0e+00;
	s11 =	smax.u32 s12, $0x1;
	s12 =	sadd.s32 $0x5D400, s13;
	s13 =	sadd.s32 $0x53400, s13  }
.LBB2_1:
0x12: {  	s21 =	simm.s32 $0x0;
	s22 =	simm.s32 $0x200  }
.LBB2_2:
0x13: {  	p0 =	sne.s32 s22, $0xFE00;
	[tilespmem:s21+$0x5070] =	vst v0  }
0x14: {  	[tilespmem:s21+$0x5000] =	vst v0  }
0x15: {  	[tilespmem:s21+$0x5010] =	vst v0  }
.Ltmp0:
0x16: {  	[tilespmem:s21+$0x5020] =	vst v0;
	(pc) =	sbr.rel @p0 .LBB2_2-.Ltmp0, $4  }
0x17: {  	[tilespmem:s21+$0x5030] =	vst v0  }
0x18: {  	[tilespmem:s21+$0x5040] =	vst v0  }
0x19: {  	[tilespmem:s21+$0x5050] =	vst v0  }
0x1a: {  	[tilespmem:s21+$0x5060] =	vst v0;
	s21 =	sshra.s32 s22, $0x2;
	s22 =	sadd.s32 $0x200, s22  }
0x1b: {  	[tilespmem:s21+$0x5070] =	vst v0  }
0x1c: {  	[tilespmem:s21+$0x5000] =	vst v0  }
0x1d: {  	[tilespmem:s21+$0x5010] =	vst v0  }
0x1e: {  	[tilespmem:s21+$0x5020] =	vst v0  }
0x1f: {  	[tilespmem:s21+$0x5030] =	vst v0  }
0x20: {  	[tilespmem:s21+$0x5040] =	vst v0  }
0x21: {  	[tilespmem:s21+$0x5050] =	vst v0  }
0x22: {  	[tilespmem:s21+$0x5060] =	vst v0  }
0x23: {  	[spmem:s5] =	stream.linear.scatter [tilespmem:s14], [sflag:$0x2], $0x4000, $0x38;
	[tilespmem:$0x1D000] =	vst v63  }
0x24: {  	_ =	swait.ge [sflag:s15], $0x4000  }
0x25: {  	[sflag:s15] =	ssyncset.done $0x0  }
0x26: {  	[sflag:s15] =	ssyncadd.s32 $0xFFFFC000  }
0x27: {  	[spmem:s6] =	stream.linear.scatter [tilespmem:s14], [sflag:$0x2], $0x4000, $0x38;
	[tilespmem:$0x1D000] =	vst v63  }
0x28: {  	_ =	swait.ge [sflag:s15], $0x4000  }
0x29: {  	[sflag:s15] =	ssyncset.done $0x0  }
0x2a: {  	[sflag:s15] =	ssyncadd.s32 $0xFFFFC000  }
0x2b: {  	[spmem:s7] =	stream.linear.scatter [tilespmem:s14], [sflag:$0x2], $0x4000, $0x38;
	[tilespmem:$0x1D000] =	vst v63  }
0x2c: {  	_ =	swait.ge [sflag:s15], $0x4000  }
0x2d: {  	[sflag:s15] =	ssyncset.done $0x0  }
0x2e: {  	[sflag:s15] =	ssyncadd.s32 $0xFFFFC000  }
0x2f: {  	[spmem:s8] =	stream.linear.scatter [tilespmem:s14], [sflag:$0x2], $0x4000, $0x38;
	[tilespmem:$0x1D000] =	vst v63  }
0x30: {  	_ =	swait.ge [sflag:s15], $0x4000  }
0x31: {  	[sflag:s15] =	ssyncset.done $0x0  }
0x32: {  	[sflag:s15] =	ssyncadd.s32 $0xFFFFC000  }
0x33: {  	[spmem:s9] =	stream.linear.scatter [tilespmem:s14], [sflag:$0x2], $0x4000, $0x38;
	[tilespmem:$0x1D000] =	vst v63  }
0x34: {  	_ =	swait.ge [sflag:s15], $0x4000  }
0x35: {  	[sflag:s15] =	ssyncset.done $0x0  }
0x36: {  	[sflag:s15] =	ssyncadd.s32 $0xFFFFC000  }
0x37: {  	s29 =	simm.s32 $0x0;
	[bflag:$0x0] =	sbarrier.arrive $0xFFFF  }
0x38: {  	[tilespmem:s29], [sflag:$0x2] =	stream.linear.gather [hbm4b:s12+s29], $0x2800, $0x38;
	[tilespmem:$0x1D000] =	vst v63  }
0x39: {  	_ =	swait.ge [sflag:s15], $0x2800  }
0x3a: {  	[sflag:s15] =	ssyncset.done $0x0  }
0x3b: {  	[sflag:s15] =	ssyncadd.s32 $0xFFFFD800  }
0x3c: {  	[tilespmem:s16], [sflag:$0x2] =	stream.linear.gather [hbm4b:s13+s29], $0x2800, $0x38;
	[tilespmem:$0x1D000] =	vst v63  }
0x3d: {  	_ =	swait.ge [sflag:s15], $0x2800  }
0x3e: {  	[sflag:s15] =	ssyncset.done $0x0  }
0x3f: {  	s30 =	simm.s32 $0x0;
	[sflag:s15] =	ssyncadd.s32 $0xFFFFD800  }
0x40: {  	[tilespmem:s14], [sflag:$0x1] =	stream.indirect.gather [hbm4b:s4+s17], $0x80, s30, s17, $0xb8;
	[tilespmem:$0x1D000] =	vst v63  }
0x41: {  	_ =	swait.ge [sflag:s18], $0x4000  }
0x42: {  	[sflag:s18] =	ssyncset.done $0x0  }
0x43: {  	s31 =	simm.s32 $0x2800;
	[sflag:s18] =	ssyncadd.s32 $0xFFFFC000  }
0x44: {  	[spmem:s2] =	stream.indirect.scatter.add.f32 [tilespmem:s14], [sflag:$0x2], $0x80, s31, s17, $0xb8;
	[tilespmem:$0x1D000] =	vst v63  }
0x45: {  	_ =	swait.ge [sflag:s15], $0x4000  }
0x46: {  	s21 =	simm.s32 $0x200;
	s22 =	simm.s32 $0x400;
	[sflag:s15] =	ssyncset.done $0x0  }
.LBB2_4:
0x47: {  	s23 =	sshra.s32 s21, $0x2  }
0x48: {  	[sflag:s15] =	ssyncadd.s32 $0xFFFFC000;
	s21 =	smov.u32 s22;
	s24 =	sadd.s32 $0x200, s22  }
0x49: {  	[tilespmem:s14], [sflag:$0x1] =	stream.indirect.gather [hbm4b:s4+s17], $0x80, s23, s17, $0xb8;
	[tilespmem:$0x1D000] =	vst v63  }
0x4a: {  	p0 =	sne.s32 s22, $0x9E00;
	_ =	swait.ge [sflag:s18], $0x4000  }
.Ltmp1:
0x4b: {  	[sflag:s18] =	ssyncset.done $0x0;
	(pc) =	sbr.rel @p0 .LBB2_4-.Ltmp1, $4  }
0x4c: {  	s22 =	sadd.s32 $0x2800, s23;
	[sflag:s18] =	ssyncadd.s32 $0xFFFFC000  }
0x4d: {  	[spmem:s2] =	stream.indirect.scatter.add.f32 [tilespmem:s14], [sflag:$0x2], $0x80, s22, s17, $0xb8;
	[tilespmem:$0x1D000] =	vst v63  }
0x4e: {  	_ =	swait.ge [sflag:s15], $0x4000  }
0x4f: {  	s22 =	smov.u32 s24;
	[sflag:s15] =	ssyncset.done $0x0  }
0x50: {  	s21 =	sshra.s32 s21, $0x2;
	[sflag:s15] =	ssyncadd.s32 $0xFFFFC000  }
0x51: {  	[tilespmem:s14], [sflag:$0x1] =	stream.indirect.gather [hbm4b:s4+s17], $0x80, s21, s17, $0xb8;
	[tilespmem:$0x1D000] =	vst v63  }
0x52: {  	_ =	swait.ge [sflag:s18], $0x4000  }
0x53: {  	[sflag:s18] =	ssyncset.done $0x0  }
0x54: {  	s21 =	sadd.s32 $0x2800, s21;
	[sflag:s18] =	ssyncadd.s32 $0xFFFFC000  }
0x55: {  	[spmem:s2] =	stream.indirect.scatter.add.f32 [tilespmem:s14], [sflag:$0x2], $0x80, s21, s17, $0xb8;
	[tilespmem:$0x1D000] =	vst v63  }
0x56: {  	_ =	swait.ge [sflag:s15], $0x4000  }
0x57: {  	s3 =	sadd.s32 $0x1, s3;
	[sflag:s15] =	ssyncset.done $0x0  }
0x58: {  	p0 =	sne.s32 s3, s11;
	[sflag:s15] =	ssyncadd.s32 $0xFFFFC000  }
.Ltmp2:
0x59: {  	[bflag:$0x0] =	sbarrier.arrive $0xFFFF;
	(pc) =	sbr.rel @p0 .LBB2_1-.Ltmp2, $4  }
0x5a: {  	[hbm:s10], [sflag:s19] =	dma.local [spmem:s20], $0x2800  }
0x5b: {  	_ =	swait.ge [sflag:s15], $0x2800  }
0x5c: {  	[sflag:s15] =	ssyncset.done $0x0  }
0x5d: {  	[sflag:s15] =	ssyncadd.s32 $0xFFFFD800  }
0x5e: {  	_ =	sfence.sel $0x180000  }
0x5f: {  	[bflag:$0x0] =	sbarrier.arrive $0xFFFF  }
0x60: {  	p0 =	sne.s32 s1, $0x0;
	_ =	strace $0x9000004A  }
0x61: {  	s0 =	sadd.s32 @!p0 $0x100000, s0;
	[bflag:$0x2] =	sbarrier.arrive $0xFFFF  }
0x62: {  	[sflag:s0] =	ssyncadd.tile.s32 @!p0 $0x1;
	_ =	shalt  }
.Lfunc_end2:
_tile_overlayer_lowered:
.L_overlay_start_2:
0x63: {  	(tag) =	ssettag $0x2  }
0x64: {  	s0 =	rddreg [dreg:$0x0];
	s2 =	stileid.u32  }
0x65: {  	s1 =	rddreg [dreg:$0x1];
	p0 =	sne.s32 s2, $0x0  }
0x66: {  	s3 =	rddreg [dreg:$0x2];
	[bflag:$0x3] =	sbarrier.arrive $0xFFFF;
	s2 =	simm.s32 @!p0 $0x1C02  }
0x67: {  	[timem:s3], [sflag:s2] =	dma.local @!p0 [hbm:s0], s1  }
0x68: {  	s0 =	simm.s32 @!p0 $0x2  }
0x69: {  	_ =	swait.ge @!p0 [sflag:s0], s1  }
0x6a: {  	s1 =	ssub.s32 @!p0 $0x0, s1;
	[sflag:s0] =	ssyncset.done @!p0 $0x0  }
0x6b: {  	[sflag:s0] =	ssyncadd.s32 @!p0 s1  }
0x6c: {  	[bflag:$0x3] =	sbarrier.arrive $0xFFFF  }
0x6d: {  	_ =	shalt  }

// kernel: kernel.15.cloned.1.call-start
scs
__scs_entry_jumppad:
0x0: {  	(pc) =	sbr.rel $0x88, $3  }
0x1: {  	(tag) =	ssettag $0x0;
	lr =	simm.s32 $0x1  }
0x2: {  	[smem:$0x3F96] =	sst lr;
	_ =	strace $0xD0000000  }
0x3: {  	_ = 	snop  }
0x4: {  	_ = 	snop  }
0x5: {  	_ = 	snop  }
0x6: {  	_ = 	snop  }
0x7: {  	_ = 	snop  }
__scs_overlays_trampoline_lowered:
0x8: {  	[smem:$0x3FA5] =	sst s0  }
0x9: {  	[smem:$0x3FA6] =	sst s1  }
0xa: {  	[smem:$0x3FA7] =	sst s2  }
0xb: {  	[smem:$0x3FA8] =	sst s3  }
0xc: {  	[smem:$0x3FA9] =	sst s4  }
0xd: {  	[smem:$0x3FAA] =	sst s5  }
0xe: {  	[smem:$0x3FAB] =	sst s6  }
0xf: {  	[smem:$0x3FAC] =	sst s7  }
0x10: {  	[smem:$0x3FAD] =	sst s8  }
0x11: {  	[smem:$0x3FAE] =	sst s9;
	s0 =	simm.s32 @!p0 $0x0  }
0x12: {  	s1 =	sld [smem:$0x3F94];
	s0 =	simm.s32 @p0 $0x1  }
0x13: {  	[smem:$0x3FAF] =	sst s0;
	s0 =	simm.s32 @!p1 $0x0  }
0x14: {  	s2 =	sld [smem:$0x3F93];
	s0 =	simm.s32 @p1 $0x1  }
0x15: {  	[smem:$0x3FB0] =	sst s0;
	s0 =	simm.s32 @!p2 $0x0  }
0x16: {  	s3 =	sld [smem:$0x3FDB];
	s0 =	simm.s32 @p2 $0x1  }
0x17: {  	s4 =	simm.s32 $0x1BF5;
	[smem:$0x3FB2] =	sst s0  }
0x18: {  	s0 =	sld [smem:$0x3F95];
	_ =	swait.ge [sflag:s4], $0x0  }
0x19: {  	s7 =	sld [smem:$0x3F96]  }
0x1a: {  	s8 =	sadd.s32 $0xFFFFE003, lr  }
0x1b: {  	s9 =	sadd.s32 $0xFFFFFEF7, lr;
	s5 =	simm.s32 $0xFFFFFFFF;
	p2 =	slt.u32 s8, $0xFFFFF086  }
0x1c: {  	p1 =	slt.u32 s9, $0xF7A;
	s5 =	simm.s32 @!p2 $0x0  }
0x1d: {  	s5 =	simm.s32 @p1 $0x1;
	p0 =	seq.s32 s7, s2  }
0x1e: {  	s7 =	smul.u32 @!p0 $0xF7A, s2;
	p2 =	seq.s32 @!p0 s5, $0x0  }
0x1f: {  	s9 =	smul.u32 $0xF7A, s1;
	s8 =	simm.s32 @!p0 $0x1BF5;
	p2 =	por !p2, p0  }
0x20: {  	[sflag:s8] =	ssyncset.s32 @!p0 $0xFFFFF086;
	s6 =	sadd.s32 @!p0 s3, s7;
	s7 =	simm.s32 @!p0 $0x108  }
0x21: {  	s3 =	sadd.s32 s3, s9;
	s6 =	sadd.s32 @!p0 $0x88, s6;
	s7 =	simm.s32 @p2 $0x1082  }
0x22: {  	[simem:s7], [sflag:s8] =	dma.local @!p0 [hbm:s6], $0xF7A  }
0x23: {  	s9 =	sor.u32 $0xD0000000, s2;
	s6 =	simm.s32 $0x108;
	_ =	swait.ge @!p0 [sflag:s8], $0x0  }
0x24: {  	s3 =	sadd.s32 $0x88, s3;
	s6 =	simm.s32 @!p1 $0x1082;
	[sflag:s4] =	ssyncset.s32 $0xFFFFF086  }
0x25: {  	[simem:s6], [sflag:s4] =	dma.local [hbm:s3], $0xF7A  }
0x26: {  	[smem:$0x3F96] =	sst s1;
	(tag) =	ssettag s2;
	_ =	strace s9  }
0x27: {  	s1 =	sld [smem:$0x3FA6]  }
0x28: {  	s2 =	sld [smem:$0x3FA7]  }
0x29: {  	s4 =	sld [smem:$0x3FA9]  }
0x2a: {  	p0 =	seq.s32 s5, $0x0;
	s5 =	sld [smem:$0x3FAA]  }
0x2b: {  	s6 =	sld [smem:$0x3FAB]  }
0x2c: {  	s7 =	sld [smem:$0x3FAC]  }
0x2d: {  	s3 =	simm.s32 $0x108;
	s8 =	sld [smem:$0x3FAD]  }
0x2e: {  	s3 =	simm.s32 @!p0 $0x1082;
	s9 =	sld [smem:$0x3FAE]  }
0x2f: {  	lr =	sadd.s32 s0, s3;
	s0 =	sld [smem:$0x3FA5]  }
0x30: {  	s3 =	sld [smem:$0x3FA8]  }
0x31: {  	[smem:$0x3FB1] =	sst s10  }
0x32: {  	s10 =	sld [smem:$0x3FAF];
	_ =	sdelay $0x3  }
0x33: {  	p0 =	seq.s32 s10, $0x1;
	s10 =	sld [smem:$0x3FB1];
	_ =	sdelay $0x3  }
0x34: {  	[smem:$0x3FB1] =	sst s10  }
0x35: {  	s10 =	sld [smem:$0x3FB0];
	_ =	sdelay $0x3  }
0x36: {  	p1 =	seq.s32 s10, $0x1;
	s10 =	sld [smem:$0x3FB1];
	_ =	sdelay $0x3  }
0x37: {  	[smem:$0x3FB1] =	sst s10  }
0x38: {  	s10 =	sld [smem:$0x3FB2]  }
0x39: {  	_ = 	snop;
	(pc) =	sbr.ind lr, $3  }
0x3a: {  	_ = 	snop  }
0x3b: {  	_ = 	snop  }
0x3c: {  	p2 =	seq.s32 s10, $0x1;
	s10 =	sld [smem:$0x3FB1]  }
0x3d: {  	_ =	shalt  }
0x3e: {  	_ =	shalt  }
0x3f: {  	_ =	shalt  }
0x40: {  	_ =	shalt  }
0x41: {  	_ =	shalt  }
0x42: {  	_ =	shalt  }
0x43: {  	_ =	shalt  }
0x44: {  	_ =	shalt  }
0x45: {  	_ =	shalt  }
0x46: {  	_ =	shalt  }
0x47: {  	_ =	shalt  }
0x48: {  	_ =	shalt  }
0x49: {  	_ =	shalt  }
0x4a: {  	_ =	shalt  }
0x4b: {  	_ =	shalt  }
0x4c: {  	_ =	shalt  }
0x4d: {  	_ =	shalt  }
0x4e: {  	_ =	shalt  }
0x4f: {  	_ =	shalt  }
0x50: {  	_ =	shalt  }
0x51: {  	_ =	shalt  }
0x52: {  	_ =	shalt  }
0x53: {  	_ =	shalt  }
0x54: {  	_ =	shalt  }
0x55: {  	_ =	shalt  }
0x56: {  	_ =	shalt  }
0x57: {  	_ =	shalt  }
0x58: {  	_ =	shalt  }
0x59: {  	_ =	shalt  }
0x5a: {  	_ =	shalt  }
0x5b: {  	_ =	shalt  }
0x5c: {  	_ =	shalt  }
0x5d: {  	_ =	shalt  }
0x5e: {  	_ =	shalt  }
0x5f: {  	_ =	shalt  }
0x60: {  	_ =	shalt  }
0x61: {  	_ =	shalt  }
0x62: {  	_ =	shalt  }
0x63: {  	_ =	shalt  }
0x64: {  	_ =	shalt  }
0x65: {  	_ =	shalt  }
0x66: {  	_ =	shalt  }
0x67: {  	_ =	shalt  }
0x68: {  	_ =	shalt  }
0x69: {  	_ =	shalt  }
0x6a: {  	_ =	shalt  }
0x6b: {  	_ =	shalt  }
0x6c: {  	_ =	shalt  }
0x6d: {  	_ =	shalt  }
0x6e: {  	_ =	shalt  }
0x6f: {  	_ =	shalt  }
0x70: {  	_ =	shalt  }
0x71: {  	_ =	shalt  }
0x72: {  	_ =	shalt  }
0x73: {  	_ =	shalt  }
0x74: {  	_ =	shalt  }
0x75: {  	_ =	shalt  }
0x76: {  	_ =	shalt  }
0x77: {  	_ =	shalt  }
0x78: {  	_ =	shalt  }
0x79: {  	_ =	shalt  }
0x7a: {  	_ =	shalt  }
0x7b: {  	_ =	shalt  }
0x7c: {  	_ =	shalt  }
0x7d: {  	_ =	shalt  }
0x7e: {  	_ =	shalt  }
0x7f: {  	_ =	shalt  }
0x80: {  	_ =	shalt  }
0x81: {  	_ =	shalt  }
0x82: {  	_ =	shalt  }
0x83: {  	_ =	shalt  }
0x84: {  	_ =	shalt  }
0x85: {  	_ =	shalt  }
0x86: {  	_ =	shalt  }
0x87: {  	_ =	shalt  }
.Lfunc_end0:
.L_simem_size_0:
called_computation.2_lowered:
.L_overlay_start_0:
0x88: {  	s2 =	sld [smem:$0x3FD9]  }
0x89: {  	s3 =	sld [smem:$0x3FFE];
	_ =	sdelay $0x1  }
0x8a: {  	s1 =	srdreg.scid  }
0x8b: {  	s0 =	sand.u32 $0x1, s1  }
0x8c: {  	s16 =	sshll.u32 s0, $0xA;
	s2 =	sadd.s32 s3, s2  }
0x8d: {  	s2 =	sadd.s32 s2, s16  }
0x8e: {  	[smem:$0x3FBD] =	sst s2  }
0x8f: {  	_ = 	snop  }
0x90: {  	(tm) =	ssettm $0x1  }
0x91: {  	s17 =	sld [smem:$0x3FFB];
	_ =	sdelay $0x3  }
0x92: {  	_ =	strace s17  }
0x93: {  	s2 =	sld [smem:$0x3FFC];
	_ =	sdelay $0x3  }
0x94: {  	_ =	strace s2  }
0x95: {  	s2 =	sld [smem:$0x3FFD];
	_ =	sdelay $0x3  }
0x96: {  	_ =	strace s2  }
0x97: {  	_ =	strace $0x8FFFFFFF  }
0x98: {  	s18 =	sld [smem:$0x3FDB];
	_ =	sdelay $0x1  }
0x99: {  	s19 =	simm.s32 $_scs_section_size  }
0x9a: {  	s4 =	simm.s32 $_size__tile_overlayer_lowered;
	s5 =	simm.s32 $_tile_overlayer_lowered  }
0x9b: {  	s22 =	simm.s32 $0x1BFF;
	s21 =	sshll.u32 s5, $0x1;
	s2 =	sadd.s32 s19, s18  }
0x9c: {  	s6 =	simm.s32 $0x0;
	s20 =	sshll.u32 s4, $0x1;
	s4 =	sadd.s32 s21, s2  }
0x9d: {  	[timem:s6], [sflag:s22] =	dma.local [hbm:s4], s20  }
0x9e: {  	_ =	swait.ge [sflag:s22], s20  }
0x9f: {  	s3 =	ssub.s32 $0x0, s20;
	[sflag:s22] =	ssyncset.done $0x0  }
0xa0: {  	[sflag:s22] =	ssyncadd.s32 s3;
	_ =	sdelay $0x1  }
0xa1: {  	s23 =	simm.s32 $0x1B8B  }
0xa2: {  	_ =	swait.ge [sflag:s23], $0x1  }
0xa3: {  	[sflag:s23] =	ssyncset.done $0x0  }
0xa4: {  	s25 =	simm.s32 $0x1B8E;
	s24 =	sld [smem:$0x3FFE];
	[sflag:s23] =	ssyncadd.s32 $0xFFFFFFFF  }
0xa5: {  	s26 =	simm.s32 $execute0_lowered;
	[smem:$0x3FD2] =	sst s25  }
0xa6: {  	s4 =	sshll.u32 s26, $0x1;
	_ =	strace $0x8000004C;
	[dreg:$0x1] =	wrdreg $0xFFFFFFFF  }
0xa7: {  	s28 =	simm.s32 $_size_execute0_lowered;
	s2 =	sadd.s32 s2, s4;
	[dreg:$0x0] =	wrdreg $0x0  }
0xa8: {  	s4 =	sshll.u32 s28, $0x1;
	[dreg:$0x2] =	wrdreg s2  }
0xa9: {  	[dreg:$0x3] =	wrdreg s4  }
0xaa: {  	[dreg:$0x4] =	wrdreg $0xC0  }
0xab: {  	_ =	task [dreg:s6], $0x5FFFF  }
0xac: {  	[dreg:$0x1] =	wrdreg $0xFFFFFFFF  }
0xad: {  	[dreg:$0x0] =	wrdreg $0x60  }
0xae: {  	[dreg:$0x2] =	wrdreg s24  }
0xaf: {  	[dreg:$0x3] =	wrdreg $0x90000  }
0xb0: {  	[dreg:$0x4] =	wrdreg $0x9  }
0xb1: {  	_ =	task.clear_ibuf [dreg:s6], $0x5FFFF;
	_ =	strace $0x9000004C  }
0xb2: {  	s29 =	simm.s32 $0x9;
	_ =	strace $0x8000004E  }
0xb3: {  	_ =	swait.ge [sflag:s29], $0x1  }
0xb4: {  	[sflag:s29] =	ssyncadd.s32 $0xFFFFFFFF  }
0xb5: {  	_ =	strace $0x9000004E  }
0xb6: {  	_ =	sfence  }
0xb7: {  	s30 =	sld [smem:$0x0];
	_ =	sdelay $0x2  }
0xb8: {  	s31 =	sshll.u32 s1, $0xD;
	s1 =	sshrl.u32 s1, $0x2  }
0xb9: {  	s3 =	sand.u32 $0x4000, s31;
	s1 =	sadd.s32 s1, s30  }
0xba: {  	s0 =	sor.u32 s3, s0;
	s1 =	sshll.u32 s1, $0x11  }
0xbb: {  	s0 =	sor.u32 s1, s0  }
0xbc: {  	s0 =	sadd.s32 $0x8F2B, s0  }
0xbd: {  	[sflag:s0] =	ssyncadd.remote.s32 $0x1  }
0xbe: {  	_ =	sfence.sel $0xFFFF  }
0xbf: {  	[dreg:$0x0] =	wrdreg $0xFFFFFFFF;
	(pc) =	sbr.abs _section_cstart, $3  }
0xc0: {  	[dreg:$0x1] =	wrdreg $0xFFFFFFFF  }
0xc1: {  	_ =	task.clear_ibuf [dreg:s6], $0x2FFFF;
	_ =	strace $0x9FFFFFFF  }
0xc2: {  	(tm) =	ssettm $0x7FFFFFFF  }
0xc3: {  	_ =	shalt  }
tec
execute0_lowered:
.L_overlay_start_1:
0x0: {  	(tag) =	ssettag $0x1  }
0x1: {  	s6 =	rddreg [dreg:$0x0]  }
0x2: {  	s2 =	rddreg [dreg:$0x1]  }
0x3: {  	s0 =	rddreg [dreg:$0x2]  }
0x4: {  	s1 =	stileid.u32;
	s4 =	srdreg.scid  }
0x5: {  	s3 =	simm.s32 $0x0;
	s14 =	simm.s32 $0x5000;
	s5 =	smul.u32 $0x2800, s1  }
0x6: {  	s15 =	simm.s32 $0x2;
	s16 =	simm.s32 $0x2800;
	s8 =	smul.u32 $0x500, s1  }
0x7: {  	s17 =	simm.s32 $0x80;
	s18 =	simm.s32 $0x1;
	s9 =	smul.u32 $0x14000, s1  }
0x8: {  	s7 =	sand.u32 $0x1, s4;
	[smem:$0x7FF] =	sst s3;
	s10 =	smul.u32 $0x50000, s1  }
0x9: {  	s19 =	sshll.u32 s1, $0x6;
	s29 =	smul.u32 $0x140000, s7;
	p0 =	seq.s32 s7, $0x0  }
0xa: {  	_ =	strace $0x8000004D;
	s7 =	ssub.s32 $0x2, s7;
	s19 =	sor.u32 $0x1C02, s19  }
0xb: {  	s28 =	sshrl.u32 s5, $0x3;
	s30 =	sshrl.u32 s10, $0x2;
	s31 =	sshrl.u32 s7, $0x1  }
0xc: {  	s4 =	sadd.s32 $0x5000, s28;
	s5 =	sadd.s32 s9, s29;
	s12 =	ssub.s32 s7, s31  }
0xd: {  	s8 =	smov.u32 @p0 s4;
	s4 =	sadd.s32 $0x3400, s6;
	s9 =	sshrl.u32 s5, $0x3  }
0xe: {  	s5 =	sadd.s32 s30, s2;
	s13 =	sadd.s32 s8, s6;
	s11 =	sadd.s32 s9, s6  }
0xf: {  	s6 =	sadd.s32 $0x4000, s5;
	s7 =	sadd.s32 $0x8000, s5;
	s8 =	sadd.s32 $0xC000, s5  }
0x10: {  	s9 =	sadd.s32 $0x10000, s5;
	s20 =	sshrl.u32 s5, $0x3;
	s10 =	sadd.s32 $0x67400, s11  }
0x11: {  	v0 =	vimm.f32 $0.0e+00;
	s11 =	smax.u32 s12, $0x1;
	s12 =	sadd.s32 $0x5D400, s13;
	s13 =	sadd.s32 $0x53400, s13  }
.LBB2_1:
0x12: {  	s21 =	simm.s32 $0x0;
	s22 =	simm.s32 $0x200  }
.LBB2_2:
0x13: {  	p0 =	sne.s32 s22, $0xFE00;
	[tilespmem:s21+$0x5070] =	vst v0  }
0x14: {  	[tilespmem:s21+$0x5000] =	vst v0  }
0x15: {  	[tilespmem:s21+$0x5010] =	vst v0  }
.Ltmp0:
0x16: {  	[tilespmem:s21+$0x5020] =	vst v0;
	(pc) =	sbr.rel @p0 .LBB2_2-.Ltmp0, $4  }
0x17: {  	[tilespmem:s21+$0x5030] =	vst v0  }
0x18: {  	[tilespmem:s21+$0x5040] =	vst v0  }
0x19: {  	[tilespmem:s21+$0x5050] =	vst v0  }
0x1a: {  	[tilespmem:s21+$0x5060] =	vst v0;
	s21 =	sshra.s32 s22, $0x2;
	s22 =	sadd.s32 $0x200, s22  }
0x1b: {  	[tilespmem:s21+$0x5070] =	vst v0  }
0x1c: {  	[tilespmem:s21+$0x5000] =	vst v0  }
0x1d: {  	[tilespmem:s21+$0x5010] =	vst v0  }
0x1e: {  	[tilespmem:s21+$0x5020] =	vst v0  }
0x1f: {  	[tilespmem:s21+$0x5030] =	vst v0  }
0x20: {  	[tilespmem:s21+$0x5040] =	vst v0  }
0x21: {  	[tilespmem:s21+$0x5050] =	vst v0  }
0x22: {  	[tilespmem:s21+$0x5060] =	vst v0  }
0x23: {  	[spmem:s5] =	stream.linear.scatter [tilespmem:s14], [sflag:$0x2], $0x4000, $0x38;
	[tilespmem:$0x1D000] =	vst v63  }
0x24: {  	_ =	swait.ge [sflag:s15], $0x4000  }
0x25: {  	[sflag:s15] =	ssyncset.done $0x0  }
0x26: {  	[sflag:s15] =	ssyncadd.s32 $0xFFFFC000  }
0x27: {  	[spmem:s6] =	stream.linear.scatter [tilespmem:s14], [sflag:$0x2], $0x4000, $0x38;
	[tilespmem:$0x1D000] =	vst v63  }
0x28: {  	_ =	swait.ge [sflag:s15], $0x4000  }
0x29: {  	[sflag:s15] =	ssyncset.done $0x0  }
0x2a: {  	[sflag:s15] =	ssyncadd.s32 $0xFFFFC000  }
0x2b: {  	[spmem:s7] =	stream.linear.scatter [tilespmem:s14], [sflag:$0x2], $0x4000, $0x38;
	[tilespmem:$0x1D000] =	vst v63  }
0x2c: {  	_ =	swait.ge [sflag:s15], $0x4000  }
0x2d: {  	[sflag:s15] =	ssyncset.done $0x0  }
0x2e: {  	[sflag:s15] =	ssyncadd.s32 $0xFFFFC000  }
0x2f: {  	[spmem:s8] =	stream.linear.scatter [tilespmem:s14], [sflag:$0x2], $0x4000, $0x38;
	[tilespmem:$0x1D000] =	vst v63  }
0x30: {  	_ =	swait.ge [sflag:s15], $0x4000  }
0x31: {  	[sflag:s15] =	ssyncset.done $0x0  }
0x32: {  	[sflag:s15] =	ssyncadd.s32 $0xFFFFC000  }
0x33: {  	[spmem:s9] =	stream.linear.scatter [tilespmem:s14], [sflag:$0x2], $0x4000, $0x38;
	[tilespmem:$0x1D000] =	vst v63  }
0x34: {  	_ =	swait.ge [sflag:s15], $0x4000  }
0x35: {  	[sflag:s15] =	ssyncset.done $0x0  }
0x36: {  	[sflag:s15] =	ssyncadd.s32 $0xFFFFC000  }
0x37: {  	s29 =	simm.s32 $0x0;
	[bflag:$0x0] =	sbarrier.arrive $0xFFFF  }
0x38: {  	[tilespmem:s29], [sflag:$0x2] =	stream.linear.gather [hbm4b:s12+s29], $0x2800, $0x38;
	[tilespmem:$0x1D000] =	vst v63  }
0x39: {  	_ =	swait.ge [sflag:s15], $0x2800  }
0x3a: {  	[sflag:s15] =	ssyncset.done $0x0  }
0x3b: {  	[sflag:s15] =	ssyncadd.s32 $0xFFFFD800  }
0x3c: {  	[tilespmem:s16], [sflag:$0x2] =	stream.linear.gather [hbm4b:s13+s29], $0x2800, $0x38;
	[tilespmem:$0x1D000] =	vst v63  }
0x3d: {  	_ =	swait.ge [sflag:s15], $0x2800  }
0x3e: {  	[sflag:s15] =	ssyncset.done $0x0  }
0x3f: {  	s30 =	simm.s32 $0x0;
	[sflag:s15] =	ssyncadd.s32 $0xFFFFD800  }
0x40: {  	[tilespmem:s14], [sflag:$0x1] =	stream.indirect.gather [hbm4b:s4+s17], $0x80, s30, s17, $0xb8;
	[tilespmem:$0x1D000] =	vst v63  }
0x41: {  	_ =	swait.ge [sflag:s18], $0x4000  }
0x42: {  	[sflag:s18] =	ssyncset.done $0x0  }
0x43: {  	s31 =	simm.s32 $0x2800;
	[sflag:s18] =	ssyncadd.s32 $0xFFFFC000  }
0x44: {  	[spmem:s2] =	stream.indirect.scatter.add.f32 [tilespmem:s14], [sflag:$0x2], $0x80, s31, s17, $0xb8;
	[tilespmem:$0x1D000] =	vst v63  }
0x45: {  	_ =	swait.ge [sflag:s15], $0x4000  }
0x46: {  	s21 =	simm.s32 $0x200;
	s22 =	simm.s32 $0x400;
	[sflag:s15] =	ssyncset.done $0x0  }
.LBB2_4:
0x47: {  	s23 =	sshra.s32 s21, $0x2  }
0x48: {  	[sflag:s15] =	ssyncadd.s32 $0xFFFFC000;
	s21 =	smov.u32 s22;
	s24 =	sadd.s32 $0x200, s22  }
0x49: {  	[tilespmem:s14], [sflag:$0x1] =	stream.indirect.gather [hbm4b:s4+s17], $0x80, s23, s17, $0xb8;
	[tilespmem:$0x1D000] =	vst v63  }
0x4a: {  	p0 =	sne.s32 s22, $0x9E00;
	_ =	swait.ge [sflag:s18], $0x4000  }
.Ltmp1:
0x4b: {  	[sflag:s18] =	ssyncset.done $0x0;
	(pc) =	sbr.rel @p0 .LBB2_4-.Ltmp1, $4  }
0x4c: {  	s22 =	sadd.s32 $0x2800, s23;
	[sflag:s18] =	ssyncadd.s32 $0xFFFFC000  }
0x4d: {  	[spmem:s2] =	stream.indirect.scatter.add.f32 [tilespmem:s14], [sflag:$0x2], $0x80, s22, s17, $0xb8;
	[tilespmem:$0x1D000] =	vst v63  }
0x4e: {  	_ =	swait.ge [sflag:s15], $0x4000  }
0x4f: {  	s22 =	smov.u32 s24;
	[sflag:s15] =	ssyncset.done $0x0  }
0x50: {  	s21 =	sshra.s32 s21, $0x2;
	[sflag:s15] =	ssyncadd.s32 $0xFFFFC000  }
0x51: {  	[tilespmem:s14], [sflag:$0x1] =	stream.indirect.gather [hbm4b:s4+s17], $0x80, s21, s17, $0xb8;
	[tilespmem:$0x1D000] =	vst v63  }
0x52: {  	_ =	swait.ge [sflag:s18], $0x4000  }
0x53: {  	[sflag:s18] =	ssyncset.done $0x0  }
0x54: {  	s21 =	sadd.s32 $0x2800, s21;
	[sflag:s18] =	ssyncadd.s32 $0xFFFFC000  }
0x55: {  	[spmem:s2] =	stream.indirect.scatter.add.f32 [tilespmem:s14], [sflag:$0x2], $0x80, s21, s17, $0xb8;
	[tilespmem:$0x1D000] =	vst v63  }
0x56: {  	_ =	swait.ge [sflag:s15], $0x4000  }
0x57: {  	s3 =	sadd.s32 $0x1, s3;
	[sflag:s15] =	ssyncset.done $0x0  }
0x58: {  	p0 =	sne.s32 s3, s11;
	[sflag:s15] =	ssyncadd.s32 $0xFFFFC000  }
.Ltmp2:
0x59: {  	[bflag:$0x0] =	sbarrier.arrive $0xFFFF;
	(pc) =	sbr.rel @p0 .LBB2_1-.Ltmp2, $4  }
0x5a: {  	[hbm:s10], [sflag:s19] =	dma.local [spmem:s20], $0x2800  }
0x5b: {  	_ =	swait.ge [sflag:s15], $0x2800  }
0x5c: {  	[sflag:s15] =	ssyncset.done $0x0  }
0x5d: {  	[sflag:s15] =	ssyncadd.s32 $0xFFFFD800  }
0x5e: {  	_ =	sfence.sel $0x180000  }
0x5f: {  	[bflag:$0x0] =	sbarrier.arrive $0xFFFF  }
0x60: {  	p0 =	sne.s32 s1, $0x0;
	_ =	strace $0x9000004D  }
0x61: {  	s0 =	sadd.s32 @!p0 $0x100000, s0;
	[bflag:$0x2] =	sbarrier.arrive $0xFFFF  }
0x62: {  	[sflag:s0] =	ssyncadd.tile.s32 @!p0 $0x1;
	_ =	shalt  }
.Lfunc_end2:
_tile_overlayer_lowered:
.L_overlay_start_2:
0x63: {  	(tag) =	ssettag $0x2  }
0x64: {  	s0 =	rddreg [dreg:$0x0];
	s2 =	stileid.u32  }
0x65: {  	s1 =	rddreg [dreg:$0x1];
	p0 =	sne.s32 s2, $0x0  }
0x66: {  	s3 =	rddreg [dreg:$0x2];
	[bflag:$0x3] =	sbarrier.arrive $0xFFFF;
	s2 =	simm.s32 @!p0 $0x1C02  }
0x67: {  	[timem:s3], [sflag:s2] =	dma.local @!p0 [hbm:s0], s1  }
0x68: {  	s0 =	simm.s32 @!p0 $0x2  }
0x69: {  	_ =	swait.ge @!p0 [sflag:s0], s1  }
0x6a: {  	s1 =	ssub.s32 @!p0 $0x0, s1;
	[sflag:s0] =	ssyncset.done @!p0 $0x0  }
0x6b: {  	[sflag:s0] =	ssyncadd.s32 @!p0 s1  }
0x6c: {  	[bflag:$0x3] =	sbarrier.arrive $0xFFFF  }
0x6d: {  	_ =	shalt  }

// kernel: kernel.18.cloned.1.call-start
scs
__scs_entry_jumppad:
0x0: {  	(pc) =	sbr.rel $0x88, $3  }
0x1: {  	(tag) =	ssettag $0x0;
	lr =	simm.s32 $0x1  }
0x2: {  	[smem:$0x3F96] =	sst lr;
	_ =	strace $0xD0000000  }
0x3: {  	_ = 	snop  }
0x4: {  	_ = 	snop  }
0x5: {  	_ = 	snop  }
0x6: {  	_ = 	snop  }
0x7: {  	_ = 	snop  }
__scs_overlays_trampoline_lowered:
0x8: {  	[smem:$0x3FA5] =	sst s0  }
0x9: {  	[smem:$0x3FA6] =	sst s1  }
0xa: {  	[smem:$0x3FA7] =	sst s2  }
0xb: {  	[smem:$0x3FA8] =	sst s3  }
0xc: {  	[smem:$0x3FA9] =	sst s4  }
0xd: {  	[smem:$0x3FAA] =	sst s5  }
0xe: {  	[smem:$0x3FAB] =	sst s6  }
0xf: {  	[smem:$0x3FAC] =	sst s7  }
0x10: {  	[smem:$0x3FAD] =	sst s8  }
0x11: {  	[smem:$0x3FAE] =	sst s9;
	s0 =	simm.s32 @!p0 $0x0  }
0x12: {  	s1 =	sld [smem:$0x3F94];
	s0 =	simm.s32 @p0 $0x1  }
0x13: {  	[smem:$0x3FAF] =	sst s0;
	s0 =	simm.s32 @!p1 $0x0  }
0x14: {  	s2 =	sld [smem:$0x3F93];
	s0 =	simm.s32 @p1 $0x1  }
0x15: {  	[smem:$0x3FB0] =	sst s0;
	s0 =	simm.s32 @!p2 $0x0  }
0x16: {  	s3 =	sld [smem:$0x3FDB];
	s0 =	simm.s32 @p2 $0x1  }
0x17: {  	s4 =	simm.s32 $0x1BF5;
	[smem:$0x3FB2] =	sst s0  }
0x18: {  	s0 =	sld [smem:$0x3F95];
	_ =	swait.ge [sflag:s4], $0x0  }
0x19: {  	s7 =	sld [smem:$0x3F96]  }
0x1a: {  	s8 =	sadd.s32 $0xFFFFE003, lr  }
0x1b: {  	s9 =	sadd.s32 $0xFFFFFEF7, lr;
	s5 =	simm.s32 $0xFFFFFFFF;
	p2 =	slt.u32 s8, $0xFFFFF086  }
0x1c: {  	p1 =	slt.u32 s9, $0xF7A;
	s5 =	simm.s32 @!p2 $0x0  }
0x1d: {  	s5 =	simm.s32 @p1 $0x1;
	p0 =	seq.s32 s7, s2  }
0x1e: {  	s7 =	smul.u32 @!p0 $0xF7A, s2;
	p2 =	seq.s32 @!p0 s5, $0x0  }
0x1f: {  	s9 =	smul.u32 $0xF7A, s1;
	s8 =	simm.s32 @!p0 $0x1BF5;
	p2 =	por !p2, p0  }
0x20: {  	[sflag:s8] =	ssyncset.s32 @!p0 $0xFFFFF086;
	s6 =	sadd.s32 @!p0 s3, s7;
	s7 =	simm.s32 @!p0 $0x108  }
0x21: {  	s3 =	sadd.s32 s3, s9;
	s6 =	sadd.s32 @!p0 $0x88, s6;
	s7 =	simm.s32 @p2 $0x1082  }
0x22: {  	[simem:s7], [sflag:s8] =	dma.local @!p0 [hbm:s6], $0xF7A  }
0x23: {  	s9 =	sor.u32 $0xD0000000, s2;
	s6 =	simm.s32 $0x108;
	_ =	swait.ge @!p0 [sflag:s8], $0x0  }
0x24: {  	s3 =	sadd.s32 $0x88, s3;
	s6 =	simm.s32 @!p1 $0x1082;
	[sflag:s4] =	ssyncset.s32 $0xFFFFF086  }
0x25: {  	[simem:s6], [sflag:s4] =	dma.local [hbm:s3], $0xF7A  }
0x26: {  	[smem:$0x3F96] =	sst s1;
	(tag) =	ssettag s2;
	_ =	strace s9  }
0x27: {  	s1 =	sld [smem:$0x3FA6]  }
0x28: {  	s2 =	sld [smem:$0x3FA7]  }
0x29: {  	s4 =	sld [smem:$0x3FA9]  }
0x2a: {  	p0 =	seq.s32 s5, $0x0;
	s5 =	sld [smem:$0x3FAA]  }
0x2b: {  	s6 =	sld [smem:$0x3FAB]  }
0x2c: {  	s7 =	sld [smem:$0x3FAC]  }
0x2d: {  	s3 =	simm.s32 $0x108;
	s8 =	sld [smem:$0x3FAD]  }
0x2e: {  	s3 =	simm.s32 @!p0 $0x1082;
	s9 =	sld [smem:$0x3FAE]  }
0x2f: {  	lr =	sadd.s32 s0, s3;
	s0 =	sld [smem:$0x3FA5]  }
0x30: {  	s3 =	sld [smem:$0x3FA8]  }
0x31: {  	[smem:$0x3FB1] =	sst s10  }
0x32: {  	s10 =	sld [smem:$0x3FAF];
	_ =	sdelay $0x3  }
0x33: {  	p0 =	seq.s32 s10, $0x1;
	s10 =	sld [smem:$0x3FB1];
	_ =	sdelay $0x3  }
0x34: {  	[smem:$0x3FB1] =	sst s10  }
0x35: {  	s10 =	sld [smem:$0x3FB0];
	_ =	sdelay $0x3  }
0x36: {  	p1 =	seq.s32 s10, $0x1;
	s10 =	sld [smem:$0x3FB1];
	_ =	sdelay $0x3  }
0x37: {  	[smem:$0x3FB1] =	sst s10  }
0x38: {  	s10 =	sld [smem:$0x3FB2]  }
0x39: {  	_ = 	snop;
	(pc) =	sbr.ind lr, $3  }
0x3a: {  	_ = 	snop  }
0x3b: {  	_ = 	snop  }
0x3c: {  	p2 =	seq.s32 s10, $0x1;
	s10 =	sld [smem:$0x3FB1]  }
0x3d: {  	_ =	shalt  }
0x3e: {  	_ =	shalt  }
0x3f: {  	_ =	shalt  }
0x40: {  	_ =	shalt  }
0x41: {  	_ =	shalt  }
0x42: {  	_ =	shalt  }
0x43: {  	_ =	shalt  }
0x44: {  	_ =	shalt  }
0x45: {  	_ =	shalt  }
0x46: {  	_ =	shalt  }
0x47: {  	_ =	shalt  }
0x48: {  	_ =	shalt  }
0x49: {  	_ =	shalt  }
0x4a: {  	_ =	shalt  }
0x4b: {  	_ =	shalt  }
0x4c: {  	_ =	shalt  }
0x4d: {  	_ =	shalt  }
0x4e: {  	_ =	shalt  }
0x4f: {  	_ =	shalt  }
0x50: {  	_ =	shalt  }
0x51: {  	_ =	shalt  }
0x52: {  	_ =	shalt  }
0x53: {  	_ =	shalt  }
0x54: {  	_ =	shalt  }
0x55: {  	_ =	shalt  }
0x56: {  	_ =	shalt  }
0x57: {  	_ =	shalt  }
0x58: {  	_ =	shalt  }
0x59: {  	_ =	shalt  }
0x5a: {  	_ =	shalt  }
0x5b: {  	_ =	shalt  }
0x5c: {  	_ =	shalt  }
0x5d: {  	_ =	shalt  }
0x5e: {  	_ =	shalt  }
0x5f: {  	_ =	shalt  }
0x60: {  	_ =	shalt  }
0x61: {  	_ =	shalt  }
0x62: {  	_ =	shalt  }
0x63: {  	_ =	shalt  }
0x64: {  	_ =	shalt  }
0x65: {  	_ =	shalt  }
0x66: {  	_ =	shalt  }
0x67: {  	_ =	shalt  }
0x68: {  	_ =	shalt  }
0x69: {  	_ =	shalt  }
0x6a: {  	_ =	shalt  }
0x6b: {  	_ =	shalt  }
0x6c: {  	_ =	shalt  }
0x6d: {  	_ =	shalt  }
0x6e: {  	_ =	shalt  }
0x6f: {  	_ =	shalt  }
0x70: {  	_ =	shalt  }
0x71: {  	_ =	shalt  }
0x72: {  	_ =	shalt  }
0x73: {  	_ =	shalt  }
0x74: {  	_ =	shalt  }
0x75: {  	_ =	shalt  }
0x76: {  	_ =	shalt  }
0x77: {  	_ =	shalt  }
0x78: {  	_ =	shalt  }
0x79: {  	_ =	shalt  }
0x7a: {  	_ =	shalt  }
0x7b: {  	_ =	shalt  }
0x7c: {  	_ =	shalt  }
0x7d: {  	_ =	shalt  }
0x7e: {  	_ =	shalt  }
0x7f: {  	_ =	shalt  }
0x80: {  	_ =	shalt  }
0x81: {  	_ =	shalt  }
0x82: {  	_ =	shalt  }
0x83: {  	_ =	shalt  }
0x84: {  	_ =	shalt  }
0x85: {  	_ =	shalt  }
0x86: {  	_ =	shalt  }
0x87: {  	_ =	shalt  }
.Lfunc_end0:
.L_simem_size_0:
called_computation.3_lowered:
.L_overlay_start_0:
0x88: {  	s2 =	sld [smem:$0x3FD9]  }
0x89: {  	s3 =	sld [smem:$0x3FFE];
	_ =	sdelay $0x1  }
0x8a: {  	s1 =	srdreg.scid  }
0x8b: {  	s0 =	sand.u32 $0x1, s1  }
0x8c: {  	s17 =	sshll.u32 s0, $0xA;
	s2 =	sadd.s32 s3, s2  }
0x8d: {  	s2 =	sadd.s32 s2, s17  }
0x8e: {  	[smem:$0x3FBD] =	sst s2  }
0x8f: {  	_ = 	snop  }
0x90: {  	s2 =	sld [smem:$0x3FC0];
	(tm) =	ssettm $0x1  }
0x91: {  	s18 =	sld [smem:$0x3FFB];
	_ =	sdelay $0x3  }
0x92: {  	_ =	strace s18  }
0x93: {  	s3 =	sld [smem:$0x3FFC];
	_ =	sdelay $0x3  }
0x94: {  	_ =	strace s3  }
0x95: {  	s3 =	sld [smem:$0x3FFD];
	_ =	sdelay $0x3  }
0x96: {  	_ =	strace s3  }
0x97: {  	_ =	strace $0x8FFFFFFF  }
0x98: {  	s19 =	sld [smem:$0x3FDB];
	_ =	sdelay $0x1  }
0x99: {  	s4 =	simm.s32 $_scs_section_size  }
0x9a: {  	s5 =	simm.s32 $_size__tile_overlayer_lowered;
	s6 =	simm.s32 $_tile_overlayer_lowered  }
0x9b: {  	s22 =	simm.s32 $0x1BFF;
	s21 =	sshll.u32 s6, $0x1;
	s3 =	sadd.s32 s4, s19  }
0x9c: {  	s7 =	simm.s32 $0x0;
	s20 =	sshll.u32 s5, $0x1;
	s5 =	sadd.s32 s21, s3  }
0x9d: {  	[timem:s7], [sflag:s22] =	dma.local [hbm:s5], s20  }
0x9e: {  	_ =	swait.ge [sflag:s22], s20  }
0x9f: {  	s4 =	ssub.s32 $0x0, s20;
	[sflag:s22] =	ssyncset.done $0x0  }
0xa0: {  	[sflag:s22] =	ssyncadd.s32 s4;
	_ =	sdelay $0x1  }
0xa1: {  	s23 =	simm.s32 $0x1B8B  }
0xa2: {  	_ =	swait.ge [sflag:s23], $0x1  }
0xa3: {  	[sflag:s23] =	ssyncset.done $0x0  }
0xa4: {  	s25 =	simm.s32 $0x1B8E;
	s24 =	sld [smem:$0x3FFE];
	[sflag:s23] =	ssyncadd.s32 $0xFFFFFFFF  }
0xa5: {  	s26 =	simm.s32 $execute0_lowered;
	[smem:$0x3FD2] =	sst s25  }
0xa6: {  	s5 =	sshll.u32 s26, $0x1;
	_ =	strace $0x8000004F;
	[dreg:$0x1] =	wrdreg $0xFFFFFFFF  }
0xa7: {  	s28 =	simm.s32 $_size_execute0_lowered;
	s3 =	sadd.s32 s3, s5;
	[dreg:$0x0] =	wrdreg $0x0  }
0xa8: {  	s5 =	sshll.u32 s28, $0x1;
	[dreg:$0x2] =	wrdreg s3  }
0xa9: {  	[dreg:$0x3] =	wrdreg s5  }
0xaa: {  	[dreg:$0x4] =	wrdreg $0xC0  }
0xab: {  	_ =	task [dreg:s7], $0x5FFFF  }
0xac: {  	[dreg:$0x1] =	wrdreg $0xFFFFFFFF  }
0xad: {  	[dreg:$0x0] =	wrdreg $0x60  }
0xae: {  	[dreg:$0x2] =	wrdreg s24  }
0xaf: {  	[dreg:$0x3] =	wrdreg s2  }
0xb0: {  	[dreg:$0x4] =	wrdreg $0x9  }
0xb1: {  	_ =	task.clear_ibuf [dreg:s7], $0x5FFFF;
	_ =	strace $0x9000004F  }
0xb2: {  	s29 =	simm.s32 $0x9;
	_ =	strace $0x80000051  }
0xb3: {  	_ =	swait.ge [sflag:s29], $0x1  }
0xb4: {  	[sflag:s29] =	ssyncadd.s32 $0xFFFFFFFF  }
0xb5: {  	_ =	strace $0x90000051  }
0xb6: {  	_ =	sfence  }
0xb7: {  	s30 =	sld [smem:$0x0];
	_ =	sdelay $0x2  }
0xb8: {  	s31 =	sshll.u32 s1, $0xD;
	s1 =	sshrl.u32 s1, $0x2  }
0xb9: {  	s3 =	sand.u32 $0x4000, s31;
	s1 =	sadd.s32 s1, s30  }
0xba: {  	s0 =	sor.u32 s3, s0;
	s1 =	sshll.u32 s1, $0x11  }
0xbb: {  	s0 =	sor.u32 s1, s0  }
0xbc: {  	s0 =	sadd.s32 $0x8F2B, s0  }
0xbd: {  	[sflag:s0] =	ssyncadd.remote.s32 $0x1  }
0xbe: {  	_ =	sfence.sel $0xFFFF  }
0xbf: {  	[dreg:$0x0] =	wrdreg $0xFFFFFFFF;
	(pc) =	sbr.abs _section_cstart, $3  }
0xc0: {  	[dreg:$0x1] =	wrdreg $0xFFFFFFFF  }
0xc1: {  	_ =	task.clear_ibuf [dreg:s7], $0x2FFFF;
	_ =	strace $0x9FFFFFFF  }
0xc2: {  	(tm) =	ssettm $0x7FFFFFFF  }
0xc3: {  	_ =	shalt  }
tec
execute0_lowered:
.L_overlay_start_1:
0x0: {  	(tag) =	ssettag $0x1  }
0x1: {  	s0 =	rddreg [dreg:$0x0]  }
0x2: {  	s3 =	simm.s32 $0x0;
	s2 =	stileid.u32;
	s1 =	srdreg.scid  }
0x3: {  	s18 =	simm.s32 $0x3;
	s20 =	simm.s32 $0x2800;
	s21 =	simm.s32 $0x80  }
0x4: {  	s28 =	simm.s32 $0x1;
	s29 =	simm.s32 $0x15180;
	s30 =	simm.s32 $0x15100  }
0x5: {  	s31 =	simm.s32 $0x2;
	[smem:$0x7FF] =	sst s3;
	s4 =	sadd.s32 $0x3400, s0  }
0x6: {  	s5 =	sadd.s32 $0x53400, s0;
	s6 =	smul.u32 $0xA0, s2;
	s24 =	sadd.s32 $0x3F400, s0  }
0x7: {  	s14 =	sadd.s32 $0x2B400, s0;
	s1 =	sand.u32 $0x1, s1;
	s7 =	sadd.s32 $0x7B400, s0  }
0x8: {  	s8 =	sadd.s32 $0x7B600, s0;
	_ =	strace $0x80000050;
	s25 =	ssub.s32 $0x2, s1  }
0x9: {  	p0 =	seq.s32 s1, $0x0;
	s9 =	sadd.s32 $0xA00, s6;
	s1 =	sshrl.u32 s25, $0x1  }
0xa: {  	s6 =	smov.u32 @p0 s9;
	s0 =	ssub.s32 s25, s1;
	s25 =	simm.s32 $0x2880  }
0xb: {  	s11 =	sshll.u32 s6, $0x4;
	s9 =	sadd.s32 $0x50, s6;
	s12 =	sor.u32 $0x1, s6  }
0xc: {  	s15 =	sadd.s32 $0x51, s6;
	s16 =	smax.u32 s0, $0x1;
	s0 =	simm.s32 $0x0  }
0xd: {  	v0 =	vlaneseq.u32;
	s10 =	sadd.s32 s24, s11;
	s26 =	sshll.u32 s9, $0x4;
	s11 =	sadd.s32 s14, s11  }
0xe: {  	v0 =	vmul.u32 $0x80, v0;
	s13 =	sadd.s32 s24, s26;
	s14 =	sadd.s32 s14, s26;
	s26 =	simm.s32 $0x11000  }
.LBB2_1:
0xf: {  	s1 =	rddreg [dreg:$0x1];
	s2 =	simm.s32 $0x15000  }
0x10: {  	[tilespmem:s2], [sflag:$0x3] =	stream.linear.gather [hbm4b:s1+s3], $0x80, $0x38;
	[tilespmem:$0x19180] =	vst v63  }
0x11: {  	_ =	swait.ge [sflag:s18], $0x80  }
0x12: {  	[sflag:s18] =	ssyncset.done $0x0  }
0x13: {  	s19 =	simm.s32 $0x15080;
	[sflag:s18] =	ssyncadd.s32 $0xFFFFFF80  }
0x14: {  	[tilespmem:s19], [sflag:$0x3] =	stream.linear.gather [hbm4b:s7+s3], $0x80, $0x38;
	[tilespmem:$0x19180] =	vst v63  }
0x15: {  	_ =	swait.ge [sflag:s18], $0x80  }
0x16: {  	[sflag:s18] =	ssyncset.done $0x0  }
0x17: {  	[sflag:s18] =	ssyncadd.s32 $0xFFFFFF80  }
0x18: {  	v1 =	vld [tilespmem:$0x15000]  }
0x19: {  	v2 =	vld [tilespmem:$0x15010]  }
0x1a: {  	v3 =	vld [tilespmem:$0x15020]  }
0x1b: {  	v4 =	vld [tilespmem:$0x15030]  }
0x1c: {  	v5 =	vld [tilespmem:$0x15040]  }
0x1d: {  	v6 =	vld [tilespmem:$0x15050]  }
0x1e: {  	v7 =	vld [tilespmem:$0x15060]  }
0x1f: {  	v8 =	vld [tilespmem:$0x15070]  }
0x20: {  	v9 =	vld [tilespmem:$0x15080];
	[tilespmem:s3], [sflag:$0x3] =	stream.linear.gather [hbm4b:s10+s3], $0x2800, $0x38  }
0x21: {  	_ =	swait.ge [sflag:s18], $0x2800  }
0x22: {  	[sflag:s18] =	ssyncset.done $0x0  }
0x23: {  	[sflag:s18] =	ssyncadd.s32 $0xFFFFD800  }
0x24: {  	[tilespmem:s20], [sflag:$0x3] =	stream.linear.gather [hbm4b:s11+s3], $0x2800, $0x38;
	[tilespmem:$0x19180] =	vst v63  }
0x25: {  	_ =	swait.ge [sflag:s18], $0x2800  }
0x26: {  	[sflag:s18] =	ssyncset.done $0x0  }
0x27: {  	s22 =	simm.s32 $0x5000;
	[sflag:s18] =	ssyncadd.s32 $0xFFFFD800  }
0x28: {  	[tilespmem:s22], [sflag:$0x1] =	stream.indirect.gather [hbm4b:s4+s21], $0x80, s3, s21, $0xb8;
	[tilespmem:$0x19180] =	vst v63  }
0x29: {  	s23 =	simm.s32 $0xD000  }
0x2a: {  	[tilespmem:s23], [sflag:$0x1] =	stream.indirect.gather [hbm4b:s5+s21], $0x80, s20, s21, $0xb8;
	[tilespmem:$0x19180] =	vst v63  }
0x2b: {  	s24 =	simm.s32 $0x9000  }
0x2c: {  	[tilespmem:s24], [sflag:$0x2] =	stream.indirect.gather [hbm4b:s4+s21], $0x80, s21, s21, $0xb8;
	[tilespmem:$0x19180] =	vst v63  }
0x2d: {  	s2 =	simm.s32 $0x0  }
0x2e: {  	[tilespmem:s26], [sflag:$0x2] =	stream.indirect.gather [hbm4b:s5+s21], $0x80, s25, s21, $0xb8;
	[tilespmem:$0x19180] =	vst v63  }
.LBB2_2:
0x2f: {  	_ =	swait.ge [sflag:s28], $0x4000  }
0x30: {  	[sflag:s28] =	ssyncset.done $0x0  }
0x31: {  	[sflag:s28] =	ssyncadd.s32 $0xFFFFC000  }
0x32: {  	_ =	swait.ge [sflag:s28], $0x4000  }
0x33: {  	[sflag:s28] =	ssyncset.done $0x0  }
0x34: {  	s1 =	simm.s32 $0x0;
	[sflag:s28] =	ssyncadd.s32 $0xFFFFC000  }
0x35: {  	v10 =	vld [tilespmem:s1+$0x5000]  }
0x36: {  	v11 =	vld [tilespmem:s1+$0xD000]  }
0x37: {  	v12 =	vld [tilespmem:s1+$0x5010]  }
0x38: {  	v13 =	vld [tilespmem:s1+$0xD010]  }
0x39: {  	v14 =	vld [tilespmem:s1+$0x5020]  }
0x3a: {  	v15 =	vld [tilespmem:s1+$0xD020]  }
0x3b: {  	v16 =	vld [tilespmem:s1+$0xD030];
	v10 =	vadd.f32 v11, v10  }
0x3c: {  	v11 =	vld [tilespmem:s1+$0x5030]  }
0x3d: {  	v17 =	vld [tilespmem:s1+$0x5040];
	v12 =	vadd.f32 v13, v12;
	v10 =	vmax.f32 v10, $0.0e+00  }
0x3e: {  	v18 =	vld [tilespmem:s1+$0xD040];
	v10 =	vmul.f32 v10, v1  }
0x3f: {  	v19 =	vld [tilespmem:s1+$0x5050];
	v13 =	vadd.f32 v15, v14;
	v12 =	vmax.f32 v12, $0.0e+00  }
0x40: {  	v20 =	vld [tilespmem:s1+$0xD050];
	v12 =	vmul.f32 v12, v2;
	v14 =	vadd.f32 $0.0e+00, v10  }
0x41: {  	v13 =	vmax.f32 v13, $0.0e+00;
	v10 =	vld [tilespmem:s1+$0x5060];
	v15 =	vadd.f32 v16, v11  }
0x42: {  	v12 =	vadd.f32 v12, v14;
	v14 =	vmul.f32 v13, v3;
	v13 =	vld [tilespmem:s1+$0xD060]  }
0x43: {  	v17 =	vadd.f32 v18, v17;
	v11 =	vld [tilespmem:s1+$0x5070];
	v16 =	vmax.f32 v15, $0.0e+00  }
0x44: {  	s19 =	simm.s32 $0x80;
	v16 =	vmul.f32 v16, v4;
	v15 =	vadd.f32 v14, v12;
	v14 =	vld [tilespmem:s1+$0xD070]  }
0x45: {  	s17 =	simm.s32 $0x0;
	s22 =	simm.s32 $0x400;
	v18 =	vmax.f32 v17, $0.0e+00;
	v17 =	vadd.f32 v20, v19;
	v12 =	vld [tilespmem:s19+$0x5000]  }
.LBB2_3:
0x46: {  	p0 =	sne.s32 s22, $0xFE00;
	v19 =	vld [tilespmem:s19+$0xD000];
	v15 =	vadd.f32 v16, v15;
	v16 =	vmul.f32 v18, v5  }
0x47: {  	v18 =	vld [tilespmem:s19+$0x5010];
	v17 =	vmax.f32 v17, $0.0e+00;
	v10 =	vadd.f32 v13, v10  }
0x48: {  	v13 =	vld [tilespmem:s19+$0xD010];
	v15 =	vadd.f32 v16, v15;
	v16 =	vmul.f32 v17, v6  }
0x49: {  	v17 =	vld [tilespmem:s19+$0x5020];
	v10 =	vmax.f32 v10, $0.0e+00;
	v11 =	vadd.f32 v14, v11  }
0x4a: {  	v14 =	vld [tilespmem:s19+$0xD020];
	v15 =	vadd.f32 v16, v15;
	v10 =	vmul.f32 v10, v7  }
0x4b: {  	v12 =	vadd.f32 v19, v12;
	v16 =	vld [tilespmem:s19+$0x5030];
	v11 =	vmax.f32 v11, $0.0e+00  }
0x4c: {  	v19 =	vld [tilespmem:s19+$0xD030];
	v10 =	vadd.f32 v10, v15;
	v11 =	vmul.f32 v11, v8  }
0x4d: {  	v12 =	vmax.f32 v12, $0.0e+00;
	v13 =	vadd.f32 v13, v18;
	v15 =	vld [tilespmem:s19+$0x5040]  }
0x4e: {  	v12 =	vmul.f32 v12, v1;
	v18 =	vld [tilespmem:s19+$0xD040];
	v10 =	vadd.f32 v11, v10  }
0x4f: {  	v11 =	vmax.f32 v13, $0.0e+00;
	v13 =	vadd.f32 v14, v17;
	v17 =	vld [tilespmem:s19+$0x5050]  }
0x50: {  	v12 =	vadd.f32 $0.0e+00, v12;
	v11 =	vmul.f32 v11, v2;
	v20 =	vld [tilespmem:s19+$0xD050];
	[tilespmem:s1+$0x15180] =	vst v10;
	s1 =	smov.u32 s19  }
.Ltmp0:
0x51: {  	v13 =	vmax.f32 v13, $0.0e+00;
	v14 =	vadd.f32 v19, v16;
	v10 =	vld [tilespmem:s1+$0x5060];
	(pc) =	sbr.rel @p0 .LBB2_3-.Ltmp0, $4  }
0x52: {  	v12 =	vadd.f32 v11, v12;
	v16 =	vmul.f32 v13, v3;
	v13 =	vld [tilespmem:s1+$0xD060]  }
0x53: {  	v14 =	vmax.f32 v14, $0.0e+00;
	v18 =	vadd.f32 v18, v15;
	v11 =	vld [tilespmem:s1+$0x5070]  }
0x54: {  	s19 =	sshra.s32 s22, $0x2;
	v15 =	vadd.f32 v16, v12;
	v16 =	vmul.f32 v14, v4;
	v14 =	vld [tilespmem:s1+$0xD070]  }
0x55: {  	s22 =	sadd.s32 $0x200, s22;
	v12 =	vld [tilespmem:s19+$0x5000];
	v18 =	vmax.f32 v18, $0.0e+00;
	v17 =	vadd.f32 v20, v17  }
0x56: {  	v19 =	vld [tilespmem:s19+$0xD000];
	v15 =	vadd.f32 v16, v15;
	v42 =	vmul.f32 v18, v5  }
0x57: {  	v43 =	vld [tilespmem:s19+$0x5010];
	v17 =	vmax.f32 v17, $0.0e+00;
	v10 =	vadd.f32 v13, v10  }
0x58: {  	v44 =	vld [tilespmem:s19+$0xD010];
	v15 =	vadd.f32 v42, v15;
	v45 =	vmul.f32 v17, v6  }
0x59: {  	v46 =	vld [tilespmem:s19+$0x5020];
	v10 =	vmax.f32 v10, $0.0e+00;
	v11 =	vadd.f32 v14, v11  }
0x5a: {  	v47 =	vld [tilespmem:s19+$0xD020];
	v15 =	vadd.f32 v45, v15;
	v10 =	vmul.f32 v10, v7  }
0x5b: {  	v48 =	vld [tilespmem:s19+$0x5030];
	v12 =	vadd.f32 v19, v12;
	v11 =	vmax.f32 v11, $0.0e+00  }
0x5c: {  	v49 =	vld [tilespmem:s19+$0xD030];
	v10 =	vadd.f32 v10, v15;
	v11 =	vmul.f32 v11, v8  }
0x5d: {  	v50 =	vld [tilespmem:s19+$0x5040];
	v13 =	vadd.f32 v44, v43;
	v12 =	vmax.f32 v12, $0.0e+00  }
0x5e: {  	v51 =	vld [tilespmem:s19+$0xD040];
	v12 =	vmul.f32 v12, v1;
	v10 =	vadd.f32 v11, v10  }
0x5f: {  	v52 =	vld [tilespmem:s19+$0xD050];
	v14 =	vadd.f32 v47, v46;
	v13 =	vmax.f32 v13, $0.0e+00  }
0x60: {  	v11 =	vld [tilespmem:s19+$0x5050];
	v13 =	vmul.f32 v13, v2;
	v12 =	vadd.f32 $0.0e+00, v12;
	[tilespmem:s1+$0x15180] =	vst v10  }
0x61: {  	v53 =	vadd.f32 v49, v48;
	v10 =	vmax.f32 v14, $0.0e+00;
	v54 =	vld [tilespmem:s19+$0x5060]  }
0x62: {  	v10 =	vmul.f32 v10, v3;
	v55 =	vld [tilespmem:s19+$0xD060];
	v12 =	vadd.f32 v13, v12  }
0x63: {  	v15 =	vadd.f32 v51, v50;
	v14 =	vmax.f32 v53, $0.0e+00;
	v56 =	vld [tilespmem:s19+$0x5070]  }
0x64: {  	v57 =	vmul.f32 v14, v4;
	v58 =	vld [tilespmem:s19+$0xD070];
	v10 =	vadd.f32 v10, v12  }
0x65: {  	v15 =	vmax.f32 v15, $0.0e+00;
	v11 =	vadd.f32 v52, v11  }
0x66: {  	v59 =	vmul.f32 v15, v5;
	v10 =	vadd.f32 v57, v10  }
0x67: {  	v11 =	vmax.f32 v11, $0.0e+00;
	v13 =	vadd.f32 v55, v54  }
0x68: {  	v11 =	vmul.f32 v11, v6;
	v10 =	vadd.f32 v59, v10  }
0x69: {  	v61 =	vadd.f32 v58, v56;
	v60 =	vmax.f32 v13, $0.0e+00  }
0x6a: {  	v62 =	vmov s17;
	v10 =	vadd.f32 v11, v10;
	v11 =	vmul.f32 v60, v7  }
0x6b: {  	v12 =	vshll.u32 v62, $0x7;
	v13 =	vmax.f32 v61, $0.0e+00  }
0x6c: {  	v12 =	vor.u32 v0, v12;
	v10 =	vadd.f32 v11, v10;
	v11 =	vmul.f32 v13, v8;
	_ =	sdelay $0x1  }
0x6d: {  	v10 =	vadd.f32 v11, v10;
	v11 =	vor.u32 $0x1, v12;
	_ =	sdelay $0x1  }
0x6e: {  	[tilespmem:s19+$0x15180] =	vst v10;
	v10 =	vor.u32 $0x2, v12  }
0x6f: {  	v63 =	vld.idx.msk [tilespmem:v12+s29+$0x0], $0xffff  }
0x70: {  	v20 =	vor.u32 $0x3, v12  }
0x71: {  	v11 =	vld.idx.msk [tilespmem:v11+s29+$0x0], $0xffff  }
0x72: {  	v21 =	vor.u32 $0x4, v12  }
0x73: {  	v10 =	vld.idx.msk [tilespmem:v10+s29+$0x0], $0xffff  }
0x74: {  	v22 =	vor.u32 $0x5, v12;
	v13 =	vadd.f32 $0.0e+00, v63  }
0x75: {  	v14 =	vld.idx.msk [tilespmem:v20+s29+$0x0], $0xffff  }
0x76: {  	v23 =	vor.u32 $0x6, v12;
	v11 =	vadd.f32 v11, v13  }
0x77: {  	v24 =	vld.idx.msk [tilespmem:v21+s29+$0x0], $0xffff  }
0x78: {  	v25 =	vor.u32 $0x7, v12;
	v10 =	vadd.f32 v10, v11  }
0x79: {  	v11 =	vld.idx.msk [tilespmem:v22+s29+$0x0], $0xffff  }
0x7a: {  	v26 =	vor.u32 $0x8, v12;
	v10 =	vadd.f32 v14, v10  }
0x7b: {  	v27 =	vld.idx.msk [tilespmem:v23+s29+$0x0], $0xffff  }
0x7c: {  	v28 =	vor.u32 $0x9, v12;
	v10 =	vadd.f32 v24, v10  }
0x7d: {  	v29 =	vld.idx.msk [tilespmem:v25+s29+$0x0], $0xffff  }
0x7e: {  	v30 =	vor.u32 $0xA, v12;
	v10 =	vadd.f32 v11, v10  }
0x7f: {  	v11 =	vld.idx.msk [tilespmem:v26+s29+$0x0], $0xffff  }
0x80: {  	v31 =	vor.u32 $0xB, v12;
	v10 =	vadd.f32 v27, v10  }
0x81: {  	v32 =	vld.idx.msk [tilespmem:v28+s29+$0x0], $0xffff  }
0x82: {  	v33 =	vor.u32 $0xC, v12;
	v10 =	vadd.f32 v29, v10  }
0x83: {  	v34 =	vld.idx.msk [tilespmem:v30+s29+$0x0], $0xffff  }
0x84: {  	v35 =	vor.u32 $0xD, v12;
	v10 =	vadd.f32 v11, v10  }
0x85: {  	v11 =	vld.idx.msk [tilespmem:v31+s29+$0x0], $0xffff  }
0x86: {  	v36 =	vor.u32 $0xE, v12;
	v10 =	vadd.f32 v32, v10  }
0x87: {  	v37 =	vld.idx.msk [tilespmem:v33+s29+$0x0], $0xffff  }
0x88: {  	v12 =	vor.u32 $0xF, v12;
	v10 =	vadd.f32 v34, v10  }
0x89: {  	v38 =	vld.idx.msk [tilespmem:v35+s29+$0x0], $0xffff  }
0x8a: {  	v10 =	vadd.f32 v11, v10  }
0x8b: {  	v11 =	vld.idx.msk [tilespmem:v36+s29+$0x0], $0xffff  }
0x8c: {  	v10 =	vadd.f32 v37, v10  }
0x8d: {  	v12 =	vld.idx.msk [tilespmem:v12+s29+$0x0], $0xffff  }
0x8e: {  	v10 =	vadd.f32 v38, v10;
	_ =	sdelay $0x1  }
0x8f: {  	v10 =	vadd.f32 v11, v10;
	_ =	sdelay $0x1  }
0x90: {  	v10 =	vadd.f32 v12, v10;
	_ =	sdelay $0x1  }
0x91: {  	v10 =	vadd.f32 v10, v9;
	_ =	sdelay $0x1  }
0x92: {  	v10 =	vsub.f32 $0.0e+00, v10;
	_ =	sdelay $0x1  }
0x93: {  	v10 =	vmul.f32 $1.442695020e+00, v10;
	_ =	sdelay $0x1  }
0x94: {  	(erf) = vpow2.f32 v10;
	_ =	sdelay $0x8  }
0x95: {  	v10 =	vpop (erf)  }
0x96: {  	v10 =	vadd.f32 $1.000000000e+00, v10;
	_ =	sdelay $0x1  }
0x97: {  	(erf) = vrcp.f32 v10;
	_ =	sdelay $0x2  }
0x98: {  	s23 =	simm.s32 $0x10  }
0x99: {  	v10 =	vmov s23  }
0x9a: {  	v10 =	vshll.u32 v10, $0x7  }
0x9b: {  	v10 =	vor.u32 v0, v10;
	_ =	sdelay $0x1  }
0x9c: {  	v11 =	vor.u32 $0x1, v10  }
0x9d: {  	s1 =	simm.s32 $0x15100;
	v39 =	vpop (erf)  }
0x9e: {  	v40 =	vor.u32 $0x2, v10;
	[tilespmem:s1+$0x0] =	vst v39  }
0x9f: {  	v12 =	vld.idx.msk [tilespmem:v10+s29+$0x0], $0xffff  }
0xa0: {  	v41 =	vor.u32 $0x3, v10  }
0xa1: {  	v11 =	vld.idx.msk [tilespmem:v11+s29+$0x0], $0xffff  }
0xa2: {  	v42 =	vor.u32 $0x4, v10  }
0xa3: {  	v13 =	vld.idx.msk [tilespmem:v40+s29+$0x0], $0xffff  }
0xa4: {  	v43 =	vor.u32 $0x5, v10;
	v12 =	vadd.f32 $0.0e+00, v12  }
0xa5: {  	v14 =	vld.idx.msk [tilespmem:v41+s29+$0x0], $0xffff  }
0xa6: {  	v44 =	vor.u32 $0x6, v10;
	v11 =	vadd.f32 v11, v12  }
0xa7: {  	v45 =	vld.idx.msk [tilespmem:v42+s29+$0x0], $0xffff  }
0xa8: {  	v46 =	vor.u32 $0x7, v10;
	v11 =	vadd.f32 v13, v11  }
0xa9: {  	v47 =	vld.idx.msk [tilespmem:v43+s29+$0x0], $0xffff  }
0xaa: {  	v48 =	vor.u32 $0x8, v10;
	v11 =	vadd.f32 v14, v11  }
0xab: {  	v49 =	vld.idx.msk [tilespmem:v44+s29+$0x0], $0xffff  }
0xac: {  	v50 =	vor.u32 $0x9, v10;
	v11 =	vadd.f32 v45, v11  }
0xad: {  	v51 =	vld.idx.msk [tilespmem:v46+s29+$0x0], $0xffff  }
0xae: {  	v52 =	vor.u32 $0xA, v10;
	v11 =	vadd.f32 v47, v11  }
0xaf: {  	v53 =	vld.idx.msk [tilespmem:v48+s29+$0x0], $0xffff  }
0xb0: {  	v54 =	vor.u32 $0xB, v10;
	v11 =	vadd.f32 v49, v11  }
0xb1: {  	v55 =	vld.idx.msk [tilespmem:v50+s29+$0x0], $0xffff  }
0xb2: {  	v56 =	vor.u32 $0xC, v10;
	v11 =	vadd.f32 v51, v11  }
0xb3: {  	v57 =	vld.idx.msk [tilespmem:v52+s29+$0x0], $0xffff  }
0xb4: {  	v58 =	vor.u32 $0xD, v10;
	v11 =	vadd.f32 v53, v11  }
0xb5: {  	v59 =	vld.idx.msk [tilespmem:v54+s29+$0x0], $0xffff  }
0xb6: {  	v60 =	vor.u32 $0xE, v10;
	v11 =	vadd.f32 v55, v11  }
0xb7: {  	v61 =	vld.idx.msk [tilespmem:v56+s29+$0x0], $0xffff  }
0xb8: {  	v10 =	vor.u32 $0xF, v10;
	v11 =	vadd.f32 v57, v11  }
0xb9: {  	v62 =	vld.idx.msk [tilespmem:v58+s29+$0x0], $0xffff  }
0xba: {  	v11 =	vadd.f32 v59, v11  }
0xbb: {  	v63 =	vld.idx.msk [tilespmem:v60+s29+$0x0], $0xffff  }
0xbc: {  	v11 =	vadd.f32 v61, v11  }
0xbd: {  	v10 =	vld.idx.msk [tilespmem:v10+s29+$0x0], $0xffff  }
0xbe: {  	v11 =	vadd.f32 v62, v11;
	_ =	sdelay $0x1  }
0xbf: {  	v11 =	vadd.f32 v63, v11;
	_ =	sdelay $0x1  }
0xc0: {  	v10 =	vadd.f32 v10, v11;
	_ =	sdelay $0x1  }
0xc1: {  	v10 =	vadd.f32 v10, v9;
	_ =	sdelay $0x1  }
0xc2: {  	v10 =	vsub.f32 $0.0e+00, v10;
	_ =	sdelay $0x1  }
0xc3: {  	v10 =	vmul.f32 $1.442695020e+00, v10;
	_ =	sdelay $0x1  }
0xc4: {  	(erf) = vpow2.f32 v10;
	_ =	sdelay $0x8  }
0xc5: {  	v10 =	vpop (erf)  }
0xc6: {  	v10 =	vadd.f32 $1.000000000e+00, v10;
	_ =	sdelay $0x1  }
0xc7: {  	(erf) = vrcp.f32 v10;
	_ =	sdelay $0x2  }
0xc8: {  	s24 =	simm.s32 $0x20  }
0xc9: {  	s17 =	simm.s32 $0x30;
	v10 =	vmov s24  }
.LBB2_5:
0xca: {  	p0 =	sne.s32 s17, $0x70;
	v10 =	vshll.u32 v10, $0x7  }
0xcb: {  	v10 =	vor.u32 v0, v10;
	_ =	sdelay $0x1  }
0xcc: {  	v11 =	vor.u32 $0x1, v10  }
0xcd: {  	s1 =	sadd.s32 $0x10, s1;
	v12 =	vpop (erf)  }
0xce: {  	v13 =	vor.u32 $0x2, v10;
	[tilespmem:s1+$0x0] =	vst v12  }
0xcf: {  	v12 =	vld.idx.msk [tilespmem:v10+s29+$0x0], $0xffff  }
0xd0: {  	v14 =	vor.u32 $0x3, v10  }
0xd1: {  	v11 =	vld.idx.msk [tilespmem:v11+s29+$0x0], $0xffff  }
0xd2: {  	v15 =	vor.u32 $0x4, v10  }
0xd3: {  	v13 =	vld.idx.msk [tilespmem:v13+s29+$0x0], $0xffff  }
0xd4: {  	v16 =	vor.u32 $0x5, v10  }
0xd5: {  	v12 =	vadd.f32 $0.0e+00, v12;
	v14 =	vld.idx.msk [tilespmem:v14+s29+$0x0], $0xffff  }
0xd6: {  	v17 =	vor.u32 $0x6, v10  }
0xd7: {  	v11 =	vadd.f32 v11, v12;
	v12 =	vld.idx.msk [tilespmem:v15+s29+$0x0], $0xffff  }
0xd8: {  	v15 =	vor.u32 $0x7, v10  }
0xd9: {  	v11 =	vadd.f32 v13, v11;
	v13 =	vld.idx.msk [tilespmem:v16+s29+$0x0], $0xffff  }
0xda: {  	v16 =	vor.u32 $0x8, v10  }
0xdb: {  	v11 =	vadd.f32 v14, v11;
	v14 =	vld.idx.msk [tilespmem:v17+s29+$0x0], $0xffff  }
0xdc: {  	v17 =	vor.u32 $0x9, v10  }
0xdd: {  	v11 =	vadd.f32 v12, v11;
	v12 =	vld.idx.msk [tilespmem:v15+s29+$0x0], $0xffff  }
0xde: {  	v15 =	vor.u32 $0xA, v10  }
0xdf: {  	v11 =	vadd.f32 v13, v11;
	v13 =	vld.idx.msk [tilespmem:v16+s29+$0x0], $0xffff  }
0xe0: {  	v16 =	vor.u32 $0xB, v10  }
0xe1: {  	v11 =	vadd.f32 v14, v11;
	v14 =	vld.idx.msk [tilespmem:v17+s29+$0x0], $0xffff  }
0xe2: {  	v17 =	vor.u32 $0xC, v10  }
0xe3: {  	v11 =	vadd.f32 v12, v11;
	v12 =	vld.idx.msk [tilespmem:v15+s29+$0x0], $0xffff  }
0xe4: {  	v15 =	vor.u32 $0xD, v10  }
0xe5: {  	v11 =	vadd.f32 v13, v11;
	v13 =	vld.idx.msk [tilespmem:v16+s29+$0x0], $0xffff  }
0xe6: {  	v16 =	vor.u32 $0xE, v10  }
0xe7: {  	v11 =	vadd.f32 v14, v11;
	v14 =	vld.idx.msk [tilespmem:v17+s29+$0x0], $0xffff  }
0xe8: {  	v10 =	vor.u32 $0xF, v10  }
0xe9: {  	v11 =	vadd.f32 v12, v11;
	v12 =	vld.idx.msk [tilespmem:v15+s29+$0x0], $0xffff;
	_ =	sdelay $0x1  }
0xea: {  	v11 =	vadd.f32 v13, v11;
	v13 =	vld.idx.msk [tilespmem:v16+s29+$0x0], $0xffff;
	_ =	sdelay $0x1  }
0xeb: {  	v11 =	vadd.f32 v14, v11;
	v10 =	vld.idx.msk [tilespmem:v10+s29+$0x0], $0xffff;
	_ =	sdelay $0x1  }
0xec: {  	v11 =	vadd.f32 v12, v11;
	_ =	sdelay $0x1  }
0xed: {  	v11 =	vadd.f32 v13, v11;
	_ =	sdelay $0x1  }
0xee: {  	v10 =	vadd.f32 v10, v11;
	_ =	sdelay $0x1  }
0xef: {  	v10 =	vadd.f32 v10, v9;
	_ =	sdelay $0x1  }
0xf0: {  	v10 =	vsub.f32 $0.0e+00, v10;
	_ =	sdelay $0x1  }
0xf1: {  	v10 =	vmul.f32 $1.442695020e+00, v10;
	_ =	sdelay $0x1  }
0xf2: {  	(erf) = vpow2.f32 v10;
	_ =	sdelay $0x8  }
0xf3: {  	v10 =	vpop (erf)  }
0xf4: {  	v10 =	vadd.f32 $1.000000000e+00, v10;
	_ =	sdelay $0x1  }
.Ltmp1:
0xf5: {  	(erf) = vrcp.f32 v10;
	(pc) =	sbr.rel @p0 .LBB2_5-.Ltmp1, $2  }
0xf6: {  	_ =	sdelay $0x2  }
0xf7: {  	v10 =	vmov s17;
	s17 =	sadd.s32 $0x10, s17  }
0xf8: {  	v10 =	vshll.u32 v10, $0x7  }
0xf9: {  	v10 =	vor.u32 v0, v10;
	_ =	sdelay $0x1  }
0xfa: {  	v11 =	vor.u32 $0x1, v10  }
0xfb: {  	s1 =	sadd.s32 $0x10, s1;
	v12 =	vpop (erf)  }
0xfc: {  	v13 =	vor.u32 $0x2, v10;
	[tilespmem:s1+$0x0] =	vst v12  }
0xfd: {  	v12 =	vld.idx.msk [tilespmem:v10+s29+$0x0], $0xffff  }
0xfe: {  	v14 =	vor.u32 $0x3, v10  }
0xff: {  	v11 =	vld.idx.msk [tilespmem:v11+s29+$0x0], $0xffff  }
0x100: {  	v15 =	vor.u32 $0x4, v10  }
0x101: {  	v13 =	vld.idx.msk [tilespmem:v13+s29+$0x0], $0xffff  }
0x102: {  	v16 =	vor.u32 $0x5, v10;
	v12 =	vadd.f32 $0.0e+00, v12  }
0x103: {  	v14 =	vld.idx.msk [tilespmem:v14+s29+$0x0], $0xffff  }
0x104: {  	v17 =	vor.u32 $0x6, v10;
	v11 =	vadd.f32 v11, v12  }
0x105: {  	v12 =	vld.idx.msk [tilespmem:v15+s29+$0x0], $0xffff  }
0x106: {  	v15 =	vor.u32 $0x7, v10;
	v11 =	vadd.f32 v13, v11  }
0x107: {  	v13 =	vld.idx.msk [tilespmem:v16+s29+$0x0], $0xffff  }
0x108: {  	v16 =	vor.u32 $0x8, v10;
	v11 =	vadd.f32 v14, v11  }
0x109: {  	v14 =	vld.idx.msk [tilespmem:v17+s29+$0x0], $0xffff  }
0x10a: {  	v17 =	vor.u32 $0x9, v10;
	v11 =	vadd.f32 v12, v11  }
0x10b: {  	v12 =	vld.idx.msk [tilespmem:v15+s29+$0x0], $0xffff  }
0x10c: {  	v15 =	vor.u32 $0xA, v10;
	v11 =	vadd.f32 v13, v11  }
0x10d: {  	v13 =	vld.idx.msk [tilespmem:v16+s29+$0x0], $0xffff  }
0x10e: {  	v16 =	vor.u32 $0xB, v10;
	v11 =	vadd.f32 v14, v11  }
0x10f: {  	v14 =	vld.idx.msk [tilespmem:v17+s29+$0x0], $0xffff  }
0x110: {  	v17 =	vor.u32 $0xC, v10;
	v11 =	vadd.f32 v12, v11  }
0x111: {  	v12 =	vld.idx.msk [tilespmem:v15+s29+$0x0], $0xffff  }
0x112: {  	v15 =	vor.u32 $0xD, v10;
	v11 =	vadd.f32 v13, v11  }
0x113: {  	v13 =	vld.idx.msk [tilespmem:v16+s29+$0x0], $0xffff  }
0x114: {  	v16 =	vor.u32 $0xE, v10;
	v11 =	vadd.f32 v14, v11  }
0x115: {  	v14 =	vld.idx.msk [tilespmem:v17+s29+$0x0], $0xffff  }
0x116: {  	v10 =	vor.u32 $0xF, v10;
	v11 =	vadd.f32 v12, v11  }
0x117: {  	v12 =	vld.idx.msk [tilespmem:v15+s29+$0x0], $0xffff  }
0x118: {  	v11 =	vadd.f32 v13, v11  }
0x119: {  	v13 =	vld.idx.msk [tilespmem:v16+s29+$0x0], $0xffff  }
0x11a: {  	v11 =	vadd.f32 v14, v11  }
0x11b: {  	v10 =	vld.idx.msk [tilespmem:v10+s29+$0x0], $0xffff  }
0x11c: {  	v11 =	vadd.f32 v12, v11;
	_ =	sdelay $0x1  }
0x11d: {  	v11 =	vadd.f32 v13, v11;
	_ =	sdelay $0x1  }
0x11e: {  	v10 =	vadd.f32 v10, v11;
	_ =	sdelay $0x1  }
0x11f: {  	v10 =	vadd.f32 v10, v9;
	_ =	sdelay $0x1  }
0x120: {  	v10 =	vsub.f32 $0.0e+00, v10;
	_ =	sdelay $0x1  }
0x121: {  	v10 =	vmul.f32 $1.442695020e+00, v10;
	_ =	sdelay $0x1  }
0x122: {  	(erf) = vpow2.f32 v10;
	_ =	sdelay $0x8  }
0x123: {  	v10 =	vpop (erf)  }
0x124: {  	v10 =	vadd.f32 $1.000000000e+00, v10;
	_ =	sdelay $0x1  }
0x125: {  	(erf) = vrcp.f32 v10;
	_ =	sdelay $0x7  }
0x126: {  	p0 =	seq.s32 s2, $0x27  }
0x127: {  	s17 =	sadd.s32 $0x10, s1;
	s1 =	sshll.u32 @!p0 s2, $0x8;
	v10 =	vpop (erf)  }
0x128: {  	s19 =	simm.s32 @!p0 $0x80;
	s22 =	simm.s32 @!p0 $0x5000;
	[tilespmem:s17+$0x0] =	vst v10;
	s17 =	sadd.s32 @!p0 $0x100, s1  }
0x129: {  	[tilespmem:s22], [sflag:$0x1] =	stream.indirect.gather @!p0 [hbm4b:s4+s19], $0x80, s17, s19, $0xb8;
	[tilespmem:$0x19180] =	vst v63  }
0x12a: {  	s23 =	simm.s32 @!p0 $0xD000;
	s17 =	sshll.u32 s2, $0x1;
	s22 =	sadd.s32 @!p0 $0x2900, s1  }
0x12b: {  	[tilespmem:s23], [sflag:$0x1] =	stream.indirect.gather @!p0 [hbm4b:s5+s19], $0x80, s22, s19, $0xb8;
	[tilespmem:$0x19180] =	vst v63  }
0x12c: {  	s23 =	sadd.s32 s6, s17  }
0x12d: {  	s19 =	sshll.u32 s23, $0x4  }
0x12e: {  	s24 =	sadd.s32 s8, s19;
	s19 =	simm.s32 $0x0  }
0x12f: {  	[hbm4b:s24+s19] =	stream.linear.scatter [tilespmem:s30], [sflag:$0x3], $0x80, $0x38;
	[tilespmem:$0x19180] =	vst v63  }
0x130: {  	_ =	swait.ge [sflag:s18], $0x80  }
0x131: {  	[sflag:s18] =	ssyncset.done $0x0  }
0x132: {  	[sflag:s18] =	ssyncadd.s32 $0xFFFFFF80  }
0x133: {  	_ =	swait.ge [sflag:s31], $0x4000  }
0x134: {  	[sflag:s31] =	ssyncset.done $0x0  }
0x135: {  	[sflag:s31] =	ssyncadd.s32 $0xFFFFC000  }
0x136: {  	_ =	swait.ge [sflag:s31], $0x4000  }
0x137: {  	[sflag:s31] =	ssyncset.done $0x0  }
0x138: {  	s22 =	simm.s32 $0x0;
	[sflag:s31] =	ssyncadd.s32 $0xFFFFC000  }
0x139: {  	v10 =	vld [tilespmem:s22+$0x9000]  }
0x13a: {  	v11 =	vld [tilespmem:s22+$0x11000]  }
0x13b: {  	v12 =	vld [tilespmem:s22+$0x9010]  }
0x13c: {  	v13 =	vld [tilespmem:s22+$0x11010]  }
0x13d: {  	v14 =	vld [tilespmem:s22+$0x9020]  }
0x13e: {  	v15 =	vld [tilespmem:s22+$0x11020]  }
0x13f: {  	v16 =	vld [tilespmem:s22+$0x11030];
	v10 =	vadd.f32 v11, v10  }
0x140: {  	v11 =	vld [tilespmem:s22+$0x9030]  }
0x141: {  	v17 =	vld [tilespmem:s22+$0x9040];
	v12 =	vadd.f32 v13, v12;
	v10 =	vmax.f32 v10, $0.0e+00  }
0x142: {  	v18 =	vld [tilespmem:s22+$0x11040];
	v10 =	vmul.f32 v10, v1  }
0x143: {  	v19 =	vld [tilespmem:s22+$0x9050];
	v13 =	vadd.f32 v15, v14;
	v12 =	vmax.f32 v12, $0.0e+00  }
0x144: {  	v20 =	vld [tilespmem:s22+$0x11050];
	v12 =	vmul.f32 v12, v2;
	v14 =	vadd.f32 $0.0e+00, v10  }
0x145: {  	v13 =	vmax.f32 v13, $0.0e+00;
	v10 =	vld [tilespmem:s22+$0x9060];
	v15 =	vadd.f32 v16, v11  }
0x146: {  	v12 =	vadd.f32 v12, v14;
	v14 =	vmul.f32 v13, v3;
	v13 =	vld [tilespmem:s22+$0x11060]  }
0x147: {  	v17 =	vadd.f32 v18, v17;
	v11 =	vld [tilespmem:s22+$0x9070];
	v16 =	vmax.f32 v15, $0.0e+00  }
0x148: {  	s23 =	simm.s32 $0x80;
	v16 =	vmul.f32 v16, v4;
	v15 =	vadd.f32 v14, v12;
	v14 =	vld [tilespmem:s22+$0x11070]  }
0x149: {  	s24 =	simm.s32 $0x400;
	v18 =	vmax.f32 v17, $0.0e+00;
	v17 =	vadd.f32 v20, v19;
	v12 =	vld [tilespmem:s23+$0x9000]  }
.LBB2_7:
0x14a: {  	p1 =	sne.s32 s24, $0xFE00;
	v19 =	vld [tilespmem:s23+$0x11000];
	v15 =	vadd.f32 v16, v15;
	v16 =	vmul.f32 v18, v5  }
0x14b: {  	v18 =	vld [tilespmem:s23+$0x9010];
	v17 =	vmax.f32 v17, $0.0e+00;
	v10 =	vadd.f32 v13, v10  }
0x14c: {  	v13 =	vld [tilespmem:s23+$0x11010];
	v15 =	vadd.f32 v16, v15;
	v16 =	vmul.f32 v17, v6  }
0x14d: {  	v17 =	vld [tilespmem:s23+$0x9020];
	v10 =	vmax.f32 v10, $0.0e+00;
	v11 =	vadd.f32 v14, v11  }
0x14e: {  	v14 =	vld [tilespmem:s23+$0x11020];
	v15 =	vadd.f32 v16, v15;
	v10 =	vmul.f32 v10, v7  }
0x14f: {  	v12 =	vadd.f32 v19, v12;
	v16 =	vld [tilespmem:s23+$0x9030];
	v11 =	vmax.f32 v11, $0.0e+00  }
0x150: {  	v19 =	vld [tilespmem:s23+$0x11030];
	v10 =	vadd.f32 v10, v15;
	v11 =	vmul.f32 v11, v8  }
0x151: {  	v12 =	vmax.f32 v12, $0.0e+00;
	v13 =	vadd.f32 v13, v18;
	v15 =	vld [tilespmem:s23+$0x9040]  }
0x152: {  	v12 =	vmul.f32 v12, v1;
	v18 =	vld [tilespmem:s23+$0x11040];
	v10 =	vadd.f32 v11, v10  }
0x153: {  	v11 =	vmax.f32 v13, $0.0e+00;
	v13 =	vadd.f32 v14, v17;
	v17 =	vld [tilespmem:s23+$0x9050]  }
0x154: {  	v12 =	vadd.f32 $0.0e+00, v12;
	v11 =	vmul.f32 v11, v2;
	v20 =	vld [tilespmem:s23+$0x11050];
	[tilespmem:s22+$0x15180] =	vst v10;
	s22 =	smov.u32 s23  }
.Ltmp2:
0x155: {  	v13 =	vmax.f32 v13, $0.0e+00;
	v14 =	vadd.f32 v19, v16;
	v10 =	vld [tilespmem:s22+$0x9060];
	(pc) =	sbr.rel @p1 .LBB2_7-.Ltmp2, $4  }
0x156: {  	v12 =	vadd.f32 v11, v12;
	v16 =	vmul.f32 v13, v3;
	v13 =	vld [tilespmem:s22+$0x11060]  }
0x157: {  	v14 =	vmax.f32 v14, $0.0e+00;
	v18 =	vadd.f32 v18, v15;
	v11 =	vld [tilespmem:s22+$0x9070]  }
0x158: {  	s23 =	sshra.s32 s24, $0x2;
	v15 =	vadd.f32 v16, v12;
	v16 =	vmul.f32 v14, v4;
	v14 =	vld [tilespmem:s22+$0x11070]  }
0x159: {  	s24 =	sadd.s32 $0x200, s24;
	v12 =	vld [tilespmem:s23+$0x9000];
	v18 =	vmax.f32 v18, $0.0e+00;
	v17 =	vadd.f32 v20, v17  }
0x15a: {  	v19 =	vld [tilespmem:s23+$0x11000];
	v15 =	vadd.f32 v16, v15;
	v42 =	vmul.f32 v18, v5  }
0x15b: {  	v43 =	vld [tilespmem:s23+$0x9010];
	v17 =	vmax.f32 v17, $0.0e+00;
	v10 =	vadd.f32 v13, v10  }
0x15c: {  	v44 =	vld [tilespmem:s23+$0x11010];
	v15 =	vadd.f32 v42, v15;
	v45 =	vmul.f32 v17, v6  }
0x15d: {  	v46 =	vld [tilespmem:s23+$0x9020];
	v10 =	vmax.f32 v10, $0.0e+00;
	v11 =	vadd.f32 v14, v11  }
0x15e: {  	v47 =	vld [tilespmem:s23+$0x11020];
	v15 =	vadd.f32 v45, v15;
	v10 =	vmul.f32 v10, v7  }
0x15f: {  	v48 =	vld [tilespmem:s23+$0x9030];
	v12 =	vadd.f32 v19, v12;
	v11 =	vmax.f32 v11, $0.0e+00  }
0x160: {  	v49 =	vld [tilespmem:s23+$0x11030];
	v10 =	vadd.f32 v10, v15;
	v11 =	vmul.f32 v11, v8  }
0x161: {  	v50 =	vld [tilespmem:s23+$0x9040];
	v13 =	vadd.f32 v44, v43;
	v12 =	vmax.f32 v12, $0.0e+00  }
0x162: {  	v51 =	vld [tilespmem:s23+$0x11040];
	v12 =	vmul.f32 v12, v1;
	v10 =	vadd.f32 v11, v10  }
0x163: {  	v52 =	vld [tilespmem:s23+$0x11050];
	v14 =	vadd.f32 v47, v46;
	v13 =	vmax.f32 v13, $0.0e+00  }
0x164: {  	v11 =	vld [tilespmem:s23+$0x9050];
	v13 =	vmul.f32 v13, v2;
	v12 =	vadd.f32 $0.0e+00, v12;
	[tilespmem:s22+$0x15180] =	vst v10  }
0x165: {  	v53 =	vadd.f32 v49, v48;
	v10 =	vmax.f32 v14, $0.0e+00;
	v54 =	vld [tilespmem:s23+$0x9060]  }
0x166: {  	v10 =	vmul.f32 v10, v3;
	v55 =	vld [tilespmem:s23+$0x11060];
	v12 =	vadd.f32 v13, v12  }
0x167: {  	v15 =	vadd.f32 v51, v50;
	v14 =	vmax.f32 v53, $0.0e+00;
	v56 =	vld [tilespmem:s23+$0x9070]  }
0x168: {  	v57 =	vmul.f32 v14, v4;
	v58 =	vld [tilespmem:s23+$0x11070];
	v10 =	vadd.f32 v10, v12  }
0x169: {  	v15 =	vmax.f32 v15, $0.0e+00;
	v11 =	vadd.f32 v52, v11  }
0x16a: {  	v59 =	vmul.f32 v15, v5;
	v10 =	vadd.f32 v57, v10  }
0x16b: {  	v11 =	vmax.f32 v11, $0.0e+00;
	v13 =	vadd.f32 v55, v54  }
0x16c: {  	v11 =	vmul.f32 v11, v6;
	v10 =	vadd.f32 v59, v10  }
0x16d: {  	v61 =	vadd.f32 v58, v56;
	v60 =	vmax.f32 v13, $0.0e+00  }
0x16e: {  	v62 =	vmov s19;
	v10 =	vadd.f32 v11, v10;
	v11 =	vmul.f32 v60, v7  }
0x16f: {  	v12 =	vshll.u32 v62, $0x7;
	v13 =	vmax.f32 v61, $0.0e+00  }
0x170: {  	v12 =	vor.u32 v0, v12;
	v10 =	vadd.f32 v11, v10;
	v11 =	vmul.f32 v13, v8;
	_ =	sdelay $0x1  }
0x171: {  	v10 =	vadd.f32 v11, v10;
	v11 =	vor.u32 $0x1, v12;
	_ =	sdelay $0x1  }
0x172: {  	[tilespmem:s23+$0x15180] =	vst v10;
	v10 =	vor.u32 $0x2, v12  }
0x173: {  	v63 =	vld.idx.msk [tilespmem:v12+s29+$0x0], $0xffff  }
0x174: {  	v20 =	vor.u32 $0x3, v12  }
0x175: {  	v11 =	vld.idx.msk [tilespmem:v11+s29+$0x0], $0xffff  }
0x176: {  	v21 =	vor.u32 $0x4, v12  }
0x177: {  	v10 =	vld.idx.msk [tilespmem:v10+s29+$0x0], $0xffff  }
0x178: {  	v22 =	vor.u32 $0x5, v12;
	v13 =	vadd.f32 $0.0e+00, v63  }
0x179: {  	v14 =	vld.idx.msk [tilespmem:v20+s29+$0x0], $0xffff  }
0x17a: {  	v23 =	vor.u32 $0x6, v12;
	v11 =	vadd.f32 v11, v13  }
0x17b: {  	v24 =	vld.idx.msk [tilespmem:v21+s29+$0x0], $0xffff  }
0x17c: {  	v25 =	vor.u32 $0x7, v12;
	v10 =	vadd.f32 v10, v11  }
0x17d: {  	v11 =	vld.idx.msk [tilespmem:v22+s29+$0x0], $0xffff  }
0x17e: {  	v26 =	vor.u32 $0x8, v12;
	v10 =	vadd.f32 v14, v10  }
0x17f: {  	v27 =	vld.idx.msk [tilespmem:v23+s29+$0x0], $0xffff  }
0x180: {  	v28 =	vor.u32 $0x9, v12;
	v10 =	vadd.f32 v24, v10  }
0x181: {  	v29 =	vld.idx.msk [tilespmem:v25+s29+$0x0], $0xffff  }
0x182: {  	v30 =	vor.u32 $0xA, v12;
	v10 =	vadd.f32 v11, v10  }
0x183: {  	v11 =	vld.idx.msk [tilespmem:v26+s29+$0x0], $0xffff  }
0x184: {  	v31 =	vor.u32 $0xB, v12;
	v10 =	vadd.f32 v27, v10  }
0x185: {  	v32 =	vld.idx.msk [tilespmem:v28+s29+$0x0], $0xffff  }
0x186: {  	v33 =	vor.u32 $0xC, v12;
	v10 =	vadd.f32 v29, v10  }
0x187: {  	v34 =	vld.idx.msk [tilespmem:v30+s29+$0x0], $0xffff  }
0x188: {  	v35 =	vor.u32 $0xD, v12;
	v10 =	vadd.f32 v11, v10  }
0x189: {  	v11 =	vld.idx.msk [tilespmem:v31+s29+$0x0], $0xffff  }
0x18a: {  	v36 =	vor.u32 $0xE, v12;
	v10 =	vadd.f32 v32, v10  }
0x18b: {  	v37 =	vld.idx.msk [tilespmem:v33+s29+$0x0], $0xffff  }
0x18c: {  	v12 =	vor.u32 $0xF, v12;
	v10 =	vadd.f32 v34, v10  }
0x18d: {  	v38 =	vld.idx.msk [tilespmem:v35+s29+$0x0], $0xffff  }
0x18e: {  	v10 =	vadd.f32 v11, v10  }
0x18f: {  	v11 =	vld.idx.msk [tilespmem:v36+s29+$0x0], $0xffff  }
0x190: {  	v10 =	vadd.f32 v37, v10  }
0x191: {  	v12 =	vld.idx.msk [tilespmem:v12+s29+$0x0], $0xffff  }
0x192: {  	v10 =	vadd.f32 v38, v10;
	_ =	sdelay $0x1  }
0x193: {  	v10 =	vadd.f32 v11, v10;
	_ =	sdelay $0x1  }
0x194: {  	v10 =	vadd.f32 v12, v10;
	_ =	sdelay $0x1  }
0x195: {  	v10 =	vadd.f32 v10, v9;
	_ =	sdelay $0x1  }
0x196: {  	v10 =	vsub.f32 $0.0e+00, v10;
	_ =	sdelay $0x1  }
0x197: {  	v10 =	vmul.f32 $1.442695020e+00, v10;
	_ =	sdelay $0x1  }
0x198: {  	(erf) = vpow2.f32 v10;
	_ =	sdelay $0x8  }
0x199: {  	v10 =	vpop (erf)  }
0x19a: {  	v10 =	vadd.f32 $1.000000000e+00, v10;
	_ =	sdelay $0x1  }
0x19b: {  	(erf) = vrcp.f32 v10;
	_ =	sdelay $0x2  }
0x19c: {  	s23 =	simm.s32 $0x10  }
0x19d: {  	v10 =	vmov s23  }
0x19e: {  	v10 =	vshll.u32 v10, $0x7  }
0x19f: {  	v10 =	vor.u32 v0, v10;
	_ =	sdelay $0x1  }
0x1a0: {  	v11 =	vor.u32 $0x1, v10  }
0x1a1: {  	s19 =	simm.s32 $0x15100;
	v39 =	vpop (erf)  }
0x1a2: {  	v40 =	vor.u32 $0x2, v10;
	[tilespmem:s19+$0x0] =	vst v39  }
0x1a3: {  	v12 =	vld.idx.msk [tilespmem:v10+s29+$0x0], $0xffff  }
0x1a4: {  	v41 =	vor.u32 $0x3, v10  }
0x1a5: {  	v11 =	vld.idx.msk [tilespmem:v11+s29+$0x0], $0xffff  }
0x1a6: {  	v42 =	vor.u32 $0x4, v10  }
0x1a7: {  	v13 =	vld.idx.msk [tilespmem:v40+s29+$0x0], $0xffff  }
0x1a8: {  	v43 =	vor.u32 $0x5, v10;
	v12 =	vadd.f32 $0.0e+00, v12  }
0x1a9: {  	v14 =	vld.idx.msk [tilespmem:v41+s29+$0x0], $0xffff  }
0x1aa: {  	v44 =	vor.u32 $0x6, v10;
	v11 =	vadd.f32 v11, v12  }
0x1ab: {  	v45 =	vld.idx.msk [tilespmem:v42+s29+$0x0], $0xffff  }
0x1ac: {  	v46 =	vor.u32 $0x7, v10;
	v11 =	vadd.f32 v13, v11  }
0x1ad: {  	v47 =	vld.idx.msk [tilespmem:v43+s29+$0x0], $0xffff  }
0x1ae: {  	v48 =	vor.u32 $0x8, v10;
	v11 =	vadd.f32 v14, v11  }
0x1af: {  	v49 =	vld.idx.msk [tilespmem:v44+s29+$0x0], $0xffff  }
0x1b0: {  	v50 =	vor.u32 $0x9, v10;
	v11 =	vadd.f32 v45, v11  }
0x1b1: {  	v51 =	vld.idx.msk [tilespmem:v46+s29+$0x0], $0xffff  }
0x1b2: {  	v52 =	vor.u32 $0xA, v10;
	v11 =	vadd.f32 v47, v11  }
0x1b3: {  	v53 =	vld.idx.msk [tilespmem:v48+s29+$0x0], $0xffff  }
0x1b4: {  	v54 =	vor.u32 $0xB, v10;
	v11 =	vadd.f32 v49, v11  }
0x1b5: {  	v55 =	vld.idx.msk [tilespmem:v50+s29+$0x0], $0xffff  }
0x1b6: {  	v56 =	vor.u32 $0xC, v10;
	v11 =	vadd.f32 v51, v11  }
0x1b7: {  	v57 =	vld.idx.msk [tilespmem:v52+s29+$0x0], $0xffff  }
0x1b8: {  	v58 =	vor.u32 $0xD, v10;
	v11 =	vadd.f32 v53, v11  }
0x1b9: {  	v59 =	vld.idx.msk [tilespmem:v54+s29+$0x0], $0xffff  }
0x1ba: {  	v60 =	vor.u32 $0xE, v10;
	v11 =	vadd.f32 v55, v11  }
0x1bb: {  	v61 =	vld.idx.msk [tilespmem:v56+s29+$0x0], $0xffff  }
0x1bc: {  	v10 =	vor.u32 $0xF, v10;
	v11 =	vadd.f32 v57, v11  }
0x1bd: {  	v62 =	vld.idx.msk [tilespmem:v58+s29+$0x0], $0xffff  }
0x1be: {  	v11 =	vadd.f32 v59, v11  }
0x1bf: {  	v63 =	vld.idx.msk [tilespmem:v60+s29+$0x0], $0xffff  }
0x1c0: {  	v11 =	vadd.f32 v61, v11  }
0x1c1: {  	v10 =	vld.idx.msk [tilespmem:v10+s29+$0x0], $0xffff  }
0x1c2: {  	v11 =	vadd.f32 v62, v11;
	_ =	sdelay $0x1  }
0x1c3: {  	v11 =	vadd.f32 v63, v11;
	_ =	sdelay $0x1  }
0x1c4: {  	v10 =	vadd.f32 v10, v11;
	_ =	sdelay $0x1  }
0x1c5: {  	v10 =	vadd.f32 v10, v9;
	_ =	sdelay $0x1  }
0x1c6: {  	v10 =	vsub.f32 $0.0e+00, v10;
	_ =	sdelay $0x1  }
0x1c7: {  	v10 =	vmul.f32 $1.442695020e+00, v10;
	_ =	sdelay $0x1  }
0x1c8: {  	(erf) = vpow2.f32 v10;
	_ =	sdelay $0x8  }
0x1c9: {  	v10 =	vpop (erf)  }
0x1ca: {  	v10 =	vadd.f32 $1.000000000e+00, v10;
	_ =	sdelay $0x1  }
0x1cb: {  	(erf) = vrcp.f32 v10;
	_ =	sdelay $0x2  }
0x1cc: {  	s24 =	simm.s32 $0x20  }
0x1cd: {  	s22 =	simm.s32 $0x30;
	v10 =	vmov s24  }
.LBB2_9:
0x1ce: {  	p1 =	sne.s32 s22, $0x70;
	v10 =	vshll.u32 v10, $0x7  }
0x1cf: {  	v10 =	vor.u32 v0, v10;
	_ =	sdelay $0x1  }
0x1d0: {  	v11 =	vor.u32 $0x1, v10  }
0x1d1: {  	s19 =	sadd.s32 $0x10, s19;
	v12 =	vpop (erf)  }
0x1d2: {  	v13 =	vor.u32 $0x2, v10;
	[tilespmem:s19+$0x0] =	vst v12  }
0x1d3: {  	v12 =	vld.idx.msk [tilespmem:v10+s29+$0x0], $0xffff  }
0x1d4: {  	v14 =	vor.u32 $0x3, v10  }
0x1d5: {  	v11 =	vld.idx.msk [tilespmem:v11+s29+$0x0], $0xffff  }
0x1d6: {  	v15 =	vor.u32 $0x4, v10  }
0x1d7: {  	v13 =	vld.idx.msk [tilespmem:v13+s29+$0x0], $0xffff  }
0x1d8: {  	v16 =	vor.u32 $0x5, v10  }
0x1d9: {  	v12 =	vadd.f32 $0.0e+00, v12;
	v14 =	vld.idx.msk [tilespmem:v14+s29+$0x0], $0xffff  }
0x1da: {  	v17 =	vor.u32 $0x6, v10  }
0x1db: {  	v11 =	vadd.f32 v11, v12;
	v12 =	vld.idx.msk [tilespmem:v15+s29+$0x0], $0xffff  }
0x1dc: {  	v15 =	vor.u32 $0x7, v10  }
0x1dd: {  	v11 =	vadd.f32 v13, v11;
	v13 =	vld.idx.msk [tilespmem:v16+s29+$0x0], $0xffff  }
0x1de: {  	v16 =	vor.u32 $0x8, v10  }
0x1df: {  	v11 =	vadd.f32 v14, v11;
	v14 =	vld.idx.msk [tilespmem:v17+s29+$0x0], $0xffff  }
0x1e0: {  	v17 =	vor.u32 $0x9, v10  }
0x1e1: {  	v11 =	vadd.f32 v12, v11;
	v12 =	vld.idx.msk [tilespmem:v15+s29+$0x0], $0xffff  }
0x1e2: {  	v15 =	vor.u32 $0xA, v10  }
0x1e3: {  	v11 =	vadd.f32 v13, v11;
	v13 =	vld.idx.msk [tilespmem:v16+s29+$0x0], $0xffff  }
0x1e4: {  	v16 =	vor.u32 $0xB, v10  }
0x1e5: {  	v11 =	vadd.f32 v14, v11;
	v14 =	vld.idx.msk [tilespmem:v17+s29+$0x0], $0xffff  }
0x1e6: {  	v17 =	vor.u32 $0xC, v10  }
0x1e7: {  	v11 =	vadd.f32 v12, v11;
	v12 =	vld.idx.msk [tilespmem:v15+s29+$0x0], $0xffff  }
0x1e8: {  	v15 =	vor.u32 $0xD, v10  }
0x1e9: {  	v11 =	vadd.f32 v13, v11;
	v13 =	vld.idx.msk [tilespmem:v16+s29+$0x0], $0xffff  }
0x1ea: {  	v16 =	vor.u32 $0xE, v10  }
0x1eb: {  	v11 =	vadd.f32 v14, v11;
	v14 =	vld.idx.msk [tilespmem:v17+s29+$0x0], $0xffff  }
0x1ec: {  	v10 =	vor.u32 $0xF, v10  }
0x1ed: {  	v11 =	vadd.f32 v12, v11;
	v12 =	vld.idx.msk [tilespmem:v15+s29+$0x0], $0xffff;
	_ =	sdelay $0x1  }
0x1ee: {  	v11 =	vadd.f32 v13, v11;
	v13 =	vld.idx.msk [tilespmem:v16+s29+$0x0], $0xffff;
	_ =	sdelay $0x1  }
0x1ef: {  	v11 =	vadd.f32 v14, v11;
	v10 =	vld.idx.msk [tilespmem:v10+s29+$0x0], $0xffff;
	_ =	sdelay $0x1  }
0x1f0: {  	v11 =	vadd.f32 v12, v11;
	_ =	sdelay $0x1  }
0x1f1: {  	v11 =	vadd.f32 v13, v11;
	_ =	sdelay $0x1  }
0x1f2: {  	v10 =	vadd.f32 v10, v11;
	_ =	sdelay $0x1  }
0x1f3: {  	v10 =	vadd.f32 v10, v9;
	_ =	sdelay $0x1  }
0x1f4: {  	v10 =	vsub.f32 $0.0e+00, v10;
	_ =	sdelay $0x1  }
0x1f5: {  	v10 =	vmul.f32 $1.442695020e+00, v10;
	_ =	sdelay $0x1  }
0x1f6: {  	(erf) = vpow2.f32 v10;
	_ =	sdelay $0x8  }
0x1f7: {  	v10 =	vpop (erf)  }
0x1f8: {  	v10 =	vadd.f32 $1.000000000e+00, v10;
	_ =	sdelay $0x1  }
.Ltmp3:
0x1f9: {  	(erf) = vrcp.f32 v10;
	(pc) =	sbr.rel @p1 .LBB2_9-.Ltmp3, $2  }
0x1fa: {  	_ =	sdelay $0x2  }
0x1fb: {  	v10 =	vmov s22;
	s22 =	sadd.s32 $0x10, s22  }
0x1fc: {  	v10 =	vshll.u32 v10, $0x7  }
0x1fd: {  	v10 =	vor.u32 v0, v10;
	_ =	sdelay $0x1  }
0x1fe: {  	v11 =	vor.u32 $0x1, v10  }
0x1ff: {  	s19 =	sadd.s32 $0x10, s19;
	v12 =	vpop (erf)  }
0x200: {  	v13 =	vor.u32 $0x2, v10;
	[tilespmem:s19+$0x0] =	vst v12  }
0x201: {  	v12 =	vld.idx.msk [tilespmem:v10+s29+$0x0], $0xffff  }
0x202: {  	v14 =	vor.u32 $0x3, v10  }
0x203: {  	v11 =	vld.idx.msk [tilespmem:v11+s29+$0x0], $0xffff  }
0x204: {  	v15 =	vor.u32 $0x4, v10  }
0x205: {  	v13 =	vld.idx.msk [tilespmem:v13+s29+$0x0], $0xffff  }
0x206: {  	v16 =	vor.u32 $0x5, v10;
	v12 =	vadd.f32 $0.0e+00, v12  }
0x207: {  	v14 =	vld.idx.msk [tilespmem:v14+s29+$0x0], $0xffff  }
0x208: {  	v17 =	vor.u32 $0x6, v10;
	v11 =	vadd.f32 v11, v12  }
0x209: {  	v45 =	vld.idx.msk [tilespmem:v15+s29+$0x0], $0xffff  }
0x20a: {  	v46 =	vor.u32 $0x7, v10;
	v11 =	vadd.f32 v13, v11  }
0x20b: {  	v47 =	vld.idx.msk [tilespmem:v16+s29+$0x0], $0xffff  }
0x20c: {  	v48 =	vor.u32 $0x8, v10;
	v11 =	vadd.f32 v14, v11  }
0x20d: {  	v49 =	vld.idx.msk [tilespmem:v17+s29+$0x0], $0xffff  }
0x20e: {  	v50 =	vor.u32 $0x9, v10;
	v11 =	vadd.f32 v45, v11  }
0x20f: {  	v51 =	vld.idx.msk [tilespmem:v46+s29+$0x0], $0xffff  }
0x210: {  	v52 =	vor.u32 $0xA, v10;
	v11 =	vadd.f32 v47, v11  }
0x211: {  	v53 =	vld.idx.msk [tilespmem:v48+s29+$0x0], $0xffff  }
0x212: {  	v54 =	vor.u32 $0xB, v10;
	v11 =	vadd.f32 v49, v11  }
0x213: {  	v55 =	vld.idx.msk [tilespmem:v50+s29+$0x0], $0xffff  }
0x214: {  	v56 =	vor.u32 $0xC, v10;
	v11 =	vadd.f32 v51, v11  }
0x215: {  	v57 =	vld.idx.msk [tilespmem:v52+s29+$0x0], $0xffff  }
0x216: {  	v58 =	vor.u32 $0xD, v10;
	v11 =	vadd.f32 v53, v11  }
0x217: {  	v59 =	vld.idx.msk [tilespmem:v54+s29+$0x0], $0xffff  }
0x218: {  	v60 =	vor.u32 $0xE, v10;
	v11 =	vadd.f32 v55, v11  }
0x219: {  	v61 =	vld.idx.msk [tilespmem:v56+s29+$0x0], $0xffff  }
0x21a: {  	v10 =	vor.u32 $0xF, v10;
	v11 =	vadd.f32 v57, v11  }
0x21b: {  	v62 =	vld.idx.msk [tilespmem:v58+s29+$0x0], $0xffff  }
0x21c: {  	v11 =	vadd.f32 v59, v11  }
0x21d: {  	v63 =	vld.idx.msk [tilespmem:v60+s29+$0x0], $0xffff  }
0x21e: {  	v11 =	vadd.f32 v61, v11  }
0x21f: {  	v10 =	vld.idx.msk [tilespmem:v10+s29+$0x0], $0xffff  }
0x220: {  	v11 =	vadd.f32 v62, v11;
	_ =	sdelay $0x1  }
0x221: {  	v11 =	vadd.f32 v63, v11;
	_ =	sdelay $0x1  }
0x222: {  	v10 =	vadd.f32 v10, v11;
	_ =	sdelay $0x1  }
0x223: {  	v10 =	vadd.f32 v10, v9;
	_ =	sdelay $0x1  }
0x224: {  	v10 =	vsub.f32 $0.0e+00, v10;
	_ =	sdelay $0x1  }
0x225: {  	v10 =	vmul.f32 $1.442695020e+00, v10;
	_ =	sdelay $0x1  }
0x226: {  	(erf) = vpow2.f32 v10;
	_ =	sdelay $0x8  }
0x227: {  	v10 =	vpop (erf)  }
0x228: {  	v10 =	vadd.f32 $1.000000000e+00, v10;
	_ =	sdelay $0x1  }
0x229: {  	(erf) = vrcp.f32 v10;
	_ =	sdelay $0x8  }
0x22a: {  	s22 =	simm.s32 @!p0 $0x80;
	s19 =	sadd.s32 $0x10, s19;
	v10 =	vpop (erf)  }
0x22b: {  	s23 =	simm.s32 @!p0 $0x9000;
	s24 =	sadd.s32 s17, s12;
	[tilespmem:s19+$0x0] =	vst v10;
	s19 =	sadd.s32 @!p0 $0x180, s1  }
0x22c: {  	[tilespmem:s23], [sflag:$0x2] =	stream.indirect.gather @!p0 [hbm4b:s4+s22], $0x80, s19, s22, $0xb8;
	[tilespmem:$0x19180] =	vst v63  }
0x22d: {  	s2 =	sadd.s32 $0x1, s2;
	s1 =	sadd.s32 @!p0 $0x2980, s1;
	s19 =	simm.s32 @!p0 $0x11000  }
0x22e: {  	[tilespmem:s19], [sflag:$0x2] =	stream.indirect.gather @!p0 [hbm4b:s5+s22], $0x80, s1, s22, $0xb8;
	[tilespmem:$0x19180] =	vst v63  }
0x22f: {  	s1 =	sshll.u32 s24, $0x4;
	p0 =	sne.s32 s2, $0x28  }
.Ltmp4:
0x230: {  	s1 =	sadd.s32 s8, s1;
	(pc) =	sbr.rel @p0 .LBB2_2-.Ltmp4, $4  }
0x231: {  	[hbm4b:s1+s3] =	stream.linear.scatter [tilespmem:s30], [sflag:$0x3], $0x80, $0x38;
	[tilespmem:$0x19180] =	vst v63  }
0x232: {  	_ =	swait.ge [sflag:s18], $0x80  }
0x233: {  	[sflag:s18] =	ssyncset.done $0x0  }
0x234: {  	[sflag:s18] =	ssyncadd.s32 $0xFFFFFF80  }
0x235: {  	s2 =	simm.s32 $0x0  }
0x236: {  	[tilespmem:s2], [sflag:$0x3] =	stream.linear.gather [hbm4b:s13+s2], $0x2800, $0x38;
	[tilespmem:$0x19180] =	vst v63  }
0x237: {  	_ =	swait.ge [sflag:s18], $0x2800  }
0x238: {  	[sflag:s18] =	ssyncset.done $0x0  }
0x239: {  	[sflag:s18] =	ssyncadd.s32 $0xFFFFD800  }
0x23a: {  	[tilespmem:s20], [sflag:$0x3] =	stream.linear.gather [hbm4b:s14+s2], $0x2800, $0x38;
	[tilespmem:$0x19180] =	vst v63  }
0x23b: {  	_ =	swait.ge [sflag:s18], $0x2800  }
0x23c: {  	[sflag:s18] =	ssyncset.done $0x0  }
0x23d: {  	s1 =	simm.s32 $0x5000;
	[sflag:s18] =	ssyncadd.s32 $0xFFFFD800  }
0x23e: {  	[tilespmem:s1], [sflag:$0x1] =	stream.indirect.gather [hbm4b:s4+s21], $0x80, s2, s21, $0xb8;
	[tilespmem:$0x19180] =	vst v63  }
0x23f: {  	s23 =	simm.s32 $0xD000  }
0x240: {  	[tilespmem:s23], [sflag:$0x1] =	stream.indirect.gather [hbm4b:s5+s21], $0x80, s20, s21, $0xb8;
	[tilespmem:$0x19180] =	vst v63  }
0x241: {  	s24 =	simm.s32 $0x9000  }
0x242: {  	[tilespmem:s24], [sflag:$0x2] =	stream.indirect.gather [hbm4b:s4+s21], $0x80, s21, s21, $0xb8;
	[tilespmem:$0x19180] =	vst v63  }
0x243: {  	_ = 	snop  }
0x244: {  	[tilespmem:s26], [sflag:$0x2] =	stream.indirect.gather [hbm4b:s5+s21], $0x80, s25, s21, $0xb8;
	[tilespmem:$0x19180] =	vst v63  }
.LBB2_12:
0x245: {  	_ =	swait.ge [sflag:s28], $0x4000  }
0x246: {  	[sflag:s28] =	ssyncset.done $0x0  }
0x247: {  	[sflag:s28] =	ssyncadd.s32 $0xFFFFC000  }
0x248: {  	_ =	swait.ge [sflag:s28], $0x4000  }
0x249: {  	[sflag:s28] =	ssyncset.done $0x0  }
0x24a: {  	s1 =	simm.s32 $0x0;
	[sflag:s28] =	ssyncadd.s32 $0xFFFFC000  }
0x24b: {  	v10 =	vld [tilespmem:s1+$0x5000]  }
0x24c: {  	v11 =	vld [tilespmem:s1+$0xD000]  }
0x24d: {  	v12 =	vld [tilespmem:s1+$0x5010]  }
0x24e: {  	v13 =	vld [tilespmem:s1+$0xD010]  }
0x24f: {  	v14 =	vld [tilespmem:s1+$0x5020]  }
0x250: {  	v15 =	vld [tilespmem:s1+$0xD020]  }
0x251: {  	v16 =	vld [tilespmem:s1+$0xD030];
	v10 =	vadd.f32 v11, v10  }
0x252: {  	v11 =	vld [tilespmem:s1+$0x5030]  }
0x253: {  	v17 =	vld [tilespmem:s1+$0x5040];
	v12 =	vadd.f32 v13, v12;
	v10 =	vmax.f32 v10, $0.0e+00  }
0x254: {  	v18 =	vld [tilespmem:s1+$0xD040];
	v10 =	vmul.f32 v10, v1  }
0x255: {  	v19 =	vld [tilespmem:s1+$0x5050];
	v13 =	vadd.f32 v15, v14;
	v12 =	vmax.f32 v12, $0.0e+00  }
0x256: {  	v20 =	vld [tilespmem:s1+$0xD050];
	v12 =	vmul.f32 v12, v2;
	v14 =	vadd.f32 $0.0e+00, v10  }
0x257: {  	v13 =	vmax.f32 v13, $0.0e+00;
	v10 =	vld [tilespmem:s1+$0x5060];
	v15 =	vadd.f32 v16, v11  }
0x258: {  	v12 =	vadd.f32 v12, v14;
	v14 =	vmul.f32 v13, v3;
	v13 =	vld [tilespmem:s1+$0xD060]  }
0x259: {  	v17 =	vadd.f32 v18, v17;
	v11 =	vld [tilespmem:s1+$0x5070];
	v16 =	vmax.f32 v15, $0.0e+00  }
0x25a: {  	s17 =	simm.s32 $0x80;
	v16 =	vmul.f32 v16, v4;
	v15 =	vadd.f32 v14, v12;
	v14 =	vld [tilespmem:s1+$0xD070]  }
0x25b: {  	s19 =	simm.s32 $0x400;
	v18 =	vmax.f32 v17, $0.0e+00;
	v17 =	vadd.f32 v20, v19;
	v12 =	vld [tilespmem:s17+$0x5000]  }
.LBB2_13:
0x25c: {  	p0 =	sne.s32 s19, $0xFE00;
	v19 =	vld [tilespmem:s17+$0xD000];
	v15 =	vadd.f32 v16, v15;
	v16 =	vmul.f32 v18, v5  }
0x25d: {  	v18 =	vld [tilespmem:s17+$0x5010];
	v17 =	vmax.f32 v17, $0.0e+00;
	v10 =	vadd.f32 v13, v10  }
0x25e: {  	v13 =	vld [tilespmem:s17+$0xD010];
	v15 =	vadd.f32 v16, v15;
	v16 =	vmul.f32 v17, v6  }
0x25f: {  	v17 =	vld [tilespmem:s17+$0x5020];
	v10 =	vmax.f32 v10, $0.0e+00;
	v11 =	vadd.f32 v14, v11  }
0x260: {  	v14 =	vld [tilespmem:s17+$0xD020];
	v15 =	vadd.f32 v16, v15;
	v10 =	vmul.f32 v10, v7  }
0x261: {  	v12 =	vadd.f32 v19, v12;
	v16 =	vld [tilespmem:s17+$0x5030];
	v11 =	vmax.f32 v11, $0.0e+00  }
0x262: {  	v19 =	vld [tilespmem:s17+$0xD030];
	v10 =	vadd.f32 v10, v15;
	v11 =	vmul.f32 v11, v8  }
0x263: {  	v12 =	vmax.f32 v12, $0.0e+00;
	v13 =	vadd.f32 v13, v18;
	v15 =	vld [tilespmem:s17+$0x5040]  }
0x264: {  	v12 =	vmul.f32 v12, v1;
	v18 =	vld [tilespmem:s17+$0xD040];
	v10 =	vadd.f32 v11, v10  }
0x265: {  	v11 =	vmax.f32 v13, $0.0e+00;
	v13 =	vadd.f32 v14, v17;
	v17 =	vld [tilespmem:s17+$0x5050]  }
0x266: {  	v12 =	vadd.f32 $0.0e+00, v12;
	v11 =	vmul.f32 v11, v2;
	v20 =	vld [tilespmem:s17+$0xD050];
	[tilespmem:s1+$0x15180] =	vst v10;
	s1 =	smov.u32 s17  }
.Ltmp5:
0x267: {  	v13 =	vmax.f32 v13, $0.0e+00;
	v14 =	vadd.f32 v19, v16;
	v10 =	vld [tilespmem:s1+$0x5060];
	(pc) =	sbr.rel @p0 .LBB2_13-.Ltmp5, $4  }
0x268: {  	v12 =	vadd.f32 v11, v12;
	v16 =	vmul.f32 v13, v3;
	v13 =	vld [tilespmem:s1+$0xD060]  }
0x269: {  	v14 =	vmax.f32 v14, $0.0e+00;
	v18 =	vadd.f32 v18, v15;
	v11 =	vld [tilespmem:s1+$0x5070]  }
0x26a: {  	s17 =	sshra.s32 s19, $0x2;
	v15 =	vadd.f32 v16, v12;
	v16 =	vmul.f32 v14, v4;
	v14 =	vld [tilespmem:s1+$0xD070]  }
0x26b: {  	s19 =	sadd.s32 $0x200, s19;
	v12 =	vld [tilespmem:s17+$0x5000];
	v18 =	vmax.f32 v18, $0.0e+00;
	v17 =	vadd.f32 v20, v17  }
0x26c: {  	v19 =	vld [tilespmem:s17+$0xD000];
	v15 =	vadd.f32 v16, v15;
	v42 =	vmul.f32 v18, v5  }
0x26d: {  	v43 =	vld [tilespmem:s17+$0x5010];
	v17 =	vmax.f32 v17, $0.0e+00;
	v10 =	vadd.f32 v13, v10  }
0x26e: {  	v44 =	vld [tilespmem:s17+$0xD010];
	v15 =	vadd.f32 v42, v15;
	v45 =	vmul.f32 v17, v6  }
0x26f: {  	v46 =	vld [tilespmem:s17+$0x5020];
	v10 =	vmax.f32 v10, $0.0e+00;
	v11 =	vadd.f32 v14, v11  }
0x270: {  	v47 =	vld [tilespmem:s17+$0xD020];
	v15 =	vadd.f32 v45, v15;
	v10 =	vmul.f32 v10, v7  }
0x271: {  	v48 =	vld [tilespmem:s17+$0x5030];
	v12 =	vadd.f32 v19, v12;
	v11 =	vmax.f32 v11, $0.0e+00  }
0x272: {  	v49 =	vld [tilespmem:s17+$0xD030];
	v10 =	vadd.f32 v10, v15;
	v11 =	vmul.f32 v11, v8  }
0x273: {  	v50 =	vld [tilespmem:s17+$0x5040];
	v13 =	vadd.f32 v44, v43;
	v12 =	vmax.f32 v12, $0.0e+00  }
0x274: {  	v51 =	vld [tilespmem:s17+$0xD040];
	v12 =	vmul.f32 v12, v1;
	v10 =	vadd.f32 v11, v10  }
0x275: {  	v52 =	vld [tilespmem:s17+$0xD050];
	v14 =	vadd.f32 v47, v46;
	v13 =	vmax.f32 v13, $0.0e+00  }
0x276: {  	v11 =	vld [tilespmem:s17+$0x5050];
	v13 =	vmul.f32 v13, v2;
	v12 =	vadd.f32 $0.0e+00, v12;
	[tilespmem:s1+$0x15180] =	vst v10  }
0x277: {  	v53 =	vadd.f32 v49, v48;
	v10 =	vmax.f32 v14, $0.0e+00;
	v54 =	vld [tilespmem:s17+$0x5060]  }
0x278: {  	v10 =	vmul.f32 v10, v3;
	v55 =	vld [tilespmem:s17+$0xD060];
	v12 =	vadd.f32 v13, v12  }
0x279: {  	v15 =	vadd.f32 v51, v50;
	v14 =	vmax.f32 v53, $0.0e+00;
	v56 =	vld [tilespmem:s17+$0x5070]  }
0x27a: {  	v57 =	vmul.f32 v14, v4;
	v58 =	vld [tilespmem:s17+$0xD070];
	v10 =	vadd.f32 v10, v12  }
0x27b: {  	v15 =	vmax.f32 v15, $0.0e+00;
	v11 =	vadd.f32 v52, v11  }
0x27c: {  	v59 =	vmul.f32 v15, v5;
	v10 =	vadd.f32 v57, v10  }
0x27d: {  	v11 =	vmax.f32 v11, $0.0e+00;
	v13 =	vadd.f32 v55, v54  }
0x27e: {  	v11 =	vmul.f32 v11, v6;
	v10 =	vadd.f32 v59, v10  }
0x27f: {  	s22 =	simm.s32 $0x0;
	v61 =	vadd.f32 v58, v56;
	v60 =	vmax.f32 v13, $0.0e+00  }
0x280: {  	v62 =	vmov s22;
	v10 =	vadd.f32 v11, v10;
	v11 =	vmul.f32 v60, v7  }
0x281: {  	v12 =	vshll.u32 v62, $0x7;
	v13 =	vmax.f32 v61, $0.0e+00  }
0x282: {  	v12 =	vor.u32 v0, v12;
	v10 =	vadd.f32 v11, v10;
	v11 =	vmul.f32 v13, v8;
	_ =	sdelay $0x1  }
0x283: {  	v10 =	vadd.f32 v11, v10;
	v11 =	vor.u32 $0x1, v12;
	_ =	sdelay $0x1  }
0x284: {  	[tilespmem:s17+$0x15180] =	vst v10;
	v10 =	vor.u32 $0x2, v12  }
0x285: {  	v63 =	vld.idx.msk [tilespmem:v12+s29+$0x0], $0xffff  }
0x286: {  	v20 =	vor.u32 $0x3, v12  }
0x287: {  	v11 =	vld.idx.msk [tilespmem:v11+s29+$0x0], $0xffff  }
0x288: {  	v21 =	vor.u32 $0x4, v12  }
0x289: {  	v10 =	vld.idx.msk [tilespmem:v10+s29+$0x0], $0xffff  }
0x28a: {  	v22 =	vor.u32 $0x5, v12;
	v13 =	vadd.f32 $0.0e+00, v63  }
0x28b: {  	v14 =	vld.idx.msk [tilespmem:v20+s29+$0x0], $0xffff  }
0x28c: {  	v23 =	vor.u32 $0x6, v12;
	v11 =	vadd.f32 v11, v13  }
0x28d: {  	v24 =	vld.idx.msk [tilespmem:v21+s29+$0x0], $0xffff  }
0x28e: {  	v25 =	vor.u32 $0x7, v12;
	v10 =	vadd.f32 v10, v11  }
0x28f: {  	v11 =	vld.idx.msk [tilespmem:v22+s29+$0x0], $0xffff  }
0x290: {  	v26 =	vor.u32 $0x8, v12;
	v10 =	vadd.f32 v14, v10  }
0x291: {  	v27 =	vld.idx.msk [tilespmem:v23+s29+$0x0], $0xffff  }
0x292: {  	v28 =	vor.u32 $0x9, v12;
	v10 =	vadd.f32 v24, v10  }
0x293: {  	v29 =	vld.idx.msk [tilespmem:v25+s29+$0x0], $0xffff  }
0x294: {  	v30 =	vor.u32 $0xA, v12;
	v10 =	vadd.f32 v11, v10  }
0x295: {  	v11 =	vld.idx.msk [tilespmem:v26+s29+$0x0], $0xffff  }
0x296: {  	v31 =	vor.u32 $0xB, v12;
	v10 =	vadd.f32 v27, v10  }
0x297: {  	v32 =	vld.idx.msk [tilespmem:v28+s29+$0x0], $0xffff  }
0x298: {  	v33 =	vor.u32 $0xC, v12;
	v10 =	vadd.f32 v29, v10  }
0x299: {  	v34 =	vld.idx.msk [tilespmem:v30+s29+$0x0], $0xffff  }
0x29a: {  	v35 =	vor.u32 $0xD, v12;
	v10 =	vadd.f32 v11, v10  }
0x29b: {  	v11 =	vld.idx.msk [tilespmem:v31+s29+$0x0], $0xffff  }
0x29c: {  	v36 =	vor.u32 $0xE, v12;
	v10 =	vadd.f32 v32, v10  }
0x29d: {  	v37 =	vld.idx.msk [tilespmem:v33+s29+$0x0], $0xffff  }
0x29e: {  	v12 =	vor.u32 $0xF, v12;
	v10 =	vadd.f32 v34, v10  }
0x29f: {  	v38 =	vld.idx.msk [tilespmem:v35+s29+$0x0], $0xffff  }
0x2a0: {  	v10 =	vadd.f32 v11, v10  }
0x2a1: {  	v11 =	vld.idx.msk [tilespmem:v36+s29+$0x0], $0xffff  }
0x2a2: {  	v10 =	vadd.f32 v37, v10  }
0x2a3: {  	v12 =	vld.idx.msk [tilespmem:v12+s29+$0x0], $0xffff  }
0x2a4: {  	v10 =	vadd.f32 v38, v10;
	_ =	sdelay $0x1  }
0x2a5: {  	v10 =	vadd.f32 v11, v10;
	_ =	sdelay $0x1  }
0x2a6: {  	v10 =	vadd.f32 v12, v10;
	_ =	sdelay $0x1  }
0x2a7: {  	v10 =	vadd.f32 v10, v9;
	_ =	sdelay $0x1  }
0x2a8: {  	v10 =	vsub.f32 $0.0e+00, v10;
	_ =	sdelay $0x1  }
0x2a9: {  	v10 =	vmul.f32 $1.442695020e+00, v10;
	_ =	sdelay $0x1  }
0x2aa: {  	(erf) = vpow2.f32 v10;
	_ =	sdelay $0x8  }
0x2ab: {  	v10 =	vpop (erf)  }
0x2ac: {  	v10 =	vadd.f32 $1.000000000e+00, v10;
	_ =	sdelay $0x1  }
0x2ad: {  	(erf) = vrcp.f32 v10;
	_ =	sdelay $0x2  }
0x2ae: {  	s23 =	simm.s32 $0x10  }
0x2af: {  	v10 =	vmov s23  }
0x2b0: {  	v10 =	vshll.u32 v10, $0x7  }
0x2b1: {  	v10 =	vor.u32 v0, v10;
	_ =	sdelay $0x1  }
0x2b2: {  	v11 =	vor.u32 $0x1, v10  }
0x2b3: {  	s1 =	simm.s32 $0x15100;
	v39 =	vpop (erf)  }
0x2b4: {  	v40 =	vor.u32 $0x2, v10;
	[tilespmem:s1+$0x0] =	vst v39  }
0x2b5: {  	v12 =	vld.idx.msk [tilespmem:v10+s29+$0x0], $0xffff  }
0x2b6: {  	v41 =	vor.u32 $0x3, v10  }
0x2b7: {  	v11 =	vld.idx.msk [tilespmem:v11+s29+$0x0], $0xffff  }
0x2b8: {  	v42 =	vor.u32 $0x4, v10  }
0x2b9: {  	v13 =	vld.idx.msk [tilespmem:v40+s29+$0x0], $0xffff  }
0x2ba: {  	v43 =	vor.u32 $0x5, v10;
	v12 =	vadd.f32 $0.0e+00, v12  }
0x2bb: {  	v14 =	vld.idx.msk [tilespmem:v41+s29+$0x0], $0xffff  }
0x2bc: {  	v44 =	vor.u32 $0x6, v10;
	v11 =	vadd.f32 v11, v12  }
0x2bd: {  	v45 =	vld.idx.msk [tilespmem:v42+s29+$0x0], $0xffff  }
0x2be: {  	v46 =	vor.u32 $0x7, v10;
	v11 =	vadd.f32 v13, v11  }
0x2bf: {  	v47 =	vld.idx.msk [tilespmem:v43+s29+$0x0], $0xffff  }
0x2c0: {  	v48 =	vor.u32 $0x8, v10;
	v11 =	vadd.f32 v14, v11  }
0x2c1: {  	v49 =	vld.idx.msk [tilespmem:v44+s29+$0x0], $0xffff  }
0x2c2: {  	v50 =	vor.u32 $0x9, v10;
	v11 =	vadd.f32 v45, v11  }
0x2c3: {  	v51 =	vld.idx.msk [tilespmem:v46+s29+$0x0], $0xffff  }
0x2c4: {  	v52 =	vor.u32 $0xA, v10;
	v11 =	vadd.f32 v47, v11  }
0x2c5: {  	v53 =	vld.idx.msk [tilespmem:v48+s29+$0x0], $0xffff  }
0x2c6: {  	v54 =	vor.u32 $0xB, v10;
	v11 =	vadd.f32 v49, v11  }
0x2c7: {  	v55 =	vld.idx.msk [tilespmem:v50+s29+$0x0], $0xffff  }
0x2c8: {  	v56 =	vor.u32 $0xC, v10;
	v11 =	vadd.f32 v51, v11  }
0x2c9: {  	v57 =	vld.idx.msk [tilespmem:v52+s29+$0x0], $0xffff  }
0x2ca: {  	v58 =	vor.u32 $0xD, v10;
	v11 =	vadd.f32 v53, v11  }
0x2cb: {  	v59 =	vld.idx.msk [tilespmem:v54+s29+$0x0], $0xffff  }
0x2cc: {  	v60 =	vor.u32 $0xE, v10;
	v11 =	vadd.f32 v55, v11  }
0x2cd: {  	v61 =	vld.idx.msk [tilespmem:v56+s29+$0x0], $0xffff  }
0x2ce: {  	v10 =	vor.u32 $0xF, v10;
	v11 =	vadd.f32 v57, v11  }
0x2cf: {  	v62 =	vld.idx.msk [tilespmem:v58+s29+$0x0], $0xffff  }
0x2d0: {  	v11 =	vadd.f32 v59, v11  }
0x2d1: {  	v63 =	vld.idx.msk [tilespmem:v60+s29+$0x0], $0xffff  }
0x2d2: {  	v11 =	vadd.f32 v61, v11  }
0x2d3: {  	v10 =	vld.idx.msk [tilespmem:v10+s29+$0x0], $0xffff  }
0x2d4: {  	v11 =	vadd.f32 v62, v11;
	_ =	sdelay $0x1  }
0x2d5: {  	v11 =	vadd.f32 v63, v11;
	_ =	sdelay $0x1  }
0x2d6: {  	v10 =	vadd.f32 v10, v11;
	_ =	sdelay $0x1  }
0x2d7: {  	v10 =	vadd.f32 v10, v9;
	_ =	sdelay $0x1  }
0x2d8: {  	v10 =	vsub.f32 $0.0e+00, v10;
	_ =	sdelay $0x1  }
0x2d9: {  	v10 =	vmul.f32 $1.442695020e+00, v10;
	_ =	sdelay $0x1  }
0x2da: {  	(erf) = vpow2.f32 v10;
	_ =	sdelay $0x8  }
0x2db: {  	v10 =	vpop (erf)  }
0x2dc: {  	v10 =	vadd.f32 $1.000000000e+00, v10;
	_ =	sdelay $0x1  }
0x2dd: {  	(erf) = vrcp.f32 v10;
	_ =	sdelay $0x2  }
0x2de: {  	s24 =	simm.s32 $0x20  }
0x2df: {  	s17 =	simm.s32 $0x30;
	v10 =	vmov s24  }
.LBB2_15:
0x2e0: {  	p0 =	sne.s32 s17, $0x70;
	v10 =	vshll.u32 v10, $0x7  }
0x2e1: {  	v10 =	vor.u32 v0, v10;
	_ =	sdelay $0x1  }
0x2e2: {  	v11 =	vor.u32 $0x1, v10  }
0x2e3: {  	s1 =	sadd.s32 $0x10, s1;
	v12 =	vpop (erf)  }
0x2e4: {  	v13 =	vor.u32 $0x2, v10;
	[tilespmem:s1+$0x0] =	vst v12  }
0x2e5: {  	v12 =	vld.idx.msk [tilespmem:v10+s29+$0x0], $0xffff  }
0x2e6: {  	v14 =	vor.u32 $0x3, v10  }
0x2e7: {  	v11 =	vld.idx.msk [tilespmem:v11+s29+$0x0], $0xffff  }
0x2e8: {  	v15 =	vor.u32 $0x4, v10  }
0x2e9: {  	v13 =	vld.idx.msk [tilespmem:v13+s29+$0x0], $0xffff  }
0x2ea: {  	v16 =	vor.u32 $0x5, v10  }
0x2eb: {  	v12 =	vadd.f32 $0.0e+00, v12;
	v14 =	vld.idx.msk [tilespmem:v14+s29+$0x0], $0xffff  }
0x2ec: {  	v17 =	vor.u32 $0x6, v10  }
0x2ed: {  	v11 =	vadd.f32 v11, v12;
	v12 =	vld.idx.msk [tilespmem:v15+s29+$0x0], $0xffff  }
0x2ee: {  	v15 =	vor.u32 $0x7, v10  }
0x2ef: {  	v11 =	vadd.f32 v13, v11;
	v13 =	vld.idx.msk [tilespmem:v16+s29+$0x0], $0xffff  }
0x2f0: {  	v16 =	vor.u32 $0x8, v10  }
0x2f1: {  	v11 =	vadd.f32 v14, v11;
	v14 =	vld.idx.msk [tilespmem:v17+s29+$0x0], $0xffff  }
0x2f2: {  	v17 =	vor.u32 $0x9, v10  }
0x2f3: {  	v11 =	vadd.f32 v12, v11;
	v12 =	vld.idx.msk [tilespmem:v15+s29+$0x0], $0xffff  }
0x2f4: {  	v15 =	vor.u32 $0xA, v10  }
0x2f5: {  	v11 =	vadd.f32 v13, v11;
	v13 =	vld.idx.msk [tilespmem:v16+s29+$0x0], $0xffff  }
0x2f6: {  	v16 =	vor.u32 $0xB, v10  }
0x2f7: {  	v11 =	vadd.f32 v14, v11;
	v14 =	vld.idx.msk [tilespmem:v17+s29+$0x0], $0xffff  }
0x2f8: {  	v17 =	vor.u32 $0xC, v10  }
0x2f9: {  	v11 =	vadd.f32 v12, v11;
	v12 =	vld.idx.msk [tilespmem:v15+s29+$0x0], $0xffff  }
0x2fa: {  	v15 =	vor.u32 $0xD, v10  }
0x2fb: {  	v11 =	vadd.f32 v13, v11;
	v13 =	vld.idx.msk [tilespmem:v16+s29+$0x0], $0xffff  }
0x2fc: {  	v16 =	vor.u32 $0xE, v10  }
0x2fd: {  	v11 =	vadd.f32 v14, v11;
	v14 =	vld.idx.msk [tilespmem:v17+s29+$0x0], $0xffff  }
0x2fe: {  	v10 =	vor.u32 $0xF, v10  }
0x2ff: {  	v11 =	vadd.f32 v12, v11;
	v12 =	vld.idx.msk [tilespmem:v15+s29+$0x0], $0xffff;
	_ =	sdelay $0x1  }
0x300: {  	v11 =	vadd.f32 v13, v11;
	v13 =	vld.idx.msk [tilespmem:v16+s29+$0x0], $0xffff;
	_ =	sdelay $0x1  }
0x301: {  	v11 =	vadd.f32 v14, v11;
	v10 =	vld.idx.msk [tilespmem:v10+s29+$0x0], $0xffff;
	_ =	sdelay $0x1  }
0x302: {  	v11 =	vadd.f32 v12, v11;
	_ =	sdelay $0x1  }
0x303: {  	v11 =	vadd.f32 v13, v11;
	_ =	sdelay $0x1  }
0x304: {  	v10 =	vadd.f32 v10, v11;
	_ =	sdelay $0x1  }
0x305: {  	v10 =	vadd.f32 v10, v9;
	_ =	sdelay $0x1  }
0x306: {  	v10 =	vsub.f32 $0.0e+00, v10;
	_ =	sdelay $0x1  }
0x307: {  	v10 =	vmul.f32 $1.442695020e+00, v10;
	_ =	sdelay $0x1  }
0x308: {  	(erf) = vpow2.f32 v10;
	_ =	sdelay $0x8  }
0x309: {  	v10 =	vpop (erf)  }
0x30a: {  	v10 =	vadd.f32 $1.000000000e+00, v10;
	_ =	sdelay $0x1  }
.Ltmp6:
0x30b: {  	(erf) = vrcp.f32 v10;
	(pc) =	sbr.rel @p0 .LBB2_15-.Ltmp6, $2  }
0x30c: {  	_ =	sdelay $0x2  }
0x30d: {  	v10 =	vmov s17;
	s17 =	sadd.s32 $0x10, s17  }
0x30e: {  	v10 =	vshll.u32 v10, $0x7  }
0x30f: {  	v10 =	vor.u32 v0, v10;
	_ =	sdelay $0x1  }
0x310: {  	v11 =	vor.u32 $0x1, v10  }
0x311: {  	s1 =	sadd.s32 $0x10, s1;
	v12 =	vpop (erf)  }
0x312: {  	v13 =	vor.u32 $0x2, v10;
	[tilespmem:s1+$0x0] =	vst v12  }
0x313: {  	v12 =	vld.idx.msk [tilespmem:v10+s29+$0x0], $0xffff  }
0x314: {  	v14 =	vor.u32 $0x3, v10  }
0x315: {  	v11 =	vld.idx.msk [tilespmem:v11+s29+$0x0], $0xffff  }
0x316: {  	v15 =	vor.u32 $0x4, v10  }
0x317: {  	v13 =	vld.idx.msk [tilespmem:v13+s29+$0x0], $0xffff  }
0x318: {  	v16 =	vor.u32 $0x5, v10;
	v12 =	vadd.f32 $0.0e+00, v12  }
0x319: {  	v14 =	vld.idx.msk [tilespmem:v14+s29+$0x0], $0xffff  }
0x31a: {  	v17 =	vor.u32 $0x6, v10;
	v11 =	vadd.f32 v11, v12  }
0x31b: {  	v12 =	vld.idx.msk [tilespmem:v15+s29+$0x0], $0xffff  }
0x31c: {  	v15 =	vor.u32 $0x7, v10;
	v11 =	vadd.f32 v13, v11  }
0x31d: {  	v13 =	vld.idx.msk [tilespmem:v16+s29+$0x0], $0xffff  }
0x31e: {  	v16 =	vor.u32 $0x8, v10;
	v11 =	vadd.f32 v14, v11  }
0x31f: {  	v14 =	vld.idx.msk [tilespmem:v17+s29+$0x0], $0xffff  }
0x320: {  	v17 =	vor.u32 $0x9, v10;
	v11 =	vadd.f32 v12, v11  }
0x321: {  	v12 =	vld.idx.msk [tilespmem:v15+s29+$0x0], $0xffff  }
0x322: {  	v15 =	vor.u32 $0xA, v10;
	v11 =	vadd.f32 v13, v11  }
0x323: {  	v13 =	vld.idx.msk [tilespmem:v16+s29+$0x0], $0xffff  }
0x324: {  	v16 =	vor.u32 $0xB, v10;
	v11 =	vadd.f32 v14, v11  }
0x325: {  	v14 =	vld.idx.msk [tilespmem:v17+s29+$0x0], $0xffff  }
0x326: {  	v17 =	vor.u32 $0xC, v10;
	v11 =	vadd.f32 v12, v11  }
0x327: {  	v12 =	vld.idx.msk [tilespmem:v15+s29+$0x0], $0xffff  }
0x328: {  	v15 =	vor.u32 $0xD, v10;
	v11 =	vadd.f32 v13, v11  }
0x329: {  	v13 =	vld.idx.msk [tilespmem:v16+s29+$0x0], $0xffff  }
0x32a: {  	v16 =	vor.u32 $0xE, v10;
	v11 =	vadd.f32 v14, v11  }
0x32b: {  	v14 =	vld.idx.msk [tilespmem:v17+s29+$0x0], $0xffff  }
0x32c: {  	v10 =	vor.u32 $0xF, v10;
	v11 =	vadd.f32 v12, v11  }
0x32d: {  	v12 =	vld.idx.msk [tilespmem:v15+s29+$0x0], $0xffff  }
0x32e: {  	v11 =	vadd.f32 v13, v11  }
0x32f: {  	v13 =	vld.idx.msk [tilespmem:v16+s29+$0x0], $0xffff  }
0x330: {  	v11 =	vadd.f32 v14, v11  }
0x331: {  	v10 =	vld.idx.msk [tilespmem:v10+s29+$0x0], $0xffff  }
0x332: {  	v11 =	vadd.f32 v12, v11;
	_ =	sdelay $0x1  }
0x333: {  	v11 =	vadd.f32 v13, v11;
	_ =	sdelay $0x1  }
0x334: {  	v10 =	vadd.f32 v10, v11;
	_ =	sdelay $0x1  }
0x335: {  	v10 =	vadd.f32 v10, v9;
	_ =	sdelay $0x1  }
0x336: {  	v10 =	vsub.f32 $0.0e+00, v10;
	_ =	sdelay $0x1  }
0x337: {  	v10 =	vmul.f32 $1.442695020e+00, v10;
	_ =	sdelay $0x1  }
0x338: {  	(erf) = vpow2.f32 v10;
	_ =	sdelay $0x8  }
0x339: {  	v10 =	vpop (erf)  }
0x33a: {  	v10 =	vadd.f32 $1.000000000e+00, v10;
	_ =	sdelay $0x1  }
0x33b: {  	(erf) = vrcp.f32 v10;
	_ =	sdelay $0x7  }
0x33c: {  	p0 =	seq.s32 s2, $0x27  }
0x33d: {  	s17 =	sadd.s32 $0x10, s1;
	s1 =	sshll.u32 @!p0 s2, $0x8;
	v10 =	vpop (erf)  }
0x33e: {  	s19 =	simm.s32 @!p0 $0x80;
	s22 =	simm.s32 @!p0 $0x5000;
	[tilespmem:s17+$0x0] =	vst v10;
	s17 =	sadd.s32 @!p0 $0x100, s1  }
0x33f: {  	[tilespmem:s22], [sflag:$0x1] =	stream.indirect.gather @!p0 [hbm4b:s4+s19], $0x80, s17, s19, $0xb8;
	[tilespmem:$0x19180] =	vst v63  }
0x340: {  	s23 =	simm.s32 @!p0 $0xD000;
	s17 =	sshll.u32 s2, $0x1;
	s22 =	sadd.s32 @!p0 $0x2900, s1  }
0x341: {  	[tilespmem:s23], [sflag:$0x1] =	stream.indirect.gather @!p0 [hbm4b:s5+s19], $0x80, s22, s19, $0xb8;
	[tilespmem:$0x19180] =	vst v63  }
0x342: {  	s23 =	sadd.s32 s9, s17  }
0x343: {  	s19 =	sshll.u32 s23, $0x4  }
0x344: {  	s24 =	sadd.s32 s8, s19;
	s19 =	simm.s32 $0x0  }
0x345: {  	[hbm4b:s24+s19] =	stream.linear.scatter [tilespmem:s30], [sflag:$0x3], $0x80, $0x38;
	[tilespmem:$0x19180] =	vst v63  }
0x346: {  	_ =	swait.ge [sflag:s18], $0x80  }
0x347: {  	[sflag:s18] =	ssyncset.done $0x0  }
0x348: {  	[sflag:s18] =	ssyncadd.s32 $0xFFFFFF80  }
0x349: {  	_ =	swait.ge [sflag:s31], $0x4000  }
0x34a: {  	[sflag:s31] =	ssyncset.done $0x0  }
0x34b: {  	[sflag:s31] =	ssyncadd.s32 $0xFFFFC000  }
0x34c: {  	_ =	swait.ge [sflag:s31], $0x4000  }
0x34d: {  	[sflag:s31] =	ssyncset.done $0x0  }
0x34e: {  	s22 =	simm.s32 $0x0;
	[sflag:s31] =	ssyncadd.s32 $0xFFFFC000  }
0x34f: {  	v10 =	vld [tilespmem:s22+$0x9000]  }
0x350: {  	v11 =	vld [tilespmem:s22+$0x11000]  }
0x351: {  	v12 =	vld [tilespmem:s22+$0x9010]  }
0x352: {  	v13 =	vld [tilespmem:s22+$0x11010]  }
0x353: {  	v14 =	vld [tilespmem:s22+$0x9020]  }
0x354: {  	v15 =	vld [tilespmem:s22+$0x11020]  }
0x355: {  	v16 =	vld [tilespmem:s22+$0x11030];
	v10 =	vadd.f32 v11, v10  }
0x356: {  	v11 =	vld [tilespmem:s22+$0x9030]  }
0x357: {  	v17 =	vld [tilespmem:s22+$0x9040];
	v12 =	vadd.f32 v13, v12;
	v10 =	vmax.f32 v10, $0.0e+00  }
0x358: {  	v18 =	vld [tilespmem:s22+$0x11040];
	v10 =	vmul.f32 v10, v1  }
0x359: {  	v19 =	vld [tilespmem:s22+$0x9050];
	v13 =	vadd.f32 v15, v14;
	v12 =	vmax.f32 v12, $0.0e+00  }
0x35a: {  	v20 =	vld [tilespmem:s22+$0x11050];
	v12 =	vmul.f32 v12, v2;
	v14 =	vadd.f32 $0.0e+00, v10  }
0x35b: {  	v13 =	vmax.f32 v13, $0.0e+00;
	v10 =	vld [tilespmem:s22+$0x9060];
	v15 =	vadd.f32 v16, v11  }
0x35c: {  	v12 =	vadd.f32 v12, v14;
	v14 =	vmul.f32 v13, v3;
	v13 =	vld [tilespmem:s22+$0x11060]  }
0x35d: {  	v17 =	vadd.f32 v18, v17;
	v11 =	vld [tilespmem:s22+$0x9070];
	v16 =	vmax.f32 v15, $0.0e+00  }
0x35e: {  	s23 =	simm.s32 $0x80;
	v16 =	vmul.f32 v16, v4;
	v15 =	vadd.f32 v14, v12;
	v14 =	vld [tilespmem:s22+$0x11070]  }
0x35f: {  	s24 =	simm.s32 $0x400;
	v18 =	vmax.f32 v17, $0.0e+00;
	v17 =	vadd.f32 v20, v19;
	v12 =	vld [tilespmem:s23+$0x9000]  }
.LBB2_17:
0x360: {  	p1 =	sne.s32 s24, $0xFE00;
	v19 =	vld [tilespmem:s23+$0x11000];
	v15 =	vadd.f32 v16, v15;
	v16 =	vmul.f32 v18, v5  }
0x361: {  	v18 =	vld [tilespmem:s23+$0x9010];
	v17 =	vmax.f32 v17, $0.0e+00;
	v10 =	vadd.f32 v13, v10  }
0x362: {  	v13 =	vld [tilespmem:s23+$0x11010];
	v15 =	vadd.f32 v16, v15;
	v16 =	vmul.f32 v17, v6  }
0x363: {  	v17 =	vld [tilespmem:s23+$0x9020];
	v10 =	vmax.f32 v10, $0.0e+00;
	v11 =	vadd.f32 v14, v11  }
0x364: {  	v14 =	vld [tilespmem:s23+$0x11020];
	v15 =	vadd.f32 v16, v15;
	v10 =	vmul.f32 v10, v7  }
0x365: {  	v12 =	vadd.f32 v19, v12;
	v16 =	vld [tilespmem:s23+$0x9030];
	v11 =	vmax.f32 v11, $0.0e+00  }
0x366: {  	v19 =	vld [tilespmem:s23+$0x11030];
	v10 =	vadd.f32 v10, v15;
	v11 =	vmul.f32 v11, v8  }
0x367: {  	v12 =	vmax.f32 v12, $0.0e+00;
	v13 =	vadd.f32 v13, v18;
	v15 =	vld [tilespmem:s23+$0x9040]  }
0x368: {  	v12 =	vmul.f32 v12, v1;
	v18 =	vld [tilespmem:s23+$0x11040];
	v10 =	vadd.f32 v11, v10  }
0x369: {  	v11 =	vmax.f32 v13, $0.0e+00;
	v13 =	vadd.f32 v14, v17;
	v17 =	vld [tilespmem:s23+$0x9050]  }
0x36a: {  	v12 =	vadd.f32 $0.0e+00, v12;
	v11 =	vmul.f32 v11, v2;
	v20 =	vld [tilespmem:s23+$0x11050];
	[tilespmem:s22+$0x15180] =	vst v10;
	s22 =	smov.u32 s23  }
.Ltmp7:
0x36b: {  	v13 =	vmax.f32 v13, $0.0e+00;
	v14 =	vadd.f32 v19, v16;
	v10 =	vld [tilespmem:s22+$0x9060];
	(pc) =	sbr.rel @p1 .LBB2_17-.Ltmp7, $4  }
0x36c: {  	v12 =	vadd.f32 v11, v12;
	v16 =	vmul.f32 v13, v3;
	v13 =	vld [tilespmem:s22+$0x11060]  }
0x36d: {  	v14 =	vmax.f32 v14, $0.0e+00;
	v18 =	vadd.f32 v18, v15;
	v11 =	vld [tilespmem:s22+$0x9070]  }
0x36e: {  	s23 =	sshra.s32 s24, $0x2;
	v15 =	vadd.f32 v16, v12;
	v16 =	vmul.f32 v14, v4;
	v14 =	vld [tilespmem:s22+$0x11070]  }
0x36f: {  	s24 =	sadd.s32 $0x200, s24;
	v12 =	vld [tilespmem:s23+$0x9000];
	v18 =	vmax.f32 v18, $0.0e+00;
	v17 =	vadd.f32 v20, v17  }
0x370: {  	v19 =	vld [tilespmem:s23+$0x11000];
	v15 =	vadd.f32 v16, v15;
	v42 =	vmul.f32 v18, v5  }
0x371: {  	v43 =	vld [tilespmem:s23+$0x9010];
	v17 =	vmax.f32 v17, $0.0e+00;
	v10 =	vadd.f32 v13, v10  }
0x372: {  	v44 =	vld [tilespmem:s23+$0x11010];
	v15 =	vadd.f32 v42, v15;
	v45 =	vmul.f32 v17, v6  }
0x373: {  	v46 =	vld [tilespmem:s23+$0x9020];
	v10 =	vmax.f32 v10, $0.0e+00;
	v11 =	vadd.f32 v14, v11  }
0x374: {  	v47 =	vld [tilespmem:s23+$0x11020];
	v15 =	vadd.f32 v45, v15;
	v10 =	vmul.f32 v10, v7  }
0x375: {  	v48 =	vld [tilespmem:s23+$0x9030];
	v12 =	vadd.f32 v19, v12;
	v11 =	vmax.f32 v11, $0.0e+00  }
0x376: {  	v49 =	vld [tilespmem:s23+$0x11030];
	v10 =	vadd.f32 v10, v15;
	v11 =	vmul.f32 v11, v8  }
0x377: {  	v50 =	vld [tilespmem:s23+$0x9040];
	v13 =	vadd.f32 v44, v43;
	v12 =	vmax.f32 v12, $0.0e+00  }
0x378: {  	v51 =	vld [tilespmem:s23+$0x11040];
	v12 =	vmul.f32 v12, v1;
	v10 =	vadd.f32 v11, v10  }
0x379: {  	v52 =	vld [tilespmem:s23+$0x11050];
	v14 =	vadd.f32 v47, v46;
	v13 =	vmax.f32 v13, $0.0e+00  }
0x37a: {  	v11 =	vld [tilespmem:s23+$0x9050];
	v13 =	vmul.f32 v13, v2;
	v12 =	vadd.f32 $0.0e+00, v12;
	[tilespmem:s22+$0x15180] =	vst v10  }
0x37b: {  	v53 =	vadd.f32 v49, v48;
	v10 =	vmax.f32 v14, $0.0e+00;
	v54 =	vld [tilespmem:s23+$0x9060]  }
0x37c: {  	v10 =	vmul.f32 v10, v3;
	v55 =	vld [tilespmem:s23+$0x11060];
	v12 =	vadd.f32 v13, v12  }
0x37d: {  	v15 =	vadd.f32 v51, v50;
	v14 =	vmax.f32 v53, $0.0e+00;
	v56 =	vld [tilespmem:s23+$0x9070]  }
0x37e: {  	v57 =	vmul.f32 v14, v4;
	v58 =	vld [tilespmem:s23+$0x11070];
	v10 =	vadd.f32 v10, v12  }
0x37f: {  	v15 =	vmax.f32 v15, $0.0e+00;
	v11 =	vadd.f32 v52, v11  }
0x380: {  	v59 =	vmul.f32 v15, v5;
	v10 =	vadd.f32 v57, v10  }
0x381: {  	v11 =	vmax.f32 v11, $0.0e+00;
	v13 =	vadd.f32 v55, v54  }
0x382: {  	v11 =	vmul.f32 v11, v6;
	v10 =	vadd.f32 v59, v10  }
0x383: {  	v61 =	vadd.f32 v58, v56;
	v60 =	vmax.f32 v13, $0.0e+00  }
0x384: {  	v62 =	vmov s19;
	v10 =	vadd.f32 v11, v10;
	v11 =	vmul.f32 v60, v7  }
0x385: {  	v12 =	vshll.u32 v62, $0x7;
	v13 =	vmax.f32 v61, $0.0e+00  }
0x386: {  	v12 =	vor.u32 v0, v12;
	v10 =	vadd.f32 v11, v10;
	v11 =	vmul.f32 v13, v8;
	_ =	sdelay $0x1  }
0x387: {  	v10 =	vadd.f32 v11, v10;
	v11 =	vor.u32 $0x1, v12;
	_ =	sdelay $0x1  }
0x388: {  	[tilespmem:s23+$0x15180] =	vst v10;
	v10 =	vor.u32 $0x2, v12  }
0x389: {  	v63 =	vld.idx.msk [tilespmem:v12+s29+$0x0], $0xffff  }
0x38a: {  	v20 =	vor.u32 $0x3, v12  }
0x38b: {  	v11 =	vld.idx.msk [tilespmem:v11+s29+$0x0], $0xffff  }
0x38c: {  	v21 =	vor.u32 $0x4, v12  }
0x38d: {  	v10 =	vld.idx.msk [tilespmem:v10+s29+$0x0], $0xffff  }
0x38e: {  	v22 =	vor.u32 $0x5, v12;
	v13 =	vadd.f32 $0.0e+00, v63  }
0x38f: {  	v14 =	vld.idx.msk [tilespmem:v20+s29+$0x0], $0xffff  }
0x390: {  	v23 =	vor.u32 $0x6, v12;
	v11 =	vadd.f32 v11, v13  }
0x391: {  	v24 =	vld.idx.msk [tilespmem:v21+s29+$0x0], $0xffff  }
0x392: {  	v25 =	vor.u32 $0x7, v12;
	v10 =	vadd.f32 v10, v11  }
0x393: {  	v11 =	vld.idx.msk [tilespmem:v22+s29+$0x0], $0xffff  }
0x394: {  	v26 =	vor.u32 $0x8, v12;
	v10 =	vadd.f32 v14, v10  }
0x395: {  	v27 =	vld.idx.msk [tilespmem:v23+s29+$0x0], $0xffff  }
0x396: {  	v28 =	vor.u32 $0x9, v12;
	v10 =	vadd.f32 v24, v10  }
0x397: {  	v29 =	vld.idx.msk [tilespmem:v25+s29+$0x0], $0xffff  }
0x398: {  	v30 =	vor.u32 $0xA, v12;
	v10 =	vadd.f32 v11, v10  }
0x399: {  	v11 =	vld.idx.msk [tilespmem:v26+s29+$0x0], $0xffff  }
0x39a: {  	v31 =	vor.u32 $0xB, v12;
	v10 =	vadd.f32 v27, v10  }
0x39b: {  	v32 =	vld.idx.msk [tilespmem:v28+s29+$0x0], $0xffff  }
0x39c: {  	v33 =	vor.u32 $0xC, v12;
	v10 =	vadd.f32 v29, v10  }
0x39d: {  	v34 =	vld.idx.msk [tilespmem:v30+s29+$0x0], $0xffff  }
0x39e: {  	v35 =	vor.u32 $0xD, v12;
	v10 =	vadd.f32 v11, v10  }
0x39f: {  	v11 =	vld.idx.msk [tilespmem:v31+s29+$0x0], $0xffff  }
0x3a0: {  	v36 =	vor.u32 $0xE, v12;
	v10 =	vadd.f32 v32, v10  }
0x3a1: {  	v37 =	vld.idx.msk [tilespmem:v33+s29+$0x0], $0xffff  }
0x3a2: {  	v12 =	vor.u32 $0xF, v12;
	v10 =	vadd.f32 v34, v10  }
0x3a3: {  	v38 =	vld.idx.msk [tilespmem:v35+s29+$0x0], $0xffff  }
0x3a4: {  	v10 =	vadd.f32 v11, v10  }
0x3a5: {  	v11 =	vld.idx.msk [tilespmem:v36+s29+$0x0], $0xffff  }
0x3a6: {  	v10 =	vadd.f32 v37, v10  }
0x3a7: {  	v12 =	vld.idx.msk [tilespmem:v12+s29+$0x0], $0xffff  }
0x3a8: {  	v10 =	vadd.f32 v38, v10;
	_ =	sdelay $0x1  }
0x3a9: {  	v10 =	vadd.f32 v11, v10;
	_ =	sdelay $0x1  }
0x3aa: {  	v10 =	vadd.f32 v12, v10;
	_ =	sdelay $0x1  }
0x3ab: {  	v10 =	vadd.f32 v10, v9;
	_ =	sdelay $0x1  }
0x3ac: {  	v10 =	vsub.f32 $0.0e+00, v10;
	_ =	sdelay $0x1  }
0x3ad: {  	v10 =	vmul.f32 $1.442695020e+00, v10;
	_ =	sdelay $0x1  }
0x3ae: {  	(erf) = vpow2.f32 v10;
	_ =	sdelay $0x8  }
0x3af: {  	v10 =	vpop (erf)  }
0x3b0: {  	v10 =	vadd.f32 $1.000000000e+00, v10;
	_ =	sdelay $0x1  }
0x3b1: {  	(erf) = vrcp.f32 v10;
	_ =	sdelay $0x2  }
0x3b2: {  	s23 =	simm.s32 $0x10  }
0x3b3: {  	v10 =	vmov s23  }
0x3b4: {  	v10 =	vshll.u32 v10, $0x7  }
0x3b5: {  	v10 =	vor.u32 v0, v10;
	_ =	sdelay $0x1  }
0x3b6: {  	v11 =	vor.u32 $0x1, v10  }
0x3b7: {  	s19 =	simm.s32 $0x15100;
	v39 =	vpop (erf)  }
0x3b8: {  	v40 =	vor.u32 $0x2, v10;
	[tilespmem:s19+$0x0] =	vst v39  }
0x3b9: {  	v12 =	vld.idx.msk [tilespmem:v10+s29+$0x0], $0xffff  }
0x3ba: {  	v41 =	vor.u32 $0x3, v10  }
0x3bb: {  	v11 =	vld.idx.msk [tilespmem:v11+s29+$0x0], $0xffff  }
0x3bc: {  	v42 =	vor.u32 $0x4, v10  }
0x3bd: {  	v13 =	vld.idx.msk [tilespmem:v40+s29+$0x0], $0xffff  }
0x3be: {  	v43 =	vor.u32 $0x5, v10;
	v12 =	vadd.f32 $0.0e+00, v12  }
0x3bf: {  	v14 =	vld.idx.msk [tilespmem:v41+s29+$0x0], $0xffff  }
0x3c0: {  	v44 =	vor.u32 $0x6, v10;
	v11 =	vadd.f32 v11, v12  }
0x3c1: {  	v45 =	vld.idx.msk [tilespmem:v42+s29+$0x0], $0xffff  }
0x3c2: {  	v46 =	vor.u32 $0x7, v10;
	v11 =	vadd.f32 v13, v11  }
0x3c3: {  	v47 =	vld.idx.msk [tilespmem:v43+s29+$0x0], $0xffff  }
0x3c4: {  	v48 =	vor.u32 $0x8, v10;
	v11 =	vadd.f32 v14, v11  }
0x3c5: {  	v49 =	vld.idx.msk [tilespmem:v44+s29+$0x0], $0xffff  }
0x3c6: {  	v50 =	vor.u32 $0x9, v10;
	v11 =	vadd.f32 v45, v11  }
0x3c7: {  	v51 =	vld.idx.msk [tilespmem:v46+s29+$0x0], $0xffff  }
0x3c8: {  	v52 =	vor.u32 $0xA, v10;
	v11 =	vadd.f32 v47, v11  }
0x3c9: {  	v53 =	vld.idx.msk [tilespmem:v48+s29+$0x0], $0xffff  }
0x3ca: {  	v54 =	vor.u32 $0xB, v10;
	v11 =	vadd.f32 v49, v11  }
0x3cb: {  	v55 =	vld.idx.msk [tilespmem:v50+s29+$0x0], $0xffff  }
0x3cc: {  	v56 =	vor.u32 $0xC, v10;
	v11 =	vadd.f32 v51, v11  }
0x3cd: {  	v57 =	vld.idx.msk [tilespmem:v52+s29+$0x0], $0xffff  }
0x3ce: {  	v58 =	vor.u32 $0xD, v10;
	v11 =	vadd.f32 v53, v11  }
0x3cf: {  	v59 =	vld.idx.msk [tilespmem:v54+s29+$0x0], $0xffff  }
0x3d0: {  	v60 =	vor.u32 $0xE, v10;
	v11 =	vadd.f32 v55, v11  }
0x3d1: {  	v61 =	vld.idx.msk [tilespmem:v56+s29+$0x0], $0xffff  }
0x3d2: {  	v10 =	vor.u32 $0xF, v10;
	v11 =	vadd.f32 v57, v11  }
0x3d3: {  	v62 =	vld.idx.msk [tilespmem:v58+s29+$0x0], $0xffff  }
0x3d4: {  	v11 =	vadd.f32 v59, v11  }
0x3d5: {  	v63 =	vld.idx.msk [tilespmem:v60+s29+$0x0], $0xffff  }
0x3d6: {  	v11 =	vadd.f32 v61, v11  }
0x3d7: {  	v10 =	vld.idx.msk [tilespmem:v10+s29+$0x0], $0xffff  }
0x3d8: {  	v11 =	vadd.f32 v62, v11;
	_ =	sdelay $0x1  }
0x3d9: {  	v11 =	vadd.f32 v63, v11;
	_ =	sdelay $0x1  }
0x3da: {  	v10 =	vadd.f32 v10, v11;
	_ =	sdelay $0x1  }
0x3db: {  	v10 =	vadd.f32 v10, v9;
	_ =	sdelay $0x1  }
0x3dc: {  	v10 =	vsub.f32 $0.0e+00, v10;
	_ =	sdelay $0x1  }
0x3dd: {  	v10 =	vmul.f32 $1.442695020e+00, v10;
	_ =	sdelay $0x1  }
0x3de: {  	(erf) = vpow2.f32 v10;
	_ =	sdelay $0x8  }
0x3df: {  	v10 =	vpop (erf)  }
0x3e0: {  	v10 =	vadd.f32 $1.000000000e+00, v10;
	_ =	sdelay $0x1  }
0x3e1: {  	(erf) = vrcp.f32 v10;
	_ =	sdelay $0x2  }
0x3e2: {  	s24 =	simm.s32 $0x20  }
0x3e3: {  	s22 =	simm.s32 $0x30;
	v10 =	vmov s24  }
.LBB2_19:
0x3e4: {  	p1 =	sne.s32 s22, $0x70;
	v10 =	vshll.u32 v10, $0x7  }
0x3e5: {  	v10 =	vor.u32 v0, v10;
	_ =	sdelay $0x1  }
0x3e6: {  	v11 =	vor.u32 $0x1, v10  }
0x3e7: {  	s19 =	sadd.s32 $0x10, s19;
	v12 =	vpop (erf)  }
0x3e8: {  	v13 =	vor.u32 $0x2, v10;
	[tilespmem:s19+$0x0] =	vst v12  }
0x3e9: {  	v12 =	vld.idx.msk [tilespmem:v10+s29+$0x0], $0xffff  }
0x3ea: {  	v14 =	vor.u32 $0x3, v10  }
0x3eb: {  	v11 =	vld.idx.msk [tilespmem:v11+s29+$0x0], $0xffff  }
0x3ec: {  	v15 =	vor.u32 $0x4, v10  }
0x3ed: {  	v13 =	vld.idx.msk [tilespmem:v13+s29+$0x0], $0xffff  }
0x3ee: {  	v16 =	vor.u32 $0x5, v10  }
0x3ef: {  	v12 =	vadd.f32 $0.0e+00, v12;
	v14 =	vld.idx.msk [tilespmem:v14+s29+$0x0], $0xffff  }
0x3f0: {  	v17 =	vor.u32 $0x6, v10  }
0x3f1: {  	v11 =	vadd.f32 v11, v12;
	v12 =	vld.idx.msk [tilespmem:v15+s29+$0x0], $0xffff  }
0x3f2: {  	v15 =	vor.u32 $0x7, v10  }
0x3f3: {  	v11 =	vadd.f32 v13, v11;
	v13 =	vld.idx.msk [tilespmem:v16+s29+$0x0], $0xffff  }
0x3f4: {  	v16 =	vor.u32 $0x8, v10  }
0x3f5: {  	v11 =	vadd.f32 v14, v11;
	v14 =	vld.idx.msk [tilespmem:v17+s29+$0x0], $0xffff  }
0x3f6: {  	v17 =	vor.u32 $0x9, v10  }
0x3f7: {  	v11 =	vadd.f32 v12, v11;
	v12 =	vld.idx.msk [tilespmem:v15+s29+$0x0], $0xffff  }
0x3f8: {  	v15 =	vor.u32 $0xA, v10  }
0x3f9: {  	v11 =	vadd.f32 v13, v11;
	v13 =	vld.idx.msk [tilespmem:v16+s29+$0x0], $0xffff  }
0x3fa: {  	v16 =	vor.u32 $0xB, v10  }
0x3fb: {  	v11 =	vadd.f32 v14, v11;
	v14 =	vld.idx.msk [tilespmem:v17+s29+$0x0], $0xffff  }
0x3fc: {  	v17 =	vor.u32 $0xC, v10  }
0x3fd: {  	v11 =	vadd.f32 v12, v11;
	v12 =	vld.idx.msk [tilespmem:v15+s29+$0x0], $0xffff  }
0x3fe: {  	v15 =	vor.u32 $0xD, v10  }
0x3ff: {  	v11 =	vadd.f32 v13, v11;
	v13 =	vld.idx.msk [tilespmem:v16+s29+$0x0], $0xffff  }
0x400: {  	v16 =	vor.u32 $0xE, v10  }
0x401: {  	v11 =	vadd.f32 v14, v11;
	v14 =	vld.idx.msk [tilespmem:v17+s29+$0x0], $0xffff  }
0x402: {  	v10 =	vor.u32 $0xF, v10  }
0x403: {  	v11 =	vadd.f32 v12, v11;
	v12 =	vld.idx.msk [tilespmem:v15+s29+$0x0], $0xffff;
	_ =	sdelay $0x1  }
0x404: {  	v11 =	vadd.f32 v13, v11;
	v13 =	vld.idx.msk [tilespmem:v16+s29+$0x0], $0xffff;
	_ =	sdelay $0x1  }
0x405: {  	v11 =	vadd.f32 v14, v11;
	v10 =	vld.idx.msk [tilespmem:v10+s29+$0x0], $0xffff;
	_ =	sdelay $0x1  }
0x406: {  	v11 =	vadd.f32 v12, v11;
	_ =	sdelay $0x1  }
0x407: {  	v11 =	vadd.f32 v13, v11;
	_ =	sdelay $0x1  }
0x408: {  	v10 =	vadd.f32 v10, v11;
	_ =	sdelay $0x1  }
0x409: {  	v10 =	vadd.f32 v10, v9;
	_ =	sdelay $0x1  }
0x40a: {  	v10 =	vsub.f32 $0.0e+00, v10;
	_ =	sdelay $0x1  }
0x40b: {  	v10 =	vmul.f32 $1.442695020e+00, v10;
	_ =	sdelay $0x1  }
0x40c: {  	(erf) = vpow2.f32 v10;
	_ =	sdelay $0x8  }
0x40d: {  	v10 =	vpop (erf)  }
0x40e: {  	v10 =	vadd.f32 $1.000000000e+00, v10;
	_ =	sdelay $0x1  }
.Ltmp8:
0x40f: {  	(erf) = vrcp.f32 v10;
	(pc) =	sbr.rel @p1 .LBB2_19-.Ltmp8, $2  }
0x410: {  	_ =	sdelay $0x2  }
0x411: {  	v10 =	vmov s22;
	s22 =	sadd.s32 $0x10, s22  }
0x412: {  	v10 =	vshll.u32 v10, $0x7  }
0x413: {  	v10 =	vor.u32 v0, v10;
	_ =	sdelay $0x1  }
0x414: {  	v11 =	vor.u32 $0x1, v10  }
0x415: {  	s19 =	sadd.s32 $0x10, s19;
	v12 =	vpop (erf)  }
0x416: {  	v13 =	vor.u32 $0x2, v10;
	[tilespmem:s19+$0x0] =	vst v12  }
0x417: {  	v12 =	vld.idx.msk [tilespmem:v10+s29+$0x0], $0xffff  }
0x418: {  	v14 =	vor.u32 $0x3, v10  }
0x419: {  	v11 =	vld.idx.msk [tilespmem:v11+s29+$0x0], $0xffff  }
0x41a: {  	v15 =	vor.u32 $0x4, v10  }
0x41b: {  	v13 =	vld.idx.msk [tilespmem:v13+s29+$0x0], $0xffff  }
0x41c: {  	v16 =	vor.u32 $0x5, v10;
	v12 =	vadd.f32 $0.0e+00, v12  }
0x41d: {  	v14 =	vld.idx.msk [tilespmem:v14+s29+$0x0], $0xffff  }
0x41e: {  	v17 =	vor.u32 $0x6, v10;
	v11 =	vadd.f32 v11, v12  }
0x41f: {  	v45 =	vld.idx.msk [tilespmem:v15+s29+$0x0], $0xffff  }
0x420: {  	v46 =	vor.u32 $0x7, v10;
	v11 =	vadd.f32 v13, v11  }
0x421: {  	v47 =	vld.idx.msk [tilespmem:v16+s29+$0x0], $0xffff  }
0x422: {  	v48 =	vor.u32 $0x8, v10;
	v11 =	vadd.f32 v14, v11  }
0x423: {  	v49 =	vld.idx.msk [tilespmem:v17+s29+$0x0], $0xffff  }
0x424: {  	v50 =	vor.u32 $0x9, v10;
	v11 =	vadd.f32 v45, v11  }
0x425: {  	v51 =	vld.idx.msk [tilespmem:v46+s29+$0x0], $0xffff  }
0x426: {  	v52 =	vor.u32 $0xA, v10;
	v11 =	vadd.f32 v47, v11  }
0x427: {  	v53 =	vld.idx.msk [tilespmem:v48+s29+$0x0], $0xffff  }
0x428: {  	v54 =	vor.u32 $0xB, v10;
	v11 =	vadd.f32 v49, v11  }
0x429: {  	v55 =	vld.idx.msk [tilespmem:v50+s29+$0x0], $0xffff  }
0x42a: {  	v56 =	vor.u32 $0xC, v10;
	v11 =	vadd.f32 v51, v11  }
0x42b: {  	v57 =	vld.idx.msk [tilespmem:v52+s29+$0x0], $0xffff  }
0x42c: {  	v58 =	vor.u32 $0xD, v10;
	v11 =	vadd.f32 v53, v11  }
0x42d: {  	v59 =	vld.idx.msk [tilespmem:v54+s29+$0x0], $0xffff  }
0x42e: {  	v60 =	vor.u32 $0xE, v10;
	v11 =	vadd.f32 v55, v11  }
0x42f: {  	v61 =	vld.idx.msk [tilespmem:v56+s29+$0x0], $0xffff  }
0x430: {  	v10 =	vor.u32 $0xF, v10;
	v11 =	vadd.f32 v57, v11  }
0x431: {  	v62 =	vld.idx.msk [tilespmem:v58+s29+$0x0], $0xffff  }
0x432: {  	v11 =	vadd.f32 v59, v11  }
0x433: {  	v63 =	vld.idx.msk [tilespmem:v60+s29+$0x0], $0xffff  }
0x434: {  	v11 =	vadd.f32 v61, v11  }
0x435: {  	v10 =	vld.idx.msk [tilespmem:v10+s29+$0x0], $0xffff  }
0x436: {  	v11 =	vadd.f32 v62, v11;
	_ =	sdelay $0x1  }
0x437: {  	v11 =	vadd.f32 v63, v11;
	_ =	sdelay $0x1  }
0x438: {  	v10 =	vadd.f32 v10, v11;
	_ =	sdelay $0x1  }
0x439: {  	v10 =	vadd.f32 v10, v9;
	_ =	sdelay $0x1  }
0x43a: {  	v10 =	vsub.f32 $0.0e+00, v10;
	_ =	sdelay $0x1  }
0x43b: {  	v10 =	vmul.f32 $1.442695020e+00, v10;
	_ =	sdelay $0x1  }
0x43c: {  	(erf) = vpow2.f32 v10;
	_ =	sdelay $0x8  }
0x43d: {  	v10 =	vpop (erf)  }
0x43e: {  	v10 =	vadd.f32 $1.000000000e+00, v10;
	_ =	sdelay $0x1  }
0x43f: {  	(erf) = vrcp.f32 v10;
	_ =	sdelay $0x8  }
0x440: {  	s22 =	simm.s32 @!p0 $0x80;
	s19 =	sadd.s32 $0x10, s19;
	v10 =	vpop (erf)  }
0x441: {  	s23 =	simm.s32 @!p0 $0x9000;
	s24 =	sadd.s32 s17, s15;
	[tilespmem:s19+$0x0] =	vst v10;
	s19 =	sadd.s32 @!p0 $0x180, s1  }
0x442: {  	[tilespmem:s23], [sflag:$0x2] =	stream.indirect.gather @!p0 [hbm4b:s4+s22], $0x80, s19, s22, $0xb8;
	[tilespmem:$0x19180] =	vst v63  }
0x443: {  	s2 =	sadd.s32 $0x1, s2;
	s1 =	sadd.s32 @!p0 $0x2980, s1;
	s19 =	simm.s32 @!p0 $0x11000  }
0x444: {  	[tilespmem:s19], [sflag:$0x2] =	stream.indirect.gather @!p0 [hbm4b:s5+s22], $0x80, s1, s22, $0xb8;
	[tilespmem:$0x19180] =	vst v63  }
0x445: {  	s1 =	sshll.u32 s24, $0x4;
	p0 =	sne.s32 s2, $0x28  }
.Ltmp9:
0x446: {  	s1 =	sadd.s32 s8, s1;
	(pc) =	sbr.rel @p0 .LBB2_12-.Ltmp9, $4  }
0x447: {  	[hbm4b:s1+s3] =	stream.linear.scatter [tilespmem:s30], [sflag:$0x3], $0x80, $0x38;
	[tilespmem:$0x19180] =	vst v63  }
0x448: {  	_ =	swait.ge [sflag:s18], $0x80  }
0x449: {  	[sflag:s18] =	ssyncset.done $0x0  }
0x44a: {  	[sflag:s18] =	ssyncadd.s32 $0xFFFFFF80  }
0x44b: {  	s0 =	sadd.s32 $0x1, s0  }
0x44c: {  	p0 =	sne.s32 s0, s16  }
.Ltmp10:
0x44d: {  	_ = 	snop;
	(pc) =	sbr.rel @p0 .LBB2_1-.Ltmp10, $1  }
0x44e: {  	_ =	sdelay $0x3  }
0x44f: {  	_ =	sfence.sel $0x180000  }
0x450: {  	[bflag:$0x0] =	sbarrier.arrive $0xFFFF  }
0x451: {  	_ =	strace $0x90000050  }
0x452: {  	s0 =	stileid.u32;
	[bflag:$0x2] =	sbarrier.arrive $0xFFFF  }
0x453: {  	p0 =	sne.s32 s0, $0x0;
	s0 =	rddreg [dreg:$0x2]  }
0x454: {  	s0 =	sadd.s32 @!p0 $0x100000, s0  }
0x455: {  	[sflag:s0] =	ssyncadd.tile.s32 @!p0 $0x1;
	_ =	shalt  }
.Lfunc_end2:
_tile_overlayer_lowered:
.L_overlay_start_2:
0x456: {  	(tag) =	ssettag $0x2  }
0x457: {  	s0 =	rddreg [dreg:$0x0];
	s2 =	stileid.u32  }
0x458: {  	s1 =	rddreg [dreg:$0x1];
	p0 =	sne.s32 s2, $0x0  }
0x459: {  	s3 =	rddreg [dreg:$0x2];
	[bflag:$0x3] =	sbarrier.arrive $0xFFFF;
	s2 =	simm.s32 @!p0 $0x1C03  }
0x45a: {  	[timem:s3], [sflag:s2] =	dma.local @!p0 [hbm:s0], s1  }
0x45b: {  	s0 =	simm.s32 @!p0 $0x3  }
0x45c: {  	_ =	swait.ge @!p0 [sflag:s0], s1  }
0x45d: {  	s1 =	ssub.s32 @!p0 $0x0, s1;
	[sflag:s0] =	ssyncset.done @!p0 $0x0  }
0x45e: {  	[sflag:s0] =	ssyncadd.s32 @!p0 s1  }
0x45f: {  	[bflag:$0x3] =	sbarrier.arrive $0xFFFF  }
0x460: {  	_ =	shalt  }

// kernel: kernel.9.cloned.1.call-start
scs
__scs_entry_jumppad:
0x0: {  	(pc) =	sbr.rel $0x88, $3  }
0x1: {  	(tag) =	ssettag $0x0;
	lr =	simm.s32 $0x1  }
0x2: {  	[smem:$0x3F96] =	sst lr;
	_ =	strace $0xD0000000  }
0x3: {  	_ = 	snop  }
0x4: {  	_ = 	snop  }
0x5: {  	_ = 	snop  }
0x6: {  	_ = 	snop  }
0x7: {  	_ = 	snop  }
__scs_overlays_trampoline_lowered:
0x8: {  	[smem:$0x3FA5] =	sst s0  }
0x9: {  	[smem:$0x3FA6] =	sst s1  }
0xa: {  	[smem:$0x3FA7] =	sst s2  }
0xb: {  	[smem:$0x3FA8] =	sst s3  }
0xc: {  	[smem:$0x3FA9] =	sst s4  }
0xd: {  	[smem:$0x3FAA] =	sst s5  }
0xe: {  	[smem:$0x3FAB] =	sst s6  }
0xf: {  	[smem:$0x3FAC] =	sst s7  }
0x10: {  	[smem:$0x3FAD] =	sst s8  }
0x11: {  	[smem:$0x3FAE] =	sst s9;
	s0 =	simm.s32 @!p0 $0x0  }
0x12: {  	s1 =	sld [smem:$0x3F94];
	s0 =	simm.s32 @p0 $0x1  }
0x13: {  	[smem:$0x3FAF] =	sst s0;
	s0 =	simm.s32 @!p1 $0x0  }
0x14: {  	s2 =	sld [smem:$0x3F93];
	s0 =	simm.s32 @p1 $0x1  }
0x15: {  	[smem:$0x3FB0] =	sst s0;
	s0 =	simm.s32 @!p2 $0x0  }
0x16: {  	s3 =	sld [smem:$0x3FDB];
	s0 =	simm.s32 @p2 $0x1  }
0x17: {  	s4 =	simm.s32 $0x1BF5;
	[smem:$0x3FB2] =	sst s0  }
0x18: {  	s0 =	sld [smem:$0x3F95];
	_ =	swait.ge [sflag:s4], $0x0  }
0x19: {  	s7 =	sld [smem:$0x3F96]  }
0x1a: {  	s8 =	sadd.s32 $0xFFFFE003, lr  }
0x1b: {  	s9 =	sadd.s32 $0xFFFFFEF7, lr;
	s5 =	simm.s32 $0xFFFFFFFF;
	p2 =	slt.u32 s8, $0xFFFFF086  }
0x1c: {  	p1 =	slt.u32 s9, $0xF7A;
	s5 =	simm.s32 @!p2 $0x0  }
0x1d: {  	s5 =	simm.s32 @p1 $0x1;
	p0 =	seq.s32 s7, s2  }
0x1e: {  	s7 =	smul.u32 @!p0 $0xF7A, s2;
	p2 =	seq.s32 @!p0 s5, $0x0  }
0x1f: {  	s9 =	smul.u32 $0xF7A, s1;
	s8 =	simm.s32 @!p0 $0x1BF5;
	p2 =	por !p2, p0  }
0x20: {  	[sflag:s8] =	ssyncset.s32 @!p0 $0xFFFFF086;
	s6 =	sadd.s32 @!p0 s3, s7;
	s7 =	simm.s32 @!p0 $0x108  }
0x21: {  	s3 =	sadd.s32 s3, s9;
	s6 =	sadd.s32 @!p0 $0x88, s6;
	s7 =	simm.s32 @p2 $0x1082  }
0x22: {  	[simem:s7], [sflag:s8] =	dma.local @!p0 [hbm:s6], $0xF7A  }
0x23: {  	s9 =	sor.u32 $0xD0000000, s2;
	s6 =	simm.s32 $0x108;
	_ =	swait.ge @!p0 [sflag:s8], $0x0  }
0x24: {  	s3 =	sadd.s32 $0x88, s3;
	s6 =	simm.s32 @!p1 $0x1082;
	[sflag:s4] =	ssyncset.s32 $0xFFFFF086  }
0x25: {  	[simem:s6], [sflag:s4] =	dma.local [hbm:s3], $0xF7A  }
0x26: {  	[smem:$0x3F96] =	sst s1;
	(tag) =	ssettag s2;
	_ =	strace s9  }
0x27: {  	s1 =	sld [smem:$0x3FA6]  }
0x28: {  	s2 =	sld [smem:$0x3FA7]  }
0x29: {  	s4 =	sld [smem:$0x3FA9]  }
0x2a: {  	p0 =	seq.s32 s5, $0x0;
	s5 =	sld [smem:$0x3FAA]  }
0x2b: {  	s6 =	sld [smem:$0x3FAB]  }
0x2c: {  	s7 =	sld [smem:$0x3FAC]  }
0x2d: {  	s3 =	simm.s32 $0x108;
	s8 =	sld [smem:$0x3FAD]  }
0x2e: {  	s3 =	simm.s32 @!p0 $0x1082;
	s9 =	sld [smem:$0x3FAE]  }
0x2f: {  	lr =	sadd.s32 s0, s3;
	s0 =	sld [smem:$0x3FA5]  }
0x30: {  	s3 =	sld [smem:$0x3FA8]  }
0x31: {  	[smem:$0x3FB1] =	sst s10  }
0x32: {  	s10 =	sld [smem:$0x3FAF];
	_ =	sdelay $0x3  }
0x33: {  	p0 =	seq.s32 s10, $0x1;
	s10 =	sld [smem:$0x3FB1];
	_ =	sdelay $0x3  }
0x34: {  	[smem:$0x3FB1] =	sst s10  }
0x35: {  	s10 =	sld [smem:$0x3FB0];
	_ =	sdelay $0x3  }
0x36: {  	p1 =	seq.s32 s10, $0x1;
	s10 =	sld [smem:$0x3FB1];
	_ =	sdelay $0x3  }
0x37: {  	[smem:$0x3FB1] =	sst s10  }
0x38: {  	s10 =	sld [smem:$0x3FB2]  }
0x39: {  	_ = 	snop;
	(pc) =	sbr.ind lr, $3  }
0x3a: {  	_ = 	snop  }
0x3b: {  	_ = 	snop  }
0x3c: {  	p2 =	seq.s32 s10, $0x1;
	s10 =	sld [smem:$0x3FB1]  }
0x3d: {  	_ =	shalt  }
0x3e: {  	_ =	shalt  }
0x3f: {  	_ =	shalt  }
0x40: {  	_ =	shalt  }
0x41: {  	_ =	shalt  }
0x42: {  	_ =	shalt  }
0x43: {  	_ =	shalt  }
0x44: {  	_ =	shalt  }
0x45: {  	_ =	shalt  }
0x46: {  	_ =	shalt  }
0x47: {  	_ =	shalt  }
0x48: {  	_ =	shalt  }
0x49: {  	_ =	shalt  }
0x4a: {  	_ =	shalt  }
0x4b: {  	_ =	shalt  }
0x4c: {  	_ =	shalt  }
0x4d: {  	_ =	shalt  }
0x4e: {  	_ =	shalt  }
0x4f: {  	_ =	shalt  }
0x50: {  	_ =	shalt  }
0x51: {  	_ =	shalt  }
0x52: {  	_ =	shalt  }
0x53: {  	_ =	shalt  }
0x54: {  	_ =	shalt  }
0x55: {  	_ =	shalt  }
0x56: {  	_ =	shalt  }
0x57: {  	_ =	shalt  }
0x58: {  	_ =	shalt  }
0x59: {  	_ =	shalt  }
0x5a: {  	_ =	shalt  }
0x5b: {  	_ =	shalt  }
0x5c: {  	_ =	shalt  }
0x5d: {  	_ =	shalt  }
0x5e: {  	_ =	shalt  }
0x5f: {  	_ =	shalt  }
0x60: {  	_ =	shalt  }
0x61: {  	_ =	shalt  }
0x62: {  	_ =	shalt  }
0x63: {  	_ =	shalt  }
0x64: {  	_ =	shalt  }
0x65: {  	_ =	shalt  }
0x66: {  	_ =	shalt  }
0x67: {  	_ =	shalt  }
0x68: {  	_ =	shalt  }
0x69: {  	_ =	shalt  }
0x6a: {  	_ =	shalt  }
0x6b: {  	_ =	shalt  }
0x6c: {  	_ =	shalt  }
0x6d: {  	_ =	shalt  }
0x6e: {  	_ =	shalt  }
0x6f: {  	_ =	shalt  }
0x70: {  	_ =	shalt  }
0x71: {  	_ =	shalt  }
0x72: {  	_ =	shalt  }
0x73: {  	_ =	shalt  }
0x74: {  	_ =	shalt  }
0x75: {  	_ =	shalt  }
0x76: {  	_ =	shalt  }
0x77: {  	_ =	shalt  }
0x78: {  	_ =	shalt  }
0x79: {  	_ =	shalt  }
0x7a: {  	_ =	shalt  }
0x7b: {  	_ =	shalt  }
0x7c: {  	_ =	shalt  }
0x7d: {  	_ =	shalt  }
0x7e: {  	_ =	shalt  }
0x7f: {  	_ =	shalt  }
0x80: {  	_ =	shalt  }
0x81: {  	_ =	shalt  }
0x82: {  	_ =	shalt  }
0x83: {  	_ =	shalt  }
0x84: {  	_ =	shalt  }
0x85: {  	_ =	shalt  }
0x86: {  	_ =	shalt  }
0x87: {  	_ =	shalt  }
.Lfunc_end0:
.L_simem_size_0:
called_computation_lowered:
.L_overlay_start_0:
0x88: {  	s2 =	sld [smem:$0x3FD9]  }
0x89: {  	s3 =	sld [smem:$0x3FFE];
	_ =	sdelay $0x1  }
0x8a: {  	s1 =	srdreg.scid  }
0x8b: {  	s0 =	sand.u32 $0x1, s1  }
0x8c: {  	s17 =	sshll.u32 s0, $0xA;
	s2 =	sadd.s32 s3, s2  }
0x8d: {  	s2 =	sadd.s32 s2, s17  }
0x8e: {  	[smem:$0x3FBD] =	sst s2  }
0x8f: {  	_ = 	snop  }
0x90: {  	s2 =	sld [smem:$0x3FD0];
	(tm) =	ssettm $0x1  }
0x91: {  	s18 =	sld [smem:$0x3FFB];
	_ =	sdelay $0x3  }
0x92: {  	_ =	strace s18  }
0x93: {  	s3 =	sld [smem:$0x3FFC];
	_ =	sdelay $0x3  }
0x94: {  	_ =	strace s3  }
0x95: {  	s3 =	sld [smem:$0x3FFD];
	_ =	sdelay $0x3  }
0x96: {  	_ =	strace s3  }
0x97: {  	_ =	strace $0x8FFFFFFF  }
0x98: {  	s19 =	sld [smem:$0x3FDB];
	_ =	sdelay $0x1  }
0x99: {  	s4 =	simm.s32 $_scs_section_size  }
0x9a: {  	s5 =	simm.s32 $_size__tile_overlayer_lowered;
	s6 =	simm.s32 $_tile_overlayer_lowered  }
0x9b: {  	s22 =	simm.s32 $0x1BFF;
	s21 =	sshll.u32 s6, $0x1;
	s3 =	sadd.s32 s4, s19  }
0x9c: {  	s7 =	simm.s32 $0x0;
	s20 =	sshll.u32 s5, $0x1;
	s5 =	sadd.s32 s21, s3  }
0x9d: {  	[timem:s7], [sflag:s22] =	dma.local [hbm:s5], s20  }
0x9e: {  	_ =	swait.ge [sflag:s22], s20  }
0x9f: {  	s4 =	ssub.s32 $0x0, s20;
	[sflag:s22] =	ssyncset.done $0x0  }
0xa0: {  	[sflag:s22] =	ssyncadd.s32 s4;
	_ =	sdelay $0x1  }
0xa1: {  	s23 =	simm.s32 $0x1B8B  }
0xa2: {  	_ =	swait.ge [sflag:s23], $0x1  }
0xa3: {  	[sflag:s23] =	ssyncset.done $0x0  }
0xa4: {  	s25 =	simm.s32 $0x1B8E;
	s24 =	sld [smem:$0x3FFE];
	[sflag:s23] =	ssyncadd.s32 $0xFFFFFFFF  }
0xa5: {  	s26 =	simm.s32 $execute0_lowered;
	[smem:$0x3FD2] =	sst s25  }
0xa6: {  	s5 =	sshll.u32 s26, $0x1;
	_ =	strace $0x80000046;
	[dreg:$0x1] =	wrdreg $0xFFFFFFFF  }
0xa7: {  	s28 =	simm.s32 $_size_execute0_lowered;
	s3 =	sadd.s32 s3, s5;
	[dreg:$0x0] =	wrdreg $0x0  }
0xa8: {  	s5 =	sshll.u32 s28, $0x1;
	[dreg:$0x2] =	wrdreg s3  }
0xa9: {  	[dreg:$0x3] =	wrdreg s5  }
0xaa: {  	[dreg:$0x4] =	wrdreg $0xC0  }
0xab: {  	_ =	task [dreg:s7], $0x5FFFF  }
0xac: {  	[dreg:$0x1] =	wrdreg $0xFFFFFFFF  }
0xad: {  	[dreg:$0x0] =	wrdreg $0x60  }
0xae: {  	[dreg:$0x2] =	wrdreg s2  }
0xaf: {  	[dreg:$0x3] =	wrdreg s24  }
0xb0: {  	[dreg:$0x4] =	wrdreg $0x68000  }
0xb1: {  	[dreg:$0x5] =	wrdreg $0x9  }
0xb2: {  	_ =	task.clear_ibuf [dreg:s7], $0x6FFFF;
	_ =	strace $0x90000046  }
0xb3: {  	s29 =	simm.s32 $0x9;
	_ =	strace $0x80000048  }
0xb4: {  	_ =	swait.ge [sflag:s29], $0x1  }
0xb5: {  	[sflag:s29] =	ssyncadd.s32 $0xFFFFFFFF  }
0xb6: {  	_ =	strace $0x90000048  }
0xb7: {  	_ =	sfence  }
0xb8: {  	s30 =	sld [smem:$0x0];
	_ =	sdelay $0x2  }
0xb9: {  	s31 =	sshll.u32 s1, $0xD;
	s1 =	sshrl.u32 s1, $0x2  }
0xba: {  	s3 =	sand.u32 $0x4000, s31;
	s1 =	sadd.s32 s1, s30  }
0xbb: {  	s0 =	sor.u32 s3, s0;
	s1 =	sshll.u32 s1, $0x11  }
0xbc: {  	s0 =	sor.u32 s1, s0  }
0xbd: {  	s0 =	sadd.s32 $0x8F2B, s0  }
0xbe: {  	[sflag:s0] =	ssyncadd.remote.s32 $0x1  }
0xbf: {  	_ =	sfence.sel $0xFFFF  }
0xc0: {  	[dreg:$0x0] =	wrdreg $0xFFFFFFFF;
	(pc) =	sbr.abs _section_cstart, $3  }
0xc1: {  	[dreg:$0x1] =	wrdreg $0xFFFFFFFF  }
0xc2: {  	_ =	task.clear_ibuf [dreg:s7], $0x2FFFF;
	_ =	strace $0x9FFFFFFF  }
0xc3: {  	(tm) =	ssettm $0x7FFFFFFF  }
tec
execute0_lowered:
.L_overlay_start_1:
0x0: {  	(tag) =	ssettag $0x1  }
0x1: {  	s9 =	rddreg [dreg:$0x0]  }
0x2: {  	s6 =	rddreg [dreg:$0x1]  }
0x3: {  	s0 =	srdreg.scid;
	s2 =	rddreg [dreg:$0x2]  }
0x4: {  	s1 =	rddreg [dreg:$0x3];
	s3 =	simm.s32 $0x0;
	s4 =	sand.u32 $0x1, s0  }
0x5: {  	s13 =	simm.s32 $0x1;
	s0 =	stileid.u32;
	s5 =	smul.u32 $0x140000, s4  }
0x6: {  	s14 =	simm.s32 $0x80;
	[smem:$0x7FF] =	sst s3;
	s7 =	smul.u32 $0x14000, s0  }
0x7: {  	s29 =	smul.u32 $0x50000, s0;
	_ =	strace $0x80000047;
	s30 =	ssub.s32 $0x2, s4  }
0x8: {  	s31 =	sshll.u32 s0, $0x1;
	s15 =	sshll.u32 s0, $0x6;
	s8 =	sshrl.u32 s30, $0x1  }
0x9: {  	s15 =	sor.u32 $0x1C01, s15;
	s5 =	sadd.s32 s7, s5;
	s11 =	ssub.s32 s30, s8  }
0xa: {  	s7 =	sshrl.u32 s29, $0x2;
	s5 =	sshrl.u32 s5, $0x3;
	s11 =	smax.u32 s11, $0x1  }
0xb: {  	s10 =	sadd.s32 s5, s6;
	s6 =	sor.u32 s4, s31;
	s4 =	sadd.s32 s7, s2  }
0xc: {  	s5 =	sadd.s32 $0x4000, s4;
	s12 =	smul.u32 $0x500, s6;
	s6 =	sadd.s32 $0x8000, s4  }
0xd: {  	s7 =	sadd.s32 $0xC000, s4;
	s8 =	sadd.s32 $0x10000, s4;
	s10 =	sadd.s32 $0x3400, s10  }
0xe: {  	v0 =	vimm.f32 $0.0e+00;
	v1 =	vimm.f32 $1.000000000e+00;
	s16 =	sshrl.u32 s4, $0x3;
	s9 =	sadd.s32 s9, s12;
	s12 =	simm.s32 $0x2800  }
.LBB2_1:
0xf: {  	s17 =	simm.s32 $0x0;
	s18 =	simm.s32 $0x200  }
.LBB2_2:
0x10: {  	p0 =	sne.s32 s18, $0xFE00;
	[tilespmem:s17+$0x2870] =	vst v0  }
0x11: {  	[tilespmem:s17+$0x2800] =	vst v0  }
0x12: {  	[tilespmem:s17+$0x2810] =	vst v0  }
.Ltmp0:
0x13: {  	[tilespmem:s17+$0x2820] =	vst v0;
	(pc) =	sbr.rel @p0 .LBB2_2-.Ltmp0, $4  }
0x14: {  	[tilespmem:s17+$0x2830] =	vst v0  }
0x15: {  	[tilespmem:s17+$0x2840] =	vst v0  }
0x16: {  	[tilespmem:s17+$0x2850] =	vst v0  }
0x17: {  	[tilespmem:s17+$0x2860] =	vst v0;
	s17 =	sshra.s32 s18, $0x2;
	s18 =	sadd.s32 $0x200, s18  }
0x18: {  	[tilespmem:s17+$0x2870] =	vst v0  }
0x19: {  	[tilespmem:s17+$0x2800] =	vst v0  }
0x1a: {  	[tilespmem:s17+$0x2810] =	vst v0  }
0x1b: {  	[tilespmem:s17+$0x2820] =	vst v0  }
0x1c: {  	[tilespmem:s17+$0x2830] =	vst v0  }
0x1d: {  	[tilespmem:s17+$0x2840] =	vst v0  }
0x1e: {  	[tilespmem:s17+$0x2850] =	vst v0  }
0x1f: {  	[tilespmem:s17+$0x2860] =	vst v0  }
0x20: {  	[spmem:s4] =	stream.linear.scatter [tilespmem:s12], [sflag:$0x1], $0x4000, $0x38;
	[tilespmem:$0x1A800] =	vst v63  }
0x21: {  	_ =	swait.ge [sflag:s13], $0x4000  }
0x22: {  	[sflag:s13] =	ssyncset.done $0x0  }
0x23: {  	[sflag:s13] =	ssyncadd.s32 $0xFFFFC000  }
0x24: {  	[spmem:s5] =	stream.linear.scatter [tilespmem:s12], [sflag:$0x1], $0x4000, $0x38;
	[tilespmem:$0x1A800] =	vst v63  }
0x25: {  	_ =	swait.ge [sflag:s13], $0x4000  }
0x26: {  	[sflag:s13] =	ssyncset.done $0x0  }
0x27: {  	[sflag:s13] =	ssyncadd.s32 $0xFFFFC000  }
0x28: {  	[spmem:s6] =	stream.linear.scatter [tilespmem:s12], [sflag:$0x1], $0x4000, $0x38;
	[tilespmem:$0x1A800] =	vst v63  }
0x29: {  	_ =	swait.ge [sflag:s13], $0x4000  }
0x2a: {  	[sflag:s13] =	ssyncset.done $0x0  }
0x2b: {  	[sflag:s13] =	ssyncadd.s32 $0xFFFFC000  }
0x2c: {  	[spmem:s7] =	stream.linear.scatter [tilespmem:s12], [sflag:$0x1], $0x4000, $0x38;
	[tilespmem:$0x1A800] =	vst v63  }
0x2d: {  	_ =	swait.ge [sflag:s13], $0x4000  }
0x2e: {  	[sflag:s13] =	ssyncset.done $0x0  }
0x2f: {  	[sflag:s13] =	ssyncadd.s32 $0xFFFFC000  }
0x30: {  	[spmem:s8] =	stream.linear.scatter [tilespmem:s12], [sflag:$0x1], $0x4000, $0x38;
	[tilespmem:$0x1A800] =	vst v63  }
0x31: {  	_ =	swait.ge [sflag:s13], $0x4000  }
0x32: {  	[sflag:s13] =	ssyncset.done $0x0  }
0x33: {  	[sflag:s13] =	ssyncadd.s32 $0xFFFFC000  }
0x34: {  	s17 =	simm.s32 $0x0;
	s18 =	simm.s32 $0x200;
	[bflag:$0x0] =	sbarrier.arrive $0xFFFF  }
.LBB2_4:
0x35: {  	p0 =	sne.s32 s18, $0xFE00;
	[tilespmem:s17+$0x2870] =	vst v1  }
0x36: {  	[tilespmem:s17+$0x2800] =	vst v1  }
0x37: {  	[tilespmem:s17+$0x2810] =	vst v1  }
.Ltmp1:
0x38: {  	[tilespmem:s17+$0x2820] =	vst v1;
	(pc) =	sbr.rel @p0 .LBB2_4-.Ltmp1, $4  }
0x39: {  	[tilespmem:s17+$0x2830] =	vst v1  }
0x3a: {  	[tilespmem:s17+$0x2840] =	vst v1  }
0x3b: {  	[tilespmem:s17+$0x2850] =	vst v1  }
0x3c: {  	[tilespmem:s17+$0x2860] =	vst v1;
	s17 =	sshra.s32 s18, $0x2;
	s18 =	sadd.s32 $0x200, s18  }
0x3d: {  	[tilespmem:s17+$0x2870] =	vst v1  }
0x3e: {  	[tilespmem:s17+$0x2800] =	vst v1  }
0x3f: {  	[tilespmem:s17+$0x2810] =	vst v1  }
0x40: {  	[tilespmem:s17+$0x2820] =	vst v1  }
0x41: {  	[tilespmem:s17+$0x2830] =	vst v1  }
0x42: {  	[tilespmem:s17+$0x2840] =	vst v1  }
0x43: {  	[tilespmem:s17+$0x2850] =	vst v1  }
0x44: {  	[tilespmem:s17+$0x2860] =	vst v1;
	s30 =	simm.s32 $0x0  }
0x45: {  	[tilespmem:s30], [sflag:$0x1] =	stream.linear.gather [hbm4b:s9+s30], $0x2780, $0x38;
	[tilespmem:$0x1A800] =	vst v63  }
0x46: {  	_ =	swait.ge [sflag:s13], $0x2780  }
0x47: {  	[sflag:s13] =	ssyncset.done $0x0  }
0x48: {  	s31 =	simm.s32 $0x0;
	[sflag:s13] =	ssyncadd.s32 $0xFFFFD880  }
0x49: {  	[spmem:s2] =	stream.indirect.scatter.add.f32 [tilespmem:s12], [sflag:$0x1], $0x80, s31, s14, $0xb8;
	[tilespmem:$0x1A800] =	vst v63  }
0x4a: {  	_ =	swait.ge [sflag:s13], $0x4000  }
0x4b: {  	s17 =	simm.s32 $0x200;
	[sflag:s13] =	ssyncset.done $0x0  }
.LBB2_6:
0x4c: {  	s18 =	sshra.s32 s17, $0x2;
	[sflag:s13] =	ssyncadd.s32 $0xFFFFC000;
	p0 =	sne.s32 s17, $0x9C00  }
0x4d: {  	[spmem:s2] =	stream.indirect.scatter.add.f32 [tilespmem:s12], [sflag:$0x1], $0x80, s18, s14, $0xb8;
	[tilespmem:$0x1A800] =	vst v63  }
.Ltmp2:
0x4e: {  	_ = 	snop;
	(pc) =	sbr.rel @p0 .LBB2_6-.Ltmp2, $4  }
0x4f: {  	_ = 	snop  }
0x50: {  	s17 =	sadd.s32 $0x200, s17  }
0x51: {  	_ =	swait.ge [sflag:s13], $0x4000  }
0x52: {  	[sflag:s13] =	ssyncset.done $0x0  }
0x53: {  	s3 =	sadd.s32 $0x1, s3  }
0x54: {  	[sflag:s13] =	ssyncadd.s32 $0xFFFFC000;
	p0 =	sne.s32 s3, s11  }
.Ltmp3:
0x55: {  	[bflag:$0x0] =	sbarrier.arrive $0xFFFF;
	(pc) =	sbr.rel @p0 .LBB2_1-.Ltmp3, $4  }
0x56: {  	[hbm:s10], [sflag:s15] =	dma.local [spmem:s16], $0x2800  }
0x57: {  	_ =	swait.ge [sflag:s13], $0x2800  }
0x58: {  	[sflag:s13] =	ssyncset.done $0x0  }
0x59: {  	[sflag:s13] =	ssyncadd.s32 $0xFFFFD800  }
0x5a: {  	_ =	sfence.sel $0x180000  }
0x5b: {  	[bflag:$0x0] =	sbarrier.arrive $0xFFFF  }
0x5c: {  	p0 =	sne.s32 s0, $0x0;
	_ =	strace $0x90000047  }
0x5d: {  	s0 =	sadd.s32 @!p0 $0x100000, s1;
	[bflag:$0x2] =	sbarrier.arrive $0xFFFF  }
0x5e: {  	[sflag:s0] =	ssyncadd.tile.s32 @!p0 $0x1;
	_ =	shalt  }
.Lfunc_end2:
_tile_overlayer_lowered:
.L_overlay_start_2:
0x5f: {  	(tag) =	ssettag $0x2  }
0x60: {  	s0 =	rddreg [dreg:$0x0];
	s2 =	stileid.u32  }
0x61: {  	s1 =	rddreg [dreg:$0x1];
	p0 =	sne.s32 s2, $0x0  }
0x62: {  	s3 =	rddreg [dreg:$0x2];
	[bflag:$0x3] =	sbarrier.arrive $0xFFFF;
	s2 =	simm.s32 @!p0 $0x1C01  }
0x63: {  	[timem:s3], [sflag:s2] =	dma.local @!p0 [hbm:s0], s1  }
0x64: {  	s0 =	simm.s32 @!p0 $0x1  }
0x65: {  	_ =	swait.ge @!p0 [sflag:s0], s1  }
0x66: {  	s1 =	ssub.s32 @!p0 $0x0, s1;
	[sflag:s0] =	ssyncset.done @!p0 $0x0  }
0x67: {  	[sflag:s0] =	ssyncadd.s32 @!p0 s1  }
0x68: {  	[bflag:$0x3] =	sbarrier.arrive $0xFFFF  }
0x69: {  	_ =	shalt  }

</sc_bundles>
